<compile_context>
chip_gen: v7x
topology: tpu7x:2x2x1
jax: 0.10.2.dev20260603
libtpu: 0.0.44.dev20260713+nightly
codegen_flags: <defaults>
</compile_context>

<pallas_src>
import functools

import jax
import jax.numpy as jnp
from jax import lax
from jax.experimental import pallas as pl
from jax.experimental.pallas import tpu as pltpu
from jax.experimental.pallas import tpu_sc as plsc

B = 16384
D = 64

_NC, _NS = 2, 16
_NW = _NC * _NS
_BPW = B // _NW
_G = 16
_NGRP = _BPW // _G
_WIN = 4


def _sc_gather_body(uidx, midx, gidx, yidx,
                    utab, mtab, gtab, ytab,
                    u_out, m_out, g_out, y_out,
                    idx_v, rows_v, sem):
    wid = lax.axis_index("s") * _NC + lax.axis_index("c")
    base = wid * _BPW

    for idx_hbm, tab_hbm, out_hbm in ((uidx, utab, u_out),
                                      (midx, mtab, m_out),
                                      (gidx, gtab, g_out),
                                      (yidx, ytab, y_out)):
        pltpu.sync_copy(idx_hbm.at[pl.ds(base, _BPW)], idx_v)

        def fire(g, tab=tab_hbm):
            vec = idx_v[pl.ds(g * _G, _G)]
            for j in range(_G):
                pltpu.async_copy(tab.at[pl.ds(vec[j], 1), :],
                                 rows_v.at[pl.ds(g * _G + j, 1), :], sem)

        def drain(tab=tab_hbm):
            for j in range(_G):
                pltpu.make_async_copy(tab.at[pl.ds(0, 1), :],
                                      rows_v.at[pl.ds(j, 1), :], sem).wait()

        def step(g, _, fire=fire, drain=drain):
            fire(g)
            lax.cond(g >= _WIN, drain, lambda: None)
            return 0

        lax.fori_loop(0, _NGRP, step, 0)

        def tail(g, _, drain=drain):
            drain()
            return 0

        lax.fori_loop(0, _WIN, tail, 0)
        pltpu.sync_copy(rows_v, out_hbm.at[pl.ds(base, _BPW), :])


@functools.cache
def _sc_gather():
    return pl.kernel(
        _sc_gather_body,
        out_type=[jax.ShapeDtypeStruct((B, D), jnp.float32)] * 4,
        mesh=plsc.VectorSubcoreMesh(core_axis_name="c", subcore_axis_name="s",
                                    num_cores=_NC, num_subcores=_NS),
        scratch_types=[
            pltpu.VMEM((_BPW,), jnp.int32),
            pltpu.VMEM((_BPW, D), jnp.float32),
            pltpu.SemaphoreType.DMA,
        ],
    )


_BLK = 2048


def _tc_dense_body(u_ref, m_ref, g_ref, y_ref,
                   Wu_ref, Wm_ref, Wg_ref, Wy_ref,
                   bu_ref, bm_ref, bg_ref, by_ref,
                   wcu_ref, wcm_ref, wcg_ref, wcy_ref,
                   wcs_ref, bc_ref, out_ref):
    u = u_ref[...]
    m = m_ref[...]
    g = g_ref[...]
    y = y_ref[...]

    eps = 1e-8
    un = jnp.maximum(jnp.sqrt(jnp.sum(u * u, axis=1)), eps)
    mn = jnp.maximum(jnp.sqrt(jnp.sum(m * m, axis=1)), eps)
    sim = jnp.sum(u * m, axis=1) / (un * mn)

    dn = (((1,), (1,)), ((), ()))

    def head(x, W_ref, b_ref):
        h = lax.dot_general(x, W_ref[...], dn,
                            preferred_element_type=jnp.float32)
        return jnp.maximum(h + b_ref[...], 0.0)

    hu = head(u, Wu_ref, bu_ref)
    hm = head(m, Wm_ref, bm_ref)
    hg = head(g, Wg_ref, bg_ref)
    hy = head(y, Wy_ref, by_ref)

    logit = (jnp.sum(hu * wcu_ref[...], axis=1)
             + jnp.sum(hm * wcm_ref[...], axis=1)
             + jnp.sum(hg * wcg_ref[...], axis=1)
             + jnp.sum(hy * wcy_ref[...], axis=1)
             + sim * wcs_ref[0, 0] + bc_ref[0, 0])
    out_ref[...] = jax.nn.sigmoid(logit) * 5.0 + 0.25


def _tc_dense(u, m, g, y,
              Wu, Wm, Wg, Wy, bu, bm, bg, by,
              wcu, wcm, wcg, wcy, wcs, bc):
    row_spec = pl.BlockSpec((_BLK, D), lambda i: (i, 0))

    def full(a):
        return pl.BlockSpec(a.shape, lambda i: (0,) * a.ndim)

    return pl.pallas_call(
        _tc_dense_body,
        grid=(B // _BLK,),
        in_specs=[row_spec] * 4 + [
            full(Wu), full(Wm), full(Wg), full(Wy),
            full(bu), full(bm), full(bg), full(by),
            full(wcu), full(wcm), full(wcg), full(wcy),
            full(wcs), full(bc)],
        out_specs=pl.BlockSpec((_BLK,), lambda i: (i,)),
        out_shape=jax.ShapeDtypeStruct((B,), jnp.float32),
    )(u, m, g, y, Wu, Wm, Wg, Wy, bu, bm, bg, by,
      wcu, wcm, wcg, wcy, wcs, bc)


def kernel(user_idx, movie_idx, genre_idxs, genre_offsets, year_idx,
           user_table, movie_table, genre_table, year_table,
           Wu, bu, Wm, bm, Wg, bg, Wy, by, Wc, bc):
    del genre_offsets
    uidx = user_idx.astype(jnp.int32)
    midx = movie_idx.astype(jnp.int32)
    gidx = genre_idxs.astype(jnp.int32)
    yidx = year_idx.astype(jnp.int32)

    u, m, g, y = _sc_gather()(
        uidx, midx, gidx, yidx,
        user_table, movie_table, genre_table, year_table)

    return _tc_dense(
        u, m, g, y,
        Wu, Wm, Wg, Wy,
        bu.reshape(1, 16), bm.reshape(1, 16),
        bg.reshape(1, 16), by.reshape(1, 16),
        Wc[0, 0:16].reshape(1, 16), Wc[0, 16:32].reshape(1, 16),
        Wc[0, 33:49].reshape(1, 16), Wc[0, 49:65].reshape(1, 16),
        Wc[:, 32:33], bc.reshape(1, 1),
    )

# --- scband reference (transcript-rebuilt; emitter-appended) ---
"""Pipeline reference for scband-neural-net-10986526343769 (READ-ONLY COPY).

The authoritative reference and input builder live on the scoring server;
editing this copy changes nothing except your own understanding.
"""

import jax, jax.numpy as jnp
import numpy as np

B = 16384
D = 64

def setup_inputs(seed: int = 0) -> dict:
    key = jax.random.key(seed)
    ks = jax.random.split(key, 16)
    inp = {}
    inp["user_idx"] = jax.random.randint(ks[0], (B,), 0, 1000000)
    inp["movie_idx"] = jax.random.randint(ks[1], (B,), 0, 100000)
    inp["genre_idxs"] = jax.random.randint(ks[2], (B,), 0, 1000)
    inp["genre_offsets"] = jnp.arange(B, dtype=jnp.int64)
    inp["year_idx"] = jax.random.randint(ks[3], (B,), 0, 200)
    inp["user_table"] = jax.random.normal(ks[4], (1000000, D), dtype=jnp.float32)
    inp["movie_table"] = jax.random.normal(ks[5], (100000, D), dtype=jnp.float32)
    inp["genre_table"] = jax.random.normal(ks[6], (1000, D), dtype=jnp.float32)
    inp["year_table"] = jax.random.normal(ks[7], (200, D), dtype=jnp.float32)
    s = 1.0 / np.sqrt(D)
    inp["Wu"] = jax.random.uniform(ks[8], (16, D), minval=-s, maxval=s, dtype=jnp.float32)
    inp["bu"] = jnp.zeros((16,), dtype=jnp.float32)
    inp["Wm"] = jax.random.uniform(ks[9], (16, D), minval=-s, maxval=s, dtype=jnp.float32)
    inp["bm"] = jnp.zeros((16,), dtype=jnp.float32)
    inp["Wg"] = jax.random.uniform(ks[10], (16, D), minval=-s, maxval=s, dtype=jnp.float32)
    inp["bg"] = jnp.zeros((16,), dtype=jnp.float32)
    inp["Wy"] = jax.random.uniform(ks[11], (16, D), minval=-s, maxval=s, dtype=jnp.float32)
    inp["by"] = jnp.zeros((16,), dtype=jnp.float32)
    sc = 1.0 / np.sqrt(65.0)
    inp["Wc"] = jax.random.uniform(ks[12], (1, 65), minval=-sc, maxval=sc, dtype=jnp.float32)
    inp["bc"] = jnp.zeros((1,), dtype=jnp.float32)
    return inp


def embedding_bag_mean(table, idxs, offsets, num_bags):
    n = idxs.shape[0]
    seg = jnp.zeros((n,), dtype=jnp.int32).at[offsets[1:]].add(1)
    seg = jnp.cumsum(seg)
    summed = jax.ops.segment_sum(table[idxs], seg, num_segments=num_bags)
    counts = jax.ops.segment_sum(jnp.ones((n,), dtype=jnp.float32), seg, num_segments=num_bags)
    return summed / jnp.maximum(counts, 1.0)[:, None]


def reference(user_idx, movie_idx, genre_idxs, genre_offsets, year_idx,
              user_table, movie_table, genre_table, year_table,
              Wu, bu, Wm, bm, Wg, bg, Wy, by, Wc, bc):
    # dropout is identity in eval mode
    user = user_table[user_idx]
    movie = movie_table[movie_idx]
    genres = embedding_bag_mean(genre_table, genre_idxs, genre_offsets, user_idx.shape[0])
    year = year_table[year_idx]
    eps = 1e-8
    un = jnp.maximum(jnp.linalg.norm(user, axis=1), eps)
    mn = jnp.maximum(jnp.linalg.norm(movie, axis=1), eps)
    similarity = jnp.sum(user * movie, axis=1) / (un * mn)
    u = jax.nn.relu(user @ Wu.T + bu)
    m = jax.nn.relu(movie @ Wm.T + bm)
    g = jax.nn.relu(genres @ Wg.T + bg)
    y = jax.nn.relu(year @ Wy.T + by)
    out = jnp.concatenate([u, m, similarity[:, None], g, y], axis=1)
    out = jax.nn.sigmoid(out @ Wc.T + bc)
    out = out.reshape(-1)
    return out * 5.0 + 0.25

if __name__ == "__main__":
    import jax
    _d = setup_inputs()
    print(jax.jit(kernel)(*tuple(_d.values())))

</pallas_src>

<mosaic_0001>
#map = affine_map<(d0, d1) -> (0)>
#map1 = affine_map<(d0, d1) -> (0, 0)>
module attributes {stable_mosaic.version = 14 : i64} {
  func.func @_sc_gather_body(%arg0: i32, %arg1: i32, %arg2: memref<16384xi32, #tpu.memory_space<hbm>>, %arg3: memref<16384xi32, #tpu.memory_space<hbm>>, %arg4: memref<16384xi32, #tpu.memory_space<hbm>>, %arg5: memref<16384xi32, #tpu.memory_space<hbm>>, %arg6: memref<1000000x64xf32, #tpu.memory_space<hbm>>, %arg7: memref<100000x64xf32, #tpu.memory_space<hbm>>, %arg8: memref<1000x64xf32, #tpu.memory_space<hbm>>, %arg9: memref<200x64xf32, #tpu.memory_space<hbm>>, %arg10: memref<16384x64xf32, #tpu.memory_space<hbm>>, %arg11: memref<16384x64xf32, #tpu.memory_space<hbm>>, %arg12: memref<16384x64xf32, #tpu.memory_space<hbm>>, %arg13: memref<16384x64xf32, #tpu.memory_space<hbm>>, %arg14: memref<512xi32, #tpu.memory_space<vmem>>, %arg15: memref<512x64xf32, #tpu.memory_space<vmem>>, %arg16: memref<!tpu.dma_semaphore, #tpu.memory_space<semaphore_mem>>) attributes {dimension_semantics = [#tpu.dimension_semantics<core_parallel>, #tpu.dimension_semantics<subcore_parallel>], iteration_bounds = array<i64: 2, 16>, scalar_prefetch = 0 : i64, scratch_operands = 3 : i64, tpu.core_type = #tpu.core_type<sc_vector_subcore>, window_params = [{transform_indices = #map}, {transform_indices = #map}, {transform_indices = #map}, {transform_indices = #map}, {transform_indices = #map1}, {transform_indices = #map1}, {transform_indices = #map1}, {transform_indices = #map1}, {transform_indices = #map1}, {transform_indices = #map1}, {transform_indices = #map1}, {transform_indices = #map1}]} {
    %mul3A = arith.constant 2 : i32
    %mul3A_0 = arith.muli %arg1, %mul3A : i32
    %add3A = arith.addi %mul3A_0, %arg0 : i32
    %mul3A_1 = arith.constant 512 : i32
    %mul3A_2 = arith.muli %add3A, %mul3A_1 : i32
    "tpu.region"() ({
      %run_scoped3A = tpu.sem_alloc : memref<!tpu.dma_semaphore, #tpu.memory_space<semaphore_mem>>
      %dma_start3A = tpu.memref_slice %arg2[%mul3A_2] : memref<16384xi32, #tpu.memory_space<hbm>> -> memref<512xi32, #tpu.memory_space<hbm>>
      %dma_start3A_58 = tpu.memref_slice %arg2[%mul3A_2] : memref<16384xi32, #tpu.memory_space<hbm>> -> memref<512xi32, #tpu.memory_space<hbm>>
      tpu.enqueue_dma source(%dma_start3A_58 : memref<512xi32, #tpu.memory_space<hbm>>) target(%arg14 : memref<512xi32, #tpu.memory_space<vmem>>) target_semaphore(%run_scoped3A : memref<!tpu.dma_semaphore, #tpu.memory_space<semaphore_mem>>)
      %dma_wait3A = tpu.memref_slice %arg2[%mul3A_2] : memref<16384xi32, #tpu.memory_space<hbm>> -> memref<512xi32, #tpu.memory_space<hbm>>
      %dma_wait3A_59 = tpu.memref_slice %arg2[%mul3A_2] : memref<16384xi32, #tpu.memory_space<hbm>> -> memref<512xi32, #tpu.memory_space<hbm>>
      tpu.wait_dma2 semaphore(%run_scoped3A : memref<!tpu.dma_semaphore, #tpu.memory_space<semaphore_mem>>) src(%dma_wait3A_59 : memref<512xi32, #tpu.memory_space<hbm>>) dst(%arg14 : memref<512xi32, #tpu.memory_space<vmem>>)
      tpu.yield
    }) : () -> ()
    %scan3A = arith.constant 0 : i32
    %scan3A_3 = arith.constant 0 : i32
    %scan3A_4 = arith.constant 32 : i32
    %scan3A_5 = arith.addi %scan3A_3, %scan3A_4 : i32
    %scan3A_6 = arith.constant 1 : i32
    %scan3A_7 = scf.for %scan3A_58 = %scan3A_3 to %scan3A_5 step %scan3A_6 iter_args(%scan3A_59 = %scan3A) -> (i32)  : i32 {
      %mul3A_60 = arith.constant 16 : i32
      %mul3A_61 = arith.muli %scan3A_58, %mul3A_60 : i32
      %get3A = arith.index_cast %mul3A_61 : i32 to index
      %get3A_62 = tpu.vector_load %arg14[%get3A] {strides = array<i32>} : memref<512xi32, #tpu.memory_space<vmem>>, vector<16xi32>,
      %get3A_63 = vector.shape_cast %get3A_62 : vector<16xi32> to vector<16xi32>
      %slice3A = vector.extract_strided_slice %get3A_63 {offsets = [0], sizes = [1], strides = [1]} : vector<16xi32> to vector<1xi32>
      %squeeze3A = vector.extract %slice3A[0] : i32 from vector<1xi32>
      %mul3A_64 = arith.constant 16 : i32
      %mul3A_65 = arith.muli %scan3A_58, %mul3A_64 : i32
      %add3A_66 = arith.constant 0 : i32
      %add3A_67 = arith.addi %mul3A_65, %add3A_66 : i32
      %dma_start3A = arith.constant 0 : i32
      %dma_start3A_68 = tpu.memref_slice %arg15[%add3A_67, %dma_start3A] : memref<512x64xf32, #tpu.memory_space<vmem>> -> memref<1x64xf32, #tpu.memory_space<vmem>>
      %dma_start3A_69 = arith.constant 0 : i32
      %dma_start3A_70 = tpu.memref_slice %arg6[%squeeze3A, %dma_start3A_69] : memref<1000000x64xf32, #tpu.memory_space<hbm>> -> memref<1x64xf32, #tpu.memory_space<hbm>>
      %dma_start3A_71 = arith.constant 0 : i32
      %dma_start3A_72 = tpu.memref_slice %arg15[%add3A_67, %dma_start3A_71] : memref<512x64xf32, #tpu.memory_space<vmem>> -> memref<1x64xf32, #tpu.memory_space<vmem>>
      %dma_start3A_73 = arith.constant 0 : i32
      %dma_start3A_74 = tpu.memref_slice %arg6[%squeeze3A, %dma_start3A_73] : memref<1000000x64xf32, #tpu.memory_space<hbm>> -> memref<1x64xf32, #tpu.memory_space<hbm>>
      tpu.enqueue_dma source(%dma_start3A_74 : memref<1x64xf32, #tpu.memory_space<hbm>>) target(%dma_start3A_72 : memref<1x64xf32, #tpu.memory_space<vmem>>) target_semaphore(%arg16 : memref<!tpu.dma_semaphore, #tpu.memory_space<semaphore_mem>>)
      %slice3A_75 = vector.extract_strided_slice %get3A_63 {offsets = [1], sizes = [1], strides = [1]} : vector<16xi32> to vector<1xi32>
      %squeeze3A_76 = vector.extract %slice3A_75[0] : i32 from vector<1xi32>
      %mul3A_77 = arith.constant 16 : i32
      %mul3A_78 = arith.muli %scan3A_58, %mul3A_77 : i32
      %add3A_79 = arith.constant 1 : i32
      %add3A_80 = arith.addi %mul3A_78, %add3A_79 : i32
      %dma_start3A_81 = arith.constant 0 : i32
      %dma_start3A_82 = tpu.memref_slice %arg15[%add3A_80, %dma_start3A_81] : memref<512x64xf32, #tpu.memory_space<vmem>> -> memref<1x64xf32, #tpu.memory_space<vmem>>
      %dma_start3A_83 = arith.constant 0 : i32
      %dma_start3A_84 = tpu.memref_slice %arg6[%squeeze3A_76, %dma_start3A_83] : memref<1000000x64xf32, #tpu.memory_space<hbm>> -> memref<1x64xf32, #tpu.memory_space<hbm>>
      %dma_start3A_85 = arith.constant 0 : i32
      %dma_start3A_86 = tpu.memref_slice %arg15[%add3A_80, %dma_start3A_85] : memref<512x64xf32, #tpu.memory_space<vmem>> -> memref<1x64xf32, #tpu.memory_space<vmem>>
      %dma_start3A_87 = arith.constant 0 : i32
      %dma_start3A_88 = tpu.memref_slice %arg6[%squeeze3A_76, %dma_start3A_87] : memref<1000000x64xf32, #tpu.memory_space<hbm>> -> memref<1x64xf32, #tpu.memory_space<hbm>>
      tpu.enqueue_dma source(%dma_start3A_88 : memref<1x64xf32, #tpu.memory_space<hbm>>) target(%dma_start3A_86 : memref<1x64xf32, #tpu.memory_space<vmem>>) target_semaphore(%arg16 : memref<!tpu.dma_semaphore, #tpu.memory_space<semaphore_mem>>)
      %slice3A_89 = vector.extract_strided_slice %get3A_63 {offsets = [2], sizes = [1], strides = [1]} : vector<16xi32> to vector<1xi32>
      %squeeze3A_90 = vector.extract %slice3A_89[0] : i32 from vector<1xi32>
      %mul3A_91 = arith.constant 16 : i32
      %mul3A_92 = arith.muli %scan3A_58, %mul3A_91 : i32
      %add3A_93 = arith.constant 2 : i32
      %add3A_94 = arith.addi %mul3A_92, %add3A_93 : i32
      %dma_start3A_95 = arith.constant 0 : i32
      %dma_start3A_96 = tpu.memref_slice %arg15[%add3A_94, %dma_start3A_95] : memref<512x64xf32, #tpu.memory_space<vmem>> -> memref<1x64xf32, #tpu.memory_space<vmem>>
      %dma_start3A_97 = arith.constant 0 : i32
      %dma_start3A_98 = tpu.memref_slice %arg6[%squeeze3A_90, %dma_start3A_97] : memref<1000000x64xf32, #tpu.memory_space<hbm>> -> memref<1x64xf32, #tpu.memory_space<hbm>>
      %dma_start3A_99 = arith.constant 0 : i32
      %dma_start3A_100 = tpu.memref_slice %arg15[%add3A_94, %dma_start3A_99] : memref<512x64xf32, #tpu.memory_space<vmem>> -> memref<1x64xf32, #tpu.memory_space<vmem>>
      %dma_start3A_101 = arith.constant 0 : i32
      %dma_start3A_102 = tpu.memref_slice %arg6[%squeeze3A_90, %dma_start3A_101] : memref<1000000x64xf32, #tpu.memory_space<hbm>> -> memref<1x64xf32, #tpu.memory_space<hbm>>
      tpu.enqueue_dma source(%dma_start3A_102 : memref<1x64xf32, #tpu.memory_space<hbm>>) target(%dma_start3A_100 : memref<1x64xf32, #tpu.memory_space<vmem>>) target_semaphore(%arg16 : memref<!tpu.dma_semaphore, #tpu.memory_space<semaphore_mem>>)
      %slice3A_103 = vector.extract_strided_slice %get3A_63 {offsets = [3], sizes = [1], strides = [1]} : vector<16xi32> to vector<1xi32>
      %squeeze3A_104 = vector.extract %slice3A_103[0] : i32 from vector<1xi32>
      %mul3A_105 = arith.constant 16 : i32
      %mul3A_106 = arith.muli %scan3A_58, %mul3A_105 : i32
      %add3A_107 = arith.constant 3 : i32
      %add3A_108 = arith.addi %mul3A_106, %add3A_107 : i32
      %dma_start3A_109 = arith.constant 0 : i32
      %dma_start3A_110 = tpu.memref_slice %arg15[%add3A_108, %dma_start3A_109] : memref<512x64xf32, #tpu.memory_space<vmem>> -> memref<1x64xf32, #tpu.memory_space<vmem>>
      %dma_start3A_111 = arith.constant 0 : i32
      %dma_start3A_112 = tpu.memref_slice %arg6[%squeeze3A_104, %dma_start3A_111] : memref<1000000x64xf32, #tpu.memory_space<hbm>> -> memref<1x64xf32, #tpu.memory_space<hbm>>
      %dma_start3A_113 = arith.constant 0 : i32
      %dma_start3A_114 = tpu.memref_slice %arg15[%add3A_108, %dma_start3A_113] : memref<512x64xf32, #tpu.memory_space<vmem>> -> memref<1x64xf32, #tpu.memory_space<vmem>>
      %dma_start3A_115 = arith.constant 0 : i32
      %dma_start3A_116 = tpu.memref_slice %arg6[%squeeze3A_104, %dma_start3A_115] : memref<1000000x64xf32, #tpu.memory_space<hbm>> -> memref<1x64xf32, #tpu.memory_space<hbm>>
      tpu.enqueue_dma source(%dma_start3A_116 : memref<1x64xf32, #tpu.memory_space<hbm>>) target(%dma_start3A_114 : memref<1x64xf32, #tpu.memory_space<vmem>>) target_semaphore(%arg16 : memref<!tpu.dma_semaphore, #tpu.memory_space<semaphore_mem>>)
      %slice3A_117 = vector.extract_strided_slice %get3A_63 {offsets = [4], sizes = [1], strides = [1]} : vector<16xi32> to vector<1xi32>
      %squeeze3A_118 = vector.extract %slice3A_117[0] : i32 from vector<1xi32>
      %mul3A_119 = arith.constant 16 : i32
      %mul3A_120 = arith.muli %scan3A_58, %mul3A_119 : i32
      %add3A_121 = arith.constant 4 : i32
      %add3A_122 = arith.addi %mul3A_120, %add3A_121 : i32
      %dma_start3A_123 = arith.constant 0 : i32
      %dma_start3A_124 = tpu.memref_slice %arg15[%add3A_122, %dma_start3A_123] : memref<512x64xf32, #tpu.memory_space<vmem>> -> memref<1x64xf32, #tpu.memory_space<vmem>>
      %dma_start3A_125 = arith.constant 0 : i32
      %dma_start3A_126 = tpu.memref_slice %arg6[%squeeze3A_118, %dma_start3A_125] : memref<1000000x64xf32, #tpu.memory_space<hbm>> -> memref<1x64xf32, #tpu.memory_space<hbm>>
      %dma_start3A_127 = arith.constant 0 : i32
      %dma_start3A_128 = tpu.memref_slice %arg15[%add3A_122, %dma_start3A_127] : memref<512x64xf32, #tpu.memory_space<vmem>> -> memref<1x64xf32, #tpu.memory_space<vmem>>
      %dma_start3A_129 = arith.constant 0 : i32
      %dma_start3A_130 = tpu.memref_slice %arg6[%squeeze3A_118, %dma_start3A_129] : memref<1000000x64xf32, #tpu.memory_space<hbm>> -> memref<1x64xf32, #tpu.memory_space<hbm>>
      tpu.enqueue_dma source(%dma_start3A_130 : memref<1x64xf32, #tpu.memory_space<hbm>>) target(%dma_start3A_128 : memref<1x64xf32, #tpu.memory_space<vmem>>) target_semaphore(%arg16 : memref<!tpu.dma_semaphore, #tpu.memory_space<semaphore_mem>>)
      %slice3A_131 = vector.extract_strided_slice %get3A_63 {offsets = [5], sizes = [1], strides = [1]} : vector<16xi32> to vector<1xi32>
      %squeeze3A_132 = vector.extract %slice3A_131[0] : i32 from vector<1xi32>
      %mul3A_133 = arith.constant 16 : i32
      %mul3A_134 = arith.muli %scan3A_58, %mul3A_133 : i32
      %add3A_135 = arith.constant 5 : i32
      %add3A_136 = arith.addi %mul3A_134, %add3A_135 : i32
      %dma_start3A_137 = arith.constant 0 : i32
      %dma_start3A_138 = tpu.memref_slice %arg15[%add3A_136, %dma_start3A_137] : memref<512x64xf32, #tpu.memory_space<vmem>> -> memref<1x64xf32, #tpu.memory_space<vmem>>
      %dma_start3A_139 = arith.constant 0 : i32
      %dma_start3A_140 = tpu.memref_slice %arg6[%squeeze3A_132, %dma_start3A_139] : memref<1000000x64xf32, #tpu.memory_space<hbm>> -> memref<1x64xf32, #tpu.memory_space<hbm>>
      %dma_start3A_141 = arith.constant 0 : i32
      %dma_start3A_142 = tpu.memref_slice %arg15[%add3A_136, %dma_start3A_141] : memref<512x64xf32, #tpu.memory_space<vmem>> -> memref<1x64xf32, #tpu.memory_space<vmem>>
      %dma_start3A_143 = arith.constant 0 : i32
      %dma_start3A_144 = tpu.memref_slice %arg6[%squeeze3A_132, %dma_start3A_143] : memref<1000000x64xf32, #tpu.memory_space<hbm>> -> memref<1x64xf32, #tpu.memory_space<hbm>>
      tpu.enqueue_dma source(%dma_start3A_144 : memref<1x64xf32, #tpu.memory_space<hbm>>) target(%dma_start3A_142 : memref<1x64xf32, #tpu.memory_space<vmem>>) target_semaphore(%arg16 : memref<!tpu.dma_semaphore, #tpu.memory_space<semaphore_mem>>)
      %slice3A_145 = vector.extract_strided_slice %get3A_63 {offsets = [6], sizes = [1], strides = [1]} : vector<16xi32> to vector<1xi32>
      %squeeze3A_146 = vector.extract %slice3A_145[0] : i32 from vector<1xi32>
      %mul3A_147 = arith.constant 16 : i32
      %mul3A_148 = arith.muli %scan3A_58, %mul3A_147 : i32
      %add3A_149 = arith.constant 6 : i32
      %add3A_150 = arith.addi %mul3A_148, %add3A_149 : i32
      %dma_start3A_151 = arith.constant 0 : i32
      %dma_start3A_152 = tpu.memref_slice %arg15[%add3A_150, %dma_start3A_151] : memref<512x64xf32, #tpu.memory_space<vmem>> -> memref<1x64xf32, #tpu.memory_space<vmem>>
      %dma_start3A_153 = arith.constant 0 : i32
      %dma_start3A_154 = tpu.memref_slice %arg6[%squeeze3A_146, %dma_start3A_153] : memref<1000000x64xf32, #tpu.memory_space<hbm>> -> memref<1x64xf32, #tpu.memory_space<hbm>>
      %dma_start3A_155 = arith.constant 0 : i32
      %dma_start3A_156 = tpu.memref_slice %arg15[%add3A_150, %dma_start3A_155] : memref<512x64xf32, #tpu.memory_space<vmem>> -> memref<1x64xf32, #tpu.memory_space<vmem>>
      %dma_start3A_157 = arith.constant 0 : i32
      %dma_start3A_158 = tpu.memref_slice %arg6[%squeeze3A_146, %dma_start3A_157] : memref<1000000x64xf32, #tpu.memory_space<hbm>> -> memref<1x64xf32, #tpu.memory_space<hbm>>
      tpu.enqueue_dma source(%dma_start3A_158 : memref<1x64xf32, #tpu.memory_space<hbm>>) target(%dma_start3A_156 : memref<1x64xf32, #tpu.memory_space<vmem>>) target_semaphore(%arg16 : memref<!tpu.dma_semaphore, #tpu.memory_space<semaphore_mem>>)
      %slice3A_159 = vector.extract_strided_slice %get3A_63 {offsets = [7], sizes = [1], strides = [1]} : vector<16xi32> to vector<1xi32>
      %squeeze3A_160 = vector.extract %slice3A_159[0] : i32 from vector<1xi32>
      %mul3A_161 = arith.constant 16 : i32
      %mul3A_162 = arith.muli %scan3A_58, %mul3A_161 : i32
      %add3A_163 = arith.constant 7 : i32
      %add3A_164 = arith.addi %mul3A_162, %add3A_163 : i32
      %dma_start3A_165 = arith.constant 0 : i32
      %dma_start3A_166 = tpu.memref_slice %arg15[%add3A_164, %dma_start3A_165] : memref<512x64xf32, #tpu.memory_space<vmem>> -> memref<1x64xf32, #tpu.memory_space<vmem>>
      %dma_start3A_167 = arith.constant 0 : i32
      %dma_start3A_168 = tpu.memref_slice %arg6[%squeeze3A_160, %dma_start3A_167] : memref<1000000x64xf32, #tpu.memory_space<hbm>> -> memref<1x64xf32, #tpu.memory_space<hbm>>
      %dma_start3A_169 = arith.constant 0 : i32
      %dma_start3A_170 = tpu.memref_slice %arg15[%add3A_164, %dma_start3A_169] : memref<512x64xf32, #tpu.memory_space<vmem>> -> memref<1x64xf32, #tpu.memory_space<vmem>>
      %dma_start3A_171 = arith.constant 0 : i32
      %dma_start3A_172 = tpu.memref_slice %arg6[%squeeze3A_160, %dma_start3A_171] : memref<1000000x64xf32, #tpu.memory_space<hbm>> -> memref<1x64xf32, #tpu.memory_space<hbm>>
      tpu.enqueue_dma source(%dma_start3A_172 : memref<1x64xf32, #tpu.memory_space<hbm>>) target(%dma_start3A_170 : memref<1x64xf32, #tpu.memory_space<vmem>>) target_semaphore(%arg16 : memref<!tpu.dma_semaphore, #tpu.memory_space<semaphore_mem>>)
      %slice3A_173 = vector.extract_strided_slice %get3A_63 {offsets = [8], sizes = [1], strides = [1]} : vector<16xi32> to vector<1xi32>
      %squeeze3A_174 = vector.extract %slice3A_173[0] : i32 from vector<1xi32>
      %mul3A_175 = arith.constant 16 : i32
      %mul3A_176 = arith.muli %scan3A_58, %mul3A_175 : i32
      %add3A_177 = arith.constant 8 : i32
      %add3A_178 = arith.addi %mul3A_176, %add3A_177 : i32
      %dma_start3A_179 = arith.constant 0 : i32
      %dma_start3A_180 = tpu.memref_slice %arg15[%add3A_178, %dma_start3A_179] : memref<512x64xf32, #tpu.memory_space<vmem>> -> memref<1x64xf32, #tpu.memory_space<vmem>>
      %dma_start3A_181 = arith.constant 0 : i32
      %dma_start3A_182 = tpu.memref_slice %arg6[%squeeze3A_174, %dma_start3A_181] : memref<1000000x64xf32, #tpu.memory_space<hbm>> -> memref<1x64xf32, #tpu.memory_space<hbm>>
      %dma_start3A_183 = arith.constant 0 : i32
      %dma_start3A_184 = tpu.memref_slice %arg15[%add3A_178, %dma_start3A_183] : memref<512x64xf32, #tpu.memory_space<vmem>> -> memref<1x64xf32, #tpu.memory_space<vmem>>
      %dma_start3A_185 = arith.constant 0 : i32
      %dma_start3A_186 = tpu.memref_slice %arg6[%squeeze3A_174, %dma_start3A_185] : memref<1000000x64xf32, #tpu.memory_space<hbm>> -> memref<1x64xf32, #tpu.memory_space<hbm>>
      tpu.enqueue_dma source(%dma_start3A_186 : memref<1x64xf32, #tpu.memory_space<hbm>>) target(%dma_start3A_184 : memref<1x64xf32, #tpu.memory_space<vmem>>) target_semaphore(%arg16 : memref<!tpu.dma_semaphore, #tpu.memory_space<semaphore_mem>>)
      %slice3A_187 = vector.extract_strided_slice %get3A_63 {offsets = [9], sizes = [1], strides = [1]} : vector<16xi32> to vector<1xi32>
      %squeeze3A_188 = vector.extract %slice3A_187[0] : i32 from vector<1xi32>
      %mul3A_189 = arith.constant 16 : i32
      %mul3A_190 = arith.muli %scan3A_58, %mul3A_189 : i32
      %add3A_191 = arith.constant 9 : i32
      %add3A_192 = arith.addi %mul3A_190, %add3A_191 : i32
      %dma_start3A_193 = arith.constant 0 : i32
      %dma_start3A_194 = tpu.memref_slice %arg15[%add3A_192, %dma_start3A_193] : memref<512x64xf32, #tpu.memory_space<vmem>> -> memref<1x64xf32, #tpu.memory_space<vmem>>
      %dma_start3A_195 = arith.constant 0 : i32
      %dma_start3A_196 = tpu.memref_slice %arg6[%squeeze3A_188, %dma_start3A_195] : memref<1000000x64xf32, #tpu.memory_space<hbm>> -> memref<1x64xf32, #tpu.memory_space<hbm>>
      %dma_start3A_197 = arith.constant 0 : i32
      %dma_start3A_198 = tpu.memref_slice %arg15[%add3A_192, %dma_start3A_197] : memref<512x64xf32, #tpu.memory_space<vmem>> -> memref<1x64xf32, #tpu.memory_space<vmem>>
      %dma_start3A_199 = arith.constant 0 : i32
      %dma_start3A_200 = tpu.memref_slice %arg6[%squeeze3A_188, %dma_start3A_199] : memref<1000000x64xf32, #tpu.memory_space<hbm>> -> memref<1x64xf32, #tpu.memory_space<hbm>>
      tpu.enqueue_dma source(%dma_start3A_200 : memref<1x64xf32, #tpu.memory_space<hbm>>) target(%dma_start3A_198 : memref<1x64xf32, #tpu.memory_space<vmem>>) target_semaphore(%arg16 : memref<!tpu.dma_semaphore, #tpu.memory_space<semaphore_mem>>)
      %slice3A_201 = vector.extract_strided_slice %get3A_63 {offsets = [10], sizes = [1], strides = [1]} : vector<16xi32> to vector<1xi32>
      %squeeze3A_202 = vector.extract %slice3A_201[0] : i32 from vector<1xi32>
      %mul3A_203 = arith.constant 16 : i32
      %mul3A_204 = arith.muli %scan3A_58, %mul3A_203 : i32
      %add3A_205 = arith.constant 10 : i32
      %add3A_206 = arith.addi %mul3A_204, %add3A_205 : i32
      %dma_start3A_207 = arith.constant 0 : i32
      %dma_start3A_208 = tpu.memref_slice %arg15[%add3A_206, %dma_start3A_207] : memref<512x64xf32, #tpu.memory_space<vmem>> -> memref<1x64xf32, #tpu.memory_space<vmem>>
      %dma_start3A_209 = arith.constant 0 : i32
      %dma_start3A_210 = tpu.memref_slice %arg6[%squeeze3A_202, %dma_start3A_209] : memref<1000000x64xf32, #tpu.memory_space<hbm>> -> memref<1x64xf32, #tpu.memory_space<hbm>>
      %dma_start3A_211 = arith.constant 0 : i32
      %dma_start3A_212 = tpu.memref_slice %arg15[%add3A_206, %dma_start3A_211] : memref<512x64xf32, #tpu.memory_space<vmem>> -> memref<1x64xf32, #tpu.memory_space<vmem>>
      %dma_start3A_213 = arith.constant 0 : i32
      %dma_start3A_214 = tpu.memref_slice %arg6[%squeeze3A_202, %dma_start3A_213] : memref<1000000x64xf32, #tpu.memory_space<hbm>> -> memref<1x64xf32, #tpu.memory_space<hbm>>
      tpu.enqueue_dma source(%dma_start3A_214 : memref<1x64xf32, #tpu.memory_space<hbm>>) target(%dma_start3A_212 : memref<1x64xf32, #tpu.memory_space<vmem>>) target_semaphore(%arg16 : memref<!tpu.dma_semaphore, #tpu.memory_space<semaphore_mem>>)
      %slice3A_215 = vector.extract_strided_slice %get3A_63 {offsets = [11], sizes = [1], strides = [1]} : vector<16xi32> to vector<1xi32>
      %squeeze3A_216 = vector.extract %slice3A_215[0] : i32 from vector<1xi32>
      %mul3A_217 = arith.constant 16 : i32
      %mul3A_218 = arith.muli %scan3A_58, %mul3A_217 : i32
      %add3A_219 = arith.constant 11 : i32
      %add3A_220 = arith.addi %mul3A_218, %add3A_219 : i32
      %dma_start3A_221 = arith.constant 0 : i32
      %dma_start3A_222 = tpu.memref_slice %arg15[%add3A_220, %dma_start3A_221] : memref<512x64xf32, #tpu.memory_space<vmem>> -> memref<1x64xf32, #tpu.memory_space<vmem>>
      %dma_start3A_223 = arith.constant 0 : i32
      %dma_start3A_224 = tpu.memref_slice %arg6[%squeeze3A_216, %dma_start3A_223] : memref<1000000x64xf32, #tpu.memory_space<hbm>> -> memref<1x64xf32, #tpu.memory_space<hbm>>
      %dma_start3A_225 = arith.constant 0 : i32
      %dma_start3A_226 = tpu.memref_slice %arg15[%add3A_220, %dma_start3A_225] : memref<512x64xf32, #tpu.memory_space<vmem>> -> memref<1x64xf32, #tpu.memory_space<vmem>>
      %dma_start3A_227 = arith.constant 0 : i32
      %dma_start3A_228 = tpu.memref_slice %arg6[%squeeze3A_216, %dma_start3A_227] : memref<1000000x64xf32, #tpu.memory_space<hbm>> -> memref<1x64xf32, #tpu.memory_space<hbm>>
      tpu.enqueue_dma source(%dma_start3A_228 : memref<1x64xf32, #tpu.memory_space<hbm>>) target(%dma_start3A_226 : memref<1x64xf32, #tpu.memory_space<vmem>>) target_semaphore(%arg16 : memref<!tpu.dma_semaphore, #tpu.memory_space<semaphore_mem>>)
      %slice3A_229 = vector.extract_strided_slice %get3A_63 {offsets = [12], sizes = [1], strides = [1]} : vector<16xi32> to vector<1xi32>
      %squeeze3A_230 = vector.extract %slice3A_229[0] : i32 from vector<1xi32>
      %mul3A_231 = arith.constant 16 : i32
      %mul3A_232 = arith.muli %scan3A_58, %mul3A_231 : i32
      %add3A_233 = arith.constant 12 : i32
      %add3A_234 = arith.addi %mul3A_232, %add3A_233 : i32
      %dma_start3A_235 = arith.constant 0 : i32
      %dma_start3A_236 = tpu.memref_slice %arg15[%add3A_234, %dma_start3A_235] : memref<512x64xf32, #tpu.memory_space<vmem>> -> memref<1x64xf32, #tpu.memory_space<vmem>>
      %dma_start3A_237 = arith.constant 0 : i32
      %dma_start3A_238 = tpu.memref_slice %arg6[%squeeze3A_230, %dma_start3A_237] : memref<1000000x64xf32, #tpu.memory_space<hbm>> -> memref<1x64xf32, #tpu.memory_space<hbm>>
      %dma_start3A_239 = arith.constant 0 : i32
      %dma_start3A_240 = tpu.memref_slice %arg15[%add3A_234, %dma_start3A_239] : memref<512x64xf32, #tpu.memory_space<vmem>> -> memref<1x64xf32, #tpu.memory_space<vmem>>
      %dma_start3A_241 = arith.constant 0 : i32
      %dma_start3A_242 = tpu.memref_slice %arg6[%squeeze3A_230, %dma_start3A_241] : memref<1000000x64xf32, #tpu.memory_space<hbm>> -> memref<1x64xf32, #tpu.memory_space<hbm>>
      tpu.enqueue_dma source(%dma_start3A_242 : memref<1x64xf32, #tpu.memory_space<hbm>>) target(%dma_start3A_240 : memref<1x64xf32, #tpu.memory_space<vmem>>) target_semaphore(%arg16 : memref<!tpu.dma_semaphore, #tpu.memory_space<semaphore_mem>>)
      %slice3A_243 = vector.extract_strided_slice %get3A_63 {offsets = [13], sizes = [1], strides = [1]} : vector<16xi32> to vector<1xi32>
      %squeeze3A_244 = vector.extract %slice3A_243[0] : i32 from vector<1xi32>
      %mul3A_245 = arith.constant 16 : i32
      %mul3A_246 = arith.muli %scan3A_58, %mul3A_245 : i32
      %add3A_247 = arith.constant 13 : i32
      %add3A_248 = arith.addi %mul3A_246, %add3A_247 : i32
      %dma_start3A_249 = arith.constant 0 : i32
      %dma_start3A_250 = tpu.memref_slice %arg15[%add3A_248, %dma_start3A_249] : memref<512x64xf32, #tpu.memory_space<vmem>> -> memref<1x64xf32, #tpu.memory_space<vmem>>
      %dma_start3A_251 = arith.constant 0 : i32
      %dma_start3A_252 = tpu.memref_slice %arg6[%squeeze3A_244, %dma_start3A_251] : memref<1000000x64xf32, #tpu.memory_space<hbm>> -> memref<1x64xf32, #tpu.memory_space<hbm>>
      %dma_start3A_253 = arith.constant 0 : i32
      %dma_start3A_254 = tpu.memref_slice %arg15[%add3A_248, %dma_start3A_253] : memref<512x64xf32, #tpu.memory_space<vmem>> -> memref<1x64xf32, #tpu.memory_space<vmem>>
      %dma_start3A_255 = arith.constant 0 : i32
      %dma_start3A_256 = tpu.memref_slice %arg6[%squeeze3A_244, %dma_start3A_255] : memref<1000000x64xf32, #tpu.memory_space<hbm>> -> memref<1x64xf32, #tpu.memory_space<hbm>>
      tpu.enqueue_dma source(%dma_start3A_256 : memref<1x64xf32, #tpu.memory_space<hbm>>) target(%dma_start3A_254 : memref<1x64xf32, #tpu.memory_space<vmem>>) target_semaphore(%arg16 : memref<!tpu.dma_semaphore, #tpu.memory_space<semaphore_mem>>)
      %slice3A_257 = vector.extract_strided_slice %get3A_63 {offsets = [14], sizes = [1], strides = [1]} : vector<16xi32> to vector<1xi32>
      %squeeze3A_258 = vector.extract %slice3A_257[0] : i32 from vector<1xi32>
      %mul3A_259 = arith.constant 16 : i32
      %mul3A_260 = arith.muli %scan3A_58, %mul3A_259 : i32
      %add3A_261 = arith.constant 14 : i32
      %add3A_262 = arith.addi %mul3A_260, %add3A_261 : i32
      %dma_start3A_263 = arith.constant 0 : i32
      %dma_start3A_264 = tpu.memref_slice %arg15[%add3A_262, %dma_start3A_263] : memref<512x64xf32, #tpu.memory_space<vmem>> -> memref<1x64xf32, #tpu.memory_space<vmem>>
      %dma_start3A_265 = arith.constant 0 : i32
      %dma_start3A_266 = tpu.memref_slice %arg6[%squeeze3A_258, %dma_start3A_265] : memref<1000000x64xf32, #tpu.memory_space<hbm>> -> memref<1x64xf32, #tpu.memory_space<hbm>>
      %dma_start3A_267 = arith.constant 0 : i32
      %dma_start3A_268 = tpu.memref_slice %arg15[%add3A_262, %dma_start3A_267] : memref<512x64xf32, #tpu.memory_space<vmem>> -> memref<1x64xf32, #tpu.memory_space<vmem>>
      %dma_start3A_269 = arith.constant 0 : i32
      %dma_start3A_270 = tpu.memref_slice %arg6[%squeeze3A_258, %dma_start3A_269] : memref<1000000x64xf32, #tpu.memory_space<hbm>> -> memref<1x64xf32, #tpu.memory_space<hbm>>
      tpu.enqueue_dma source(%dma_start3A_270 : memref<1x64xf32, #tpu.memory_space<hbm>>) target(%dma_start3A_268 : memref<1x64xf32, #tpu.memory_space<vmem>>) target_semaphore(%arg16 : memref<!tpu.dma_semaphore, #tpu.memory_space<semaphore_mem>>)
      %slice3A_271 = vector.extract_strided_slice %get3A_63 {offsets = [15], sizes = [1], strides = [1]} : vector<16xi32> to vector<1xi32>
      %squeeze3A_272 = vector.extract %slice3A_271[0] : i32 from vector<1xi32>
      %mul3A_273 = arith.constant 16 : i32
      %mul3A_274 = arith.muli %scan3A_58, %mul3A_273 : i32
      %add3A_275 = arith.constant 15 : i32
      %add3A_276 = arith.addi %mul3A_274, %add3A_275 : i32
      %dma_start3A_277 = arith.constant 0 : i32
      %dma_start3A_278 = tpu.memref_slice %arg15[%add3A_276, %dma_start3A_277] : memref<512x64xf32, #tpu.memory_space<vmem>> -> memref<1x64xf32, #tpu.memory_space<vmem>>
      %dma_start3A_279 = arith.constant 0 : i32
      %dma_start3A_280 = tpu.memref_slice %arg6[%squeeze3A_272, %dma_start3A_279] : memref<1000000x64xf32, #tpu.memory_space<hbm>> -> memref<1x64xf32, #tpu.memory_space<hbm>>
      %dma_start3A_281 = arith.constant 0 : i32
      %dma_start3A_282 = tpu.memref_slice %arg15[%add3A_276, %dma_start3A_281] : memref<512x64xf32, #tpu.memory_space<vmem>> -> memref<1x64xf32, #tpu.memory_space<vmem>>
      %dma_start3A_283 = arith.constant 0 : i32
      %dma_start3A_284 = tpu.memref_slice %arg6[%squeeze3A_272, %dma_start3A_283] : memref<1000000x64xf32, #tpu.memory_space<hbm>> -> memref<1x64xf32, #tpu.memory_space<hbm>>
      tpu.enqueue_dma source(%dma_start3A_284 : memref<1x64xf32, #tpu.memory_space<hbm>>) target(%dma_start3A_282 : memref<1x64xf32, #tpu.memory_space<vmem>>) target_semaphore(%arg16 : memref<!tpu.dma_semaphore, #tpu.memory_space<semaphore_mem>>)
      %ge3A = arith.constant 4 : i32
      %ge3A_285 = arith.cmpi sge, %scan3A_58, %ge3A : i32
      %convert_element_type3A = arith.extui %ge3A_285 : i1 to i32
      %cond3A = arith.constant 0 : i32
      %cond3A_286 = arith.cmpi ne, %convert_element_type3A, %cond3A : i32
      scf.if %cond3A_286 {
        %dma_wait3A = arith.constant 0 : i32
        %dma_wait3A_288 = arith.constant 0 : i32
        %dma_wait3A_289 = tpu.memref_slice %arg15[%dma_wait3A, %dma_wait3A_288] : memref<512x64xf32, #tpu.memory_space<vmem>> -> memref<1x64xf32, #tpu.memory_space<vmem>>
        %dma_wait3A_290 = arith.constant 0 : i32
        %dma_wait3A_291 = arith.constant 0 : i32
        %dma_wait3A_292 = tpu.memref_slice %arg6[%dma_wait3A_290, %dma_wait3A_291] : memref<1000000x64xf32, #tpu.memory_space<hbm>> -> memref<1x64xf32, #tpu.memory_space<hbm>>
        %dma_wait3A_293 = arith.constant 0 : i32
        %dma_wait3A_294 = arith.constant 0 : i32
        %dma_wait3A_295 = tpu.memref_slice %arg15[%dma_wait3A_293, %dma_wait3A_294] : memref<512x64xf32, #tpu.memory_space<vmem>> -> memref<1x64xf32, #tpu.memory_space<vmem>>
        %dma_wait3A_296 = arith.constant 0 : i32
        %dma_wait3A_297 = arith.constant 0 : i32
        %dma_wait3A_298 = tpu.memref_slice %arg6[%dma_wait3A_296, %dma_wait3A_297] : memref<1000000x64xf32, #tpu.memory_space<hbm>> -> memref<1x64xf32, #tpu.memory_space<hbm>>
        tpu.wait_dma2 semaphore(%arg16 : memref<!tpu.dma_semaphore, #tpu.memory_space<semaphore_mem>>) src(%dma_wait3A_298 : memref<1x64xf32, #tpu.memory_space<hbm>>) dst(%dma_wait3A_295 : memref<1x64xf32, #tpu.memory_space<vmem>>)
        %dma_wait3A_299 = arith.constant 1 : i32
        %dma_wait3A_300 = arith.constant 0 : i32
        %dma_wait3A_301 = tpu.memref_slice %arg15[%dma_wait3A_299, %dma_wait3A_300] : memref<512x64xf32, #tpu.memory_space<vmem>> -> memref<1x64xf32, #tpu.memory_space<vmem>>
        %dma_wait3A_302 = arith.constant 0 : i32
        %dma_wait3A_303 = arith.constant 0 : i32
        %dma_wait3A_304 = tpu.memref_slice %arg6[%dma_wait3A_302, %dma_wait3A_303] : memref<1000000x64xf32, #tpu.memory_space<hbm>> -> memref<1x64xf32, #tpu.memory_space<hbm>>
        %dma_wait3A_305 = arith.constant 1 : i32
        %dma_wait3A_306 = arith.constant 0 : i32
        %dma_wait3A_307 = tpu.memref_slice %arg15[%dma_wait3A_305, %dma_wait3A_306] : memref<512x64xf32, #tpu.memory_space<vmem>> -> memref<1x64xf32, #tpu.memory_space<vmem>>
        %dma_wait3A_308 = arith.constant 0 : i32
        %dma_wait3A_309 = arith.constant 0 : i32
        %dma_wait3A_310 = tpu.memref_slice %arg6[%dma_wait3A_308, %dma_wait3A_309] : memref<1000000x64xf32, #tpu.memory_space<hbm>> -> memref<1x64xf32, #tpu.memory_space<hbm>>
        tpu.wait_dma2 semaphore(%arg16 : memref<!tpu.dma_semaphore, #tpu.memory_space<semaphore_mem>>) src(%dma_wait3A_310 : memref<1x64xf32, #tpu.memory_space<hbm>>) dst(%dma_wait3A_307 : memref<1x64xf32, #tpu.memory_space<vmem>>)
        %dma_wait3A_311 = arith.constant 2 : i32
        %dma_wait3A_312 = arith.constant 0 : i32
        %dma_wait3A_313 = tpu.memref_slice %arg15[%dma_wait3A_311, %dma_wait3A_312] : memref<512x64xf32, #tpu.memory_space<vmem>> -> memref<1x64xf32, #tpu.memory_space<vmem>>
        %dma_wait3A_314 = arith.constant 0 : i32
        %dma_wait3A_315 = arith.constant 0 : i32
        %dma_wait3A_316 = tpu.memref_slice %arg6[%dma_wait3A_314, %dma_wait3A_315] : memref<1000000x64xf32, #tpu.memory_space<hbm>> -> memref<1x64xf32, #tpu.memory_space<hbm>>
        %dma_wait3A_317 = arith.constant 2 : i32
        %dma_wait3A_318 = arith.constant 0 : i32
        %dma_wait3A_319 = tpu.memref_slice %arg15[%dma_wait3A_317, %dma_wait3A_318] : memref<512x64xf32, #tpu.memory_space<vmem>> -> memref<1x64xf32, #tpu.memory_space<vmem>>
        %dma_wait3A_320 = arith.constant 0 : i32
        %dma_wait3A_321 = arith.constant 0 : i32
        %dma_wait3A_322 = tpu.memref_slice %arg6[%dma_wait3A_320, %dma_wait3A_321] : memref<1000000x64xf32, #tpu.memory_space<hbm>> -> memref<1x64xf32, #tpu.memory_space<hbm>>
        tpu.wait_dma2 semaphore(%arg16 : memref<!tpu.dma_semaphore, #tpu.memory_space<semaphore_mem>>) src(%dma_wait3A_322 : memref<1x64xf32, #tpu.memory_space<hbm>>) dst(%dma_wait3A_319 : memref<1x64xf32, #tpu.memory_space<vmem>>)
        %dma_wait3A_323 = arith.constant 3 : i32
        %dma_wait3A_324 = arith.constant 0 : i32
        %dma_wait3A_325 = tpu.memref_slice %arg15[%dma_wait3A_323, %dma_wait3A_324] : memref<512x64xf32, #tpu.memory_space<vmem>> -> memref<1x64xf32, #tpu.memory_space<vmem>>
        %dma_wait3A_326 = arith.constant 0 : i32
        %dma_wait3A_327 = arith.constant 0 : i32
        %dma_wait3A_328 = tpu.memref_slice %arg6[%dma_wait3A_326, %dma_wait3A_327] : memref<1000000x64xf32, #tpu.memory_space<hbm>> -> memref<1x64xf32, #tpu.memory_space<hbm>>
        %dma_wait3A_329 = arith.constant 3 : i32
        %dma_wait3A_330 = arith.constant 0 : i32
        %dma_wait3A_331 = tpu.memref_slice %arg15[%dma_wait3A_329, %dma_wait3A_330] : memref<512x64xf32, #tpu.memory_space<vmem>> -> memref<1x64xf32, #tpu.memory_space<vmem>>
        %dma_wait3A_332 = arith.constant 0 : i32
        %dma_wait3A_333 = arith.constant 0 : i32
        %dma_wait3A_334 = tpu.memref_slice %arg6[%dma_wait3A_332, %dma_wait3A_333] : memref<1000000x64xf32, #tpu.memory_space<hbm>> -> memref<1x64xf32, #tpu.memory_space<hbm>>
        tpu.wait_dma2 semaphore(%arg16 : memref<!tpu.dma_semaphore, #tpu.memory_space<semaphore_mem>>) src(%dma_wait3A_334 : memref<1x64xf32, #tpu.memory_space<hbm>>) dst(%dma_wait3A_331 : memref<1x64xf32, #tpu.memory_space<vmem>>)
        %dma_wait3A_335 = arith.constant 4 : i32
        %dma_wait3A_336 = arith.constant 0 : i32
        %dma_wait3A_337 = tpu.memref_slice %arg15[%dma_wait3A_335, %dma_wait3A_336] : memref<512x64xf32, #tpu.memory_space<vmem>> -> memref<1x64xf32, #tpu.memory_space<vmem>>
        %dma_wait3A_338 = arith.constant 0 : i32
        %dma_wait3A_339 = arith.constant 0 : i32
        %dma_wait3A_340 = tpu.memref_slice %arg6[%dma_wait3A_338, %dma_wait3A_339] : memref<1000000x64xf32, #tpu.memory_space<hbm>> -> memref<1x64xf32, #tpu.memory_space<hbm>>
        %dma_wait3A_341 = arith.constant 4 : i32
        %dma_wait3A_342 = arith.constant 0 : i32
        %dma_wait3A_343 = tpu.memref_slice %arg15[%dma_wait3A_341, %dma_wait3A_342] : memref<512x64xf32, #tpu.memory_space<vmem>> -> memref<1x64xf32, #tpu.memory_space<vmem>>
        %dma_wait3A_344 = arith.constant 0 : i32
        %dma_wait3A_345 = arith.constant 0 : i32
        %dma_wait3A_346 = tpu.memref_slice %arg6[%dma_wait3A_344, %dma_wait3A_345] : memref<1000000x64xf32, #tpu.memory_space<hbm>> -> memref<1x64xf32, #tpu.memory_space<hbm>>
        tpu.wait_dma2 semaphore(%arg16 : memref<!tpu.dma_semaphore, #tpu.memory_space<semaphore_mem>>) src(%dma_wait3A_346 : memref<1x64xf32, #tpu.memory_space<hbm>>) dst(%dma_wait3A_343 : memref<1x64xf32, #tpu.memory_space<vmem>>)
        %dma_wait3A_347 = arith.constant 5 : i32
        %dma_wait3A_348 = arith.constant 0 : i32
        %dma_wait3A_349 = tpu.memref_slice %arg15[%dma_wait3A_347, %dma_wait3A_348] : memref<512x64xf32, #tpu.memory_space<vmem>> -> memref<1x64xf32, #tpu.memory_space<vmem>>
        %dma_wait3A_350 = arith.constant 0 : i32
        %dma_wait3A_351 = arith.constant 0 : i32
        %dma_wait3A_352 = tpu.memref_slice %arg6[%dma_wait3A_350, %dma_wait3A_351] : memref<1000000x64xf32, #tpu.memory_space<hbm>> -> memref<1x64xf32, #tpu.memory_space<hbm>>
        %dma_wait3A_353 = arith.constant 5 : i32
        %dma_wait3A_354 = arith.constant 0 : i32
        %dma_wait3A_355 = tpu.memref_slice %arg15[%dma_wait3A_353, %dma_wait3A_354] : memref<512x64xf32, #tpu.memory_space<vmem>> -> memref<1x64xf32, #tpu.memory_space<vmem>>
        %dma_wait3A_356 = arith.constant 0 : i32
        %dma_wait3A_357 = arith.constant 0 : i32
        %dma_wait3A_358 = tpu.memref_slice %arg6[%dma_wait3A_356, %dma_wait3A_357] : memref<1000000x64xf32, #tpu.memory_space<hbm>> -> memref<1x64xf32, #tpu.memory_space<hbm>>
        tpu.wait_dma2 semaphore(%arg16 : memref<!tpu.dma_semaphore, #tpu.memory_space<semaphore_mem>>) src(%dma_wait3A_358 : memref<1x64xf32, #tpu.memory_space<hbm>>) dst(%dma_wait3A_355 : memref<1x64xf32, #tpu.memory_space<vmem>>)
        %dma_wait3A_359 = arith.constant 6 : i32
        %dma_wait3A_360 = arith.constant 0 : i32
        %dma_wait3A_361 = tpu.memref_slice %arg15[%dma_wait3A_359, %dma_wait3A_360] : memref<512x64xf32, #tpu.memory_space<vmem>> -> memref<1x64xf32, #tpu.memory_space<vmem>>
        %dma_wait3A_362 = arith.constant 0 : i32
        %dma_wait3A_363 = arith.constant 0 : i32
        %dma_wait3A_364 = tpu.memref_slice %arg6[%dma_wait3A_362, %dma_wait3A_363] : memref<1000000x64xf32, #tpu.memory_space<hbm>> -> memref<1x64xf32, #tpu.memory_space<hbm>>
        %dma_wait3A_365 = arith.constant 6 : i32
        %dma_wait3A_366 = arith.constant 0 : i32
        %dma_wait3A_367 = tpu.memref_slice %arg15[%dma_wait3A_365, %dma_wait3A_366] : memref<512x64xf32, #tpu.memory_space<vmem>> -> memref<1x64xf32, #tpu.memory_space<vmem>>
        %dma_wait3A_368 = arith.constant 0 : i32
        %dma_wait3A_369 = arith.constant 0 : i32
        %dma_wait3A_370 = tpu.memref_slice %arg6[%dma_wait3A_368, %dma_wait3A_369] : memref<1000000x64xf32, #tpu.memory_space<hbm>> -> memref<1x64xf32, #tpu.memory_space<hbm>>
        tpu.wait_dma2 semaphore(%arg16 : memref<!tpu.dma_semaphore, #tpu.memory_space<semaphore_mem>>) src(%dma_wait3A_370 : memref<1x64xf32, #tpu.memory_space<hbm>>) dst(%dma_wait3A_367 : memref<1x64xf32, #tpu.memory_space<vmem>>)
        %dma_wait3A_371 = arith.constant 7 : i32
        %dma_wait3A_372 = arith.constant 0 : i32
        %dma_wait3A_373 = tpu.memref_slice %arg15[%dma_wait3A_371, %dma_wait3A_372] : memref<512x64xf32, #tpu.memory_space<vmem>> -> memref<1x64xf32, #tpu.memory_space<vmem>>
        %dma_wait3A_374 = arith.constant 0 : i32
        %dma_wait3A_375 = arith.constant 0 : i32
        %dma_wait3A_376 = tpu.memref_slice %arg6[%dma_wait3A_374, %dma_wait3A_375] : memref<1000000x64xf32, #tpu.memory_space<hbm>> -> memref<1x64xf32, #tpu.memory_space<hbm>>
        %dma_wait3A_377 = arith.constant 7 : i32
        %dma_wait3A_378 = arith.constant 0 : i32
        %dma_wait3A_379 = tpu.memref_slice %arg15[%dma_wait3A_377, %dma_wait3A_378] : memref<512x64xf32, #tpu.memory_space<vmem>> -> memref<1x64xf32, #tpu.memory_space<vmem>>
        %dma_wait3A_380 = arith.constant 0 : i32
        %dma_wait3A_381 = arith.constant 0 : i32
        %dma_wait3A_382 = tpu.memref_slice %arg6[%dma_wait3A_380, %dma_wait3A_381] : memref<1000000x64xf32, #tpu.memory_space<hbm>> -> memref<1x64xf32, #tpu.memory_space<hbm>>
        tpu.wait_dma2 semaphore(%arg16 : memref<!tpu.dma_semaphore, #tpu.memory_space<semaphore_mem>>) src(%dma_wait3A_382 : memref<1x64xf32, #tpu.memory_space<hbm>>) dst(%dma_wait3A_379 : memref<1x64xf32, #tpu.memory_space<vmem>>)
        %dma_wait3A_383 = arith.constant 8 : i32
        %dma_wait3A_384 = arith.constant 0 : i32
        %dma_wait3A_385 = tpu.memref_slice %arg15[%dma_wait3A_383, %dma_wait3A_384] : memref<512x64xf32, #tpu.memory_space<vmem>> -> memref<1x64xf32, #tpu.memory_space<vmem>>
        %dma_wait3A_386 = arith.constant 0 : i32
        %dma_wait3A_387 = arith.constant 0 : i32
        %dma_wait3A_388 = tpu.memref_slice %arg6[%dma_wait3A_386, %dma_wait3A_387] : memref<1000000x64xf32, #tpu.memory_space<hbm>> -> memref<1x64xf32, #tpu.memory_space<hbm>>
        %dma_wait3A_389 = arith.constant 8 : i32
        %dma_wait3A_390 = arith.constant 0 : i32
        %dma_wait3A_391 = tpu.memref_slice %arg15[%dma_wait3A_389, %dma_wait3A_390] : memref<512x64xf32, #tpu.memory_space<vmem>> -> memref<1x64xf32, #tpu.memory_space<vmem>>
        %dma_wait3A_392 = arith.constant 0 : i32
        %dma_wait3A_393 = arith.constant 0 : i32
        %dma_wait3A_394 = tpu.memref_slice %arg6[%dma_wait3A_392, %dma_wait3A_393] : memref<1000000x64xf32, #tpu.memory_space<hbm>> -> memref<1x64xf32, #tpu.memory_space<hbm>>
        tpu.wait_dma2 semaphore(%arg16 : memref<!tpu.dma_semaphore, #tpu.memory_space<semaphore_mem>>) src(%dma_wait3A_394 : memref<1x64xf32, #tpu.memory_space<hbm>>) dst(%dma_wait3A_391 : memref<1x64xf32, #tpu.memory_space<vmem>>)
        %dma_wait3A_395 = arith.constant 9 : i32
        %dma_wait3A_396 = arith.constant 0 : i32
        %dma_wait3A_397 = tpu.memref_slice %arg15[%dma_wait3A_395, %dma_wait3A_396] : memref<512x64xf32, #tpu.memory_space<vmem>> -> memref<1x64xf32, #tpu.memory_space<vmem>>
        %dma_wait3A_398 = arith.constant 0 : i32
        %dma_wait3A_399 = arith.constant 0 : i32
        %dma_wait3A_400 = tpu.memref_slice %arg6[%dma_wait3A_398, %dma_wait3A_399] : memref<1000000x64xf32, #tpu.memory_space<hbm>> -> memref<1x64xf32, #tpu.memory_space<hbm>>
        %dma_wait3A_401 = arith.constant 9 : i32
        %dma_wait3A_402 = arith.constant 0 : i32
        %dma_wait3A_403 = tpu.memref_slice %arg15[%dma_wait3A_401, %dma_wait3A_402] : memref<512x64xf32, #tpu.memory_space<vmem>> -> memref<1x64xf32, #tpu.memory_space<vmem>>
        %dma_wait3A_404 = arith.constant 0 : i32
        %dma_wait3A_405 = arith.constant 0 : i32
        %dma_wait3A_406 = tpu.memref_slice %arg6[%dma_wait3A_404, %dma_wait3A_405] : memref<1000000x64xf32, #tpu.memory_space<hbm>> -> memref<1x64xf32, #tpu.memory_space<hbm>>
        tpu.wait_dma2 semaphore(%arg16 : memref<!tpu.dma_semaphore, #tpu.memory_space<semaphore_mem>>) src(%dma_wait3A_406 : memref<1x64xf32, #tpu.memory_space<hbm>>) dst(%dma_wait3A_403 : memref<1x64xf32, #tpu.memory_space<vmem>>)
        %dma_wait3A_407 = arith.constant 10 : i32
        %dma_wait3A_408 = arith.constant 0 : i32
        %dma_wait3A_409 = tpu.memref_slice %arg15[%dma_wait3A_407, %dma_wait3A_408] : memref<512x64xf32, #tpu.memory_space<vmem>> -> memref<1x64xf32, #tpu.memory_space<vmem>>
        %dma_wait3A_410 = arith.constant 0 : i32
        %dma_wait3A_411 = arith.constant 0 : i32
        %dma_wait3A_412 = tpu.memref_slice %arg6[%dma_wait3A_410, %dma_wait3A_411] : memref<1000000x64xf32, #tpu.memory_space<hbm>> -> memref<1x64xf32, #tpu.memory_space<hbm>>
        %dma_wait3A_413 = arith.constant 10 : i32
        %dma_wait3A_414 = arith.constant 0 : i32
        %dma_wait3A_415 = tpu.memref_slice %arg15[%dma_wait3A_413, %dma_wait3A_414] : memref<512x64xf32, #tpu.memory_space<vmem>> -> memref<1x64xf32, #tpu.memory_space<vmem>>
        %dma_wait3A_416 = arith.constant 0 : i32
        %dma_wait3A_417 = arith.constant 0 : i32
        %dma_wait3A_418 = tpu.memref_slice %arg6[%dma_wait3A_416, %dma_wait3A_417] : memref<1000000x64xf32, #tpu.memory_space<hbm>> -> memref<1x64xf32, #tpu.memory_space<hbm>>
        tpu.wait_dma2 semaphore(%arg16 : memref<!tpu.dma_semaphore, #tpu.memory_space<semaphore_mem>>) src(%dma_wait3A_418 : memref<1x64xf32, #tpu.memory_space<hbm>>) dst(%dma_wait3A_415 : memref<1x64xf32, #tpu.memory_space<vmem>>)
        %dma_wait3A_419 = arith.constant 11 : i32
        %dma_wait3A_420 = arith.constant 0 : i32
        %dma_wait3A_421 = tpu.memref_slice %arg15[%dma_wait3A_419, %dma_wait3A_420] : memref<512x64xf32, #tpu.memory_space<vmem>> -> memref<1x64xf32, #tpu.memory_space<vmem>>
        %dma_wait3A_422 = arith.constant 0 : i32
        %dma_wait3A_423 = arith.constant 0 : i32
        %dma_wait3A_424 = tpu.memref_slice %arg6[%dma_wait3A_422, %dma_wait3A_423] : memref<1000000x64xf32, #tpu.memory_space<hbm>> -> memref<1x64xf32, #tpu.memory_space<hbm>>
        %dma_wait3A_425 = arith.constant 11 : i32
        %dma_wait3A_426 = arith.constant 0 : i32
        %dma_wait3A_427 = tpu.memref_slice %arg15[%dma_wait3A_425, %dma_wait3A_426] : memref<512x64xf32, #tpu.memory_space<vmem>> -> memref<1x64xf32, #tpu.memory_space<vmem>>
        %dma_wait3A_428 = arith.constant 0 : i32
        %dma_wait3A_429 = arith.constant 0 : i32
        %dma_wait3A_430 = tpu.memref_slice %arg6[%dma_wait3A_428, %dma_wait3A_429] : memref<1000000x64xf32, #tpu.memory_space<hbm>> -> memref<1x64xf32, #tpu.memory_space<hbm>>
        tpu.wait_dma2 semaphore(%arg16 : memref<!tpu.dma_semaphore, #tpu.memory_space<semaphore_mem>>) src(%dma_wait3A_430 : memref<1x64xf32, #tpu.memory_space<hbm>>) dst(%dma_wait3A_427 : memref<1x64xf32, #tpu.memory_space<vmem>>)
        %dma_wait3A_431 = arith.constant 12 : i32
        %dma_wait3A_432 = arith.constant 0 : i32
        %dma_wait3A_433 = tpu.memref_slice %arg15[%dma_wait3A_431, %dma_wait3A_432] : memref<512x64xf32, #tpu.memory_space<vmem>> -> memref<1x64xf32, #tpu.memory_space<vmem>>
        %dma_wait3A_434 = arith.constant 0 : i32
        %dma_wait3A_435 = arith.constant 0 : i32
        %dma_wait3A_436 = tpu.memref_slice %arg6[%dma_wait3A_434, %dma_wait3A_435] : memref<1000000x64xf32, #tpu.memory_space<hbm>> -> memref<1x64xf32, #tpu.memory_space<hbm>>
        %dma_wait3A_437 = arith.constant 12 : i32
        %dma_wait3A_438 = arith.constant 0 : i32
        %dma_wait3A_439 = tpu.memref_slice %arg15[%dma_wait3A_437, %dma_wait3A_438] : memref<512x64xf32, #tpu.memory_space<vmem>> -> memref<1x64xf32, #tpu.memory_space<vmem>>
        %dma_wait3A_440 = arith.constant 0 : i32
        %dma_wait3A_441 = arith.constant 0 : i32
        %dma_wait3A_442 = tpu.memref_slice %arg6[%dma_wait3A_440, %dma_wait3A_441] : memref<1000000x64xf32, #tpu.memory_space<hbm>> -> memref<1x64xf32, #tpu.memory_space<hbm>>
        tpu.wait_dma2 semaphore(%arg16 : memref<!tpu.dma_semaphore, #tpu.memory_space<semaphore_mem>>) src(%dma_wait3A_442 : memref<1x64xf32, #tpu.memory_space<hbm>>) dst(%dma_wait3A_439 : memref<1x64xf32, #tpu.memory_space<vmem>>)
        %dma_wait3A_443 = arith.constant 13 : i32
        %dma_wait3A_444 = arith.constant 0 : i32
        %dma_wait3A_445 = tpu.memref_slice %arg15[%dma_wait3A_443, %dma_wait3A_444] : memref<512x64xf32, #tpu.memory_space<vmem>> -> memref<1x64xf32, #tpu.memory_space<vmem>>
        %dma_wait3A_446 = arith.constant 0 : i32
        %dma_wait3A_447 = arith.constant 0 : i32
        %dma_wait3A_448 = tpu.memref_slice %arg6[%dma_wait3A_446, %dma_wait3A_447] : memref<1000000x64xf32, #tpu.memory_space<hbm>> -> memref<1x64xf32, #tpu.memory_space<hbm>>
        %dma_wait3A_449 = arith.constant 13 : i32
        %dma_wait3A_450 = arith.constant 0 : i32
        %dma_wait3A_451 = tpu.memref_slice %arg15[%dma_wait3A_449, %dma_wait3A_450] : memref<512x64xf32, #tpu.memory_space<vmem>> -> memref<1x64xf32, #tpu.memory_space<vmem>>
        %dma_wait3A_452 = arith.constant 0 : i32
        %dma_wait3A_453 = arith.constant 0 : i32
        %dma_wait3A_454 = tpu.memref_slice %arg6[%dma_wait3A_452, %dma_wait3A_453] : memref<1000000x64xf32, #tpu.memory_space<hbm>> -> memref<1x64xf32, #tpu.memory_space<hbm>>
        tpu.wait_dma2 semaphore(%arg16 : memref<!tpu.dma_semaphore, #tpu.memory_space<semaphore_mem>>) src(%dma_wait3A_454 : memref<1x64xf32, #tpu.memory_space<hbm>>) dst(%dma_wait3A_451 : memref<1x64xf32, #tpu.memory_space<vmem>>)
        %dma_wait3A_455 = arith.constant 14 : i32
        %dma_wait3A_456 = arith.constant 0 : i32
        %dma_wait3A_457 = tpu.memref_slice %arg15[%dma_wait3A_455, %dma_wait3A_456] : memref<512x64xf32, #tpu.memory_space<vmem>> -> memref<1x64xf32, #tpu.memory_space<vmem>>
        %dma_wait3A_458 = arith.constant 0 : i32
        %dma_wait3A_459 = arith.constant 0 : i32
        %dma_wait3A_460 = tpu.memref_slice %arg6[%dma_wait3A_458, %dma_wait3A_459] : memref<1000000x64xf32, #tpu.memory_space<hbm>> -> memref<1x64xf32, #tpu.memory_space<hbm>>
        %dma_wait3A_461 = arith.constant 14 : i32
        %dma_wait3A_462 = arith.constant 0 : i32
        %dma_wait3A_463 = tpu.memref_slice %arg15[%dma_wait3A_461, %dma_wait3A_462] : memref<512x64xf32, #tpu.memory_space<vmem>> -> memref<1x64xf32, #tpu.memory_space<vmem>>
        %dma_wait3A_464 = arith.constant 0 : i32
        %dma_wait3A_465 = arith.constant 0 : i32
        %dma_wait3A_466 = tpu.memref_slice %arg6[%dma_wait3A_464, %dma_wait3A_465] : memref<1000000x64xf32, #tpu.memory_space<hbm>> -> memref<1x64xf32, #tpu.memory_space<hbm>>
        tpu.wait_dma2 semaphore(%arg16 : memref<!tpu.dma_semaphore, #tpu.memory_space<semaphore_mem>>) src(%dma_wait3A_466 : memref<1x64xf32, #tpu.memory_space<hbm>>) dst(%dma_wait3A_463 : memref<1x64xf32, #tpu.memory_space<vmem>>)
        %dma_wait3A_467 = arith.constant 15 : i32
        %dma_wait3A_468 = arith.constant 0 : i32
        %dma_wait3A_469 = tpu.memref_slice %arg15[%dma_wait3A_467, %dma_wait3A_468] : memref<512x64xf32, #tpu.memory_space<vmem>> -> memref<1x64xf32, #tpu.memory_space<vmem>>
        %dma_wait3A_470 = arith.constant 0 : i32
        %dma_wait3A_471 = arith.constant 0 : i32
        %dma_wait3A_472 = tpu.memref_slice %arg6[%dma_wait3A_470, %dma_wait3A_471] : memref<1000000x64xf32, #tpu.memory_space<hbm>> -> memref<1x64xf32, #tpu.memory_space<hbm>>
        %dma_wait3A_473 = arith.constant 15 : i32
        %dma_wait3A_474 = arith.constant 0 : i32
        %dma_wait3A_475 = tpu.memref_slice %arg15[%dma_wait3A_473, %dma_wait3A_474] : memref<512x64xf32, #tpu.memory_space<vmem>> -> memref<1x64xf32, #tpu.memory_space<vmem>>
        %dma_wait3A_476 = arith.constant 0 : i32
        %dma_wait3A_477 = arith.constant 0 : i32
        %dma_wait3A_478 = tpu.memref_slice %arg6[%dma_wait3A_476, %dma_wait3A_477] : memref<1000000x64xf32, #tpu.memory_space<hbm>> -> memref<1x64xf32, #tpu.memory_space<hbm>>
        tpu.wait_dma2 semaphore(%arg16 : memref<!tpu.dma_semaphore, #tpu.memory_space<semaphore_mem>>) src(%dma_wait3A_478 : memref<1x64xf32, #tpu.memory_space<hbm>>) dst(%dma_wait3A_475 : memref<1x64xf32, #tpu.memory_space<vmem>>)
      } else {
      }
      %scan3A_287 = arith.constant 0 : i32
      scf.yield %scan3A_287 : i32
    }
    %scan3A_8 = arith.constant 32 : i32
    %scan3A_9 = arith.constant 0 : i32
    %scan3A_10 = arith.constant 0 : i32
    %scan3A_11 = arith.constant 4 : i32
    %scan3A_12 = arith.addi %scan3A_10, %scan3A_11 : i32
    %scan3A_13 = arith.constant 1 : i32
    %scan3A_14 = scf.for %scan3A_58 = %scan3A_10 to %scan3A_12 step %scan3A_13 iter_args(%scan3A_59 = %scan3A_9) -> (i32)  : i32 {
      %dma_wait3A = arith.constant 0 : i32
      %dma_wait3A_60 = arith.constant 0 : i32
      %dma_wait3A_61 = tpu.memref_slice %arg15[%dma_wait3A, %dma_wait3A_60] : memref<512x64xf32, #tpu.memory_space<vmem>> -> memref<1x64xf32, #tpu.memory_space<vmem>>
      %dma_wait3A_62 = arith.constant 0 : i32
      %dma_wait3A_63 = arith.constant 0 : i32
      %dma_wait3A_64 = tpu.memref_slice %arg6[%dma_wait3A_62, %dma_wait3A_63] : memref<1000000x64xf32, #tpu.memory_space<hbm>> -> memref<1x64xf32, #tpu.memory_space<hbm>>
      %dma_wait3A_65 = arith.constant 0 : i32
      %dma_wait3A_66 = arith.constant 0 : i32
      %dma_wait3A_67 = tpu.memref_slice %arg15[%dma_wait3A_65, %dma_wait3A_66] : memref<512x64xf32, #tpu.memory_space<vmem>> -> memref<1x64xf32, #tpu.memory_space<vmem>>
      %dma_wait3A_68 = arith.constant 0 : i32
      %dma_wait3A_69 = arith.constant 0 : i32
      %dma_wait3A_70 = tpu.memref_slice %arg6[%dma_wait3A_68, %dma_wait3A_69] : memref<1000000x64xf32, #tpu.memory_space<hbm>> -> memref<1x64xf32, #tpu.memory_space<hbm>>
      tpu.wait_dma2 semaphore(%arg16 : memref<!tpu.dma_semaphore, #tpu.memory_space<semaphore_mem>>) src(%dma_wait3A_70 : memref<1x64xf32, #tpu.memory_space<hbm>>) dst(%dma_wait3A_67 : memref<1x64xf32, #tpu.memory_space<vmem>>)
      %dma_wait3A_71 = arith.constant 1 : i32
      %dma_wait3A_72 = arith.constant 0 : i32
      %dma_wait3A_73 = tpu.memref_slice %arg15[%dma_wait3A_71, %dma_wait3A_72] : memref<512x64xf32, #tpu.memory_space<vmem>> -> memref<1x64xf32, #tpu.memory_space<vmem>>
      %dma_wait3A_74 = arith.constant 0 : i32
      %dma_wait3A_75 = arith.constant 0 : i32
      %dma_wait3A_76 = tpu.memref_slice %arg6[%dma_wait3A_74, %dma_wait3A_75] : memref<1000000x64xf32, #tpu.memory_space<hbm>> -> memref<1x64xf32, #tpu.memory_space<hbm>>
      %dma_wait3A_77 = arith.constant 1 : i32
      %dma_wait3A_78 = arith.constant 0 : i32
      %dma_wait3A_79 = tpu.memref_slice %arg15[%dma_wait3A_77, %dma_wait3A_78] : memref<512x64xf32, #tpu.memory_space<vmem>> -> memref<1x64xf32, #tpu.memory_space<vmem>>
      %dma_wait3A_80 = arith.constant 0 : i32
      %dma_wait3A_81 = arith.constant 0 : i32
      %dma_wait3A_82 = tpu.memref_slice %arg6[%dma_wait3A_80, %dma_wait3A_81] : memref<1000000x64xf32, #tpu.memory_space<hbm>> -> memref<1x64xf32, #tpu.memory_space<hbm>>
      tpu.wait_dma2 semaphore(%arg16 : memref<!tpu.dma_semaphore, #tpu.memory_space<semaphore_mem>>) src(%dma_wait3A_82 : memref<1x64xf32, #tpu.memory_space<hbm>>) dst(%dma_wait3A_79 : memref<1x64xf32, #tpu.memory_space<vmem>>)
      %dma_wait3A_83 = arith.constant 2 : i32
      %dma_wait3A_84 = arith.constant 0 : i32
      %dma_wait3A_85 = tpu.memref_slice %arg15[%dma_wait3A_83, %dma_wait3A_84] : memref<512x64xf32, #tpu.memory_space<vmem>> -> memref<1x64xf32, #tpu.memory_space<vmem>>
      %dma_wait3A_86 = arith.constant 0 : i32
      %dma_wait3A_87 = arith.constant 0 : i32
      %dma_wait3A_88 = tpu.memref_slice %arg6[%dma_wait3A_86, %dma_wait3A_87] : memref<1000000x64xf32, #tpu.memory_space<hbm>> -> memref<1x64xf32, #tpu.memory_space<hbm>>
      %dma_wait3A_89 = arith.constant 2 : i32
      %dma_wait3A_90 = arith.constant 0 : i32
      %dma_wait3A_91 = tpu.memref_slice %arg15[%dma_wait3A_89, %dma_wait3A_90] : memref<512x64xf32, #tpu.memory_space<vmem>> -> memref<1x64xf32, #tpu.memory_space<vmem>>
      %dma_wait3A_92 = arith.constant 0 : i32
      %dma_wait3A_93 = arith.constant 0 : i32
      %dma_wait3A_94 = tpu.memref_slice %arg6[%dma_wait3A_92, %dma_wait3A_93] : memref<1000000x64xf32, #tpu.memory_space<hbm>> -> memref<1x64xf32, #tpu.memory_space<hbm>>
      tpu.wait_dma2 semaphore(%arg16 : memref<!tpu.dma_semaphore, #tpu.memory_space<semaphore_mem>>) src(%dma_wait3A_94 : memref<1x64xf32, #tpu.memory_space<hbm>>) dst(%dma_wait3A_91 : memref<1x64xf32, #tpu.memory_space<vmem>>)
      %dma_wait3A_95 = arith.constant 3 : i32
      %dma_wait3A_96 = arith.constant 0 : i32
      %dma_wait3A_97 = tpu.memref_slice %arg15[%dma_wait3A_95, %dma_wait3A_96] : memref<512x64xf32, #tpu.memory_space<vmem>> -> memref<1x64xf32, #tpu.memory_space<vmem>>
      %dma_wait3A_98 = arith.constant 0 : i32
      %dma_wait3A_99 = arith.constant 0 : i32
      %dma_wait3A_100 = tpu.memref_slice %arg6[%dma_wait3A_98, %dma_wait3A_99] : memref<1000000x64xf32, #tpu.memory_space<hbm>> -> memref<1x64xf32, #tpu.memory_space<hbm>>
      %dma_wait3A_101 = arith.constant 3 : i32
      %dma_wait3A_102 = arith.constant 0 : i32
      %dma_wait3A_103 = tpu.memref_slice %arg15[%dma_wait3A_101, %dma_wait3A_102] : memref<512x64xf32, #tpu.memory_space<vmem>> -> memref<1x64xf32, #tpu.memory_space<vmem>>
      %dma_wait3A_104 = arith.constant 0 : i32
      %dma_wait3A_105 = arith.constant 0 : i32
      %dma_wait3A_106 = tpu.memref_slice %arg6[%dma_wait3A_104, %dma_wait3A_105] : memref<1000000x64xf32, #tpu.memory_space<hbm>> -> memref<1x64xf32, #tpu.memory_space<hbm>>
      tpu.wait_dma2 semaphore(%arg16 : memref<!tpu.dma_semaphore, #tpu.memory_space<semaphore_mem>>) src(%dma_wait3A_106 : memref<1x64xf32, #tpu.memory_space<hbm>>) dst(%dma_wait3A_103 : memref<1x64xf32, #tpu.memory_space<vmem>>)
      %dma_wait3A_107 = arith.constant 4 : i32
      %dma_wait3A_108 = arith.constant 0 : i32
      %dma_wait3A_109 = tpu.memref_slice %arg15[%dma_wait3A_107, %dma_wait3A_108] : memref<512x64xf32, #tpu.memory_space<vmem>> -> memref<1x64xf32, #tpu.memory_space<vmem>>
      %dma_wait3A_110 = arith.constant 0 : i32
      %dma_wait3A_111 = arith.constant 0 : i32
      %dma_wait3A_112 = tpu.memref_slice %arg6[%dma_wait3A_110, %dma_wait3A_111] : memref<1000000x64xf32, #tpu.memory_space<hbm>> -> memref<1x64xf32, #tpu.memory_space<hbm>>
      %dma_wait3A_113 = arith.constant 4 : i32
      %dma_wait3A_114 = arith.constant 0 : i32
      %dma_wait3A_115 = tpu.memref_slice %arg15[%dma_wait3A_113, %dma_wait3A_114] : memref<512x64xf32, #tpu.memory_space<vmem>> -> memref<1x64xf32, #tpu.memory_space<vmem>>
      %dma_wait3A_116 = arith.constant 0 : i32
      %dma_wait3A_117 = arith.constant 0 : i32
      %dma_wait3A_118 = tpu.memref_slice %arg6[%dma_wait3A_116, %dma_wait3A_117] : memref<1000000x64xf32, #tpu.memory_space<hbm>> -> memref<1x64xf32, #tpu.memory_space<hbm>>
      tpu.wait_dma2 semaphore(%arg16 : memref<!tpu.dma_semaphore, #tpu.memory_space<semaphore_mem>>) src(%dma_wait3A_118 : memref<1x64xf32, #tpu.memory_space<hbm>>) dst(%dma_wait3A_115 : memref<1x64xf32, #tpu.memory_space<vmem>>)
      %dma_wait3A_119 = arith.constant 5 : i32
      %dma_wait3A_120 = arith.constant 0 : i32
      %dma_wait3A_121 = tpu.memref_slice %arg15[%dma_wait3A_119, %dma_wait3A_120] : memref<512x64xf32, #tpu.memory_space<vmem>> -> memref<1x64xf32, #tpu.memory_space<vmem>>
      %dma_wait3A_122 = arith.constant 0 : i32
      %dma_wait3A_123 = arith.constant 0 : i32
      %dma_wait3A_124 = tpu.memref_slice %arg6[%dma_wait3A_122, %dma_wait3A_123] : memref<1000000x64xf32, #tpu.memory_space<hbm>> -> memref<1x64xf32, #tpu.memory_space<hbm>>
      %dma_wait3A_125 = arith.constant 5 : i32
      %dma_wait3A_126 = arith.constant 0 : i32
      %dma_wait3A_127 = tpu.memref_slice %arg15[%dma_wait3A_125, %dma_wait3A_126] : memref<512x64xf32, #tpu.memory_space<vmem>> -> memref<1x64xf32, #tpu.memory_space<vmem>>
      %dma_wait3A_128 = arith.constant 0 : i32
      %dma_wait3A_129 = arith.constant 0 : i32
      %dma_wait3A_130 = tpu.memref_slice %arg6[%dma_wait3A_128, %dma_wait3A_129] : memref<1000000x64xf32, #tpu.memory_space<hbm>> -> memref<1x64xf32, #tpu.memory_space<hbm>>
      tpu.wait_dma2 semaphore(%arg16 : memref<!tpu.dma_semaphore, #tpu.memory_space<semaphore_mem>>) src(%dma_wait3A_130 : memref<1x64xf32, #tpu.memory_space<hbm>>) dst(%dma_wait3A_127 : memref<1x64xf32, #tpu.memory_space<vmem>>)
      %dma_wait3A_131 = arith.constant 6 : i32
      %dma_wait3A_132 = arith.constant 0 : i32
      %dma_wait3A_133 = tpu.memref_slice %arg15[%dma_wait3A_131, %dma_wait3A_132] : memref<512x64xf32, #tpu.memory_space<vmem>> -> memref<1x64xf32, #tpu.memory_space<vmem>>
      %dma_wait3A_134 = arith.constant 0 : i32
      %dma_wait3A_135 = arith.constant 0 : i32
      %dma_wait3A_136 = tpu.memref_slice %arg6[%dma_wait3A_134, %dma_wait3A_135] : memref<1000000x64xf32, #tpu.memory_space<hbm>> -> memref<1x64xf32, #tpu.memory_space<hbm>>
      %dma_wait3A_137 = arith.constant 6 : i32
      %dma_wait3A_138 = arith.constant 0 : i32
      %dma_wait3A_139 = tpu.memref_slice %arg15[%dma_wait3A_137, %dma_wait3A_138] : memref<512x64xf32, #tpu.memory_space<vmem>> -> memref<1x64xf32, #tpu.memory_space<vmem>>
      %dma_wait3A_140 = arith.constant 0 : i32
      %dma_wait3A_141 = arith.constant 0 : i32
      %dma_wait3A_142 = tpu.memref_slice %arg6[%dma_wait3A_140, %dma_wait3A_141] : memref<1000000x64xf32, #tpu.memory_space<hbm>> -> memref<1x64xf32, #tpu.memory_space<hbm>>
      tpu.wait_dma2 semaphore(%arg16 : memref<!tpu.dma_semaphore, #tpu.memory_space<semaphore_mem>>) src(%dma_wait3A_142 : memref<1x64xf32, #tpu.memory_space<hbm>>) dst(%dma_wait3A_139 : memref<1x64xf32, #tpu.memory_space<vmem>>)
      %dma_wait3A_143 = arith.constant 7 : i32
      %dma_wait3A_144 = arith.constant 0 : i32
      %dma_wait3A_145 = tpu.memref_slice %arg15[%dma_wait3A_143, %dma_wait3A_144] : memref<512x64xf32, #tpu.memory_space<vmem>> -> memref<1x64xf32, #tpu.memory_space<vmem>>
      %dma_wait3A_146 = arith.constant 0 : i32
      %dma_wait3A_147 = arith.constant 0 : i32
      %dma_wait3A_148 = tpu.memref_slice %arg6[%dma_wait3A_146, %dma_wait3A_147] : memref<1000000x64xf32, #tpu.memory_space<hbm>> -> memref<1x64xf32, #tpu.memory_space<hbm>>
      %dma_wait3A_149 = arith.constant 7 : i32
      %dma_wait3A_150 = arith.constant 0 : i32
      %dma_wait3A_151 = tpu.memref_slice %arg15[%dma_wait3A_149, %dma_wait3A_150] : memref<512x64xf32, #tpu.memory_space<vmem>> -> memref<1x64xf32, #tpu.memory_space<vmem>>
      %dma_wait3A_152 = arith.constant 0 : i32
      %dma_wait3A_153 = arith.constant 0 : i32
      %dma_wait3A_154 = tpu.memref_slice %arg6[%dma_wait3A_152, %dma_wait3A_153] : memref<1000000x64xf32, #tpu.memory_space<hbm>> -> memref<1x64xf32, #tpu.memory_space<hbm>>
      tpu.wait_dma2 semaphore(%arg16 : memref<!tpu.dma_semaphore, #tpu.memory_space<semaphore_mem>>) src(%dma_wait3A_154 : memref<1x64xf32, #tpu.memory_space<hbm>>) dst(%dma_wait3A_151 : memref<1x64xf32, #tpu.memory_space<vmem>>)
      %dma_wait3A_155 = arith.constant 8 : i32
      %dma_wait3A_156 = arith.constant 0 : i32
      %dma_wait3A_157 = tpu.memref_slice %arg15[%dma_wait3A_155, %dma_wait3A_156] : memref<512x64xf32, #tpu.memory_space<vmem>> -> memref<1x64xf32, #tpu.memory_space<vmem>>
      %dma_wait3A_158 = arith.constant 0 : i32
      %dma_wait3A_159 = arith.constant 0 : i32
      %dma_wait3A_160 = tpu.memref_slice %arg6[%dma_wait3A_158, %dma_wait3A_159] : memref<1000000x64xf32, #tpu.memory_space<hbm>> -> memref<1x64xf32, #tpu.memory_space<hbm>>
      %dma_wait3A_161 = arith.constant 8 : i32
      %dma_wait3A_162 = arith.constant 0 : i32
      %dma_wait3A_163 = tpu.memref_slice %arg15[%dma_wait3A_161, %dma_wait3A_162] : memref<512x64xf32, #tpu.memory_space<vmem>> -> memref<1x64xf32, #tpu.memory_space<vmem>>
      %dma_wait3A_164 = arith.constant 0 : i32
      %dma_wait3A_165 = arith.constant 0 : i32
      %dma_wait3A_166 = tpu.memref_slice %arg6[%dma_wait3A_164, %dma_wait3A_165] : memref<1000000x64xf32, #tpu.memory_space<hbm>> -> memref<1x64xf32, #tpu.memory_space<hbm>>
      tpu.wait_dma2 semaphore(%arg16 : memref<!tpu.dma_semaphore, #tpu.memory_space<semaphore_mem>>) src(%dma_wait3A_166 : memref<1x64xf32, #tpu.memory_space<hbm>>) dst(%dma_wait3A_163 : memref<1x64xf32, #tpu.memory_space<vmem>>)
      %dma_wait3A_167 = arith.constant 9 : i32
      %dma_wait3A_168 = arith.constant 0 : i32
      %dma_wait3A_169 = tpu.memref_slice %arg15[%dma_wait3A_167, %dma_wait3A_168] : memref<512x64xf32, #tpu.memory_space<vmem>> -> memref<1x64xf32, #tpu.memory_space<vmem>>
      %dma_wait3A_170 = arith.constant 0 : i32
      %dma_wait3A_171 = arith.constant 0 : i32
      %dma_wait3A_172 = tpu.memref_slice %arg6[%dma_wait3A_170, %dma_wait3A_171] : memref<1000000x64xf32, #tpu.memory_space<hbm>> -> memref<1x64xf32, #tpu.memory_space<hbm>>
      %dma_wait3A_173 = arith.constant 9 : i32
      %dma_wait3A_174 = arith.constant 0 : i32
      %dma_wait3A_175 = tpu.memref_slice %arg15[%dma_wait3A_173, %dma_wait3A_174] : memref<512x64xf32, #tpu.memory_space<vmem>> -> memref<1x64xf32, #tpu.memory_space<vmem>>
      %dma_wait3A_176 = arith.constant 0 : i32
      %dma_wait3A_177 = arith.constant 0 : i32
      %dma_wait3A_178 = tpu.memref_slice %arg6[%dma_wait3A_176, %dma_wait3A_177] : memref<1000000x64xf32, #tpu.memory_space<hbm>> -> memref<1x64xf32, #tpu.memory_space<hbm>>
      tpu.wait_dma2 semaphore(%arg16 : memref<!tpu.dma_semaphore, #tpu.memory_space<semaphore_mem>>) src(%dma_wait3A_178 : memref<1x64xf32, #tpu.memory_space<hbm>>) dst(%dma_wait3A_175 : memref<1x64xf32, #tpu.memory_space<vmem>>)
      %dma_wait3A_179 = arith.constant 10 : i32
      %dma_wait3A_180 = arith.constant 0 : i32
      %dma_wait3A_181 = tpu.memref_slice %arg15[%dma_wait3A_179, %dma_wait3A_180] : memref<512x64xf32, #tpu.memory_space<vmem>> -> memref<1x64xf32, #tpu.memory_space<vmem>>
      %dma_wait3A_182 = arith.constant 0 : i32
      %dma_wait3A_183 = arith.constant 0 : i32
      %dma_wait3A_184 = tpu.memref_slice %arg6[%dma_wait3A_182, %dma_wait3A_183] : memref<1000000x64xf32, #tpu.memory_space<hbm>> -> memref<1x64xf32, #tpu.memory_space<hbm>>
      %dma_wait3A_185 = arith.constant 10 : i32
      %dma_wait3A_186 = arith.constant 0 : i32
      %dma_wait3A_187 = tpu.memref_slice %arg15[%dma_wait3A_185, %dma_wait3A_186] : memref<512x64xf32, #tpu.memory_space<vmem>> -> memref<1x64xf32, #tpu.memory_space<vmem>>
      %dma_wait3A_188 = arith.constant 0 : i32
      %dma_wait3A_189 = arith.constant 0 : i32
      %dma_wait3A_190 = tpu.memref_slice %arg6[%dma_wait3A_188, %dma_wait3A_189] : memref<1000000x64xf32, #tpu.memory_space<hbm>> -> memref<1x64xf32, #tpu.memory_space<hbm>>
      tpu.wait_dma2 semaphore(%arg16 : memref<!tpu.dma_semaphore, #tpu.memory_space<semaphore_mem>>) src(%dma_wait3A_190 : memref<1x64xf32, #tpu.memory_space<hbm>>) dst(%dma_wait3A_187 : memref<1x64xf32, #tpu.memory_space<vmem>>)
      %dma_wait3A_191 = arith.constant 11 : i32
      %dma_wait3A_192 = arith.constant 0 : i32
      %dma_wait3A_193 = tpu.memref_slice %arg15[%dma_wait3A_191, %dma_wait3A_192] : memref<512x64xf32, #tpu.memory_space<vmem>> -> memref<1x64xf32, #tpu.memory_space<vmem>>
      %dma_wait3A_194 = arith.constant 0 : i32
      %dma_wait3A_195 = arith.constant 0 : i32
      %dma_wait3A_196 = tpu.memref_slice %arg6[%dma_wait3A_194, %dma_wait3A_195] : memref<1000000x64xf32, #tpu.memory_space<hbm>> -> memref<1x64xf32, #tpu.memory_space<hbm>>
      %dma_wait3A_197 = arith.constant 11 : i32
      %dma_wait3A_198 = arith.constant 0 : i32
      %dma_wait3A_199 = tpu.memref_slice %arg15[%dma_wait3A_197, %dma_wait3A_198] : memref<512x64xf32, #tpu.memory_space<vmem>> -> memref<1x64xf32, #tpu.memory_space<vmem>>
      %dma_wait3A_200 = arith.constant 0 : i32
      %dma_wait3A_201 = arith.constant 0 : i32
      %dma_wait3A_202 = tpu.memref_slice %arg6[%dma_wait3A_200, %dma_wait3A_201] : memref<1000000x64xf32, #tpu.memory_space<hbm>> -> memref<1x64xf32, #tpu.memory_space<hbm>>
      tpu.wait_dma2 semaphore(%arg16 : memref<!tpu.dma_semaphore, #tpu.memory_space<semaphore_mem>>) src(%dma_wait3A_202 : memref<1x64xf32, #tpu.memory_space<hbm>>) dst(%dma_wait3A_199 : memref<1x64xf32, #tpu.memory_space<vmem>>)
      %dma_wait3A_203 = arith.constant 12 : i32
      %dma_wait3A_204 = arith.constant 0 : i32
      %dma_wait3A_205 = tpu.memref_slice %arg15[%dma_wait3A_203, %dma_wait3A_204] : memref<512x64xf32, #tpu.memory_space<vmem>> -> memref<1x64xf32, #tpu.memory_space<vmem>>
      %dma_wait3A_206 = arith.constant 0 : i32
      %dma_wait3A_207 = arith.constant 0 : i32
      %dma_wait3A_208 = tpu.memref_slice %arg6[%dma_wait3A_206, %dma_wait3A_207] : memref<1000000x64xf32, #tpu.memory_space<hbm>> -> memref<1x64xf32, #tpu.memory_space<hbm>>
      %dma_wait3A_209 = arith.constant 12 : i32
      %dma_wait3A_210 = arith.constant 0 : i32
      %dma_wait3A_211 = tpu.memref_slice %arg15[%dma_wait3A_209, %dma_wait3A_210] : memref<512x64xf32, #tpu.memory_space<vmem>> -> memref<1x64xf32, #tpu.memory_space<vmem>>
      %dma_wait3A_212 = arith.constant 0 : i32
      %dma_wait3A_213 = arith.constant 0 : i32
      %dma_wait3A_214 = tpu.memref_slice %arg6[%dma_wait3A_212, %dma_wait3A_213] : memref<1000000x64xf32, #tpu.memory_space<hbm>> -> memref<1x64xf32, #tpu.memory_space<hbm>>
      tpu.wait_dma2 semaphore(%arg16 : memref<!tpu.dma_semaphore, #tpu.memory_space<semaphore_mem>>) src(%dma_wait3A_214 : memref<1x64xf32, #tpu.memory_space<hbm>>) dst(%dma_wait3A_211 : memref<1x64xf32, #tpu.memory_space<vmem>>)
      %dma_wait3A_215 = arith.constant 13 : i32
      %dma_wait3A_216 = arith.constant 0 : i32
      %dma_wait3A_217 = tpu.memref_slice %arg15[%dma_wait3A_215, %dma_wait3A_216] : memref<512x64xf32, #tpu.memory_space<vmem>> -> memref<1x64xf32, #tpu.memory_space<vmem>>
      %dma_wait3A_218 = arith.constant 0 : i32
      %dma_wait3A_219 = arith.constant 0 : i32
      %dma_wait3A_220 = tpu.memref_slice %arg6[%dma_wait3A_218, %dma_wait3A_219] : memref<1000000x64xf32, #tpu.memory_space<hbm>> -> memref<1x64xf32, #tpu.memory_space<hbm>>
      %dma_wait3A_221 = arith.constant 13 : i32
      %dma_wait3A_222 = arith.constant 0 : i32
      %dma_wait3A_223 = tpu.memref_slice %arg15[%dma_wait3A_221, %dma_wait3A_222] : memref<512x64xf32, #tpu.memory_space<vmem>> -> memref<1x64xf32, #tpu.memory_space<vmem>>
      %dma_wait3A_224 = arith.constant 0 : i32
      %dma_wait3A_225 = arith.constant 0 : i32
      %dma_wait3A_226 = tpu.memref_slice %arg6[%dma_wait3A_224, %dma_wait3A_225] : memref<1000000x64xf32, #tpu.memory_space<hbm>> -> memref<1x64xf32, #tpu.memory_space<hbm>>
      tpu.wait_dma2 semaphore(%arg16 : memref<!tpu.dma_semaphore, #tpu.memory_space<semaphore_mem>>) src(%dma_wait3A_226 : memref<1x64xf32, #tpu.memory_space<hbm>>) dst(%dma_wait3A_223 : memref<1x64xf32, #tpu.memory_space<vmem>>)
      %dma_wait3A_227 = arith.constant 14 : i32
      %dma_wait3A_228 = arith.constant 0 : i32
      %dma_wait3A_229 = tpu.memref_slice %arg15[%dma_wait3A_227, %dma_wait3A_228] : memref<512x64xf32, #tpu.memory_space<vmem>> -> memref<1x64xf32, #tpu.memory_space<vmem>>
      %dma_wait3A_230 = arith.constant 0 : i32
      %dma_wait3A_231 = arith.constant 0 : i32
      %dma_wait3A_232 = tpu.memref_slice %arg6[%dma_wait3A_230, %dma_wait3A_231] : memref<1000000x64xf32, #tpu.memory_space<hbm>> -> memref<1x64xf32, #tpu.memory_space<hbm>>
      %dma_wait3A_233 = arith.constant 14 : i32
      %dma_wait3A_234 = arith.constant 0 : i32
      %dma_wait3A_235 = tpu.memref_slice %arg15[%dma_wait3A_233, %dma_wait3A_234] : memref<512x64xf32, #tpu.memory_space<vmem>> -> memref<1x64xf32, #tpu.memory_space<vmem>>
      %dma_wait3A_236 = arith.constant 0 : i32
      %dma_wait3A_237 = arith.constant 0 : i32
      %dma_wait3A_238 = tpu.memref_slice %arg6[%dma_wait3A_236, %dma_wait3A_237] : memref<1000000x64xf32, #tpu.memory_space<hbm>> -> memref<1x64xf32, #tpu.memory_space<hbm>>
      tpu.wait_dma2 semaphore(%arg16 : memref<!tpu.dma_semaphore, #tpu.memory_space<semaphore_mem>>) src(%dma_wait3A_238 : memref<1x64xf32, #tpu.memory_space<hbm>>) dst(%dma_wait3A_235 : memref<1x64xf32, #tpu.memory_space<vmem>>)
      %dma_wait3A_239 = arith.constant 15 : i32
      %dma_wait3A_240 = arith.constant 0 : i32
      %dma_wait3A_241 = tpu.memref_slice %arg15[%dma_wait3A_239, %dma_wait3A_240] : memref<512x64xf32, #tpu.memory_space<vmem>> -> memref<1x64xf32, #tpu.memory_space<vmem>>
      %dma_wait3A_242 = arith.constant 0 : i32
      %dma_wait3A_243 = arith.constant 0 : i32
      %dma_wait3A_244 = tpu.memref_slice %arg6[%dma_wait3A_242, %dma_wait3A_243] : memref<1000000x64xf32, #tpu.memory_space<hbm>> -> memref<1x64xf32, #tpu.memory_space<hbm>>
      %dma_wait3A_245 = arith.constant 15 : i32
      %dma_wait3A_246 = arith.constant 0 : i32
      %dma_wait3A_247 = tpu.memref_slice %arg15[%dma_wait3A_245, %dma_wait3A_246] : memref<512x64xf32, #tpu.memory_space<vmem>> -> memref<1x64xf32, #tpu.memory_space<vmem>>
      %dma_wait3A_248 = arith.constant 0 : i32
      %dma_wait3A_249 = arith.constant 0 : i32
      %dma_wait3A_250 = tpu.memref_slice %arg6[%dma_wait3A_248, %dma_wait3A_249] : memref<1000000x64xf32, #tpu.memory_space<hbm>> -> memref<1x64xf32, #tpu.memory_space<hbm>>
      tpu.wait_dma2 semaphore(%arg16 : memref<!tpu.dma_semaphore, #tpu.memory_space<semaphore_mem>>) src(%dma_wait3A_250 : memref<1x64xf32, #tpu.memory_space<hbm>>) dst(%dma_wait3A_247 : memref<1x64xf32, #tpu.memory_space<vmem>>)
      %scan3A_251 = arith.constant 0 : i32
      scf.yield %scan3A_251 : i32
    }
    %scan3A_15 = arith.constant 4 : i32
    "tpu.region"() ({
      %run_scoped3A = tpu.sem_alloc : memref<!tpu.dma_semaphore, #tpu.memory_space<semaphore_mem>>
      %dma_start3A = arith.constant 0 : i32
      %dma_start3A_58 = tpu.memref_slice %arg10[%mul3A_2, %dma_start3A] : memref<16384x64xf32, #tpu.memory_space<hbm>> -> memref<512x64xf32, #tpu.memory_space<hbm>>
      %dma_start3A_59 = arith.constant 0 : i32
      %dma_start3A_60 = tpu.memref_slice %arg10[%mul3A_2, %dma_start3A_59] : memref<16384x64xf32, #tpu.memory_space<hbm>> -> memref<512x64xf32, #tpu.memory_space<hbm>>
      tpu.enqueue_dma source(%arg15 : memref<512x64xf32, #tpu.memory_space<vmem>>) target(%dma_start3A_60 : memref<512x64xf32, #tpu.memory_space<hbm>>) target_semaphore(%run_scoped3A : memref<!tpu.dma_semaphore, #tpu.memory_space<semaphore_mem>>)
      %dma_wait3A = arith.constant 0 : i32
      %dma_wait3A_61 = tpu.memref_slice %arg10[%mul3A_2, %dma_wait3A] : memref<16384x64xf32, #tpu.memory_space<hbm>> -> memref<512x64xf32, #tpu.memory_space<hbm>>
      %dma_wait3A_62 = arith.constant 0 : i32
      %dma_wait3A_63 = tpu.memref_slice %arg10[%mul3A_2, %dma_wait3A_62] : memref<16384x64xf32, #tpu.memory_space<hbm>> -> memref<512x64xf32, #tpu.memory_space<hbm>>
      tpu.wait_dma2 semaphore(%run_scoped3A : memref<!tpu.dma_semaphore, #tpu.memory_space<semaphore_mem>>) src(%arg15 : memref<512x64xf32, #tpu.memory_space<vmem>>) dst(%dma_wait3A_63 : memref<512x64xf32, #tpu.memory_space<hbm>>)
      tpu.yield
    }) : () -> ()
    "tpu.region"() ({
      %run_scoped3A = tpu.sem_alloc : memref<!tpu.dma_semaphore, #tpu.memory_space<semaphore_mem>>
      %dma_start3A = tpu.memref_slice %arg3[%mul3A_2] : memref<16384xi32, #tpu.memory_space<hbm>> -> memref<512xi32, #tpu.memory_space<hbm>>
      %dma_start3A_58 = tpu.memref_slice %arg3[%mul3A_2] : memref<16384xi32, #tpu.memory_space<hbm>> -> memref<512xi32, #tpu.memory_space<hbm>>
      tpu.enqueue_dma source(%dma_start3A_58 : memref<512xi32, #tpu.memory_space<hbm>>) target(%arg14 : memref<512xi32, #tpu.memory_space<vmem>>) target_semaphore(%run_scoped3A : memref<!tpu.dma_semaphore, #tpu.memory_space<semaphore_mem>>)
      %dma_wait3A = tpu.memref_slice %arg3[%mul3A_2] : memref<16384xi32, #tpu.memory_space<hbm>> -> memref<512xi32, #tpu.memory_space<hbm>>
      %dma_wait3A_59 = tpu.memref_slice %arg3[%mul3A_2] : memref<16384xi32, #tpu.memory_space<hbm>> -> memref<512xi32, #tpu.memory_space<hbm>>
      tpu.wait_dma2 semaphore(%run_scoped3A : memref<!tpu.dma_semaphore, #tpu.memory_space<semaphore_mem>>) src(%dma_wait3A_59 : memref<512xi32, #tpu.memory_space<hbm>>) dst(%arg14 : memref<512xi32, #tpu.memory_space<vmem>>)
      tpu.yield
    }) : () -> ()
    %scan3A_16 = arith.constant 0 : i32
    %scan3A_17 = arith.constant 0 : i32
    %scan3A_18 = arith.constant 32 : i32
    %scan3A_19 = arith.addi %scan3A_17, %scan3A_18 : i32
    %scan3A_20 = arith.constant 1 : i32
    %scan3A_21 = scf.for %scan3A_58 = %scan3A_17 to %scan3A_19 step %scan3A_20 iter_args(%scan3A_59 = %scan3A_16) -> (i32)  : i32 {
      %mul3A_60 = arith.constant 16 : i32
      %mul3A_61 = arith.muli %scan3A_58, %mul3A_60 : i32
      %get3A = arith.index_cast %mul3A_61 : i32 to index
      %get3A_62 = tpu.vector_load %arg14[%get3A] {strides = array<i32>} : memref<512xi32, #tpu.memory_space<vmem>>, vector<16xi32>,
      %get3A_63 = vector.shape_cast %get3A_62 : vector<16xi32> to vector<16xi32>
      %slice3A = vector.extract_strided_slice %get3A_63 {offsets = [0], sizes = [1], strides = [1]} : vector<16xi32> to vector<1xi32>
      %squeeze3A = vector.extract %slice3A[0] : i32 from vector<1xi32>
      %mul3A_64 = arith.constant 16 : i32
      %mul3A_65 = arith.muli %scan3A_58, %mul3A_64 : i32
      %add3A_66 = arith.constant 0 : i32
      %add3A_67 = arith.addi %mul3A_65, %add3A_66 : i32
      %dma_start3A = arith.constant 0 : i32
      %dma_start3A_68 = tpu.memref_slice %arg15[%add3A_67, %dma_start3A] : memref<512x64xf32, #tpu.memory_space<vmem>> -> memref<1x64xf32, #tpu.memory_space<vmem>>
      %dma_start3A_69 = arith.constant 0 : i32
      %dma_start3A_70 = tpu.memref_slice %arg7[%squeeze3A, %dma_start3A_69] : memref<100000x64xf32, #tpu.memory_space<hbm>> -> memref<1x64xf32, #tpu.memory_space<hbm>>
      %dma_start3A_71 = arith.constant 0 : i32
      %dma_start3A_72 = tpu.memref_slice %arg15[%add3A_67, %dma_start3A_71] : memref<512x64xf32, #tpu.memory_space<vmem>> -> memref<1x64xf32, #tpu.memory_space<vmem>>
      %dma_start3A_73 = arith.constant 0 : i32
      %dma_start3A_74 = tpu.memref_slice %arg7[%squeeze3A, %dma_start3A_73] : memref<100000x64xf32, #tpu.memory_space<hbm>> -> memref<1x64xf32, #tpu.memory_space<hbm>>
      tpu.enqueue_dma source(%dma_start3A_74 : memref<1x64xf32, #tpu.memory_space<hbm>>) target(%dma_start3A_72 : memref<1x64xf32, #tpu.memory_space<vmem>>) target_semaphore(%arg16 : memref<!tpu.dma_semaphore, #tpu.memory_space<semaphore_mem>>)
      %slice3A_75 = vector.extract_strided_slice %get3A_63 {offsets = [1], sizes = [1], strides = [1]} : vector<16xi32> to vector<1xi32>
      %squeeze3A_76 = vector.extract %slice3A_75[0] : i32 from vector<1xi32>
      %mul3A_77 = arith.constant 16 : i32
      %mul3A_78 = arith.muli %scan3A_58, %mul3A_77 : i32
      %add3A_79 = arith.constant 1 : i32
      %add3A_80 = arith.addi %mul3A_78, %add3A_79 : i32
      %dma_start3A_81 = arith.constant 0 : i32
      %dma_start3A_82 = tpu.memref_slice %arg15[%add3A_80, %dma_start3A_81] : memref<512x64xf32, #tpu.memory_space<vmem>> -> memref<1x64xf32, #tpu.memory_space<vmem>>
      %dma_start3A_83 = arith.constant 0 : i32
      %dma_start3A_84 = tpu.memref_slice %arg7[%squeeze3A_76, %dma_start3A_83] : memref<100000x64xf32, #tpu.memory_space<hbm>> -> memref<1x64xf32, #tpu.memory_space<hbm>>
      %dma_start3A_85 = arith.constant 0 : i32
      %dma_start3A_86 = tpu.memref_slice %arg15[%add3A_80, %dma_start3A_85] : memref<512x64xf32, #tpu.memory_space<vmem>> -> memref<1x64xf32, #tpu.memory_space<vmem>>
      %dma_start3A_87 = arith.constant 0 : i32
      %dma_start3A_88 = tpu.memref_slice %arg7[%squeeze3A_76, %dma_start3A_87] : memref<100000x64xf32, #tpu.memory_space<hbm>> -> memref<1x64xf32, #tpu.memory_space<hbm>>
      tpu.enqueue_dma source(%dma_start3A_88 : memref<1x64xf32, #tpu.memory_space<hbm>>) target(%dma_start3A_86 : memref<1x64xf32, #tpu.memory_space<vmem>>) target_semaphore(%arg16 : memref<!tpu.dma_semaphore, #tpu.memory_space<semaphore_mem>>)
      %slice3A_89 = vector.extract_strided_slice %get3A_63 {offsets = [2], sizes = [1], strides = [1]} : vector<16xi32> to vector<1xi32>
      %squeeze3A_90 = vector.extract %slice3A_89[0] : i32 from vector<1xi32>
      %mul3A_91 = arith.constant 16 : i32
      %mul3A_92 = arith.muli %scan3A_58, %mul3A_91 : i32
      %add3A_93 = arith.constant 2 : i32
      %add3A_94 = arith.addi %mul3A_92, %add3A_93 : i32
      %dma_start3A_95 = arith.constant 0 : i32
      %dma_start3A_96 = tpu.memref_slice %arg15[%add3A_94, %dma_start3A_95] : memref<512x64xf32, #tpu.memory_space<vmem>> -> memref<1x64xf32, #tpu.memory_space<vmem>>
      %dma_start3A_97 = arith.constant 0 : i32
      %dma_start3A_98 = tpu.memref_slice %arg7[%squeeze3A_90, %dma_start3A_97] : memref<100000x64xf32, #tpu.memory_space<hbm>> -> memref<1x64xf32, #tpu.memory_space<hbm>>
      %dma_start3A_99 = arith.constant 0 : i32
      %dma_start3A_100 = tpu.memref_slice %arg15[%add3A_94, %dma_start3A_99] : memref<512x64xf32, #tpu.memory_space<vmem>> -> memref<1x64xf32, #tpu.memory_space<vmem>>
      %dma_start3A_101 = arith.constant 0 : i32
      %dma_start3A_102 = tpu.memref_slice %arg7[%squeeze3A_90, %dma_start3A_101] : memref<100000x64xf32, #tpu.memory_space<hbm>> -> memref<1x64xf32, #tpu.memory_space<hbm>>
      tpu.enqueue_dma source(%dma_start3A_102 : memref<1x64xf32, #tpu.memory_space<hbm>>) target(%dma_start3A_100 : memref<1x64xf32, #tpu.memory_space<vmem>>) target_semaphore(%arg16 : memref<!tpu.dma_semaphore, #tpu.memory_space<semaphore_mem>>)
      %slice3A_103 = vector.extract_strided_slice %get3A_63 {offsets = [3], sizes = [1], strides = [1]} : vector<16xi32> to vector<1xi32>
      %squeeze3A_104 = vector.extract %slice3A_103[0] : i32 from vector<1xi32>
      %mul3A_105 = arith.constant 16 : i32
      %mul3A_106 = arith.muli %scan3A_58, %mul3A_105 : i32
      %add3A_107 = arith.constant 3 : i32
      %add3A_108 = arith.addi %mul3A_106, %add3A_107 : i32
      %dma_start3A_109 = arith.constant 0 : i32
      %dma_start3A_110 = tpu.memref_slice %arg15[%add3A_108, %dma_start3A_109] : memref<512x64xf32, #tpu.memory_space<vmem>> -> memref<1x64xf32, #tpu.memory_space<vmem>>
      %dma_start3A_111 = arith.constant 0 : i32
      %dma_start3A_112 = tpu.memref_slice %arg7[%squeeze3A_104, %dma_start3A_111] : memref<100000x64xf32, #tpu.memory_space<hbm>> -> memref<1x64xf32, #tpu.memory_space<hbm>>
      %dma_start3A_113 = arith.constant 0 : i32
      %dma_start3A_114 = tpu.memref_slice %arg15[%add3A_108, %dma_start3A_113] : memref<512x64xf32, #tpu.memory_space<vmem>> -> memref<1x64xf32, #tpu.memory_space<vmem>>
      %dma_start3A_115 = arith.constant 0 : i32
      %dma_start3A_116 = tpu.memref_slice %arg7[%squeeze3A_104, %dma_start3A_115] : memref<100000x64xf32, #tpu.memory_space<hbm>> -> memref<1x64xf32, #tpu.memory_space<hbm>>
      tpu.enqueue_dma source(%dma_start3A_116 : memref<1x64xf32, #tpu.memory_space<hbm>>) target(%dma_start3A_114 : memref<1x64xf32, #tpu.memory_space<vmem>>) target_semaphore(%arg16 : memref<!tpu.dma_semaphore, #tpu.memory_space<semaphore_mem>>)
      %slice3A_117 = vector.extract_strided_slice %get3A_63 {offsets = [4], sizes = [1], strides = [1]} : vector<16xi32> to vector<1xi32>
      %squeeze3A_118 = vector.extract %slice3A_117[0] : i32 from vector<1xi32>
      %mul3A_119 = arith.constant 16 : i32
      %mul3A_120 = arith.muli %scan3A_58, %mul3A_119 : i32
      %add3A_121 = arith.constant 4 : i32
      %add3A_122 = arith.addi %mul3A_120, %add3A_121 : i32
      %dma_start3A_123 = arith.constant 0 : i32
      %dma_start3A_124 = tpu.memref_slice %arg15[%add3A_122, %dma_start3A_123] : memref<512x64xf32, #tpu.memory_space<vmem>> -> memref<1x64xf32, #tpu.memory_space<vmem>>
      %dma_start3A_125 = arith.constant 0 : i32
      %dma_start3A_126 = tpu.memref_slice %arg7[%squeeze3A_118, %dma_start3A_125] : memref<100000x64xf32, #tpu.memory_space<hbm>> -> memref<1x64xf32, #tpu.memory_space<hbm>>
      %dma_start3A_127 = arith.constant 0 : i32
      %dma_start3A_128 = tpu.memref_slice %arg15[%add3A_122, %dma_start3A_127] : memref<512x64xf32, #tpu.memory_space<vmem>> -> memref<1x64xf32, #tpu.memory_space<vmem>>
      %dma_start3A_129 = arith.constant 0 : i32
      %dma_start3A_130 = tpu.memref_slice %arg7[%squeeze3A_118, %dma_start3A_129] : memref<100000x64xf32, #tpu.memory_space<hbm>> -> memref<1x64xf32, #tpu.memory_space<hbm>>
      tpu.enqueue_dma source(%dma_start3A_130 : memref<1x64xf32, #tpu.memory_space<hbm>>) target(%dma_start3A_128 : memref<1x64xf32, #tpu.memory_space<vmem>>) target_semaphore(%arg16 : memref<!tpu.dma_semaphore, #tpu.memory_space<semaphore_mem>>)
      %slice3A_131 = vector.extract_strided_slice %get3A_63 {offsets = [5], sizes = [1], strides = [1]} : vector<16xi32> to vector<1xi32>
      %squeeze3A_132 = vector.extract %slice3A_131[0] : i32 from vector<1xi32>
      %mul3A_133 = arith.constant 16 : i32
      %mul3A_134 = arith.muli %scan3A_58, %mul3A_133 : i32
      %add3A_135 = arith.constant 5 : i32
      %add3A_136 = arith.addi %mul3A_134, %add3A_135 : i32
      %dma_start3A_137 = arith.constant 0 : i32
      %dma_start3A_138 = tpu.memref_slice %arg15[%add3A_136, %dma_start3A_137] : memref<512x64xf32, #tpu.memory_space<vmem>> -> memref<1x64xf32, #tpu.memory_space<vmem>>
      %dma_start3A_139 = arith.constant 0 : i32
      %dma_start3A_140 = tpu.memref_slice %arg7[%squeeze3A_132, %dma_start3A_139] : memref<100000x64xf32, #tpu.memory_space<hbm>> -> memref<1x64xf32, #tpu.memory_space<hbm>>
      %dma_start3A_141 = arith.constant 0 : i32
      %dma_start3A_142 = tpu.memref_slice %arg15[%add3A_136, %dma_start3A_141] : memref<512x64xf32, #tpu.memory_space<vmem>> -> memref<1x64xf32, #tpu.memory_space<vmem>>
      %dma_start3A_143 = arith.constant 0 : i32
      %dma_start3A_144 = tpu.memref_slice %arg7[%squeeze3A_132, %dma_start3A_143] : memref<100000x64xf32, #tpu.memory_space<hbm>> -> memref<1x64xf32, #tpu.memory_space<hbm>>
      tpu.enqueue_dma source(%dma_start3A_144 : memref<1x64xf32, #tpu.memory_space<hbm>>) target(%dma_start3A_142 : memref<1x64xf32, #tpu.memory_space<vmem>>) target_semaphore(%arg16 : memref<!tpu.dma_semaphore, #tpu.memory_space<semaphore_mem>>)
      %slice3A_145 = vector.extract_strided_slice %get3A_63 {offsets = [6], sizes = [1], strides = [1]} : vector<16xi32> to vector<1xi32>
      %squeeze3A_146 = vector.extract %slice3A_145[0] : i32 from vector<1xi32>
      %mul3A_147 = arith.constant 16 : i32
      %mul3A_148 = arith.muli %scan3A_58, %mul3A_147 : i32
      %add3A_149 = arith.constant 6 : i32
      %add3A_150 = arith.addi %mul3A_148, %add3A_149 : i32
      %dma_start3A_151 = arith.constant 0 : i32
      %dma_start3A_152 = tpu.memref_slice %arg15[%add3A_150, %dma_start3A_151] : memref<512x64xf32, #tpu.memory_space<vmem>> -> memref<1x64xf32, #tpu.memory_space<vmem>>
      %dma_start3A_153 = arith.constant 0 : i32
      %dma_start3A_154 = tpu.memref_slice %arg7[%squeeze3A_146, %dma_start3A_153] : memref<100000x64xf32, #tpu.memory_space<hbm>> -> memref<1x64xf32, #tpu.memory_space<hbm>>
      %dma_start3A_155 = arith.constant 0 : i32
      %dma_start3A_156 = tpu.memref_slice %arg15[%add3A_150, %dma_start3A_155] : memref<512x64xf32, #tpu.memory_space<vmem>> -> memref<1x64xf32, #tpu.memory_space<vmem>>
      %dma_start3A_157 = arith.constant 0 : i32
      %dma_start3A_158 = tpu.memref_slice %arg7[%squeeze3A_146, %dma_start3A_157] : memref<100000x64xf32, #tpu.memory_space<hbm>> -> memref<1x64xf32, #tpu.memory_space<hbm>>
      tpu.enqueue_dma source(%dma_start3A_158 : memref<1x64xf32, #tpu.memory_space<hbm>>) target(%dma_start3A_156 : memref<1x64xf32, #tpu.memory_space<vmem>>) target_semaphore(%arg16 : memref<!tpu.dma_semaphore, #tpu.memory_space<semaphore_mem>>)
      %slice3A_159 = vector.extract_strided_slice %get3A_63 {offsets = [7], sizes = [1], strides = [1]} : vector<16xi32> to vector<1xi32>
      %squeeze3A_160 = vector.extract %slice3A_159[0] : i32 from vector<1xi32>
      %mul3A_161 = arith.constant 16 : i32
      %mul3A_162 = arith.muli %scan3A_58, %mul3A_161 : i32
      %add3A_163 = arith.constant 7 : i32
      %add3A_164 = arith.addi %mul3A_162, %add3A_163 : i32
      %dma_start3A_165 = arith.constant 0 : i32
      %dma_start3A_166 = tpu.memref_slice %arg15[%add3A_164, %dma_start3A_165] : memref<512x64xf32, #tpu.memory_space<vmem>> -> memref<1x64xf32, #tpu.memory_space<vmem>>
      %dma_start3A_167 = arith.constant 0 : i32
      %dma_start3A_168 = tpu.memref_slice %arg7[%squeeze3A_160, %dma_start3A_167] : memref<100000x64xf32, #tpu.memory_space<hbm>> -> memref<1x64xf32, #tpu.memory_space<hbm>>
      %dma_start3A_169 = arith.constant 0 : i32
      %dma_start3A_170 = tpu.memref_slice %arg15[%add3A_164, %dma_start3A_169] : memref<512x64xf32, #tpu.memory_space<vmem>> -> memref<1x64xf32, #tpu.memory_space<vmem>>
      %dma_start3A_171 = arith.constant 0 : i32
      %dma_start3A_172 = tpu.memref_slice %arg7[%squeeze3A_160, %dma_start3A_171] : memref<100000x64xf32, #tpu.memory_space<hbm>> -> memref<1x64xf32, #tpu.memory_space<hbm>>
      tpu.enqueue_dma source(%dma_start3A_172 : memref<1x64xf32, #tpu.memory_space<hbm>>) target(%dma_start3A_170 : memref<1x64xf32, #tpu.memory_space<vmem>>) target_semaphore(%arg16 : memref<!tpu.dma_semaphore, #tpu.memory_space<semaphore_mem>>)
      %slice3A_173 = vector.extract_strided_slice %get3A_63 {offsets = [8], sizes = [1], strides = [1]} : vector<16xi32> to vector<1xi32>
      %squeeze3A_174 = vector.extract %slice3A_173[0] : i32 from vector<1xi32>
      %mul3A_175 = arith.constant 16 : i32
      %mul3A_176 = arith.muli %scan3A_58, %mul3A_175 : i32
      %add3A_177 = arith.constant 8 : i32
      %add3A_178 = arith.addi %mul3A_176, %add3A_177 : i32
      %dma_start3A_179 = arith.constant 0 : i32
      %dma_start3A_180 = tpu.memref_slice %arg15[%add3A_178, %dma_start3A_179] : memref<512x64xf32, #tpu.memory_space<vmem>> -> memref<1x64xf32, #tpu.memory_space<vmem>>
      %dma_start3A_181 = arith.constant 0 : i32
      %dma_start3A_182 = tpu.memref_slice %arg7[%squeeze3A_174, %dma_start3A_181] : memref<100000x64xf32, #tpu.memory_space<hbm>> -> memref<1x64xf32, #tpu.memory_space<hbm>>
      %dma_start3A_183 = arith.constant 0 : i32
      %dma_start3A_184 = tpu.memref_slice %arg15[%add3A_178, %dma_start3A_183] : memref<512x64xf32, #tpu.memory_space<vmem>> -> memref<1x64xf32, #tpu.memory_space<vmem>>
      %dma_start3A_185 = arith.constant 0 : i32
      %dma_start3A_186 = tpu.memref_slice %arg7[%squeeze3A_174, %dma_start3A_185] : memref<100000x64xf32, #tpu.memory_space<hbm>> -> memref<1x64xf32, #tpu.memory_space<hbm>>
      tpu.enqueue_dma source(%dma_start3A_186 : memref<1x64xf32, #tpu.memory_space<hbm>>) target(%dma_start3A_184 : memref<1x64xf32, #tpu.memory_space<vmem>>) target_semaphore(%arg16 : memref<!tpu.dma_semaphore, #tpu.memory_space<semaphore_mem>>)
      %slice3A_187 = vector.extract_strided_slice %get3A_63 {offsets = [9], sizes = [1], strides = [1]} : vector<16xi32> to vector<1xi32>
      %squeeze3A_188 = vector.extract %slice3A_187[0] : i32 from vector<1xi32>
      %mul3A_189 = arith.constant 16 : i32
      %mul3A_190 = arith.muli %scan3A_58, %mul3A_189 : i32
      %add3A_191 = arith.constant 9 : i32
      %add3A_192 = arith.addi %mul3A_190, %add3A_191 : i32
      %dma_start3A_193 = arith.constant 0 : i32
      %dma_start3A_194 = tpu.memref_slice %arg15[%add3A_192, %dma_start3A_193] : memref<512x64xf32, #tpu.memory_space<vmem>> -> memref<1x64xf32, #tpu.memory_space<vmem>>
      %dma_start3A_195 = arith.constant 0 : i32
      %dma_start3A_196 = tpu.memref_slice %arg7[%squeeze3A_188, %dma_start3A_195] : memref<100000x64xf32, #tpu.memory_space<hbm>> -> memref<1x64xf32, #tpu.memory_space<hbm>>
      %dma_start3A_197 = arith.constant 0 : i32
      %dma_start3A_198 = tpu.memref_slice %arg15[%add3A_192, %dma_start3A_197] : memref<512x64xf32, #tpu.memory_space<vmem>> -> memref<1x64xf32, #tpu.memory_space<vmem>>
      %dma_start3A_199 = arith.constant 0 : i32
      %dma_start3A_200 = tpu.memref_slice %arg7[%squeeze3A_188, %dma_start3A_199] : memref<100000x64xf32, #tpu.memory_space<hbm>> -> memref<1x64xf32, #tpu.memory_space<hbm>>
      tpu.enqueue_dma source(%dma_start3A_200 : memref<1x64xf32, #tpu.memory_space<hbm>>) target(%dma_start3A_198 : memref<1x64xf32, #tpu.memory_space<vmem>>) target_semaphore(%arg16 : memref<!tpu.dma_semaphore, #tpu.memory_space<semaphore_mem>>)
      %slice3A_201 = vector.extract_strided_slice %get3A_63 {offsets = [10], sizes = [1], strides = [1]} : vector<16xi32> to vector<1xi32>
      %squeeze3A_202 = vector.extract %slice3A_201[0] : i32 from vector<1xi32>
      %mul3A_203 = arith.constant 16 : i32
      %mul3A_204 = arith.muli %scan3A_58, %mul3A_203 : i32
      %add3A_205 = arith.constant 10 : i32
      %add3A_206 = arith.addi %mul3A_204, %add3A_205 : i32
      %dma_start3A_207 = arith.constant 0 : i32
      %dma_start3A_208 = tpu.memref_slice %arg15[%add3A_206, %dma_start3A_207] : memref<512x64xf32, #tpu.memory_space<vmem>> -> memref<1x64xf32, #tpu.memory_space<vmem>>
      %dma_start3A_209 = arith.constant 0 : i32
      %dma_start3A_210 = tpu.memref_slice %arg7[%squeeze3A_202, %dma_start3A_209] : memref<100000x64xf32, #tpu.memory_space<hbm>> -> memref<1x64xf32, #tpu.memory_space<hbm>>
      %dma_start3A_211 = arith.constant 0 : i32
      %dma_start3A_212 = tpu.memref_slice %arg15[%add3A_206, %dma_start3A_211] : memref<512x64xf32, #tpu.memory_space<vmem>> -> memref<1x64xf32, #tpu.memory_space<vmem>>
      %dma_start3A_213 = arith.constant 0 : i32
      %dma_start3A_214 = tpu.memref_slice %arg7[%squeeze3A_202, %dma_start3A_213] : memref<100000x64xf32, #tpu.memory_space<hbm>> -> memref<1x64xf32, #tpu.memory_space<hbm>>
      tpu.enqueue_dma source(%dma_start3A_214 : memref<1x64xf32, #tpu.memory_space<hbm>>) target(%dma_start3A_212 : memref<1x64xf32, #tpu.memory_space<vmem>>) target_semaphore(%arg16 : memref<!tpu.dma_semaphore, #tpu.memory_space<semaphore_mem>>)
      %slice3A_215 = vector.extract_strided_slice %get3A_63 {offsets = [11], sizes = [1], strides = [1]} : vector<16xi32> to vector<1xi32>
      %squeeze3A_216 = vector.extract %slice3A_215[0] : i32 from vector<1xi32>
      %mul3A_217 = arith.constant 16 : i32
      %mul3A_218 = arith.muli %scan3A_58, %mul3A_217 : i32
      %add3A_219 = arith.constant 11 : i32
      %add3A_220 = arith.addi %mul3A_218, %add3A_219 : i32
      %dma_start3A_221 = arith.constant 0 : i32
      %dma_start3A_222 = tpu.memref_slice %arg15[%add3A_220, %dma_start3A_221] : memref<512x64xf32, #tpu.memory_space<vmem>> -> memref<1x64xf32, #tpu.memory_space<vmem>>
      %dma_start3A_223 = arith.constant 0 : i32
      %dma_start3A_224 = tpu.memref_slice %arg7[%squeeze3A_216, %dma_start3A_223] : memref<100000x64xf32, #tpu.memory_space<hbm>> -> memref<1x64xf32, #tpu.memory_space<hbm>>
      %dma_start3A_225 = arith.constant 0 : i32
      %dma_start3A_226 = tpu.memref_slice %arg15[%add3A_220, %dma_start3A_225] : memref<512x64xf32, #tpu.memory_space<vmem>> -> memref<1x64xf32, #tpu.memory_space<vmem>>
      %dma_start3A_227 = arith.constant 0 : i32
      %dma_start3A_228 = tpu.memref_slice %arg7[%squeeze3A_216, %dma_start3A_227] : memref<100000x64xf32, #tpu.memory_space<hbm>> -> memref<1x64xf32, #tpu.memory_space<hbm>>
      tpu.enqueue_dma source(%dma_start3A_228 : memref<1x64xf32, #tpu.memory_space<hbm>>) target(%dma_start3A_226 : memref<1x64xf32, #tpu.memory_space<vmem>>) target_semaphore(%arg16 : memref<!tpu.dma_semaphore, #tpu.memory_space<semaphore_mem>>)
      %slice3A_229 = vector.extract_strided_slice %get3A_63 {offsets = [12], sizes = [1], strides = [1]} : vector<16xi32> to vector<1xi32>
      %squeeze3A_230 = vector.extract %slice3A_229[0] : i32 from vector<1xi32>
      %mul3A_231 = arith.constant 16 : i32
      %mul3A_232 = arith.muli %scan3A_58, %mul3A_231 : i32
      %add3A_233 = arith.constant 12 : i32
      %add3A_234 = arith.addi %mul3A_232, %add3A_233 : i32
      %dma_start3A_235 = arith.constant 0 : i32
      %dma_start3A_236 = tpu.memref_slice %arg15[%add3A_234, %dma_start3A_235] : memref<512x64xf32, #tpu.memory_space<vmem>> -> memref<1x64xf32, #tpu.memory_space<vmem>>
      %dma_start3A_237 = arith.constant 0 : i32
      %dma_start3A_238 = tpu.memref_slice %arg7[%squeeze3A_230, %dma_start3A_237] : memref<100000x64xf32, #tpu.memory_space<hbm>> -> memref<1x64xf32, #tpu.memory_space<hbm>>
      %dma_start3A_239 = arith.constant 0 : i32
      %dma_start3A_240 = tpu.memref_slice %arg15[%add3A_234, %dma_start3A_239] : memref<512x64xf32, #tpu.memory_space<vmem>> -> memref<1x64xf32, #tpu.memory_space<vmem>>
      %dma_start3A_241 = arith.constant 0 : i32
      %dma_start3A_242 = tpu.memref_slice %arg7[%squeeze3A_230, %dma_start3A_241] : memref<100000x64xf32, #tpu.memory_space<hbm>> -> memref<1x64xf32, #tpu.memory_space<hbm>>
      tpu.enqueue_dma source(%dma_start3A_242 : memref<1x64xf32, #tpu.memory_space<hbm>>) target(%dma_start3A_240 : memref<1x64xf32, #tpu.memory_space<vmem>>) target_semaphore(%arg16 : memref<!tpu.dma_semaphore, #tpu.memory_space<semaphore_mem>>)
      %slice3A_243 = vector.extract_strided_slice %get3A_63 {offsets = [13], sizes = [1], strides = [1]} : vector<16xi32> to vector<1xi32>
      %squeeze3A_244 = vector.extract %slice3A_243[0] : i32 from vector<1xi32>
      %mul3A_245 = arith.constant 16 : i32
      %mul3A_246 = arith.muli %scan3A_58, %mul3A_245 : i32
      %add3A_247 = arith.constant 13 : i32
      %add3A_248 = arith.addi %mul3A_246, %add3A_247 : i32
      %dma_start3A_249 = arith.constant 0 : i32
      %dma_start3A_250 = tpu.memref_slice %arg15[%add3A_248, %dma_start3A_249] : memref<512x64xf32, #tpu.memory_space<vmem>> -> memref<1x64xf32, #tpu.memory_space<vmem>>
      %dma_start3A_251 = arith.constant 0 : i32
      %dma_start3A_252 = tpu.memref_slice %arg7[%squeeze3A_244, %dma_start3A_251] : memref<100000x64xf32, #tpu.memory_space<hbm>> -> memref<1x64xf32, #tpu.memory_space<hbm>>
      %dma_start3A_253 = arith.constant 0 : i32
      %dma_start3A_254 = tpu.memref_slice %arg15[%add3A_248, %dma_start3A_253] : memref<512x64xf32, #tpu.memory_space<vmem>> -> memref<1x64xf32, #tpu.memory_space<vmem>>
      %dma_start3A_255 = arith.constant 0 : i32
      %dma_start3A_256 = tpu.memref_slice %arg7[%squeeze3A_244, %dma_start3A_255] : memref<100000x64xf32, #tpu.memory_space<hbm>> -> memref<1x64xf32, #tpu.memory_space<hbm>>
      tpu.enqueue_dma source(%dma_start3A_256 : memref<1x64xf32, #tpu.memory_space<hbm>>) target(%dma_start3A_254 : memref<1x64xf32, #tpu.memory_space<vmem>>) target_semaphore(%arg16 : memref<!tpu.dma_semaphore, #tpu.memory_space<semaphore_mem>>)
      %slice3A_257 = vector.extract_strided_slice %get3A_63 {offsets = [14], sizes = [1], strides = [1]} : vector<16xi32> to vector<1xi32>
      %squeeze3A_258 = vector.extract %slice3A_257[0] : i32 from vector<1xi32>
      %mul3A_259 = arith.constant 16 : i32
      %mul3A_260 = arith.muli %scan3A_58, %mul3A_259 : i32
      %add3A_261 = arith.constant 14 : i32
      %add3A_262 = arith.addi %mul3A_260, %add3A_261 : i32
      %dma_start3A_263 = arith.constant 0 : i32
      %dma_start3A_264 = tpu.memref_slice %arg15[%add3A_262, %dma_start3A_263] : memref<512x64xf32, #tpu.memory_space<vmem>> -> memref<1x64xf32, #tpu.memory_space<vmem>>
      %dma_start3A_265 = arith.constant 0 : i32
      %dma_start3A_266 = tpu.memref_slice %arg7[%squeeze3A_258, %dma_start3A_265] : memref<100000x64xf32, #tpu.memory_space<hbm>> -> memref<1x64xf32, #tpu.memory_space<hbm>>
      %dma_start3A_267 = arith.constant 0 : i32
      %dma_start3A_268 = tpu.memref_slice %arg15[%add3A_262, %dma_start3A_267] : memref<512x64xf32, #tpu.memory_space<vmem>> -> memref<1x64xf32, #tpu.memory_space<vmem>>
      %dma_start3A_269 = arith.constant 0 : i32
      %dma_start3A_270 = tpu.memref_slice %arg7[%squeeze3A_258, %dma_start3A_269] : memref<100000x64xf32, #tpu.memory_space<hbm>> -> memref<1x64xf32, #tpu.memory_space<hbm>>
      tpu.enqueue_dma source(%dma_start3A_270 : memref<1x64xf32, #tpu.memory_space<hbm>>) target(%dma_start3A_268 : memref<1x64xf32, #tpu.memory_space<vmem>>) target_semaphore(%arg16 : memref<!tpu.dma_semaphore, #tpu.memory_space<semaphore_mem>>)
      %slice3A_271 = vector.extract_strided_slice %get3A_63 {offsets = [15], sizes = [1], strides = [1]} : vector<16xi32> to vector<1xi32>
      %squeeze3A_272 = vector.extract %slice3A_271[0] : i32 from vector<1xi32>
      %mul3A_273 = arith.constant 16 : i32
      %mul3A_274 = arith.muli %scan3A_58, %mul3A_273 : i32
      %add3A_275 = arith.constant 15 : i32
      %add3A_276 = arith.addi %mul3A_274, %add3A_275 : i32
      %dma_start3A_277 = arith.constant 0 : i32
      %dma_start3A_278 = tpu.memref_slice %arg15[%add3A_276, %dma_start3A_277] : memref<512x64xf32, #tpu.memory_space<vmem>> -> memref<1x64xf32, #tpu.memory_space<vmem>>
      %dma_start3A_279 = arith.constant 0 : i32
      %dma_start3A_280 = tpu.memref_slice %arg7[%squeeze3A_272, %dma_start3A_279] : memref<100000x64xf32, #tpu.memory_space<hbm>> -> memref<1x64xf32, #tpu.memory_space<hbm>>
      %dma_start3A_281 = arith.constant 0 : i32
      %dma_start3A_282 = tpu.memref_slice %arg15[%add3A_276, %dma_start3A_281] : memref<512x64xf32, #tpu.memory_space<vmem>> -> memref<1x64xf32, #tpu.memory_space<vmem>>
      %dma_start3A_283 = arith.constant 0 : i32
      %dma_start3A_284 = tpu.memref_slice %arg7[%squeeze3A_272, %dma_start3A_283] : memref<100000x64xf32, #tpu.memory_space<hbm>> -> memref<1x64xf32, #tpu.memory_space<hbm>>
      tpu.enqueue_dma source(%dma_start3A_284 : memref<1x64xf32, #tpu.memory_space<hbm>>) target(%dma_start3A_282 : memref<1x64xf32, #tpu.memory_space<vmem>>) target_semaphore(%arg16 : memref<!tpu.dma_semaphore, #tpu.memory_space<semaphore_mem>>)
      %ge3A = arith.constant 4 : i32
      %ge3A_285 = arith.cmpi sge, %scan3A_58, %ge3A : i32
      %convert_element_type3A = arith.extui %ge3A_285 : i1 to i32
      %cond3A = arith.constant 0 : i32
      %cond3A_286 = arith.cmpi ne, %convert_element_type3A, %cond3A : i32
      scf.if %cond3A_286 {
        %dma_wait3A = arith.constant 0 : i32
        %dma_wait3A_288 = arith.constant 0 : i32
        %dma_wait3A_289 = tpu.memref_slice %arg15[%dma_wait3A, %dma_wait3A_288] : memref<512x64xf32, #tpu.memory_space<vmem>> -> memref<1x64xf32, #tpu.memory_space<vmem>>
        %dma_wait3A_290 = arith.constant 0 : i32
        %dma_wait3A_291 = arith.constant 0 : i32
        %dma_wait3A_292 = tpu.memref_slice %arg7[%dma_wait3A_290, %dma_wait3A_291] : memref<100000x64xf32, #tpu.memory_space<hbm>> -> memref<1x64xf32, #tpu.memory_space<hbm>>
        %dma_wait3A_293 = arith.constant 0 : i32
        %dma_wait3A_294 = arith.constant 0 : i32
        %dma_wait3A_295 = tpu.memref_slice %arg15[%dma_wait3A_293, %dma_wait3A_294] : memref<512x64xf32, #tpu.memory_space<vmem>> -> memref<1x64xf32, #tpu.memory_space<vmem>>
        %dma_wait3A_296 = arith.constant 0 : i32
        %dma_wait3A_297 = arith.constant 0 : i32
        %dma_wait3A_298 = tpu.memref_slice %arg7[%dma_wait3A_296, %dma_wait3A_297] : memref<100000x64xf32, #tpu.memory_space<hbm>> -> memref<1x64xf32, #tpu.memory_space<hbm>>
        tpu.wait_dma2 semaphore(%arg16 : memref<!tpu.dma_semaphore, #tpu.memory_space<semaphore_mem>>) src(%dma_wait3A_298 : memref<1x64xf32, #tpu.memory_space<hbm>>) dst(%dma_wait3A_295 : memref<1x64xf32, #tpu.memory_space<vmem>>)
        %dma_wait3A_299 = arith.constant 1 : i32
        %dma_wait3A_300 = arith.constant 0 : i32
        %dma_wait3A_301 = tpu.memref_slice %arg15[%dma_wait3A_299, %dma_wait3A_300] : memref<512x64xf32, #tpu.memory_space<vmem>> -> memref<1x64xf32, #tpu.memory_space<vmem>>
        %dma_wait3A_302 = arith.constant 0 : i32
        %dma_wait3A_303 = arith.constant 0 : i32
        %dma_wait3A_304 = tpu.memref_slice %arg7[%dma_wait3A_302, %dma_wait3A_303] : memref<100000x64xf32, #tpu.memory_space<hbm>> -> memref<1x64xf32, #tpu.memory_space<hbm>>
        %dma_wait3A_305 = arith.constant 1 : i32
        %dma_wait3A_306 = arith.constant 0 : i32
        %dma_wait3A_307 = tpu.memref_slice %arg15[%dma_wait3A_305, %dma_wait3A_306] : memref<512x64xf32, #tpu.memory_space<vmem>> -> memref<1x64xf32, #tpu.memory_space<vmem>>
        %dma_wait3A_308 = arith.constant 0 : i32
        %dma_wait3A_309 = arith.constant 0 : i32
        %dma_wait3A_310 = tpu.memref_slice %arg7[%dma_wait3A_308, %dma_wait3A_309] : memref<100000x64xf32, #tpu.memory_space<hbm>> -> memref<1x64xf32, #tpu.memory_space<hbm>>
        tpu.wait_dma2 semaphore(%arg16 : memref<!tpu.dma_semaphore, #tpu.memory_space<semaphore_mem>>) src(%dma_wait3A_310 : memref<1x64xf32, #tpu.memory_space<hbm>>) dst(%dma_wait3A_307 : memref<1x64xf32, #tpu.memory_space<vmem>>)
        %dma_wait3A_311 = arith.constant 2 : i32
        %dma_wait3A_312 = arith.constant 0 : i32
        %dma_wait3A_313 = tpu.memref_slice %arg15[%dma_wait3A_311, %dma_wait3A_312] : memref<512x64xf32, #tpu.memory_space<vmem>> -> memref<1x64xf32, #tpu.memory_space<vmem>>
        %dma_wait3A_314 = arith.constant 0 : i32
        %dma_wait3A_315 = arith.constant 0 : i32
        %dma_wait3A_316 = tpu.memref_slice %arg7[%dma_wait3A_314, %dma_wait3A_315] : memref<100000x64xf32, #tpu.memory_space<hbm>> -> memref<1x64xf32, #tpu.memory_space<hbm>>
        %dma_wait3A_317 = arith.constant 2 : i32
        %dma_wait3A_318 = arith.constant 0 : i32
        %dma_wait3A_319 = tpu.memref_slice %arg15[%dma_wait3A_317, %dma_wait3A_318] : memref<512x64xf32, #tpu.memory_space<vmem>> -> memref<1x64xf32, #tpu.memory_space<vmem>>
        %dma_wait3A_320 = arith.constant 0 : i32
        %dma_wait3A_321 = arith.constant 0 : i32
        %dma_wait3A_322 = tpu.memref_slice %arg7[%dma_wait3A_320, %dma_wait3A_321] : memref<100000x64xf32, #tpu.memory_space<hbm>> -> memref<1x64xf32, #tpu.memory_space<hbm>>
        tpu.wait_dma2 semaphore(%arg16 : memref<!tpu.dma_semaphore, #tpu.memory_space<semaphore_mem>>) src(%dma_wait3A_322 : memref<1x64xf32, #tpu.memory_space<hbm>>) dst(%dma_wait3A_319 : memref<1x64xf32, #tpu.memory_space<vmem>>)
        %dma_wait3A_323 = arith.constant 3 : i32
        %dma_wait3A_324 = arith.constant 0 : i32
        %dma_wait3A_325 = tpu.memref_slice %arg15[%dma_wait3A_323, %dma_wait3A_324] : memref<512x64xf32, #tpu.memory_space<vmem>> -> memref<1x64xf32, #tpu.memory_space<vmem>>
        %dma_wait3A_326 = arith.constant 0 : i32
        %dma_wait3A_327 = arith.constant 0 : i32
        %dma_wait3A_328 = tpu.memref_slice %arg7[%dma_wait3A_326, %dma_wait3A_327] : memref<100000x64xf32, #tpu.memory_space<hbm>> -> memref<1x64xf32, #tpu.memory_space<hbm>>
        %dma_wait3A_329 = arith.constant 3 : i32
        %dma_wait3A_330 = arith.constant 0 : i32
        %dma_wait3A_331 = tpu.memref_slice %arg15[%dma_wait3A_329, %dma_wait3A_330] : memref<512x64xf32, #tpu.memory_space<vmem>> -> memref<1x64xf32, #tpu.memory_space<vmem>>
        %dma_wait3A_332 = arith.constant 0 : i32
        %dma_wait3A_333 = arith.constant 0 : i32
        %dma_wait3A_334 = tpu.memref_slice %arg7[%dma_wait3A_332, %dma_wait3A_333] : memref<100000x64xf32, #tpu.memory_space<hbm>> -> memref<1x64xf32, #tpu.memory_space<hbm>>
        tpu.wait_dma2 semaphore(%arg16 : memref<!tpu.dma_semaphore, #tpu.memory_space<semaphore_mem>>) src(%dma_wait3A_334 : memref<1x64xf32, #tpu.memory_space<hbm>>) dst(%dma_wait3A_331 : memref<1x64xf32, #tpu.memory_space<vmem>>)
        %dma_wait3A_335 = arith.constant 4 : i32
        %dma_wait3A_336 = arith.constant 0 : i32
        %dma_wait3A_337 = tpu.memref_slice %arg15[%dma_wait3A_335, %dma_wait3A_336] : memref<512x64xf32, #tpu.memory_space<vmem>> -> memref<1x64xf32, #tpu.memory_space<vmem>>
        %dma_wait3A_338 = arith.constant 0 : i32
        %dma_wait3A_339 = arith.constant 0 : i32
        %dma_wait3A_340 = tpu.memref_slice %arg7[%dma_wait3A_338, %dma_wait3A_339] : memref<100000x64xf32, #tpu.memory_space<hbm>> -> memref<1x64xf32, #tpu.memory_space<hbm>>
        %dma_wait3A_341 = arith.constant 4 : i32
        %dma_wait3A_342 = arith.constant 0 : i32
        %dma_wait3A_343 = tpu.memref_slice %arg15[%dma_wait3A_341, %dma_wait3A_342] : memref<512x64xf32, #tpu.memory_space<vmem>> -> memref<1x64xf32, #tpu.memory_space<vmem>>
        %dma_wait3A_344 = arith.constant 0 : i32
        %dma_wait3A_345 = arith.constant 0 : i32
        %dma_wait3A_346 = tpu.memref_slice %arg7[%dma_wait3A_344, %dma_wait3A_345] : memref<100000x64xf32, #tpu.memory_space<hbm>> -> memref<1x64xf32, #tpu.memory_space<hbm>>
        tpu.wait_dma2 semaphore(%arg16 : memref<!tpu.dma_semaphore, #tpu.memory_space<semaphore_mem>>) src(%dma_wait3A_346 : memref<1x64xf32, #tpu.memory_space<hbm>>) dst(%dma_wait3A_343 : memref<1x64xf32, #tpu.memory_space<vmem>>)
        %dma_wait3A_347 = arith.constant 5 : i32
        %dma_wait3A_348 = arith.constant 0 : i32
        %dma_wait3A_349 = tpu.memref_slice %arg15[%dma_wait3A_347, %dma_wait3A_348] : memref<512x64xf32, #tpu.memory_space<vmem>> -> memref<1x64xf32, #tpu.memory_space<vmem>>
        %dma_wait3A_350 = arith.constant 0 : i32
        %dma_wait3A_351 = arith.constant 0 : i32
        %dma_wait3A_352 = tpu.memref_slice %arg7[%dma_wait3A_350, %dma_wait3A_351] : memref<100000x64xf32, #tpu.memory_space<hbm>> -> memref<1x64xf32, #tpu.memory_space<hbm>>
        %dma_wait3A_353 = arith.constant 5 : i32
        %dma_wait3A_354 = arith.constant 0 : i32
        %dma_wait3A_355 = tpu.memref_slice %arg15[%dma_wait3A_353, %dma_wait3A_354] : memref<512x64xf32, #tpu.memory_space<vmem>> -> memref<1x64xf32, #tpu.memory_space<vmem>>
        %dma_wait3A_356 = arith.constant 0 : i32
        %dma_wait3A_357 = arith.constant 0 : i32
        %dma_wait3A_358 = tpu.memref_slice %arg7[%dma_wait3A_356, %dma_wait3A_357] : memref<100000x64xf32, #tpu.memory_space<hbm>> -> memref<1x64xf32, #tpu.memory_space<hbm>>
        tpu.wait_dma2 semaphore(%arg16 : memref<!tpu.dma_semaphore, #tpu.memory_space<semaphore_mem>>) src(%dma_wait3A_358 : memref<1x64xf32, #tpu.memory_space<hbm>>) dst(%dma_wait3A_355 : memref<1x64xf32, #tpu.memory_space<vmem>>)
        %dma_wait3A_359 = arith.constant 6 : i32
        %dma_wait3A_360 = arith.constant 0 : i32
        %dma_wait3A_361 = tpu.memref_slice %arg15[%dma_wait3A_359, %dma_wait3A_360] : memref<512x64xf32, #tpu.memory_space<vmem>> -> memref<1x64xf32, #tpu.memory_space<vmem>>
        %dma_wait3A_362 = arith.constant 0 : i32
        %dma_wait3A_363 = arith.constant 0 : i32
        %dma_wait3A_364 = tpu.memref_slice %arg7[%dma_wait3A_362, %dma_wait3A_363] : memref<100000x64xf32, #tpu.memory_space<hbm>> -> memref<1x64xf32, #tpu.memory_space<hbm>>
        %dma_wait3A_365 = arith.constant 6 : i32
        %dma_wait3A_366 = arith.constant 0 : i32
        %dma_wait3A_367 = tpu.memref_slice %arg15[%dma_wait3A_365, %dma_wait3A_366] : memref<512x64xf32, #tpu.memory_space<vmem>> -> memref<1x64xf32, #tpu.memory_space<vmem>>
        %dma_wait3A_368 = arith.constant 0 : i32
        %dma_wait3A_369 = arith.constant 0 : i32
        %dma_wait3A_370 = tpu.memref_slice %arg7[%dma_wait3A_368, %dma_wait3A_369] : memref<100000x64xf32, #tpu.memory_space<hbm>> -> memref<1x64xf32, #tpu.memory_space<hbm>>
        tpu.wait_dma2 semaphore(%arg16 : memref<!tpu.dma_semaphore, #tpu.memory_space<semaphore_mem>>) src(%dma_wait3A_370 : memref<1x64xf32, #tpu.memory_space<hbm>>) dst(%dma_wait3A_367 : memref<1x64xf32, #tpu.memory_space<vmem>>)
        %dma_wait3A_371 = arith.constant 7 : i32
        %dma_wait3A_372 = arith.constant 0 : i32
        %dma_wait3A_373 = tpu.memref_slice %arg15[%dma_wait3A_371, %dma_wait3A_372] : memref<512x64xf32, #tpu.memory_space<vmem>> -> memref<1x64xf32, #tpu.memory_space<vmem>>
        %dma_wait3A_374 = arith.constant 0 : i32
        %dma_wait3A_375 = arith.constant 0 : i32
        %dma_wait3A_376 = tpu.memref_slice %arg7[%dma_wait3A_374, %dma_wait3A_375] : memref<100000x64xf32, #tpu.memory_space<hbm>> -> memref<1x64xf32, #tpu.memory_space<hbm>>
        %dma_wait3A_377 = arith.constant 7 : i32
        %dma_wait3A_378 = arith.constant 0 : i32
        %dma_wait3A_379 = tpu.memref_slice %arg15[%dma_wait3A_377, %dma_wait3A_378] : memref<512x64xf32, #tpu.memory_space<vmem>> -> memref<1x64xf32, #tpu.memory_space<vmem>>
        %dma_wait3A_380 = arith.constant 0 : i32
        %dma_wait3A_381 = arith.constant 0 : i32
        %dma_wait3A_382 = tpu.memref_slice %arg7[%dma_wait3A_380, %dma_wait3A_381] : memref<100000x64xf32, #tpu.memory_space<hbm>> -> memref<1x64xf32, #tpu.memory_space<hbm>>
        tpu.wait_dma2 semaphore(%arg16 : memref<!tpu.dma_semaphore, #tpu.memory_space<semaphore_mem>>) src(%dma_wait3A_382 : memref<1x64xf32, #tpu.memory_space<hbm>>) dst(%dma_wait3A_379 : memref<1x64xf32, #tpu.memory_space<vmem>>)
        %dma_wait3A_383 = arith.constant 8 : i32
        %dma_wait3A_384 = arith.constant 0 : i32
        %dma_wait3A_385 = tpu.memref_slice %arg15[%dma_wait3A_383, %dma_wait3A_384] : memref<512x64xf32, #tpu.memory_space<vmem>> -> memref<1x64xf32, #tpu.memory_space<vmem>>
        %dma_wait3A_386 = arith.constant 0 : i32
        %dma_wait3A_387 = arith.constant 0 : i32
        %dma_wait3A_388 = tpu.memref_slice %arg7[%dma_wait3A_386, %dma_wait3A_387] : memref<100000x64xf32, #tpu.memory_space<hbm>> -> memref<1x64xf32, #tpu.memory_space<hbm>>
        %dma_wait3A_389 = arith.constant 8 : i32
        %dma_wait3A_390 = arith.constant 0 : i32
        %dma_wait3A_391 = tpu.memref_slice %arg15[%dma_wait3A_389, %dma_wait3A_390] : memref<512x64xf32, #tpu.memory_space<vmem>> -> memref<1x64xf32, #tpu.memory_space<vmem>>
        %dma_wait3A_392 = arith.constant 0 : i32
        %dma_wait3A_393 = arith.constant 0 : i32
        %dma_wait3A_394 = tpu.memref_slice %arg7[%dma_wait3A_392, %dma_wait3A_393] : memref<100000x64xf32, #tpu.memory_space<hbm>> -> memref<1x64xf32, #tpu.memory_space<hbm>>
        tpu.wait_dma2 semaphore(%arg16 : memref<!tpu.dma_semaphore, #tpu.memory_space<semaphore_mem>>) src(%dma_wait3A_394 : memref<1x64xf32, #tpu.memory_space<hbm>>) dst(%dma_wait3A_391 : memref<1x64xf32, #tpu.memory_space<vmem>>)
        %dma_wait3A_395 = arith.constant 9 : i32
        %dma_wait3A_396 = arith.constant 0 : i32
        %dma_wait3A_397 = tpu.memref_slice %arg15[%dma_wait3A_395, %dma_wait3A_396] : memref<512x64xf32, #tpu.memory_space<vmem>> -> memref<1x64xf32, #tpu.memory_space<vmem>>
        %dma_wait3A_398 = arith.constant 0 : i32
        %dma_wait3A_399 = arith.constant 0 : i32
        %dma_wait3A_400 = tpu.memref_slice %arg7[%dma_wait3A_398, %dma_wait3A_399] : memref<100000x64xf32, #tpu.memory_space<hbm>> -> memref<1x64xf32, #tpu.memory_space<hbm>>
        %dma_wait3A_401 = arith.constant 9 : i32
        %dma_wait3A_402 = arith.constant 0 : i32
        %dma_wait3A_403 = tpu.memref_slice %arg15[%dma_wait3A_401, %dma_wait3A_402] : memref<512x64xf32, #tpu.memory_space<vmem>> -> memref<1x64xf32, #tpu.memory_space<vmem>>
        %dma_wait3A_404 = arith.constant 0 : i32
        %dma_wait3A_405 = arith.constant 0 : i32
        %dma_wait3A_406 = tpu.memref_slice %arg7[%dma_wait3A_404, %dma_wait3A_405] : memref<100000x64xf32, #tpu.memory_space<hbm>> -> memref<1x64xf32, #tpu.memory_space<hbm>>
        tpu.wait_dma2 semaphore(%arg16 : memref<!tpu.dma_semaphore, #tpu.memory_space<semaphore_mem>>) src(%dma_wait3A_406 : memref<1x64xf32, #tpu.memory_space<hbm>>) dst(%dma_wait3A_403 : memref<1x64xf32, #tpu.memory_space<vmem>>)
        %dma_wait3A_407 = arith.constant 10 : i32
        %dma_wait3A_408 = arith.constant 0 : i32
        %dma_wait3A_409 = tpu.memref_slice %arg15[%dma_wait3A_407, %dma_wait3A_408] : memref<512x64xf32, #tpu.memory_space<vmem>> -> memref<1x64xf32, #tpu.memory_space<vmem>>
        %dma_wait3A_410 = arith.constant 0 : i32
        %dma_wait3A_411 = arith.constant 0 : i32
        %dma_wait3A_412 = tpu.memref_slice %arg7[%dma_wait3A_410, %dma_wait3A_411] : memref<100000x64xf32, #tpu.memory_space<hbm>> -> memref<1x64xf32, #tpu.memory_space<hbm>>
        %dma_wait3A_413 = arith.constant 10 : i32
        %dma_wait3A_414 = arith.constant 0 : i32
        %dma_wait3A_415 = tpu.memref_slice %arg15[%dma_wait3A_413, %dma_wait3A_414] : memref<512x64xf32, #tpu.memory_space<vmem>> -> memref<1x64xf32, #tpu.memory_space<vmem>>
        %dma_wait3A_416 = arith.constant 0 : i32
        %dma_wait3A_417 = arith.constant 0 : i32
        %dma_wait3A_418 = tpu.memref_slice %arg7[%dma_wait3A_416, %dma_wait3A_417] : memref<100000x64xf32, #tpu.memory_space<hbm>> -> memref<1x64xf32, #tpu.memory_space<hbm>>
        tpu.wait_dma2 semaphore(%arg16 : memref<!tpu.dma_semaphore, #tpu.memory_space<semaphore_mem>>) src(%dma_wait3A_418 : memref<1x64xf32, #tpu.memory_space<hbm>>) dst(%dma_wait3A_415 : memref<1x64xf32, #tpu.memory_space<vmem>>)
        %dma_wait3A_419 = arith.constant 11 : i32
        %dma_wait3A_420 = arith.constant 0 : i32
        %dma_wait3A_421 = tpu.memref_slice %arg15[%dma_wait3A_419, %dma_wait3A_420] : memref<512x64xf32, #tpu.memory_space<vmem>> -> memref<1x64xf32, #tpu.memory_space<vmem>>
        %dma_wait3A_422 = arith.constant 0 : i32
        %dma_wait3A_423 = arith.constant 0 : i32
        %dma_wait3A_424 = tpu.memref_slice %arg7[%dma_wait3A_422, %dma_wait3A_423] : memref<100000x64xf32, #tpu.memory_space<hbm>> -> memref<1x64xf32, #tpu.memory_space<hbm>>
        %dma_wait3A_425 = arith.constant 11 : i32
        %dma_wait3A_426 = arith.constant 0 : i32
        %dma_wait3A_427 = tpu.memref_slice %arg15[%dma_wait3A_425, %dma_wait3A_426] : memref<512x64xf32, #tpu.memory_space<vmem>> -> memref<1x64xf32, #tpu.memory_space<vmem>>
        %dma_wait3A_428 = arith.constant 0 : i32
        %dma_wait3A_429 = arith.constant 0 : i32
        %dma_wait3A_430 = tpu.memref_slice %arg7[%dma_wait3A_428, %dma_wait3A_429] : memref<100000x64xf32, #tpu.memory_space<hbm>> -> memref<1x64xf32, #tpu.memory_space<hbm>>
        tpu.wait_dma2 semaphore(%arg16 : memref<!tpu.dma_semaphore, #tpu.memory_space<semaphore_mem>>) src(%dma_wait3A_430 : memref<1x64xf32, #tpu.memory_space<hbm>>) dst(%dma_wait3A_427 : memref<1x64xf32, #tpu.memory_space<vmem>>)
        %dma_wait3A_431 = arith.constant 12 : i32
        %dma_wait3A_432 = arith.constant 0 : i32
        %dma_wait3A_433 = tpu.memref_slice %arg15[%dma_wait3A_431, %dma_wait3A_432] : memref<512x64xf32, #tpu.memory_space<vmem>> -> memref<1x64xf32, #tpu.memory_space<vmem>>
        %dma_wait3A_434 = arith.constant 0 : i32
        %dma_wait3A_435 = arith.constant 0 : i32
        %dma_wait3A_436 = tpu.memref_slice %arg7[%dma_wait3A_434, %dma_wait3A_435] : memref<100000x64xf32, #tpu.memory_space<hbm>> -> memref<1x64xf32, #tpu.memory_space<hbm>>
        %dma_wait3A_437 = arith.constant 12 : i32
        %dma_wait3A_438 = arith.constant 0 : i32
        %dma_wait3A_439 = tpu.memref_slice %arg15[%dma_wait3A_437, %dma_wait3A_438] : memref<512x64xf32, #tpu.memory_space<vmem>> -> memref<1x64xf32, #tpu.memory_space<vmem>>
        %dma_wait3A_440 = arith.constant 0 : i32
        %dma_wait3A_441 = arith.constant 0 : i32
        %dma_wait3A_442 = tpu.memref_slice %arg7[%dma_wait3A_440, %dma_wait3A_441] : memref<100000x64xf32, #tpu.memory_space<hbm>> -> memref<1x64xf32, #tpu.memory_space<hbm>>
        tpu.wait_dma2 semaphore(%arg16 : memref<!tpu.dma_semaphore, #tpu.memory_space<semaphore_mem>>) src(%dma_wait3A_442 : memref<1x64xf32, #tpu.memory_space<hbm>>) dst(%dma_wait3A_439 : memref<1x64xf32, #tpu.memory_space<vmem>>)
        %dma_wait3A_443 = arith.constant 13 : i32
        %dma_wait3A_444 = arith.constant 0 : i32
        %dma_wait3A_445 = tpu.memref_slice %arg15[%dma_wait3A_443, %dma_wait3A_444] : memref<512x64xf32, #tpu.memory_space<vmem>> -> memref<1x64xf32, #tpu.memory_space<vmem>>
        %dma_wait3A_446 = arith.constant 0 : i32
        %dma_wait3A_447 = arith.constant 0 : i32
        %dma_wait3A_448 = tpu.memref_slice %arg7[%dma_wait3A_446, %dma_wait3A_447] : memref<100000x64xf32, #tpu.memory_space<hbm>> -> memref<1x64xf32, #tpu.memory_space<hbm>>
        %dma_wait3A_449 = arith.constant 13 : i32
        %dma_wait3A_450 = arith.constant 0 : i32
        %dma_wait3A_451 = tpu.memref_slice %arg15[%dma_wait3A_449, %dma_wait3A_450] : memref<512x64xf32, #tpu.memory_space<vmem>> -> memref<1x64xf32, #tpu.memory_space<vmem>>
        %dma_wait3A_452 = arith.constant 0 : i32
        %dma_wait3A_453 = arith.constant 0 : i32
        %dma_wait3A_454 = tpu.memref_slice %arg7[%dma_wait3A_452, %dma_wait3A_453] : memref<100000x64xf32, #tpu.memory_space<hbm>> -> memref<1x64xf32, #tpu.memory_space<hbm>>
        tpu.wait_dma2 semaphore(%arg16 : memref<!tpu.dma_semaphore, #tpu.memory_space<semaphore_mem>>) src(%dma_wait3A_454 : memref<1x64xf32, #tpu.memory_space<hbm>>) dst(%dma_wait3A_451 : memref<1x64xf32, #tpu.memory_space<vmem>>)
        %dma_wait3A_455 = arith.constant 14 : i32
        %dma_wait3A_456 = arith.constant 0 : i32
        %dma_wait3A_457 = tpu.memref_slice %arg15[%dma_wait3A_455, %dma_wait3A_456] : memref<512x64xf32, #tpu.memory_space<vmem>> -> memref<1x64xf32, #tpu.memory_space<vmem>>
        %dma_wait3A_458 = arith.constant 0 : i32
        %dma_wait3A_459 = arith.constant 0 : i32
        %dma_wait3A_460 = tpu.memref_slice %arg7[%dma_wait3A_458, %dma_wait3A_459] : memref<100000x64xf32, #tpu.memory_space<hbm>> -> memref<1x64xf32, #tpu.memory_space<hbm>>
        %dma_wait3A_461 = arith.constant 14 : i32
        %dma_wait3A_462 = arith.constant 0 : i32
        %dma_wait3A_463 = tpu.memref_slice %arg15[%dma_wait3A_461, %dma_wait3A_462] : memref<512x64xf32, #tpu.memory_space<vmem>> -> memref<1x64xf32, #tpu.memory_space<vmem>>
        %dma_wait3A_464 = arith.constant 0 : i32
        %dma_wait3A_465 = arith.constant 0 : i32
        %dma_wait3A_466 = tpu.memref_slice %arg7[%dma_wait3A_464, %dma_wait3A_465] : memref<100000x64xf32, #tpu.memory_space<hbm>> -> memref<1x64xf32, #tpu.memory_space<hbm>>
        tpu.wait_dma2 semaphore(%arg16 : memref<!tpu.dma_semaphore, #tpu.memory_space<semaphore_mem>>) src(%dma_wait3A_466 : memref<1x64xf32, #tpu.memory_space<hbm>>) dst(%dma_wait3A_463 : memref<1x64xf32, #tpu.memory_space<vmem>>)
        %dma_wait3A_467 = arith.constant 15 : i32
        %dma_wait3A_468 = arith.constant 0 : i32
        %dma_wait3A_469 = tpu.memref_slice %arg15[%dma_wait3A_467, %dma_wait3A_468] : memref<512x64xf32, #tpu.memory_space<vmem>> -> memref<1x64xf32, #tpu.memory_space<vmem>>
        %dma_wait3A_470 = arith.constant 0 : i32
        %dma_wait3A_471 = arith.constant 0 : i32
        %dma_wait3A_472 = tpu.memref_slice %arg7[%dma_wait3A_470, %dma_wait3A_471] : memref<100000x64xf32, #tpu.memory_space<hbm>> -> memref<1x64xf32, #tpu.memory_space<hbm>>
        %dma_wait3A_473 = arith.constant 15 : i32
        %dma_wait3A_474 = arith.constant 0 : i32
        %dma_wait3A_475 = tpu.memref_slice %arg15[%dma_wait3A_473, %dma_wait3A_474] : memref<512x64xf32, #tpu.memory_space<vmem>> -> memref<1x64xf32, #tpu.memory_space<vmem>>
        %dma_wait3A_476 = arith.constant 0 : i32
        %dma_wait3A_477 = arith.constant 0 : i32
        %dma_wait3A_478 = tpu.memref_slice %arg7[%dma_wait3A_476, %dma_wait3A_477] : memref<100000x64xf32, #tpu.memory_space<hbm>> -> memref<1x64xf32, #tpu.memory_space<hbm>>
        tpu.wait_dma2 semaphore(%arg16 : memref<!tpu.dma_semaphore, #tpu.memory_space<semaphore_mem>>) src(%dma_wait3A_478 : memref<1x64xf32, #tpu.memory_space<hbm>>) dst(%dma_wait3A_475 : memref<1x64xf32, #tpu.memory_space<vmem>>)
      } else {
      }
      %scan3A_287 = arith.constant 0 : i32
      scf.yield %scan3A_287 : i32
    }
    %scan3A_22 = arith.constant 32 : i32
    %scan3A_23 = arith.constant 0 : i32
    %scan3A_24 = arith.constant 0 : i32
    %scan3A_25 = arith.constant 4 : i32
    %scan3A_26 = arith.addi %scan3A_24, %scan3A_25 : i32
    %scan3A_27 = arith.constant 1 : i32
    %scan3A_28 = scf.for %scan3A_58 = %scan3A_24 to %scan3A_26 step %scan3A_27 iter_args(%scan3A_59 = %scan3A_23) -> (i32)  : i32 {
      %dma_wait3A = arith.constant 0 : i32
      %dma_wait3A_60 = arith.constant 0 : i32
      %dma_wait3A_61 = tpu.memref_slice %arg15[%dma_wait3A, %dma_wait3A_60] : memref<512x64xf32, #tpu.memory_space<vmem>> -> memref<1x64xf32, #tpu.memory_space<vmem>>
      %dma_wait3A_62 = arith.constant 0 : i32
      %dma_wait3A_63 = arith.constant 0 : i32
      %dma_wait3A_64 = tpu.memref_slice %arg7[%dma_wait3A_62, %dma_wait3A_63] : memref<100000x64xf32, #tpu.memory_space<hbm>> -> memref<1x64xf32, #tpu.memory_space<hbm>>
      %dma_wait3A_65 = arith.constant 0 : i32
      %dma_wait3A_66 = arith.constant 0 : i32
      %dma_wait3A_67 = tpu.memref_slice %arg15[%dma_wait3A_65, %dma_wait3A_66] : memref<512x64xf32, #tpu.memory_space<vmem>> -> memref<1x64xf32, #tpu.memory_space<vmem>>
      %dma_wait3A_68 = arith.constant 0 : i32
      %dma_wait3A_69 = arith.constant 0 : i32
      %dma_wait3A_70 = tpu.memref_slice %arg7[%dma_wait3A_68, %dma_wait3A_69] : memref<100000x64xf32, #tpu.memory_space<hbm>> -> memref<1x64xf32, #tpu.memory_space<hbm>>
      tpu.wait_dma2 semaphore(%arg16 : memref<!tpu.dma_semaphore, #tpu.memory_space<semaphore_mem>>) src(%dma_wait3A_70 : memref<1x64xf32, #tpu.memory_space<hbm>>) dst(%dma_wait3A_67 : memref<1x64xf32, #tpu.memory_space<vmem>>)
      %dma_wait3A_71 = arith.constant 1 : i32
      %dma_wait3A_72 = arith.constant 0 : i32
      %dma_wait3A_73 = tpu.memref_slice %arg15[%dma_wait3A_71, %dma_wait3A_72] : memref<512x64xf32, #tpu.memory_space<vmem>> -> memref<1x64xf32, #tpu.memory_space<vmem>>
      %dma_wait3A_74 = arith.constant 0 : i32
      %dma_wait3A_75 = arith.constant 0 : i32
      %dma_wait3A_76 = tpu.memref_slice %arg7[%dma_wait3A_74, %dma_wait3A_75] : memref<100000x64xf32, #tpu.memory_space<hbm>> -> memref<1x64xf32, #tpu.memory_space<hbm>>
      %dma_wait3A_77 = arith.constant 1 : i32
      %dma_wait3A_78 = arith.constant 0 : i32
      %dma_wait3A_79 = tpu.memref_slice %arg15[%dma_wait3A_77, %dma_wait3A_78] : memref<512x64xf32, #tpu.memory_space<vmem>> -> memref<1x64xf32, #tpu.memory_space<vmem>>
      %dma_wait3A_80 = arith.constant 0 : i32
      %dma_wait3A_81 = arith.constant 0 : i32
      %dma_wait3A_82 = tpu.memref_slice %arg7[%dma_wait3A_80, %dma_wait3A_81] : memref<100000x64xf32, #tpu.memory_space<hbm>> -> memref<1x64xf32, #tpu.memory_space<hbm>>
      tpu.wait_dma2 semaphore(%arg16 : memref<!tpu.dma_semaphore, #tpu.memory_space<semaphore_mem>>) src(%dma_wait3A_82 : memref<1x64xf32, #tpu.memory_space<hbm>>) dst(%dma_wait3A_79 : memref<1x64xf32, #tpu.memory_space<vmem>>)
      %dma_wait3A_83 = arith.constant 2 : i32
      %dma_wait3A_84 = arith.constant 0 : i32
      %dma_wait3A_85 = tpu.memref_slice %arg15[%dma_wait3A_83, %dma_wait3A_84] : memref<512x64xf32, #tpu.memory_space<vmem>> -> memref<1x64xf32, #tpu.memory_space<vmem>>
      %dma_wait3A_86 = arith.constant 0 : i32
      %dma_wait3A_87 = arith.constant 0 : i32
      %dma_wait3A_88 = tpu.memref_slice %arg7[%dma_wait3A_86, %dma_wait3A_87] : memref<100000x64xf32, #tpu.memory_space<hbm>> -> memref<1x64xf32, #tpu.memory_space<hbm>>
      %dma_wait3A_89 = arith.constant 2 : i32
      %dma_wait3A_90 = arith.constant 0 : i32
      %dma_wait3A_91 = tpu.memref_slice %arg15[%dma_wait3A_89, %dma_wait3A_90] : memref<512x64xf32, #tpu.memory_space<vmem>> -> memref<1x64xf32, #tpu.memory_space<vmem>>
      %dma_wait3A_92 = arith.constant 0 : i32
      %dma_wait3A_93 = arith.constant 0 : i32
      %dma_wait3A_94 = tpu.memref_slice %arg7[%dma_wait3A_92, %dma_wait3A_93] : memref<100000x64xf32, #tpu.memory_space<hbm>> -> memref<1x64xf32, #tpu.memory_space<hbm>>
      tpu.wait_dma2 semaphore(%arg16 : memref<!tpu.dma_semaphore, #tpu.memory_space<semaphore_mem>>) src(%dma_wait3A_94 : memref<1x64xf32, #tpu.memory_space<hbm>>) dst(%dma_wait3A_91 : memref<1x64xf32, #tpu.memory_space<vmem>>)
      %dma_wait3A_95 = arith.constant 3 : i32
      %dma_wait3A_96 = arith.constant 0 : i32
      %dma_wait3A_97 = tpu.memref_slice %arg15[%dma_wait3A_95, %dma_wait3A_96] : memref<512x64xf32, #tpu.memory_space<vmem>> -> memref<1x64xf32, #tpu.memory_space<vmem>>
      %dma_wait3A_98 = arith.constant 0 : i32
      %dma_wait3A_99 = arith.constant 0 : i32
      %dma_wait3A_100 = tpu.memref_slice %arg7[%dma_wait3A_98, %dma_wait3A_99] : memref<100000x64xf32, #tpu.memory_space<hbm>> -> memref<1x64xf32, #tpu.memory_space<hbm>>
      %dma_wait3A_101 = arith.constant 3 : i32
      %dma_wait3A_102 = arith.constant 0 : i32
      %dma_wait3A_103 = tpu.memref_slice %arg15[%dma_wait3A_101, %dma_wait3A_102] : memref<512x64xf32, #tpu.memory_space<vmem>> -> memref<1x64xf32, #tpu.memory_space<vmem>>
      %dma_wait3A_104 = arith.constant 0 : i32
      %dma_wait3A_105 = arith.constant 0 : i32
      %dma_wait3A_106 = tpu.memref_slice %arg7[%dma_wait3A_104, %dma_wait3A_105] : memref<100000x64xf32, #tpu.memory_space<hbm>> -> memref<1x64xf32, #tpu.memory_space<hbm>>
      tpu.wait_dma2 semaphore(%arg16 : memref<!tpu.dma_semaphore, #tpu.memory_space<semaphore_mem>>) src(%dma_wait3A_106 : memref<1x64xf32, #tpu.memory_space<hbm>>) dst(%dma_wait3A_103 : memref<1x64xf32, #tpu.memory_space<vmem>>)
      %dma_wait3A_107 = arith.constant 4 : i32
      %dma_wait3A_108 = arith.constant 0 : i32
      %dma_wait3A_109 = tpu.memref_slice %arg15[%dma_wait3A_107, %dma_wait3A_108] : memref<512x64xf32, #tpu.memory_space<vmem>> -> memref<1x64xf32, #tpu.memory_space<vmem>>
      %dma_wait3A_110 = arith.constant 0 : i32
      %dma_wait3A_111 = arith.constant 0 : i32
      %dma_wait3A_112 = tpu.memref_slice %arg7[%dma_wait3A_110, %dma_wait3A_111] : memref<100000x64xf32, #tpu.memory_space<hbm>> -> memref<1x64xf32, #tpu.memory_space<hbm>>
      %dma_wait3A_113 = arith.constant 4 : i32
      %dma_wait3A_114 = arith.constant 0 : i32
      %dma_wait3A_115 = tpu.memref_slice %arg15[%dma_wait3A_113, %dma_wait3A_114] : memref<512x64xf32, #tpu.memory_space<vmem>> -> memref<1x64xf32, #tpu.memory_space<vmem>>
      %dma_wait3A_116 = arith.constant 0 : i32
      %dma_wait3A_117 = arith.constant 0 : i32
      %dma_wait3A_118 = tpu.memref_slice %arg7[%dma_wait3A_116, %dma_wait3A_117] : memref<100000x64xf32, #tpu.memory_space<hbm>> -> memref<1x64xf32, #tpu.memory_space<hbm>>
      tpu.wait_dma2 semaphore(%arg16 : memref<!tpu.dma_semaphore, #tpu.memory_space<semaphore_mem>>) src(%dma_wait3A_118 : memref<1x64xf32, #tpu.memory_space<hbm>>) dst(%dma_wait3A_115 : memref<1x64xf32, #tpu.memory_space<vmem>>)
      %dma_wait3A_119 = arith.constant 5 : i32
      %dma_wait3A_120 = arith.constant 0 : i32
      %dma_wait3A_121 = tpu.memref_slice %arg15[%dma_wait3A_119, %dma_wait3A_120] : memref<512x64xf32, #tpu.memory_space<vmem>> -> memref<1x64xf32, #tpu.memory_space<vmem>>
      %dma_wait3A_122 = arith.constant 0 : i32
      %dma_wait3A_123 = arith.constant 0 : i32
      %dma_wait3A_124 = tpu.memref_slice %arg7[%dma_wait3A_122, %dma_wait3A_123] : memref<100000x64xf32, #tpu.memory_space<hbm>> -> memref<1x64xf32, #tpu.memory_space<hbm>>
      %dma_wait3A_125 = arith.constant 5 : i32
      %dma_wait3A_126 = arith.constant 0 : i32
      %dma_wait3A_127 = tpu.memref_slice %arg15[%dma_wait3A_125, %dma_wait3A_126] : memref<512x64xf32, #tpu.memory_space<vmem>> -> memref<1x64xf32, #tpu.memory_space<vmem>>
      %dma_wait3A_128 = arith.constant 0 : i32
      %dma_wait3A_129 = arith.constant 0 : i32
      %dma_wait3A_130 = tpu.memref_slice %arg7[%dma_wait3A_128, %dma_wait3A_129] : memref<100000x64xf32, #tpu.memory_space<hbm>> -> memref<1x64xf32, #tpu.memory_space<hbm>>
      tpu.wait_dma2 semaphore(%arg16 : memref<!tpu.dma_semaphore, #tpu.memory_space<semaphore_mem>>) src(%dma_wait3A_130 : memref<1x64xf32, #tpu.memory_space<hbm>>) dst(%dma_wait3A_127 : memref<1x64xf32, #tpu.memory_space<vmem>>)
      %dma_wait3A_131 = arith.constant 6 : i32
      %dma_wait3A_132 = arith.constant 0 : i32
      %dma_wait3A_133 = tpu.memref_slice %arg15[%dma_wait3A_131, %dma_wait3A_132] : memref<512x64xf32, #tpu.memory_space<vmem>> -> memref<1x64xf32, #tpu.memory_space<vmem>>
      %dma_wait3A_134 = arith.constant 0 : i32
      %dma_wait3A_135 = arith.constant 0 : i32
      %dma_wait3A_136 = tpu.memref_slice %arg7[%dma_wait3A_134, %dma_wait3A_135] : memref<100000x64xf32, #tpu.memory_space<hbm>> -> memref<1x64xf32, #tpu.memory_space<hbm>>
      %dma_wait3A_137 = arith.constant 6 : i32
      %dma_wait3A_138 = arith.constant 0 : i32
      %dma_wait3A_139 = tpu.memref_slice %arg15[%dma_wait3A_137, %dma_wait3A_138] : memref<512x64xf32, #tpu.memory_space<vmem>> -> memref<1x64xf32, #tpu.memory_space<vmem>>
      %dma_wait3A_140 = arith.constant 0 : i32
      %dma_wait3A_141 = arith.constant 0 : i32
      %dma_wait3A_142 = tpu.memref_slice %arg7[%dma_wait3A_140, %dma_wait3A_141] : memref<100000x64xf32, #tpu.memory_space<hbm>> -> memref<1x64xf32, #tpu.memory_space<hbm>>
      tpu.wait_dma2 semaphore(%arg16 : memref<!tpu.dma_semaphore, #tpu.memory_space<semaphore_mem>>) src(%dma_wait3A_142 : memref<1x64xf32, #tpu.memory_space<hbm>>) dst(%dma_wait3A_139 : memref<1x64xf32, #tpu.memory_space<vmem>>)
      %dma_wait3A_143 = arith.constant 7 : i32
      %dma_wait3A_144 = arith.constant 0 : i32
      %dma_wait3A_145 = tpu.memref_slice %arg15[%dma_wait3A_143, %dma_wait3A_144] : memref<512x64xf32, #tpu.memory_space<vmem>> -> memref<1x64xf32, #tpu.memory_space<vmem>>
      %dma_wait3A_146 = arith.constant 0 : i32
      %dma_wait3A_147 = arith.constant 0 : i32
      %dma_wait3A_148 = tpu.memref_slice %arg7[%dma_wait3A_146, %dma_wait3A_147] : memref<100000x64xf32, #tpu.memory_space<hbm>> -> memref<1x64xf32, #tpu.memory_space<hbm>>
      %dma_wait3A_149 = arith.constant 7 : i32
      %dma_wait3A_150 = arith.constant 0 : i32
      %dma_wait3A_151 = tpu.memref_slice %arg15[%dma_wait3A_149, %dma_wait3A_150] : memref<512x64xf32, #tpu.memory_space<vmem>> -> memref<1x64xf32, #tpu.memory_space<vmem>>
      %dma_wait3A_152 = arith.constant 0 : i32
      %dma_wait3A_153 = arith.constant 0 : i32
      %dma_wait3A_154 = tpu.memref_slice %arg7[%dma_wait3A_152, %dma_wait3A_153] : memref<100000x64xf32, #tpu.memory_space<hbm>> -> memref<1x64xf32, #tpu.memory_space<hbm>>
      tpu.wait_dma2 semaphore(%arg16 : memref<!tpu.dma_semaphore, #tpu.memory_space<semaphore_mem>>) src(%dma_wait3A_154 : memref<1x64xf32, #tpu.memory_space<hbm>>) dst(%dma_wait3A_151 : memref<1x64xf32, #tpu.memory_space<vmem>>)
      %dma_wait3A_155 = arith.constant 8 : i32
      %dma_wait3A_156 = arith.constant 0 : i32
      %dma_wait3A_157 = tpu.memref_slice %arg15[%dma_wait3A_155, %dma_wait3A_156] : memref<512x64xf32, #tpu.memory_space<vmem>> -> memref<1x64xf32, #tpu.memory_space<vmem>>
      %dma_wait3A_158 = arith.constant 0 : i32
      %dma_wait3A_159 = arith.constant 0 : i32
      %dma_wait3A_160 = tpu.memref_slice %arg7[%dma_wait3A_158, %dma_wait3A_159] : memref<100000x64xf32, #tpu.memory_space<hbm>> -> memref<1x64xf32, #tpu.memory_space<hbm>>
      %dma_wait3A_161 = arith.constant 8 : i32
      %dma_wait3A_162 = arith.constant 0 : i32
      %dma_wait3A_163 = tpu.memref_slice %arg15[%dma_wait3A_161, %dma_wait3A_162] : memref<512x64xf32, #tpu.memory_space<vmem>> -> memref<1x64xf32, #tpu.memory_space<vmem>>
      %dma_wait3A_164 = arith.constant 0 : i32
      %dma_wait3A_165 = arith.constant 0 : i32
      %dma_wait3A_166 = tpu.memref_slice %arg7[%dma_wait3A_164, %dma_wait3A_165] : memref<100000x64xf32, #tpu.memory_space<hbm>> -> memref<1x64xf32, #tpu.memory_space<hbm>>
      tpu.wait_dma2 semaphore(%arg16 : memref<!tpu.dma_semaphore, #tpu.memory_space<semaphore_mem>>) src(%dma_wait3A_166 : memref<1x64xf32, #tpu.memory_space<hbm>>) dst(%dma_wait3A_163 : memref<1x64xf32, #tpu.memory_space<vmem>>)
      %dma_wait3A_167 = arith.constant 9 : i32
      %dma_wait3A_168 = arith.constant 0 : i32
      %dma_wait3A_169 = tpu.memref_slice %arg15[%dma_wait3A_167, %dma_wait3A_168] : memref<512x64xf32, #tpu.memory_space<vmem>> -> memref<1x64xf32, #tpu.memory_space<vmem>>
      %dma_wait3A_170 = arith.constant 0 : i32
      %dma_wait3A_171 = arith.constant 0 : i32
      %dma_wait3A_172 = tpu.memref_slice %arg7[%dma_wait3A_170, %dma_wait3A_171] : memref<100000x64xf32, #tpu.memory_space<hbm>> -> memref<1x64xf32, #tpu.memory_space<hbm>>
      %dma_wait3A_173 = arith.constant 9 : i32
      %dma_wait3A_174 = arith.constant 0 : i32
      %dma_wait3A_175 = tpu.memref_slice %arg15[%dma_wait3A_173, %dma_wait3A_174] : memref<512x64xf32, #tpu.memory_space<vmem>> -> memref<1x64xf32, #tpu.memory_space<vmem>>
      %dma_wait3A_176 = arith.constant 0 : i32
      %dma_wait3A_177 = arith.constant 0 : i32
      %dma_wait3A_178 = tpu.memref_slice %arg7[%dma_wait3A_176, %dma_wait3A_177] : memref<100000x64xf32, #tpu.memory_space<hbm>> -> memref<1x64xf32, #tpu.memory_space<hbm>>
      tpu.wait_dma2 semaphore(%arg16 : memref<!tpu.dma_semaphore, #tpu.memory_space<semaphore_mem>>) src(%dma_wait3A_178 : memref<1x64xf32, #tpu.memory_space<hbm>>) dst(%dma_wait3A_175 : memref<1x64xf32, #tpu.memory_space<vmem>>)
      %dma_wait3A_179 = arith.constant 10 : i32
      %dma_wait3A_180 = arith.constant 0 : i32
      %dma_wait3A_181 = tpu.memref_slice %arg15[%dma_wait3A_179, %dma_wait3A_180] : memref<512x64xf32, #tpu.memory_space<vmem>> -> memref<1x64xf32, #tpu.memory_space<vmem>>
      %dma_wait3A_182 = arith.constant 0 : i32
      %dma_wait3A_183 = arith.constant 0 : i32
      %dma_wait3A_184 = tpu.memref_slice %arg7[%dma_wait3A_182, %dma_wait3A_183] : memref<100000x64xf32, #tpu.memory_space<hbm>> -> memref<1x64xf32, #tpu.memory_space<hbm>>
      %dma_wait3A_185 = arith.constant 10 : i32
      %dma_wait3A_186 = arith.constant 0 : i32
      %dma_wait3A_187 = tpu.memref_slice %arg15[%dma_wait3A_185, %dma_wait3A_186] : memref<512x64xf32, #tpu.memory_space<vmem>> -> memref<1x64xf32, #tpu.memory_space<vmem>>
      %dma_wait3A_188 = arith.constant 0 : i32
      %dma_wait3A_189 = arith.constant 0 : i32
      %dma_wait3A_190 = tpu.memref_slice %arg7[%dma_wait3A_188, %dma_wait3A_189] : memref<100000x64xf32, #tpu.memory_space<hbm>> -> memref<1x64xf32, #tpu.memory_space<hbm>>
      tpu.wait_dma2 semaphore(%arg16 : memref<!tpu.dma_semaphore, #tpu.memory_space<semaphore_mem>>) src(%dma_wait3A_190 : memref<1x64xf32, #tpu.memory_space<hbm>>) dst(%dma_wait3A_187 : memref<1x64xf32, #tpu.memory_space<vmem>>)
      %dma_wait3A_191 = arith.constant 11 : i32
      %dma_wait3A_192 = arith.constant 0 : i32
      %dma_wait3A_193 = tpu.memref_slice %arg15[%dma_wait3A_191, %dma_wait3A_192] : memref<512x64xf32, #tpu.memory_space<vmem>> -> memref<1x64xf32, #tpu.memory_space<vmem>>
      %dma_wait3A_194 = arith.constant 0 : i32
      %dma_wait3A_195 = arith.constant 0 : i32
      %dma_wait3A_196 = tpu.memref_slice %arg7[%dma_wait3A_194, %dma_wait3A_195] : memref<100000x64xf32, #tpu.memory_space<hbm>> -> memref<1x64xf32, #tpu.memory_space<hbm>>
      %dma_wait3A_197 = arith.constant 11 : i32
      %dma_wait3A_198 = arith.constant 0 : i32
      %dma_wait3A_199 = tpu.memref_slice %arg15[%dma_wait3A_197, %dma_wait3A_198] : memref<512x64xf32, #tpu.memory_space<vmem>> -> memref<1x64xf32, #tpu.memory_space<vmem>>
      %dma_wait3A_200 = arith.constant 0 : i32
      %dma_wait3A_201 = arith.constant 0 : i32
      %dma_wait3A_202 = tpu.memref_slice %arg7[%dma_wait3A_200, %dma_wait3A_201] : memref<100000x64xf32, #tpu.memory_space<hbm>> -> memref<1x64xf32, #tpu.memory_space<hbm>>
      tpu.wait_dma2 semaphore(%arg16 : memref<!tpu.dma_semaphore, #tpu.memory_space<semaphore_mem>>) src(%dma_wait3A_202 : memref<1x64xf32, #tpu.memory_space<hbm>>) dst(%dma_wait3A_199 : memref<1x64xf32, #tpu.memory_space<vmem>>)
      %dma_wait3A_203 = arith.constant 12 : i32
      %dma_wait3A_204 = arith.constant 0 : i32
      %dma_wait3A_205 = tpu.memref_slice %arg15[%dma_wait3A_203, %dma_wait3A_204] : memref<512x64xf32, #tpu.memory_space<vmem>> -> memref<1x64xf32, #tpu.memory_space<vmem>>
      %dma_wait3A_206 = arith.constant 0 : i32
      %dma_wait3A_207 = arith.constant 0 : i32
      %dma_wait3A_208 = tpu.memref_slice %arg7[%dma_wait3A_206, %dma_wait3A_207] : memref<100000x64xf32, #tpu.memory_space<hbm>> -> memref<1x64xf32, #tpu.memory_space<hbm>>
      %dma_wait3A_209 = arith.constant 12 : i32
      %dma_wait3A_210 = arith.constant 0 : i32
      %dma_wait3A_211 = tpu.memref_slice %arg15[%dma_wait3A_209, %dma_wait3A_210] : memref<512x64xf32, #tpu.memory_space<vmem>> -> memref<1x64xf32, #tpu.memory_space<vmem>>
      %dma_wait3A_212 = arith.constant 0 : i32
      %dma_wait3A_213 = arith.constant 0 : i32
      %dma_wait3A_214 = tpu.memref_slice %arg7[%dma_wait3A_212, %dma_wait3A_213] : memref<100000x64xf32, #tpu.memory_space<hbm>> -> memref<1x64xf32, #tpu.memory_space<hbm>>
      tpu.wait_dma2 semaphore(%arg16 : memref<!tpu.dma_semaphore, #tpu.memory_space<semaphore_mem>>) src(%dma_wait3A_214 : memref<1x64xf32, #tpu.memory_space<hbm>>) dst(%dma_wait3A_211 : memref<1x64xf32, #tpu.memory_space<vmem>>)
      %dma_wait3A_215 = arith.constant 13 : i32
      %dma_wait3A_216 = arith.constant 0 : i32
      %dma_wait3A_217 = tpu.memref_slice %arg15[%dma_wait3A_215, %dma_wait3A_216] : memref<512x64xf32, #tpu.memory_space<vmem>> -> memref<1x64xf32, #tpu.memory_space<vmem>>
      %dma_wait3A_218 = arith.constant 0 : i32
      %dma_wait3A_219 = arith.constant 0 : i32
      %dma_wait3A_220 = tpu.memref_slice %arg7[%dma_wait3A_218, %dma_wait3A_219] : memref<100000x64xf32, #tpu.memory_space<hbm>> -> memref<1x64xf32, #tpu.memory_space<hbm>>
      %dma_wait3A_221 = arith.constant 13 : i32
      %dma_wait3A_222 = arith.constant 0 : i32
      %dma_wait3A_223 = tpu.memref_slice %arg15[%dma_wait3A_221, %dma_wait3A_222] : memref<512x64xf32, #tpu.memory_space<vmem>> -> memref<1x64xf32, #tpu.memory_space<vmem>>
      %dma_wait3A_224 = arith.constant 0 : i32
      %dma_wait3A_225 = arith.constant 0 : i32
      %dma_wait3A_226 = tpu.memref_slice %arg7[%dma_wait3A_224, %dma_wait3A_225] : memref<100000x64xf32, #tpu.memory_space<hbm>> -> memref<1x64xf32, #tpu.memory_space<hbm>>
      tpu.wait_dma2 semaphore(%arg16 : memref<!tpu.dma_semaphore, #tpu.memory_space<semaphore_mem>>) src(%dma_wait3A_226 : memref<1x64xf32, #tpu.memory_space<hbm>>) dst(%dma_wait3A_223 : memref<1x64xf32, #tpu.memory_space<vmem>>)
      %dma_wait3A_227 = arith.constant 14 : i32
      %dma_wait3A_228 = arith.constant 0 : i32
      %dma_wait3A_229 = tpu.memref_slice %arg15[%dma_wait3A_227, %dma_wait3A_228] : memref<512x64xf32, #tpu.memory_space<vmem>> -> memref<1x64xf32, #tpu.memory_space<vmem>>
      %dma_wait3A_230 = arith.constant 0 : i32
      %dma_wait3A_231 = arith.constant 0 : i32
      %dma_wait3A_232 = tpu.memref_slice %arg7[%dma_wait3A_230, %dma_wait3A_231] : memref<100000x64xf32, #tpu.memory_space<hbm>> -> memref<1x64xf32, #tpu.memory_space<hbm>>
      %dma_wait3A_233 = arith.constant 14 : i32
      %dma_wait3A_234 = arith.constant 0 : i32
      %dma_wait3A_235 = tpu.memref_slice %arg15[%dma_wait3A_233, %dma_wait3A_234] : memref<512x64xf32, #tpu.memory_space<vmem>> -> memref<1x64xf32, #tpu.memory_space<vmem>>
      %dma_wait3A_236 = arith.constant 0 : i32
      %dma_wait3A_237 = arith.constant 0 : i32
      %dma_wait3A_238 = tpu.memref_slice %arg7[%dma_wait3A_236, %dma_wait3A_237] : memref<100000x64xf32, #tpu.memory_space<hbm>> -> memref<1x64xf32, #tpu.memory_space<hbm>>
      tpu.wait_dma2 semaphore(%arg16 : memref<!tpu.dma_semaphore, #tpu.memory_space<semaphore_mem>>) src(%dma_wait3A_238 : memref<1x64xf32, #tpu.memory_space<hbm>>) dst(%dma_wait3A_235 : memref<1x64xf32, #tpu.memory_space<vmem>>)
      %dma_wait3A_239 = arith.constant 15 : i32
      %dma_wait3A_240 = arith.constant 0 : i32
      %dma_wait3A_241 = tpu.memref_slice %arg15[%dma_wait3A_239, %dma_wait3A_240] : memref<512x64xf32, #tpu.memory_space<vmem>> -> memref<1x64xf32, #tpu.memory_space<vmem>>
      %dma_wait3A_242 = arith.constant 0 : i32
      %dma_wait3A_243 = arith.constant 0 : i32
      %dma_wait3A_244 = tpu.memref_slice %arg7[%dma_wait3A_242, %dma_wait3A_243] : memref<100000x64xf32, #tpu.memory_space<hbm>> -> memref<1x64xf32, #tpu.memory_space<hbm>>
      %dma_wait3A_245 = arith.constant 15 : i32
      %dma_wait3A_246 = arith.constant 0 : i32
      %dma_wait3A_247 = tpu.memref_slice %arg15[%dma_wait3A_245, %dma_wait3A_246] : memref<512x64xf32, #tpu.memory_space<vmem>> -> memref<1x64xf32, #tpu.memory_space<vmem>>
      %dma_wait3A_248 = arith.constant 0 : i32
      %dma_wait3A_249 = arith.constant 0 : i32
      %dma_wait3A_250 = tpu.memref_slice %arg7[%dma_wait3A_248, %dma_wait3A_249] : memref<100000x64xf32, #tpu.memory_space<hbm>> -> memref<1x64xf32, #tpu.memory_space<hbm>>
      tpu.wait_dma2 semaphore(%arg16 : memref<!tpu.dma_semaphore, #tpu.memory_space<semaphore_mem>>) src(%dma_wait3A_250 : memref<1x64xf32, #tpu.memory_space<hbm>>) dst(%dma_wait3A_247 : memref<1x64xf32, #tpu.memory_space<vmem>>)
      %scan3A_251 = arith.constant 0 : i32
      scf.yield %scan3A_251 : i32
    }
    %scan3A_29 = arith.constant 4 : i32
    "tpu.region"() ({
      %run_scoped3A = tpu.sem_alloc : memref<!tpu.dma_semaphore, #tpu.memory_space<semaphore_mem>>
      %dma_start3A = arith.constant 0 : i32
      %dma_start3A_58 = tpu.memref_slice %arg11[%mul3A_2, %dma_start3A] : memref<16384x64xf32, #tpu.memory_space<hbm>> -> memref<512x64xf32, #tpu.memory_space<hbm>>
      %dma_start3A_59 = arith.constant 0 : i32
      %dma_start3A_60 = tpu.memref_slice %arg11[%mul3A_2, %dma_start3A_59] : memref<16384x64xf32, #tpu.memory_space<hbm>> -> memref<512x64xf32, #tpu.memory_space<hbm>>
      tpu.enqueue_dma source(%arg15 : memref<512x64xf32, #tpu.memory_space<vmem>>) target(%dma_start3A_60 : memref<512x64xf32, #tpu.memory_space<hbm>>) target_semaphore(%run_scoped3A : memref<!tpu.dma_semaphore, #tpu.memory_space<semaphore_mem>>)
      %dma_wait3A = arith.constant 0 : i32
      %dma_wait3A_61 = tpu.memref_slice %arg11[%mul3A_2, %dma_wait3A] : memref<16384x64xf32, #tpu.memory_space<hbm>> -> memref<512x64xf32, #tpu.memory_space<hbm>>
      %dma_wait3A_62 = arith.constant 0 : i32
      %dma_wait3A_63 = tpu.memref_slice %arg11[%mul3A_2, %dma_wait3A_62] : memref<16384x64xf32, #tpu.memory_space<hbm>> -> memref<512x64xf32, #tpu.memory_space<hbm>>
      tpu.wait_dma2 semaphore(%run_scoped3A : memref<!tpu.dma_semaphore, #tpu.memory_space<semaphore_mem>>) src(%arg15 : memref<512x64xf32, #tpu.memory_space<vmem>>) dst(%dma_wait3A_63 : memref<512x64xf32, #tpu.memory_space<hbm>>)
      tpu.yield
    }) : () -> ()
    "tpu.region"() ({
      %run_scoped3A = tpu.sem_alloc : memref<!tpu.dma_semaphore, #tpu.memory_space<semaphore_mem>>
      %dma_start3A = tpu.memref_slice %arg4[%mul3A_2] : memref<16384xi32, #tpu.memory_space<hbm>> -> memref<512xi32, #tpu.memory_space<hbm>>
      %dma_start3A_58 = tpu.memref_slice %arg4[%mul3A_2] : memref<16384xi32, #tpu.memory_space<hbm>> -> memref<512xi32, #tpu.memory_space<hbm>>
      tpu.enqueue_dma source(%dma_start3A_58 : memref<512xi32, #tpu.memory_space<hbm>>) target(%arg14 : memref<512xi32, #tpu.memory_space<vmem>>) target_semaphore(%run_scoped3A : memref<!tpu.dma_semaphore, #tpu.memory_space<semaphore_mem>>)
      %dma_wait3A = tpu.memref_slice %arg4[%mul3A_2] : memref<16384xi32, #tpu.memory_space<hbm>> -> memref<512xi32, #tpu.memory_space<hbm>>
      %dma_wait3A_59 = tpu.memref_slice %arg4[%mul3A_2] : memref<16384xi32, #tpu.memory_space<hbm>> -> memref<512xi32, #tpu.memory_space<hbm>>
      tpu.wait_dma2 semaphore(%run_scoped3A : memref<!tpu.dma_semaphore, #tpu.memory_space<semaphore_mem>>) src(%dma_wait3A_59 : memref<512xi32, #tpu.memory_space<hbm>>) dst(%arg14 : memref<512xi32, #tpu.memory_space<vmem>>)
      tpu.yield
    }) : () -> ()
    %scan3A_30 = arith.constant 0 : i32
    %scan3A_31 = arith.constant 0 : i32
    %scan3A_32 = arith.constant 32 : i32
    %scan3A_33 = arith.addi %scan3A_31, %scan3A_32 : i32
    %scan3A_34 = arith.constant 1 : i32
    %scan3A_35 = scf.for %scan3A_58 = %scan3A_31 to %scan3A_33 step %scan3A_34 iter_args(%scan3A_59 = %scan3A_30) -> (i32)  : i32 {
      %mul3A_60 = arith.constant 16 : i32
      %mul3A_61 = arith.muli %scan3A_58, %mul3A_60 : i32
      %get3A = arith.index_cast %mul3A_61 : i32 to index
      %get3A_62 = tpu.vector_load %arg14[%get3A] {strides = array<i32>} : memref<512xi32, #tpu.memory_space<vmem>>, vector<16xi32>,
      %get3A_63 = vector.shape_cast %get3A_62 : vector<16xi32> to vector<16xi32>
      %slice3A = vector.extract_strided_slice %get3A_63 {offsets = [0], sizes = [1], strides = [1]} : vector<16xi32> to vector<1xi32>
      %squeeze3A = vector.extract %slice3A[0] : i32 from vector<1xi32>
      %mul3A_64 = arith.constant 16 : i32
      %mul3A_65 = arith.muli %scan3A_58, %mul3A_64 : i32
      %add3A_66 = arith.constant 0 : i32
      %add3A_67 = arith.addi %mul3A_65, %add3A_66 : i32
      %dma_start3A = arith.constant 0 : i32
      %dma_start3A_68 = tpu.memref_slice %arg15[%add3A_67, %dma_start3A] : memref<512x64xf32, #tpu.memory_space<vmem>> -> memref<1x64xf32, #tpu.memory_space<vmem>>
      %dma_start3A_69 = arith.constant 0 : i32
      %dma_start3A_70 = tpu.memref_slice %arg8[%squeeze3A, %dma_start3A_69] : memref<1000x64xf32, #tpu.memory_space<hbm>> -> memref<1x64xf32, #tpu.memory_space<hbm>>
      %dma_start3A_71 = arith.constant 0 : i32
      %dma_start3A_72 = tpu.memref_slice %arg15[%add3A_67, %dma_start3A_71] : memref<512x64xf32, #tpu.memory_space<vmem>> -> memref<1x64xf32, #tpu.memory_space<vmem>>
      %dma_start3A_73 = arith.constant 0 : i32
      %dma_start3A_74 = tpu.memref_slice %arg8[%squeeze3A, %dma_start3A_73] : memref<1000x64xf32, #tpu.memory_space<hbm>> -> memref<1x64xf32, #tpu.memory_space<hbm>>
      tpu.enqueue_dma source(%dma_start3A_74 : memref<1x64xf32, #tpu.memory_space<hbm>>) target(%dma_start3A_72 : memref<1x64xf32, #tpu.memory_space<vmem>>) target_semaphore(%arg16 : memref<!tpu.dma_semaphore, #tpu.memory_space<semaphore_mem>>)
      %slice3A_75 = vector.extract_strided_slice %get3A_63 {offsets = [1], sizes = [1], strides = [1]} : vector<16xi32> to vector<1xi32>
      %squeeze3A_76 = vector.extract %slice3A_75[0] : i32 from vector<1xi32>
      %mul3A_77 = arith.constant 16 : i32
      %mul3A_78 = arith.muli %scan3A_58, %mul3A_77 : i32
      %add3A_79 = arith.constant 1 : i32
      %add3A_80 = arith.addi %mul3A_78, %add3A_79 : i32
      %dma_start3A_81 = arith.constant 0 : i32
      %dma_start3A_82 = tpu.memref_slice %arg15[%add3A_80, %dma_start3A_81] : memref<512x64xf32, #tpu.memory_space<vmem>> -> memref<1x64xf32, #tpu.memory_space<vmem>>
      %dma_start3A_83 = arith.constant 0 : i32
      %dma_start3A_84 = tpu.memref_slice %arg8[%squeeze3A_76, %dma_start3A_83] : memref<1000x64xf32, #tpu.memory_space<hbm>> -> memref<1x64xf32, #tpu.memory_space<hbm>>
      %dma_start3A_85 = arith.constant 0 : i32
      %dma_start3A_86 = tpu.memref_slice %arg15[%add3A_80, %dma_start3A_85] : memref<512x64xf32, #tpu.memory_space<vmem>> -> memref<1x64xf32, #tpu.memory_space<vmem>>
      %dma_start3A_87 = arith.constant 0 : i32
      %dma_start3A_88 = tpu.memref_slice %arg8[%squeeze3A_76, %dma_start3A_87] : memref<1000x64xf32, #tpu.memory_space<hbm>> -> memref<1x64xf32, #tpu.memory_space<hbm>>
      tpu.enqueue_dma source(%dma_start3A_88 : memref<1x64xf32, #tpu.memory_space<hbm>>) target(%dma_start3A_86 : memref<1x64xf32, #tpu.memory_space<vmem>>) target_semaphore(%arg16 : memref<!tpu.dma_semaphore, #tpu.memory_space<semaphore_mem>>)
      %slice3A_89 = vector.extract_strided_slice %get3A_63 {offsets = [2], sizes = [1], strides = [1]} : vector<16xi32> to vector<1xi32>
      %squeeze3A_90 = vector.extract %slice3A_89[0] : i32 from vector<1xi32>
      %mul3A_91 = arith.constant 16 : i32
      %mul3A_92 = arith.muli %scan3A_58, %mul3A_91 : i32
      %add3A_93 = arith.constant 2 : i32
      %add3A_94 = arith.addi %mul3A_92, %add3A_93 : i32
      %dma_start3A_95 = arith.constant 0 : i32
      %dma_start3A_96 = tpu.memref_slice %arg15[%add3A_94, %dma_start3A_95] : memref<512x64xf32, #tpu.memory_space<vmem>> -> memref<1x64xf32, #tpu.memory_space<vmem>>
      %dma_start3A_97 = arith.constant 0 : i32
      %dma_start3A_98 = tpu.memref_slice %arg8[%squeeze3A_90, %dma_start3A_97] : memref<1000x64xf32, #tpu.memory_space<hbm>> -> memref<1x64xf32, #tpu.memory_space<hbm>>
      %dma_start3A_99 = arith.constant 0 : i32
      %dma_start3A_100 = tpu.memref_slice %arg15[%add3A_94, %dma_start3A_99] : memref<512x64xf32, #tpu.memory_space<vmem>> -> memref<1x64xf32, #tpu.memory_space<vmem>>
      %dma_start3A_101 = arith.constant 0 : i32
      %dma_start3A_102 = tpu.memref_slice %arg8[%squeeze3A_90, %dma_start3A_101] : memref<1000x64xf32, #tpu.memory_space<hbm>> -> memref<1x64xf32, #tpu.memory_space<hbm>>
      tpu.enqueue_dma source(%dma_start3A_102 : memref<1x64xf32, #tpu.memory_space<hbm>>) target(%dma_start3A_100 : memref<1x64xf32, #tpu.memory_space<vmem>>) target_semaphore(%arg16 : memref<!tpu.dma_semaphore, #tpu.memory_space<semaphore_mem>>)
      %slice3A_103 = vector.extract_strided_slice %get3A_63 {offsets = [3], sizes = [1], strides = [1]} : vector<16xi32> to vector<1xi32>
      %squeeze3A_104 = vector.extract %slice3A_103[0] : i32 from vector<1xi32>
      %mul3A_105 = arith.constant 16 : i32
      %mul3A_106 = arith.muli %scan3A_58, %mul3A_105 : i32
      %add3A_107 = arith.constant 3 : i32
      %add3A_108 = arith.addi %mul3A_106, %add3A_107 : i32
      %dma_start3A_109 = arith.constant 0 : i32
      %dma_start3A_110 = tpu.memref_slice %arg15[%add3A_108, %dma_start3A_109] : memref<512x64xf32, #tpu.memory_space<vmem>> -> memref<1x64xf32, #tpu.memory_space<vmem>>
      %dma_start3A_111 = arith.constant 0 : i32
      %dma_start3A_112 = tpu.memref_slice %arg8[%squeeze3A_104, %dma_start3A_111] : memref<1000x64xf32, #tpu.memory_space<hbm>> -> memref<1x64xf32, #tpu.memory_space<hbm>>
      %dma_start3A_113 = arith.constant 0 : i32
      %dma_start3A_114 = tpu.memref_slice %arg15[%add3A_108, %dma_start3A_113] : memref<512x64xf32, #tpu.memory_space<vmem>> -> memref<1x64xf32, #tpu.memory_space<vmem>>
      %dma_start3A_115 = arith.constant 0 : i32
      %dma_start3A_116 = tpu.memref_slice %arg8[%squeeze3A_104, %dma_start3A_115] : memref<1000x64xf32, #tpu.memory_space<hbm>> -> memref<1x64xf32, #tpu.memory_space<hbm>>
      tpu.enqueue_dma source(%dma_start3A_116 : memref<1x64xf32, #tpu.memory_space<hbm>>) target(%dma_start3A_114 : memref<1x64xf32, #tpu.memory_space<vmem>>) target_semaphore(%arg16 : memref<!tpu.dma_semaphore, #tpu.memory_space<semaphore_mem>>)
      %slice3A_117 = vector.extract_strided_slice %get3A_63 {offsets = [4], sizes = [1], strides = [1]} : vector<16xi32> to vector<1xi32>
      %squeeze3A_118 = vector.extract %slice3A_117[0] : i32 from vector<1xi32>
      %mul3A_119 = arith.constant 16 : i32
      %mul3A_120 = arith.muli %scan3A_58, %mul3A_119 : i32
      %add3A_121 = arith.constant 4 : i32
      %add3A_122 = arith.addi %mul3A_120, %add3A_121 : i32
      %dma_start3A_123 = arith.constant 0 : i32
      %dma_start3A_124 = tpu.memref_slice %arg15[%add3A_122, %dma_start3A_123] : memref<512x64xf32, #tpu.memory_space<vmem>> -> memref<1x64xf32, #tpu.memory_space<vmem>>
      %dma_start3A_125 = arith.constant 0 : i32
      %dma_start3A_126 = tpu.memref_slice %arg8[%squeeze3A_118, %dma_start3A_125] : memref<1000x64xf32, #tpu.memory_space<hbm>> -> memref<1x64xf32, #tpu.memory_space<hbm>>
      %dma_start3A_127 = arith.constant 0 : i32
      %dma_start3A_128 = tpu.memref_slice %arg15[%add3A_122, %dma_start3A_127] : memref<512x64xf32, #tpu.memory_space<vmem>> -> memref<1x64xf32, #tpu.memory_space<vmem>>
      %dma_start3A_129 = arith.constant 0 : i32
      %dma_start3A_130 = tpu.memref_slice %arg8[%squeeze3A_118, %dma_start3A_129] : memref<1000x64xf32, #tpu.memory_space<hbm>> -> memref<1x64xf32, #tpu.memory_space<hbm>>
      tpu.enqueue_dma source(%dma_start3A_130 : memref<1x64xf32, #tpu.memory_space<hbm>>) target(%dma_start3A_128 : memref<1x64xf32, #tpu.memory_space<vmem>>) target_semaphore(%arg16 : memref<!tpu.dma_semaphore, #tpu.memory_space<semaphore_mem>>)
      %slice3A_131 = vector.extract_strided_slice %get3A_63 {offsets = [5], sizes = [1], strides = [1]} : vector<16xi32> to vector<1xi32>
      %squeeze3A_132 = vector.extract %slice3A_131[0] : i32 from vector<1xi32>
      %mul3A_133 = arith.constant 16 : i32
      %mul3A_134 = arith.muli %scan3A_58, %mul3A_133 : i32
      %add3A_135 = arith.constant 5 : i32
      %add3A_136 = arith.addi %mul3A_134, %add3A_135 : i32
      %dma_start3A_137 = arith.constant 0 : i32
      %dma_start3A_138 = tpu.memref_slice %arg15[%add3A_136, %dma_start3A_137] : memref<512x64xf32, #tpu.memory_space<vmem>> -> memref<1x64xf32, #tpu.memory_space<vmem>>
      %dma_start3A_139 = arith.constant 0 : i32
      %dma_start3A_140 = tpu.memref_slice %arg8[%squeeze3A_132, %dma_start3A_139] : memref<1000x64xf32, #tpu.memory_space<hbm>> -> memref<1x64xf32, #tpu.memory_space<hbm>>
      %dma_start3A_141 = arith.constant 0 : i32
      %dma_start3A_142 = tpu.memref_slice %arg15[%add3A_136, %dma_start3A_141] : memref<512x64xf32, #tpu.memory_space<vmem>> -> memref<1x64xf32, #tpu.memory_space<vmem>>
      %dma_start3A_143 = arith.constant 0 : i32
      %dma_start3A_144 = tpu.memref_slice %arg8[%squeeze3A_132, %dma_start3A_143] : memref<1000x64xf32, #tpu.memory_space<hbm>> -> memref<1x64xf32, #tpu.memory_space<hbm>>
      tpu.enqueue_dma source(%dma_start3A_144 : memref<1x64xf32, #tpu.memory_space<hbm>>) target(%dma_start3A_142 : memref<1x64xf32, #tpu.memory_space<vmem>>) target_semaphore(%arg16 : memref<!tpu.dma_semaphore, #tpu.memory_space<semaphore_mem>>)
      %slice3A_145 = vector.extract_strided_slice %get3A_63 {offsets = [6], sizes = [1], strides = [1]} : vector<16xi32> to vector<1xi32>
      %squeeze3A_146 = vector.extract %slice3A_145[0] : i32 from vector<1xi32>
      %mul3A_147 = arith.constant 16 : i32
      %mul3A_148 = arith.muli %scan3A_58, %mul3A_147 : i32
      %add3A_149 = arith.constant 6 : i32
      %add3A_150 = arith.addi %mul3A_148, %add3A_149 : i32
      %dma_start3A_151 = arith.constant 0 : i32
      %dma_start3A_152 = tpu.memref_slice %arg15[%add3A_150, %dma_start3A_151] : memref<512x64xf32, #tpu.memory_space<vmem>> -> memref<1x64xf32, #tpu.memory_space<vmem>>
      %dma_start3A_153 = arith.constant 0 : i32
      %dma_start3A_154 = tpu.memref_slice %arg8[%squeeze3A_146, %dma_start3A_153] : memref<1000x64xf32, #tpu.memory_space<hbm>> -> memref<1x64xf32, #tpu.memory_space<hbm>>
      %dma_start3A_155 = arith.constant 0 : i32
      %dma_start3A_156 = tpu.memref_slice %arg15[%add3A_150, %dma_start3A_155] : memref<512x64xf32, #tpu.memory_space<vmem>> -> memref<1x64xf32, #tpu.memory_space<vmem>>
      %dma_start3A_157 = arith.constant 0 : i32
      %dma_start3A_158 = tpu.memref_slice %arg8[%squeeze3A_146, %dma_start3A_157] : memref<1000x64xf32, #tpu.memory_space<hbm>> -> memref<1x64xf32, #tpu.memory_space<hbm>>
      tpu.enqueue_dma source(%dma_start3A_158 : memref<1x64xf32, #tpu.memory_space<hbm>>) target(%dma_start3A_156 : memref<1x64xf32, #tpu.memory_space<vmem>>) target_semaphore(%arg16 : memref<!tpu.dma_semaphore, #tpu.memory_space<semaphore_mem>>)
      %slice3A_159 = vector.extract_strided_slice %get3A_63 {offsets = [7], sizes = [1], strides = [1]} : vector<16xi32> to vector<1xi32>
      %squeeze3A_160 = vector.extract %slice3A_159[0] : i32 from vector<1xi32>
      %mul3A_161 = arith.constant 16 : i32
      %mul3A_162 = arith.muli %scan3A_58, %mul3A_161 : i32
      %add3A_163 = arith.constant 7 : i32
      %add3A_164 = arith.addi %mul3A_162, %add3A_163 : i32
      %dma_start3A_165 = arith.constant 0 : i32
      %dma_start3A_166 = tpu.memref_slice %arg15[%add3A_164, %dma_start3A_165] : memref<512x64xf32, #tpu.memory_space<vmem>> -> memref<1x64xf32, #tpu.memory_space<vmem>>
      %dma_start3A_167 = arith.constant 0 : i32
      %dma_start3A_168 = tpu.memref_slice %arg8[%squeeze3A_160, %dma_start3A_167] : memref<1000x64xf32, #tpu.memory_space<hbm>> -> memref<1x64xf32, #tpu.memory_space<hbm>>
      %dma_start3A_169 = arith.constant 0 : i32
      %dma_start3A_170 = tpu.memref_slice %arg15[%add3A_164, %dma_start3A_169] : memref<512x64xf32, #tpu.memory_space<vmem>> -> memref<1x64xf32, #tpu.memory_space<vmem>>
      %dma_start3A_171 = arith.constant 0 : i32
      %dma_start3A_172 = tpu.memref_slice %arg8[%squeeze3A_160, %dma_start3A_171] : memref<1000x64xf32, #tpu.memory_space<hbm>> -> memref<1x64xf32, #tpu.memory_space<hbm>>
      tpu.enqueue_dma source(%dma_start3A_172 : memref<1x64xf32, #tpu.memory_space<hbm>>) target(%dma_start3A_170 : memref<1x64xf32, #tpu.memory_space<vmem>>) target_semaphore(%arg16 : memref<!tpu.dma_semaphore, #tpu.memory_space<semaphore_mem>>)
      %slice3A_173 = vector.extract_strided_slice %get3A_63 {offsets = [8], sizes = [1], strides = [1]} : vector<16xi32> to vector<1xi32>
      %squeeze3A_174 = vector.extract %slice3A_173[0] : i32 from vector<1xi32>
      %mul3A_175 = arith.constant 16 : i32
      %mul3A_176 = arith.muli %scan3A_58, %mul3A_175 : i32
      %add3A_177 = arith.constant 8 : i32
      %add3A_178 = arith.addi %mul3A_176, %add3A_177 : i32
      %dma_start3A_179 = arith.constant 0 : i32
      %dma_start3A_180 = tpu.memref_slice %arg15[%add3A_178, %dma_start3A_179] : memref<512x64xf32, #tpu.memory_space<vmem>> -> memref<1x64xf32, #tpu.memory_space<vmem>>
      %dma_start3A_181 = arith.constant 0 : i32
      %dma_start3A_182 = tpu.memref_slice %arg8[%squeeze3A_174, %dma_start3A_181] : memref<1000x64xf32, #tpu.memory_space<hbm>> -> memref<1x64xf32, #tpu.memory_space<hbm>>
      %dma_start3A_183 = arith.constant 0 : i32
      %dma_start3A_184 = tpu.memref_slice %arg15[%add3A_178, %dma_start3A_183] : memref<512x64xf32, #tpu.memory_space<vmem>> -> memref<1x64xf32, #tpu.memory_space<vmem>>
      %dma_start3A_185 = arith.constant 0 : i32
      %dma_start3A_186 = tpu.memref_slice %arg8[%squeeze3A_174, %dma_start3A_185] : memref<1000x64xf32, #tpu.memory_space<hbm>> -> memref<1x64xf32, #tpu.memory_space<hbm>>
      tpu.enqueue_dma source(%dma_start3A_186 : memref<1x64xf32, #tpu.memory_space<hbm>>) target(%dma_start3A_184 : memref<1x64xf32, #tpu.memory_space<vmem>>) target_semaphore(%arg16 : memref<!tpu.dma_semaphore, #tpu.memory_space<semaphore_mem>>)
      %slice3A_187 = vector.extract_strided_slice %get3A_63 {offsets = [9], sizes = [1], strides = [1]} : vector<16xi32> to vector<1xi32>
      %squeeze3A_188 = vector.extract %slice3A_187[0] : i32 from vector<1xi32>
      %mul3A_189 = arith.constant 16 : i32
      %mul3A_190 = arith.muli %scan3A_58, %mul3A_189 : i32
      %add3A_191 = arith.constant 9 : i32
      %add3A_192 = arith.addi %mul3A_190, %add3A_191 : i32
      %dma_start3A_193 = arith.constant 0 : i32
      %dma_start3A_194 = tpu.memref_slice %arg15[%add3A_192, %dma_start3A_193] : memref<512x64xf32, #tpu.memory_space<vmem>> -> memref<1x64xf32, #tpu.memory_space<vmem>>
      %dma_start3A_195 = arith.constant 0 : i32
      %dma_start3A_196 = tpu.memref_slice %arg8[%squeeze3A_188, %dma_start3A_195] : memref<1000x64xf32, #tpu.memory_space<hbm>> -> memref<1x64xf32, #tpu.memory_space<hbm>>
      %dma_start3A_197 = arith.constant 0 : i32
      %dma_start3A_198 = tpu.memref_slice %arg15[%add3A_192, %dma_start3A_197] : memref<512x64xf32, #tpu.memory_space<vmem>> -> memref<1x64xf32, #tpu.memory_space<vmem>>
      %dma_start3A_199 = arith.constant 0 : i32
      %dma_start3A_200 = tpu.memref_slice %arg8[%squeeze3A_188, %dma_start3A_199] : memref<1000x64xf32, #tpu.memory_space<hbm>> -> memref<1x64xf32, #tpu.memory_space<hbm>>
      tpu.enqueue_dma source(%dma_start3A_200 : memref<1x64xf32, #tpu.memory_space<hbm>>) target(%dma_start3A_198 : memref<1x64xf32, #tpu.memory_space<vmem>>) target_semaphore(%arg16 : memref<!tpu.dma_semaphore, #tpu.memory_space<semaphore_mem>>)
      %slice3A_201 = vector.extract_strided_slice %get3A_63 {offsets = [10], sizes = [1], strides = [1]} : vector<16xi32> to vector<1xi32>
      %squeeze3A_202 = vector.extract %slice3A_201[0] : i32 from vector<1xi32>
      %mul3A_203 = arith.constant 16 : i32
      %mul3A_204 = arith.muli %scan3A_58, %mul3A_203 : i32
      %add3A_205 = arith.constant 10 : i32
      %add3A_206 = arith.addi %mul3A_204, %add3A_205 : i32
      %dma_start3A_207 = arith.constant 0 : i32
      %dma_start3A_208 = tpu.memref_slice %arg15[%add3A_206, %dma_start3A_207] : memref<512x64xf32, #tpu.memory_space<vmem>> -> memref<1x64xf32, #tpu.memory_space<vmem>>
      %dma_start3A_209 = arith.constant 0 : i32
      %dma_start3A_210 = tpu.memref_slice %arg8[%squeeze3A_202, %dma_start3A_209] : memref<1000x64xf32, #tpu.memory_space<hbm>> -> memref<1x64xf32, #tpu.memory_space<hbm>>
      %dma_start3A_211 = arith.constant 0 : i32
      %dma_start3A_212 = tpu.memref_slice %arg15[%add3A_206, %dma_start3A_211] : memref<512x64xf32, #tpu.memory_space<vmem>> -> memref<1x64xf32, #tpu.memory_space<vmem>>
      %dma_start3A_213 = arith.constant 0 : i32
      %dma_start3A_214 = tpu.memref_slice %arg8[%squeeze3A_202, %dma_start3A_213] : memref<1000x64xf32, #tpu.memory_space<hbm>> -> memref<1x64xf32, #tpu.memory_space<hbm>>
      tpu.enqueue_dma source(%dma_start3A_214 : memref<1x64xf32, #tpu.memory_space<hbm>>) target(%dma_start3A_212 : memref<1x64xf32, #tpu.memory_space<vmem>>) target_semaphore(%arg16 : memref<!tpu.dma_semaphore, #tpu.memory_space<semaphore_mem>>)
      %slice3A_215 = vector.extract_strided_slice %get3A_63 {offsets = [11], sizes = [1], strides = [1]} : vector<16xi32> to vector<1xi32>
      %squeeze3A_216 = vector.extract %slice3A_215[0] : i32 from vector<1xi32>
      %mul3A_217 = arith.constant 16 : i32
      %mul3A_218 = arith.muli %scan3A_58, %mul3A_217 : i32
      %add3A_219 = arith.constant 11 : i32
      %add3A_220 = arith.addi %mul3A_218, %add3A_219 : i32
      %dma_start3A_221 = arith.constant 0 : i32
      %dma_start3A_222 = tpu.memref_slice %arg15[%add3A_220, %dma_start3A_221] : memref<512x64xf32, #tpu.memory_space<vmem>> -> memref<1x64xf32, #tpu.memory_space<vmem>>
      %dma_start3A_223 = arith.constant 0 : i32
      %dma_start3A_224 = tpu.memref_slice %arg8[%squeeze3A_216, %dma_start3A_223] : memref<1000x64xf32, #tpu.memory_space<hbm>> -> memref<1x64xf32, #tpu.memory_space<hbm>>
      %dma_start3A_225 = arith.constant 0 : i32
      %dma_start3A_226 = tpu.memref_slice %arg15[%add3A_220, %dma_start3A_225] : memref<512x64xf32, #tpu.memory_space<vmem>> -> memref<1x64xf32, #tpu.memory_space<vmem>>
      %dma_start3A_227 = arith.constant 0 : i32
      %dma_start3A_228 = tpu.memref_slice %arg8[%squeeze3A_216, %dma_start3A_227] : memref<1000x64xf32, #tpu.memory_space<hbm>> -> memref<1x64xf32, #tpu.memory_space<hbm>>
      tpu.enqueue_dma source(%dma_start3A_228 : memref<1x64xf32, #tpu.memory_space<hbm>>) target(%dma_start3A_226 : memref<1x64xf32, #tpu.memory_space<vmem>>) target_semaphore(%arg16 : memref<!tpu.dma_semaphore, #tpu.memory_space<semaphore_mem>>)
      %slice3A_229 = vector.extract_strided_slice %get3A_63 {offsets = [12], sizes = [1], strides = [1]} : vector<16xi32> to vector<1xi32>
      %squeeze3A_230 = vector.extract %slice3A_229[0] : i32 from vector<1xi32>
      %mul3A_231 = arith.constant 16 : i32
      %mul3A_232 = arith.muli %scan3A_58, %mul3A_231 : i32
      %add3A_233 = arith.constant 12 : i32
      %add3A_234 = arith.addi %mul3A_232, %add3A_233 : i32
      %dma_start3A_235 = arith.constant 0 : i32
      %dma_start3A_236 = tpu.memref_slice %arg15[%add3A_234, %dma_start3A_235] : memref<512x64xf32, #tpu.memory_space<vmem>> -> memref<1x64xf32, #tpu.memory_space<vmem>>
      %dma_start3A_237 = arith.constant 0 : i32
      %dma_start3A_238 = tpu.memref_slice %arg8[%squeeze3A_230, %dma_start3A_237] : memref<1000x64xf32, #tpu.memory_space<hbm>> -> memref<1x64xf32, #tpu.memory_space<hbm>>
      %dma_start3A_239 = arith.constant 0 : i32
      %dma_start3A_240 = tpu.memref_slice %arg15[%add3A_234, %dma_start3A_239] : memref<512x64xf32, #tpu.memory_space<vmem>> -> memref<1x64xf32, #tpu.memory_space<vmem>>
      %dma_start3A_241 = arith.constant 0 : i32
      %dma_start3A_242 = tpu.memref_slice %arg8[%squeeze3A_230, %dma_start3A_241] : memref<1000x64xf32, #tpu.memory_space<hbm>> -> memref<1x64xf32, #tpu.memory_space<hbm>>
      tpu.enqueue_dma source(%dma_start3A_242 : memref<1x64xf32, #tpu.memory_space<hbm>>) target(%dma_start3A_240 : memref<1x64xf32, #tpu.memory_space<vmem>>) target_semaphore(%arg16 : memref<!tpu.dma_semaphore, #tpu.memory_space<semaphore_mem>>)
      %slice3A_243 = vector.extract_strided_slice %get3A_63 {offsets = [13], sizes = [1], strides = [1]} : vector<16xi32> to vector<1xi32>
      %squeeze3A_244 = vector.extract %slice3A_243[0] : i32 from vector<1xi32>
      %mul3A_245 = arith.constant 16 : i32
      %mul3A_246 = arith.muli %scan3A_58, %mul3A_245 : i32
      %add3A_247 = arith.constant 13 : i32
      %add3A_248 = arith.addi %mul3A_246, %add3A_247 : i32
      %dma_start3A_249 = arith.constant 0 : i32
      %dma_start3A_250 = tpu.memref_slice %arg15[%add3A_248, %dma_start3A_249] : memref<512x64xf32, #tpu.memory_space<vmem>> -> memref<1x64xf32, #tpu.memory_space<vmem>>
      %dma_start3A_251 = arith.constant 0 : i32
      %dma_start3A_252 = tpu.memref_slice %arg8[%squeeze3A_244, %dma_start3A_251] : memref<1000x64xf32, #tpu.memory_space<hbm>> -> memref<1x64xf32, #tpu.memory_space<hbm>>
      %dma_start3A_253 = arith.constant 0 : i32
      %dma_start3A_254 = tpu.memref_slice %arg15[%add3A_248, %dma_start3A_253] : memref<512x64xf32, #tpu.memory_space<vmem>> -> memref<1x64xf32, #tpu.memory_space<vmem>>
      %dma_start3A_255 = arith.constant 0 : i32
      %dma_start3A_256 = tpu.memref_slice %arg8[%squeeze3A_244, %dma_start3A_255] : memref<1000x64xf32, #tpu.memory_space<hbm>> -> memref<1x64xf32, #tpu.memory_space<hbm>>
      tpu.enqueue_dma source(%dma_start3A_256 : memref<1x64xf32, #tpu.memory_space<hbm>>) target(%dma_start3A_254 : memref<1x64xf32, #tpu.memory_space<vmem>>) target_semaphore(%arg16 : memref<!tpu.dma_semaphore, #tpu.memory_space<semaphore_mem>>)
      %slice3A_257 = vector.extract_strided_slice %get3A_63 {offsets = [14], sizes = [1], strides = [1]} : vector<16xi32> to vector<1xi32>
      %squeeze3A_258 = vector.extract %slice3A_257[0] : i32 from vector<1xi32>
      %mul3A_259 = arith.constant 16 : i32
      %mul3A_260 = arith.muli %scan3A_58, %mul3A_259 : i32
      %add3A_261 = arith.constant 14 : i32
      %add3A_262 = arith.addi %mul3A_260, %add3A_261 : i32
      %dma_start3A_263 = arith.constant 0 : i32
      %dma_start3A_264 = tpu.memref_slice %arg15[%add3A_262, %dma_start3A_263] : memref<512x64xf32, #tpu.memory_space<vmem>> -> memref<1x64xf32, #tpu.memory_space<vmem>>
      %dma_start3A_265 = arith.constant 0 : i32
      %dma_start3A_266 = tpu.memref_slice %arg8[%squeeze3A_258, %dma_start3A_265] : memref<1000x64xf32, #tpu.memory_space<hbm>> -> memref<1x64xf32, #tpu.memory_space<hbm>>
      %dma_start3A_267 = arith.constant 0 : i32
      %dma_start3A_268 = tpu.memref_slice %arg15[%add3A_262, %dma_start3A_267] : memref<512x64xf32, #tpu.memory_space<vmem>> -> memref<1x64xf32, #tpu.memory_space<vmem>>
      %dma_start3A_269 = arith.constant 0 : i32
      %dma_start3A_270 = tpu.memref_slice %arg8[%squeeze3A_258, %dma_start3A_269] : memref<1000x64xf32, #tpu.memory_space<hbm>> -> memref<1x64xf32, #tpu.memory_space<hbm>>
      tpu.enqueue_dma source(%dma_start3A_270 : memref<1x64xf32, #tpu.memory_space<hbm>>) target(%dma_start3A_268 : memref<1x64xf32, #tpu.memory_space<vmem>>) target_semaphore(%arg16 : memref<!tpu.dma_semaphore, #tpu.memory_space<semaphore_mem>>)
      %slice3A_271 = vector.extract_strided_slice %get3A_63 {offsets = [15], sizes = [1], strides = [1]} : vector<16xi32> to vector<1xi32>
      %squeeze3A_272 = vector.extract %slice3A_271[0] : i32 from vector<1xi32>
      %mul3A_273 = arith.constant 16 : i32
      %mul3A_274 = arith.muli %scan3A_58, %mul3A_273 : i32
      %add3A_275 = arith.constant 15 : i32
      %add3A_276 = arith.addi %mul3A_274, %add3A_275 : i32
      %dma_start3A_277 = arith.constant 0 : i32
      %dma_start3A_278 = tpu.memref_slice %arg15[%add3A_276, %dma_start3A_277] : memref<512x64xf32, #tpu.memory_space<vmem>> -> memref<1x64xf32, #tpu.memory_space<vmem>>
      %dma_start3A_279 = arith.constant 0 : i32
      %dma_start3A_280 = tpu.memref_slice %arg8[%squeeze3A_272, %dma_start3A_279] : memref<1000x64xf32, #tpu.memory_space<hbm>> -> memref<1x64xf32, #tpu.memory_space<hbm>>
      %dma_start3A_281 = arith.constant 0 : i32
      %dma_start3A_282 = tpu.memref_slice %arg15[%add3A_276, %dma_start3A_281] : memref<512x64xf32, #tpu.memory_space<vmem>> -> memref<1x64xf32, #tpu.memory_space<vmem>>
      %dma_start3A_283 = arith.constant 0 : i32
      %dma_start3A_284 = tpu.memref_slice %arg8[%squeeze3A_272, %dma_start3A_283] : memref<1000x64xf32, #tpu.memory_space<hbm>> -> memref<1x64xf32, #tpu.memory_space<hbm>>
      tpu.enqueue_dma source(%dma_start3A_284 : memref<1x64xf32, #tpu.memory_space<hbm>>) target(%dma_start3A_282 : memref<1x64xf32, #tpu.memory_space<vmem>>) target_semaphore(%arg16 : memref<!tpu.dma_semaphore, #tpu.memory_space<semaphore_mem>>)
      %ge3A = arith.constant 4 : i32
      %ge3A_285 = arith.cmpi sge, %scan3A_58, %ge3A : i32
      %convert_element_type3A = arith.extui %ge3A_285 : i1 to i32
      %cond3A = arith.constant 0 : i32
      %cond3A_286 = arith.cmpi ne, %convert_element_type3A, %cond3A : i32
      scf.if %cond3A_286 {
        %dma_wait3A = arith.constant 0 : i32
        %dma_wait3A_288 = arith.constant 0 : i32
        %dma_wait3A_289 = tpu.memref_slice %arg15[%dma_wait3A, %dma_wait3A_288] : memref<512x64xf32, #tpu.memory_space<vmem>> -> memref<1x64xf32, #tpu.memory_space<vmem>>
        %dma_wait3A_290 = arith.constant 0 : i32
        %dma_wait3A_291 = arith.constant 0 : i32
        %dma_wait3A_292 = tpu.memref_slice %arg8[%dma_wait3A_290, %dma_wait3A_291] : memref<1000x64xf32, #tpu.memory_space<hbm>> -> memref<1x64xf32, #tpu.memory_space<hbm>>
        %dma_wait3A_293 = arith.constant 0 : i32
        %dma_wait3A_294 = arith.constant 0 : i32
        %dma_wait3A_295 = tpu.memref_slice %arg15[%dma_wait3A_293, %dma_wait3A_294] : memref<512x64xf32, #tpu.memory_space<vmem>> -> memref<1x64xf32, #tpu.memory_space<vmem>>
        %dma_wait3A_296 = arith.constant 0 : i32
        %dma_wait3A_297 = arith.constant 0 : i32
        %dma_wait3A_298 = tpu.memref_slice %arg8[%dma_wait3A_296, %dma_wait3A_297] : memref<1000x64xf32, #tpu.memory_space<hbm>> -> memref<1x64xf32, #tpu.memory_space<hbm>>
        tpu.wait_dma2 semaphore(%arg16 : memref<!tpu.dma_semaphore, #tpu.memory_space<semaphore_mem>>) src(%dma_wait3A_298 : memref<1x64xf32, #tpu.memory_space<hbm>>) dst(%dma_wait3A_295 : memref<1x64xf32, #tpu.memory_space<vmem>>)
        %dma_wait3A_299 = arith.constant 1 : i32
        %dma_wait3A_300 = arith.constant 0 : i32
        %dma_wait3A_301 = tpu.memref_slice %arg15[%dma_wait3A_299, %dma_wait3A_300] : memref<512x64xf32, #tpu.memory_space<vmem>> -> memref<1x64xf32, #tpu.memory_space<vmem>>
        %dma_wait3A_302 = arith.constant 0 : i32
        %dma_wait3A_303 = arith.constant 0 : i32
        %dma_wait3A_304 = tpu.memref_slice %arg8[%dma_wait3A_302, %dma_wait3A_303] : memref<1000x64xf32, #tpu.memory_space<hbm>> -> memref<1x64xf32, #tpu.memory_space<hbm>>
        %dma_wait3A_305 = arith.constant 1 : i32
        %dma_wait3A_306 = arith.constant 0 : i32
        %dma_wait3A_307 = tpu.memref_slice %arg15[%dma_wait3A_305, %dma_wait3A_306] : memref<512x64xf32, #tpu.memory_space<vmem>> -> memref<1x64xf32, #tpu.memory_space<vmem>>
        %dma_wait3A_308 = arith.constant 0 : i32
        %dma_wait3A_309 = arith.constant 0 : i32
        %dma_wait3A_310 = tpu.memref_slice %arg8[%dma_wait3A_308, %dma_wait3A_309] : memref<1000x64xf32, #tpu.memory_space<hbm>> -> memref<1x64xf32, #tpu.memory_space<hbm>>
        tpu.wait_dma2 semaphore(%arg16 : memref<!tpu.dma_semaphore, #tpu.memory_space<semaphore_mem>>) src(%dma_wait3A_310 : memref<1x64xf32, #tpu.memory_space<hbm>>) dst(%dma_wait3A_307 : memref<1x64xf32, #tpu.memory_space<vmem>>)
        %dma_wait3A_311 = arith.constant 2 : i32
        %dma_wait3A_312 = arith.constant 0 : i32
        %dma_wait3A_313 = tpu.memref_slice %arg15[%dma_wait3A_311, %dma_wait3A_312] : memref<512x64xf32, #tpu.memory_space<vmem>> -> memref<1x64xf32, #tpu.memory_space<vmem>>
        %dma_wait3A_314 = arith.constant 0 : i32
        %dma_wait3A_315 = arith.constant 0 : i32
        %dma_wait3A_316 = tpu.memref_slice %arg8[%dma_wait3A_314, %dma_wait3A_315] : memref<1000x64xf32, #tpu.memory_space<hbm>> -> memref<1x64xf32, #tpu.memory_space<hbm>>
        %dma_wait3A_317 = arith.constant 2 : i32
        %dma_wait3A_318 = arith.constant 0 : i32
        %dma_wait3A_319 = tpu.memref_slice %arg15[%dma_wait3A_317, %dma_wait3A_318] : memref<512x64xf32, #tpu.memory_space<vmem>> -> memref<1x64xf32, #tpu.memory_space<vmem>>
        %dma_wait3A_320 = arith.constant 0 : i32
        %dma_wait3A_321 = arith.constant 0 : i32
        %dma_wait3A_322 = tpu.memref_slice %arg8[%dma_wait3A_320, %dma_wait3A_321] : memref<1000x64xf32, #tpu.memory_space<hbm>> -> memref<1x64xf32, #tpu.memory_space<hbm>>
        tpu.wait_dma2 semaphore(%arg16 : memref<!tpu.dma_semaphore, #tpu.memory_space<semaphore_mem>>) src(%dma_wait3A_322 : memref<1x64xf32, #tpu.memory_space<hbm>>) dst(%dma_wait3A_319 : memref<1x64xf32, #tpu.memory_space<vmem>>)
        %dma_wait3A_323 = arith.constant 3 : i32
        %dma_wait3A_324 = arith.constant 0 : i32
        %dma_wait3A_325 = tpu.memref_slice %arg15[%dma_wait3A_323, %dma_wait3A_324] : memref<512x64xf32, #tpu.memory_space<vmem>> -> memref<1x64xf32, #tpu.memory_space<vmem>>
        %dma_wait3A_326 = arith.constant 0 : i32
        %dma_wait3A_327 = arith.constant 0 : i32
        %dma_wait3A_328 = tpu.memref_slice %arg8[%dma_wait3A_326, %dma_wait3A_327] : memref<1000x64xf32, #tpu.memory_space<hbm>> -> memref<1x64xf32, #tpu.memory_space<hbm>>
        %dma_wait3A_329 = arith.constant 3 : i32
        %dma_wait3A_330 = arith.constant 0 : i32
        %dma_wait3A_331 = tpu.memref_slice %arg15[%dma_wait3A_329, %dma_wait3A_330] : memref<512x64xf32, #tpu.memory_space<vmem>> -> memref<1x64xf32, #tpu.memory_space<vmem>>
        %dma_wait3A_332 = arith.constant 0 : i32
        %dma_wait3A_333 = arith.constant 0 : i32
        %dma_wait3A_334 = tpu.memref_slice %arg8[%dma_wait3A_332, %dma_wait3A_333] : memref<1000x64xf32, #tpu.memory_space<hbm>> -> memref<1x64xf32, #tpu.memory_space<hbm>>
        tpu.wait_dma2 semaphore(%arg16 : memref<!tpu.dma_semaphore, #tpu.memory_space<semaphore_mem>>) src(%dma_wait3A_334 : memref<1x64xf32, #tpu.memory_space<hbm>>) dst(%dma_wait3A_331 : memref<1x64xf32, #tpu.memory_space<vmem>>)
        %dma_wait3A_335 = arith.constant 4 : i32
        %dma_wait3A_336 = arith.constant 0 : i32
        %dma_wait3A_337 = tpu.memref_slice %arg15[%dma_wait3A_335, %dma_wait3A_336] : memref<512x64xf32, #tpu.memory_space<vmem>> -> memref<1x64xf32, #tpu.memory_space<vmem>>
        %dma_wait3A_338 = arith.constant 0 : i32
        %dma_wait3A_339 = arith.constant 0 : i32
        %dma_wait3A_340 = tpu.memref_slice %arg8[%dma_wait3A_338, %dma_wait3A_339] : memref<1000x64xf32, #tpu.memory_space<hbm>> -> memref<1x64xf32, #tpu.memory_space<hbm>>
        %dma_wait3A_341 = arith.constant 4 : i32
        %dma_wait3A_342 = arith.constant 0 : i32
        %dma_wait3A_343 = tpu.memref_slice %arg15[%dma_wait3A_341, %dma_wait3A_342] : memref<512x64xf32, #tpu.memory_space<vmem>> -> memref<1x64xf32, #tpu.memory_space<vmem>>
        %dma_wait3A_344 = arith.constant 0 : i32
        %dma_wait3A_345 = arith.constant 0 : i32
        %dma_wait3A_346 = tpu.memref_slice %arg8[%dma_wait3A_344, %dma_wait3A_345] : memref<1000x64xf32, #tpu.memory_space<hbm>> -> memref<1x64xf32, #tpu.memory_space<hbm>>
        tpu.wait_dma2 semaphore(%arg16 : memref<!tpu.dma_semaphore, #tpu.memory_space<semaphore_mem>>) src(%dma_wait3A_346 : memref<1x64xf32, #tpu.memory_space<hbm>>) dst(%dma_wait3A_343 : memref<1x64xf32, #tpu.memory_space<vmem>>)
        %dma_wait3A_347 = arith.constant 5 : i32
        %dma_wait3A_348 = arith.constant 0 : i32
        %dma_wait3A_349 = tpu.memref_slice %arg15[%dma_wait3A_347, %dma_wait3A_348] : memref<512x64xf32, #tpu.memory_space<vmem>> -> memref<1x64xf32, #tpu.memory_space<vmem>>
        %dma_wait3A_350 = arith.constant 0 : i32
        %dma_wait3A_351 = arith.constant 0 : i32
        %dma_wait3A_352 = tpu.memref_slice %arg8[%dma_wait3A_350, %dma_wait3A_351] : memref<1000x64xf32, #tpu.memory_space<hbm>> -> memref<1x64xf32, #tpu.memory_space<hbm>>
        %dma_wait3A_353 = arith.constant 5 : i32
        %dma_wait3A_354 = arith.constant 0 : i32
        %dma_wait3A_355 = tpu.memref_slice %arg15[%dma_wait3A_353, %dma_wait3A_354] : memref<512x64xf32, #tpu.memory_space<vmem>> -> memref<1x64xf32, #tpu.memory_space<vmem>>
        %dma_wait3A_356 = arith.constant 0 : i32
        %dma_wait3A_357 = arith.constant 0 : i32
        %dma_wait3A_358 = tpu.memref_slice %arg8[%dma_wait3A_356, %dma_wait3A_357] : memref<1000x64xf32, #tpu.memory_space<hbm>> -> memref<1x64xf32, #tpu.memory_space<hbm>>
        tpu.wait_dma2 semaphore(%arg16 : memref<!tpu.dma_semaphore, #tpu.memory_space<semaphore_mem>>) src(%dma_wait3A_358 : memref<1x64xf32, #tpu.memory_space<hbm>>) dst(%dma_wait3A_355 : memref<1x64xf32, #tpu.memory_space<vmem>>)
        %dma_wait3A_359 = arith.constant 6 : i32
        %dma_wait3A_360 = arith.constant 0 : i32
        %dma_wait3A_361 = tpu.memref_slice %arg15[%dma_wait3A_359, %dma_wait3A_360] : memref<512x64xf32, #tpu.memory_space<vmem>> -> memref<1x64xf32, #tpu.memory_space<vmem>>
        %dma_wait3A_362 = arith.constant 0 : i32
        %dma_wait3A_363 = arith.constant 0 : i32
        %dma_wait3A_364 = tpu.memref_slice %arg8[%dma_wait3A_362, %dma_wait3A_363] : memref<1000x64xf32, #tpu.memory_space<hbm>> -> memref<1x64xf32, #tpu.memory_space<hbm>>
        %dma_wait3A_365 = arith.constant 6 : i32
        %dma_wait3A_366 = arith.constant 0 : i32
        %dma_wait3A_367 = tpu.memref_slice %arg15[%dma_wait3A_365, %dma_wait3A_366] : memref<512x64xf32, #tpu.memory_space<vmem>> -> memref<1x64xf32, #tpu.memory_space<vmem>>
        %dma_wait3A_368 = arith.constant 0 : i32
        %dma_wait3A_369 = arith.constant 0 : i32
        %dma_wait3A_370 = tpu.memref_slice %arg8[%dma_wait3A_368, %dma_wait3A_369] : memref<1000x64xf32, #tpu.memory_space<hbm>> -> memref<1x64xf32, #tpu.memory_space<hbm>>
        tpu.wait_dma2 semaphore(%arg16 : memref<!tpu.dma_semaphore, #tpu.memory_space<semaphore_mem>>) src(%dma_wait3A_370 : memref<1x64xf32, #tpu.memory_space<hbm>>) dst(%dma_wait3A_367 : memref<1x64xf32, #tpu.memory_space<vmem>>)
        %dma_wait3A_371 = arith.constant 7 : i32
        %dma_wait3A_372 = arith.constant 0 : i32
        %dma_wait3A_373 = tpu.memref_slice %arg15[%dma_wait3A_371, %dma_wait3A_372] : memref<512x64xf32, #tpu.memory_space<vmem>> -> memref<1x64xf32, #tpu.memory_space<vmem>>
        %dma_wait3A_374 = arith.constant 0 : i32
        %dma_wait3A_375 = arith.constant 0 : i32
        %dma_wait3A_376 = tpu.memref_slice %arg8[%dma_wait3A_374, %dma_wait3A_375] : memref<1000x64xf32, #tpu.memory_space<hbm>> -> memref<1x64xf32, #tpu.memory_space<hbm>>
        %dma_wait3A_377 = arith.constant 7 : i32
        %dma_wait3A_378 = arith.constant 0 : i32
        %dma_wait3A_379 = tpu.memref_slice %arg15[%dma_wait3A_377, %dma_wait3A_378] : memref<512x64xf32, #tpu.memory_space<vmem>> -> memref<1x64xf32, #tpu.memory_space<vmem>>
        %dma_wait3A_380 = arith.constant 0 : i32
        %dma_wait3A_381 = arith.constant 0 : i32
        %dma_wait3A_382 = tpu.memref_slice %arg8[%dma_wait3A_380, %dma_wait3A_381] : memref<1000x64xf32, #tpu.memory_space<hbm>> -> memref<1x64xf32, #tpu.memory_space<hbm>>
        tpu.wait_dma2 semaphore(%arg16 : memref<!tpu.dma_semaphore, #tpu.memory_space<semaphore_mem>>) src(%dma_wait3A_382 : memref<1x64xf32, #tpu.memory_space<hbm>>) dst(%dma_wait3A_379 : memref<1x64xf32, #tpu.memory_space<vmem>>)
        %dma_wait3A_383 = arith.constant 8 : i32
        %dma_wait3A_384 = arith.constant 0 : i32
        %dma_wait3A_385 = tpu.memref_slice %arg15[%dma_wait3A_383, %dma_wait3A_384] : memref<512x64xf32, #tpu.memory_space<vmem>> -> memref<1x64xf32, #tpu.memory_space<vmem>>
        %dma_wait3A_386 = arith.constant 0 : i32
        %dma_wait3A_387 = arith.constant 0 : i32
        %dma_wait3A_388 = tpu.memref_slice %arg8[%dma_wait3A_386, %dma_wait3A_387] : memref<1000x64xf32, #tpu.memory_space<hbm>> -> memref<1x64xf32, #tpu.memory_space<hbm>>
        %dma_wait3A_389 = arith.constant 8 : i32
        %dma_wait3A_390 = arith.constant 0 : i32
        %dma_wait3A_391 = tpu.memref_slice %arg15[%dma_wait3A_389, %dma_wait3A_390] : memref<512x64xf32, #tpu.memory_space<vmem>> -> memref<1x64xf32, #tpu.memory_space<vmem>>
        %dma_wait3A_392 = arith.constant 0 : i32
        %dma_wait3A_393 = arith.constant 0 : i32
        %dma_wait3A_394 = tpu.memref_slice %arg8[%dma_wait3A_392, %dma_wait3A_393] : memref<1000x64xf32, #tpu.memory_space<hbm>> -> memref<1x64xf32, #tpu.memory_space<hbm>>
        tpu.wait_dma2 semaphore(%arg16 : memref<!tpu.dma_semaphore, #tpu.memory_space<semaphore_mem>>) src(%dma_wait3A_394 : memref<1x64xf32, #tpu.memory_space<hbm>>) dst(%dma_wait3A_391 : memref<1x64xf32, #tpu.memory_space<vmem>>)
        %dma_wait3A_395 = arith.constant 9 : i32
        %dma_wait3A_396 = arith.constant 0 : i32
        %dma_wait3A_397 = tpu.memref_slice %arg15[%dma_wait3A_395, %dma_wait3A_396] : memref<512x64xf32, #tpu.memory_space<vmem>> -> memref<1x64xf32, #tpu.memory_space<vmem>>
        %dma_wait3A_398 = arith.constant 0 : i32
        %dma_wait3A_399 = arith.constant 0 : i32
        %dma_wait3A_400 = tpu.memref_slice %arg8[%dma_wait3A_398, %dma_wait3A_399] : memref<1000x64xf32, #tpu.memory_space<hbm>> -> memref<1x64xf32, #tpu.memory_space<hbm>>
        %dma_wait3A_401 = arith.constant 9 : i32
        %dma_wait3A_402 = arith.constant 0 : i32
        %dma_wait3A_403 = tpu.memref_slice %arg15[%dma_wait3A_401, %dma_wait3A_402] : memref<512x64xf32, #tpu.memory_space<vmem>> -> memref<1x64xf32, #tpu.memory_space<vmem>>
        %dma_wait3A_404 = arith.constant 0 : i32
        %dma_wait3A_405 = arith.constant 0 : i32
        %dma_wait3A_406 = tpu.memref_slice %arg8[%dma_wait3A_404, %dma_wait3A_405] : memref<1000x64xf32, #tpu.memory_space<hbm>> -> memref<1x64xf32, #tpu.memory_space<hbm>>
        tpu.wait_dma2 semaphore(%arg16 : memref<!tpu.dma_semaphore, #tpu.memory_space<semaphore_mem>>) src(%dma_wait3A_406 : memref<1x64xf32, #tpu.memory_space<hbm>>) dst(%dma_wait3A_403 : memref<1x64xf32, #tpu.memory_space<vmem>>)
        %dma_wait3A_407 = arith.constant 10 : i32
        %dma_wait3A_408 = arith.constant 0 : i32
        %dma_wait3A_409 = tpu.memref_slice %arg15[%dma_wait3A_407, %dma_wait3A_408] : memref<512x64xf32, #tpu.memory_space<vmem>> -> memref<1x64xf32, #tpu.memory_space<vmem>>
        %dma_wait3A_410 = arith.constant 0 : i32
        %dma_wait3A_411 = arith.constant 0 : i32
        %dma_wait3A_412 = tpu.memref_slice %arg8[%dma_wait3A_410, %dma_wait3A_411] : memref<1000x64xf32, #tpu.memory_space<hbm>> -> memref<1x64xf32, #tpu.memory_space<hbm>>
        %dma_wait3A_413 = arith.constant 10 : i32
        %dma_wait3A_414 = arith.constant 0 : i32
        %dma_wait3A_415 = tpu.memref_slice %arg15[%dma_wait3A_413, %dma_wait3A_414] : memref<512x64xf32, #tpu.memory_space<vmem>> -> memref<1x64xf32, #tpu.memory_space<vmem>>
        %dma_wait3A_416 = arith.constant 0 : i32
        %dma_wait3A_417 = arith.constant 0 : i32
        %dma_wait3A_418 = tpu.memref_slice %arg8[%dma_wait3A_416, %dma_wait3A_417] : memref<1000x64xf32, #tpu.memory_space<hbm>> -> memref<1x64xf32, #tpu.memory_space<hbm>>
        tpu.wait_dma2 semaphore(%arg16 : memref<!tpu.dma_semaphore, #tpu.memory_space<semaphore_mem>>) src(%dma_wait3A_418 : memref<1x64xf32, #tpu.memory_space<hbm>>) dst(%dma_wait3A_415 : memref<1x64xf32, #tpu.memory_space<vmem>>)
        %dma_wait3A_419 = arith.constant 11 : i32
        %dma_wait3A_420 = arith.constant 0 : i32
        %dma_wait3A_421 = tpu.memref_slice %arg15[%dma_wait3A_419, %dma_wait3A_420] : memref<512x64xf32, #tpu.memory_space<vmem>> -> memref<1x64xf32, #tpu.memory_space<vmem>>
        %dma_wait3A_422 = arith.constant 0 : i32
        %dma_wait3A_423 = arith.constant 0 : i32
        %dma_wait3A_424 = tpu.memref_slice %arg8[%dma_wait3A_422, %dma_wait3A_423] : memref<1000x64xf32, #tpu.memory_space<hbm>> -> memref<1x64xf32, #tpu.memory_space<hbm>>
        %dma_wait3A_425 = arith.constant 11 : i32
        %dma_wait3A_426 = arith.constant 0 : i32
        %dma_wait3A_427 = tpu.memref_slice %arg15[%dma_wait3A_425, %dma_wait3A_426] : memref<512x64xf32, #tpu.memory_space<vmem>> -> memref<1x64xf32, #tpu.memory_space<vmem>>
        %dma_wait3A_428 = arith.constant 0 : i32
        %dma_wait3A_429 = arith.constant 0 : i32
        %dma_wait3A_430 = tpu.memref_slice %arg8[%dma_wait3A_428, %dma_wait3A_429] : memref<1000x64xf32, #tpu.memory_space<hbm>> -> memref<1x64xf32, #tpu.memory_space<hbm>>
        tpu.wait_dma2 semaphore(%arg16 : memref<!tpu.dma_semaphore, #tpu.memory_space<semaphore_mem>>) src(%dma_wait3A_430 : memref<1x64xf32, #tpu.memory_space<hbm>>) dst(%dma_wait3A_427 : memref<1x64xf32, #tpu.memory_space<vmem>>)
        %dma_wait3A_431 = arith.constant 12 : i32
        %dma_wait3A_432 = arith.constant 0 : i32
        %dma_wait3A_433 = tpu.memref_slice %arg15[%dma_wait3A_431, %dma_wait3A_432] : memref<512x64xf32, #tpu.memory_space<vmem>> -> memref<1x64xf32, #tpu.memory_space<vmem>>
        %dma_wait3A_434 = arith.constant 0 : i32
        %dma_wait3A_435 = arith.constant 0 : i32
        %dma_wait3A_436 = tpu.memref_slice %arg8[%dma_wait3A_434, %dma_wait3A_435] : memref<1000x64xf32, #tpu.memory_space<hbm>> -> memref<1x64xf32, #tpu.memory_space<hbm>>
        %dma_wait3A_437 = arith.constant 12 : i32
        %dma_wait3A_438 = arith.constant 0 : i32
        %dma_wait3A_439 = tpu.memref_slice %arg15[%dma_wait3A_437, %dma_wait3A_438] : memref<512x64xf32, #tpu.memory_space<vmem>> -> memref<1x64xf32, #tpu.memory_space<vmem>>
        %dma_wait3A_440 = arith.constant 0 : i32
        %dma_wait3A_441 = arith.constant 0 : i32
        %dma_wait3A_442 = tpu.memref_slice %arg8[%dma_wait3A_440, %dma_wait3A_441] : memref<1000x64xf32, #tpu.memory_space<hbm>> -> memref<1x64xf32, #tpu.memory_space<hbm>>
        tpu.wait_dma2 semaphore(%arg16 : memref<!tpu.dma_semaphore, #tpu.memory_space<semaphore_mem>>) src(%dma_wait3A_442 : memref<1x64xf32, #tpu.memory_space<hbm>>) dst(%dma_wait3A_439 : memref<1x64xf32, #tpu.memory_space<vmem>>)
        %dma_wait3A_443 = arith.constant 13 : i32
        %dma_wait3A_444 = arith.constant 0 : i32
        %dma_wait3A_445 = tpu.memref_slice %arg15[%dma_wait3A_443, %dma_wait3A_444] : memref<512x64xf32, #tpu.memory_space<vmem>> -> memref<1x64xf32, #tpu.memory_space<vmem>>
        %dma_wait3A_446 = arith.constant 0 : i32
        %dma_wait3A_447 = arith.constant 0 : i32
        %dma_wait3A_448 = tpu.memref_slice %arg8[%dma_wait3A_446, %dma_wait3A_447] : memref<1000x64xf32, #tpu.memory_space<hbm>> -> memref<1x64xf32, #tpu.memory_space<hbm>>
        %dma_wait3A_449 = arith.constant 13 : i32
        %dma_wait3A_450 = arith.constant 0 : i32
        %dma_wait3A_451 = tpu.memref_slice %arg15[%dma_wait3A_449, %dma_wait3A_450] : memref<512x64xf32, #tpu.memory_space<vmem>> -> memref<1x64xf32, #tpu.memory_space<vmem>>
        %dma_wait3A_452 = arith.constant 0 : i32
        %dma_wait3A_453 = arith.constant 0 : i32
        %dma_wait3A_454 = tpu.memref_slice %arg8[%dma_wait3A_452, %dma_wait3A_453] : memref<1000x64xf32, #tpu.memory_space<hbm>> -> memref<1x64xf32, #tpu.memory_space<hbm>>
        tpu.wait_dma2 semaphore(%arg16 : memref<!tpu.dma_semaphore, #tpu.memory_space<semaphore_mem>>) src(%dma_wait3A_454 : memref<1x64xf32, #tpu.memory_space<hbm>>) dst(%dma_wait3A_451 : memref<1x64xf32, #tpu.memory_space<vmem>>)
        %dma_wait3A_455 = arith.constant 14 : i32
        %dma_wait3A_456 = arith.constant 0 : i32
        %dma_wait3A_457 = tpu.memref_slice %arg15[%dma_wait3A_455, %dma_wait3A_456] : memref<512x64xf32, #tpu.memory_space<vmem>> -> memref<1x64xf32, #tpu.memory_space<vmem>>
        %dma_wait3A_458 = arith.constant 0 : i32
        %dma_wait3A_459 = arith.constant 0 : i32
        %dma_wait3A_460 = tpu.memref_slice %arg8[%dma_wait3A_458, %dma_wait3A_459] : memref<1000x64xf32, #tpu.memory_space<hbm>> -> memref<1x64xf32, #tpu.memory_space<hbm>>
        %dma_wait3A_461 = arith.constant 14 : i32
        %dma_wait3A_462 = arith.constant 0 : i32
        %dma_wait3A_463 = tpu.memref_slice %arg15[%dma_wait3A_461, %dma_wait3A_462] : memref<512x64xf32, #tpu.memory_space<vmem>> -> memref<1x64xf32, #tpu.memory_space<vmem>>
        %dma_wait3A_464 = arith.constant 0 : i32
        %dma_wait3A_465 = arith.constant 0 : i32
        %dma_wait3A_466 = tpu.memref_slice %arg8[%dma_wait3A_464, %dma_wait3A_465] : memref<1000x64xf32, #tpu.memory_space<hbm>> -> memref<1x64xf32, #tpu.memory_space<hbm>>
        tpu.wait_dma2 semaphore(%arg16 : memref<!tpu.dma_semaphore, #tpu.memory_space<semaphore_mem>>) src(%dma_wait3A_466 : memref<1x64xf32, #tpu.memory_space<hbm>>) dst(%dma_wait3A_463 : memref<1x64xf32, #tpu.memory_space<vmem>>)
        %dma_wait3A_467 = arith.constant 15 : i32
        %dma_wait3A_468 = arith.constant 0 : i32
        %dma_wait3A_469 = tpu.memref_slice %arg15[%dma_wait3A_467, %dma_wait3A_468] : memref<512x64xf32, #tpu.memory_space<vmem>> -> memref<1x64xf32, #tpu.memory_space<vmem>>
        %dma_wait3A_470 = arith.constant 0 : i32
        %dma_wait3A_471 = arith.constant 0 : i32
        %dma_wait3A_472 = tpu.memref_slice %arg8[%dma_wait3A_470, %dma_wait3A_471] : memref<1000x64xf32, #tpu.memory_space<hbm>> -> memref<1x64xf32, #tpu.memory_space<hbm>>
        %dma_wait3A_473 = arith.constant 15 : i32
        %dma_wait3A_474 = arith.constant 0 : i32
        %dma_wait3A_475 = tpu.memref_slice %arg15[%dma_wait3A_473, %dma_wait3A_474] : memref<512x64xf32, #tpu.memory_space<vmem>> -> memref<1x64xf32, #tpu.memory_space<vmem>>
        %dma_wait3A_476 = arith.constant 0 : i32
        %dma_wait3A_477 = arith.constant 0 : i32
        %dma_wait3A_478 = tpu.memref_slice %arg8[%dma_wait3A_476, %dma_wait3A_477] : memref<1000x64xf32, #tpu.memory_space<hbm>> -> memref<1x64xf32, #tpu.memory_space<hbm>>
        tpu.wait_dma2 semaphore(%arg16 : memref<!tpu.dma_semaphore, #tpu.memory_space<semaphore_mem>>) src(%dma_wait3A_478 : memref<1x64xf32, #tpu.memory_space<hbm>>) dst(%dma_wait3A_475 : memref<1x64xf32, #tpu.memory_space<vmem>>)
      } else {
      }
      %scan3A_287 = arith.constant 0 : i32
      scf.yield %scan3A_287 : i32
    }
    %scan3A_36 = arith.constant 32 : i32
    %scan3A_37 = arith.constant 0 : i32
    %scan3A_38 = arith.constant 0 : i32
    %scan3A_39 = arith.constant 4 : i32
    %scan3A_40 = arith.addi %scan3A_38, %scan3A_39 : i32
    %scan3A_41 = arith.constant 1 : i32
    %scan3A_42 = scf.for %scan3A_58 = %scan3A_38 to %scan3A_40 step %scan3A_41 iter_args(%scan3A_59 = %scan3A_37) -> (i32)  : i32 {
      %dma_wait3A = arith.constant 0 : i32
      %dma_wait3A_60 = arith.constant 0 : i32
      %dma_wait3A_61 = tpu.memref_slice %arg15[%dma_wait3A, %dma_wait3A_60] : memref<512x64xf32, #tpu.memory_space<vmem>> -> memref<1x64xf32, #tpu.memory_space<vmem>>
      %dma_wait3A_62 = arith.constant 0 : i32
      %dma_wait3A_63 = arith.constant 0 : i32
      %dma_wait3A_64 = tpu.memref_slice %arg8[%dma_wait3A_62, %dma_wait3A_63] : memref<1000x64xf32, #tpu.memory_space<hbm>> -> memref<1x64xf32, #tpu.memory_space<hbm>>
      %dma_wait3A_65 = arith.constant 0 : i32
      %dma_wait3A_66 = arith.constant 0 : i32
      %dma_wait3A_67 = tpu.memref_slice %arg15[%dma_wait3A_65, %dma_wait3A_66] : memref<512x64xf32, #tpu.memory_space<vmem>> -> memref<1x64xf32, #tpu.memory_space<vmem>>
      %dma_wait3A_68 = arith.constant 0 : i32
      %dma_wait3A_69 = arith.constant 0 : i32
      %dma_wait3A_70 = tpu.memref_slice %arg8[%dma_wait3A_68, %dma_wait3A_69] : memref<1000x64xf32, #tpu.memory_space<hbm>> -> memref<1x64xf32, #tpu.memory_space<hbm>>
      tpu.wait_dma2 semaphore(%arg16 : memref<!tpu.dma_semaphore, #tpu.memory_space<semaphore_mem>>) src(%dma_wait3A_70 : memref<1x64xf32, #tpu.memory_space<hbm>>) dst(%dma_wait3A_67 : memref<1x64xf32, #tpu.memory_space<vmem>>)
      %dma_wait3A_71 = arith.constant 1 : i32
      %dma_wait3A_72 = arith.constant 0 : i32
      %dma_wait3A_73 = tpu.memref_slice %arg15[%dma_wait3A_71, %dma_wait3A_72] : memref<512x64xf32, #tpu.memory_space<vmem>> -> memref<1x64xf32, #tpu.memory_space<vmem>>
      %dma_wait3A_74 = arith.constant 0 : i32
      %dma_wait3A_75 = arith.constant 0 : i32
      %dma_wait3A_76 = tpu.memref_slice %arg8[%dma_wait3A_74, %dma_wait3A_75] : memref<1000x64xf32, #tpu.memory_space<hbm>> -> memref<1x64xf32, #tpu.memory_space<hbm>>
      %dma_wait3A_77 = arith.constant 1 : i32
      %dma_wait3A_78 = arith.constant 0 : i32
      %dma_wait3A_79 = tpu.memref_slice %arg15[%dma_wait3A_77, %dma_wait3A_78] : memref<512x64xf32, #tpu.memory_space<vmem>> -> memref<1x64xf32, #tpu.memory_space<vmem>>
      %dma_wait3A_80 = arith.constant 0 : i32
      %dma_wait3A_81 = arith.constant 0 : i32
      %dma_wait3A_82 = tpu.memref_slice %arg8[%dma_wait3A_80, %dma_wait3A_81] : memref<1000x64xf32, #tpu.memory_space<hbm>> -> memref<1x64xf32, #tpu.memory_space<hbm>>
      tpu.wait_dma2 semaphore(%arg16 : memref<!tpu.dma_semaphore, #tpu.memory_space<semaphore_mem>>) src(%dma_wait3A_82 : memref<1x64xf32, #tpu.memory_space<hbm>>) dst(%dma_wait3A_79 : memref<1x64xf32, #tpu.memory_space<vmem>>)
      %dma_wait3A_83 = arith.constant 2 : i32
      %dma_wait3A_84 = arith.constant 0 : i32
      %dma_wait3A_85 = tpu.memref_slice %arg15[%dma_wait3A_83, %dma_wait3A_84] : memref<512x64xf32, #tpu.memory_space<vmem>> -> memref<1x64xf32, #tpu.memory_space<vmem>>
      %dma_wait3A_86 = arith.constant 0 : i32
      %dma_wait3A_87 = arith.constant 0 : i32
      %dma_wait3A_88 = tpu.memref_slice %arg8[%dma_wait3A_86, %dma_wait3A_87] : memref<1000x64xf32, #tpu.memory_space<hbm>> -> memref<1x64xf32, #tpu.memory_space<hbm>>
      %dma_wait3A_89 = arith.constant 2 : i32
      %dma_wait3A_90 = arith.constant 0 : i32
      %dma_wait3A_91 = tpu.memref_slice %arg15[%dma_wait3A_89, %dma_wait3A_90] : memref<512x64xf32, #tpu.memory_space<vmem>> -> memref<1x64xf32, #tpu.memory_space<vmem>>
      %dma_wait3A_92 = arith.constant 0 : i32
      %dma_wait3A_93 = arith.constant 0 : i32
      %dma_wait3A_94 = tpu.memref_slice %arg8[%dma_wait3A_92, %dma_wait3A_93] : memref<1000x64xf32, #tpu.memory_space<hbm>> -> memref<1x64xf32, #tpu.memory_space<hbm>>
      tpu.wait_dma2 semaphore(%arg16 : memref<!tpu.dma_semaphore, #tpu.memory_space<semaphore_mem>>) src(%dma_wait3A_94 : memref<1x64xf32, #tpu.memory_space<hbm>>) dst(%dma_wait3A_91 : memref<1x64xf32, #tpu.memory_space<vmem>>)
      %dma_wait3A_95 = arith.constant 3 : i32
      %dma_wait3A_96 = arith.constant 0 : i32
      %dma_wait3A_97 = tpu.memref_slice %arg15[%dma_wait3A_95, %dma_wait3A_96] : memref<512x64xf32, #tpu.memory_space<vmem>> -> memref<1x64xf32, #tpu.memory_space<vmem>>
      %dma_wait3A_98 = arith.constant 0 : i32
      %dma_wait3A_99 = arith.constant 0 : i32
      %dma_wait3A_100 = tpu.memref_slice %arg8[%dma_wait3A_98, %dma_wait3A_99] : memref<1000x64xf32, #tpu.memory_space<hbm>> -> memref<1x64xf32, #tpu.memory_space<hbm>>
      %dma_wait3A_101 = arith.constant 3 : i32
      %dma_wait3A_102 = arith.constant 0 : i32
      %dma_wait3A_103 = tpu.memref_slice %arg15[%dma_wait3A_101, %dma_wait3A_102] : memref<512x64xf32, #tpu.memory_space<vmem>> -> memref<1x64xf32, #tpu.memory_space<vmem>>
      %dma_wait3A_104 = arith.constant 0 : i32
      %dma_wait3A_105 = arith.constant 0 : i32
      %dma_wait3A_106 = tpu.memref_slice %arg8[%dma_wait3A_104, %dma_wait3A_105] : memref<1000x64xf32, #tpu.memory_space<hbm>> -> memref<1x64xf32, #tpu.memory_space<hbm>>
      tpu.wait_dma2 semaphore(%arg16 : memref<!tpu.dma_semaphore, #tpu.memory_space<semaphore_mem>>) src(%dma_wait3A_106 : memref<1x64xf32, #tpu.memory_space<hbm>>) dst(%dma_wait3A_103 : memref<1x64xf32, #tpu.memory_space<vmem>>)
      %dma_wait3A_107 = arith.constant 4 : i32
      %dma_wait3A_108 = arith.constant 0 : i32
      %dma_wait3A_109 = tpu.memref_slice %arg15[%dma_wait3A_107, %dma_wait3A_108] : memref<512x64xf32, #tpu.memory_space<vmem>> -> memref<1x64xf32, #tpu.memory_space<vmem>>
      %dma_wait3A_110 = arith.constant 0 : i32
      %dma_wait3A_111 = arith.constant 0 : i32
      %dma_wait3A_112 = tpu.memref_slice %arg8[%dma_wait3A_110, %dma_wait3A_111] : memref<1000x64xf32, #tpu.memory_space<hbm>> -> memref<1x64xf32, #tpu.memory_space<hbm>>
      %dma_wait3A_113 = arith.constant 4 : i32
      %dma_wait3A_114 = arith.constant 0 : i32
      %dma_wait3A_115 = tpu.memref_slice %arg15[%dma_wait3A_113, %dma_wait3A_114] : memref<512x64xf32, #tpu.memory_space<vmem>> -> memref<1x64xf32, #tpu.memory_space<vmem>>
      %dma_wait3A_116 = arith.constant 0 : i32
      %dma_wait3A_117 = arith.constant 0 : i32
      %dma_wait3A_118 = tpu.memref_slice %arg8[%dma_wait3A_116, %dma_wait3A_117] : memref<1000x64xf32, #tpu.memory_space<hbm>> -> memref<1x64xf32, #tpu.memory_space<hbm>>
      tpu.wait_dma2 semaphore(%arg16 : memref<!tpu.dma_semaphore, #tpu.memory_space<semaphore_mem>>) src(%dma_wait3A_118 : memref<1x64xf32, #tpu.memory_space<hbm>>) dst(%dma_wait3A_115 : memref<1x64xf32, #tpu.memory_space<vmem>>)
      %dma_wait3A_119 = arith.constant 5 : i32
      %dma_wait3A_120 = arith.constant 0 : i32
      %dma_wait3A_121 = tpu.memref_slice %arg15[%dma_wait3A_119, %dma_wait3A_120] : memref<512x64xf32, #tpu.memory_space<vmem>> -> memref<1x64xf32, #tpu.memory_space<vmem>>
      %dma_wait3A_122 = arith.constant 0 : i32
      %dma_wait3A_123 = arith.constant 0 : i32
      %dma_wait3A_124 = tpu.memref_slice %arg8[%dma_wait3A_122, %dma_wait3A_123] : memref<1000x64xf32, #tpu.memory_space<hbm>> -> memref<1x64xf32, #tpu.memory_space<hbm>>
      %dma_wait3A_125 = arith.constant 5 : i32
      %dma_wait3A_126 = arith.constant 0 : i32
      %dma_wait3A_127 = tpu.memref_slice %arg15[%dma_wait3A_125, %dma_wait3A_126] : memref<512x64xf32, #tpu.memory_space<vmem>> -> memref<1x64xf32, #tpu.memory_space<vmem>>
      %dma_wait3A_128 = arith.constant 0 : i32
      %dma_wait3A_129 = arith.constant 0 : i32
      %dma_wait3A_130 = tpu.memref_slice %arg8[%dma_wait3A_128, %dma_wait3A_129] : memref<1000x64xf32, #tpu.memory_space<hbm>> -> memref<1x64xf32, #tpu.memory_space<hbm>>
      tpu.wait_dma2 semaphore(%arg16 : memref<!tpu.dma_semaphore, #tpu.memory_space<semaphore_mem>>) src(%dma_wait3A_130 : memref<1x64xf32, #tpu.memory_space<hbm>>) dst(%dma_wait3A_127 : memref<1x64xf32, #tpu.memory_space<vmem>>)
      %dma_wait3A_131 = arith.constant 6 : i32
      %dma_wait3A_132 = arith.constant 0 : i32
      %dma_wait3A_133 = tpu.memref_slice %arg15[%dma_wait3A_131, %dma_wait3A_132] : memref<512x64xf32, #tpu.memory_space<vmem>> -> memref<1x64xf32, #tpu.memory_space<vmem>>
      %dma_wait3A_134 = arith.constant 0 : i32
      %dma_wait3A_135 = arith.constant 0 : i32
      %dma_wait3A_136 = tpu.memref_slice %arg8[%dma_wait3A_134, %dma_wait3A_135] : memref<1000x64xf32, #tpu.memory_space<hbm>> -> memref<1x64xf32, #tpu.memory_space<hbm>>
      %dma_wait3A_137 = arith.constant 6 : i32
      %dma_wait3A_138 = arith.constant 0 : i32
      %dma_wait3A_139 = tpu.memref_slice %arg15[%dma_wait3A_137, %dma_wait3A_138] : memref<512x64xf32, #tpu.memory_space<vmem>> -> memref<1x64xf32, #tpu.memory_space<vmem>>
      %dma_wait3A_140 = arith.constant 0 : i32
      %dma_wait3A_141 = arith.constant 0 : i32
      %dma_wait3A_142 = tpu.memref_slice %arg8[%dma_wait3A_140, %dma_wait3A_141] : memref<1000x64xf32, #tpu.memory_space<hbm>> -> memref<1x64xf32, #tpu.memory_space<hbm>>
      tpu.wait_dma2 semaphore(%arg16 : memref<!tpu.dma_semaphore, #tpu.memory_space<semaphore_mem>>) src(%dma_wait3A_142 : memref<1x64xf32, #tpu.memory_space<hbm>>) dst(%dma_wait3A_139 : memref<1x64xf32, #tpu.memory_space<vmem>>)
      %dma_wait3A_143 = arith.constant 7 : i32
      %dma_wait3A_144 = arith.constant 0 : i32
      %dma_wait3A_145 = tpu.memref_slice %arg15[%dma_wait3A_143, %dma_wait3A_144] : memref<512x64xf32, #tpu.memory_space<vmem>> -> memref<1x64xf32, #tpu.memory_space<vmem>>
      %dma_wait3A_146 = arith.constant 0 : i32
      %dma_wait3A_147 = arith.constant 0 : i32
      %dma_wait3A_148 = tpu.memref_slice %arg8[%dma_wait3A_146, %dma_wait3A_147] : memref<1000x64xf32, #tpu.memory_space<hbm>> -> memref<1x64xf32, #tpu.memory_space<hbm>>
      %dma_wait3A_149 = arith.constant 7 : i32
      %dma_wait3A_150 = arith.constant 0 : i32
      %dma_wait3A_151 = tpu.memref_slice %arg15[%dma_wait3A_149, %dma_wait3A_150] : memref<512x64xf32, #tpu.memory_space<vmem>> -> memref<1x64xf32, #tpu.memory_space<vmem>>
      %dma_wait3A_152 = arith.constant 0 : i32
      %dma_wait3A_153 = arith.constant 0 : i32
      %dma_wait3A_154 = tpu.memref_slice %arg8[%dma_wait3A_152, %dma_wait3A_153] : memref<1000x64xf32, #tpu.memory_space<hbm>> -> memref<1x64xf32, #tpu.memory_space<hbm>>
      tpu.wait_dma2 semaphore(%arg16 : memref<!tpu.dma_semaphore, #tpu.memory_space<semaphore_mem>>) src(%dma_wait3A_154 : memref<1x64xf32, #tpu.memory_space<hbm>>) dst(%dma_wait3A_151 : memref<1x64xf32, #tpu.memory_space<vmem>>)
      %dma_wait3A_155 = arith.constant 8 : i32
      %dma_wait3A_156 = arith.constant 0 : i32
      %dma_wait3A_157 = tpu.memref_slice %arg15[%dma_wait3A_155, %dma_wait3A_156] : memref<512x64xf32, #tpu.memory_space<vmem>> -> memref<1x64xf32, #tpu.memory_space<vmem>>
      %dma_wait3A_158 = arith.constant 0 : i32
      %dma_wait3A_159 = arith.constant 0 : i32
      %dma_wait3A_160 = tpu.memref_slice %arg8[%dma_wait3A_158, %dma_wait3A_159] : memref<1000x64xf32, #tpu.memory_space<hbm>> -> memref<1x64xf32, #tpu.memory_space<hbm>>
      %dma_wait3A_161 = arith.constant 8 : i32
      %dma_wait3A_162 = arith.constant 0 : i32
      %dma_wait3A_163 = tpu.memref_slice %arg15[%dma_wait3A_161, %dma_wait3A_162] : memref<512x64xf32, #tpu.memory_space<vmem>> -> memref<1x64xf32, #tpu.memory_space<vmem>>
      %dma_wait3A_164 = arith.constant 0 : i32
      %dma_wait3A_165 = arith.constant 0 : i32
      %dma_wait3A_166 = tpu.memref_slice %arg8[%dma_wait3A_164, %dma_wait3A_165] : memref<1000x64xf32, #tpu.memory_space<hbm>> -> memref<1x64xf32, #tpu.memory_space<hbm>>
      tpu.wait_dma2 semaphore(%arg16 : memref<!tpu.dma_semaphore, #tpu.memory_space<semaphore_mem>>) src(%dma_wait3A_166 : memref<1x64xf32, #tpu.memory_space<hbm>>) dst(%dma_wait3A_163 : memref<1x64xf32, #tpu.memory_space<vmem>>)
      %dma_wait3A_167 = arith.constant 9 : i32
      %dma_wait3A_168 = arith.constant 0 : i32
      %dma_wait3A_169 = tpu.memref_slice %arg15[%dma_wait3A_167, %dma_wait3A_168] : memref<512x64xf32, #tpu.memory_space<vmem>> -> memref<1x64xf32, #tpu.memory_space<vmem>>
      %dma_wait3A_170 = arith.constant 0 : i32
      %dma_wait3A_171 = arith.constant 0 : i32
      %dma_wait3A_172 = tpu.memref_slice %arg8[%dma_wait3A_170, %dma_wait3A_171] : memref<1000x64xf32, #tpu.memory_space<hbm>> -> memref<1x64xf32, #tpu.memory_space<hbm>>
      %dma_wait3A_173 = arith.constant 9 : i32
      %dma_wait3A_174 = arith.constant 0 : i32
      %dma_wait3A_175 = tpu.memref_slice %arg15[%dma_wait3A_173, %dma_wait3A_174] : memref<512x64xf32, #tpu.memory_space<vmem>> -> memref<1x64xf32, #tpu.memory_space<vmem>>
      %dma_wait3A_176 = arith.constant 0 : i32
      %dma_wait3A_177 = arith.constant 0 : i32
      %dma_wait3A_178 = tpu.memref_slice %arg8[%dma_wait3A_176, %dma_wait3A_177] : memref<1000x64xf32, #tpu.memory_space<hbm>> -> memref<1x64xf32, #tpu.memory_space<hbm>>
      tpu.wait_dma2 semaphore(%arg16 : memref<!tpu.dma_semaphore, #tpu.memory_space<semaphore_mem>>) src(%dma_wait3A_178 : memref<1x64xf32, #tpu.memory_space<hbm>>) dst(%dma_wait3A_175 : memref<1x64xf32, #tpu.memory_space<vmem>>)
      %dma_wait3A_179 = arith.constant 10 : i32
      %dma_wait3A_180 = arith.constant 0 : i32
      %dma_wait3A_181 = tpu.memref_slice %arg15[%dma_wait3A_179, %dma_wait3A_180] : memref<512x64xf32, #tpu.memory_space<vmem>> -> memref<1x64xf32, #tpu.memory_space<vmem>>
      %dma_wait3A_182 = arith.constant 0 : i32
      %dma_wait3A_183 = arith.constant 0 : i32
      %dma_wait3A_184 = tpu.memref_slice %arg8[%dma_wait3A_182, %dma_wait3A_183] : memref<1000x64xf32, #tpu.memory_space<hbm>> -> memref<1x64xf32, #tpu.memory_space<hbm>>
      %dma_wait3A_185 = arith.constant 10 : i32
      %dma_wait3A_186 = arith.constant 0 : i32
      %dma_wait3A_187 = tpu.memref_slice %arg15[%dma_wait3A_185, %dma_wait3A_186] : memref<512x64xf32, #tpu.memory_space<vmem>> -> memref<1x64xf32, #tpu.memory_space<vmem>>
      %dma_wait3A_188 = arith.constant 0 : i32
      %dma_wait3A_189 = arith.constant 0 : i32
      %dma_wait3A_190 = tpu.memref_slice %arg8[%dma_wait3A_188, %dma_wait3A_189] : memref<1000x64xf32, #tpu.memory_space<hbm>> -> memref<1x64xf32, #tpu.memory_space<hbm>>
      tpu.wait_dma2 semaphore(%arg16 : memref<!tpu.dma_semaphore, #tpu.memory_space<semaphore_mem>>) src(%dma_wait3A_190 : memref<1x64xf32, #tpu.memory_space<hbm>>) dst(%dma_wait3A_187 : memref<1x64xf32, #tpu.memory_space<vmem>>)
      %dma_wait3A_191 = arith.constant 11 : i32
      %dma_wait3A_192 = arith.constant 0 : i32
      %dma_wait3A_193 = tpu.memref_slice %arg15[%dma_wait3A_191, %dma_wait3A_192] : memref<512x64xf32, #tpu.memory_space<vmem>> -> memref<1x64xf32, #tpu.memory_space<vmem>>
      %dma_wait3A_194 = arith.constant 0 : i32
      %dma_wait3A_195 = arith.constant 0 : i32
      %dma_wait3A_196 = tpu.memref_slice %arg8[%dma_wait3A_194, %dma_wait3A_195] : memref<1000x64xf32, #tpu.memory_space<hbm>> -> memref<1x64xf32, #tpu.memory_space<hbm>>
      %dma_wait3A_197 = arith.constant 11 : i32
      %dma_wait3A_198 = arith.constant 0 : i32
      %dma_wait3A_199 = tpu.memref_slice %arg15[%dma_wait3A_197, %dma_wait3A_198] : memref<512x64xf32, #tpu.memory_space<vmem>> -> memref<1x64xf32, #tpu.memory_space<vmem>>
      %dma_wait3A_200 = arith.constant 0 : i32
      %dma_wait3A_201 = arith.constant 0 : i32
      %dma_wait3A_202 = tpu.memref_slice %arg8[%dma_wait3A_200, %dma_wait3A_201] : memref<1000x64xf32, #tpu.memory_space<hbm>> -> memref<1x64xf32, #tpu.memory_space<hbm>>
      tpu.wait_dma2 semaphore(%arg16 : memref<!tpu.dma_semaphore, #tpu.memory_space<semaphore_mem>>) src(%dma_wait3A_202 : memref<1x64xf32, #tpu.memory_space<hbm>>) dst(%dma_wait3A_199 : memref<1x64xf32, #tpu.memory_space<vmem>>)
      %dma_wait3A_203 = arith.constant 12 : i32
      %dma_wait3A_204 = arith.constant 0 : i32
      %dma_wait3A_205 = tpu.memref_slice %arg15[%dma_wait3A_203, %dma_wait3A_204] : memref<512x64xf32, #tpu.memory_space<vmem>> -> memref<1x64xf32, #tpu.memory_space<vmem>>
      %dma_wait3A_206 = arith.constant 0 : i32
      %dma_wait3A_207 = arith.constant 0 : i32
      %dma_wait3A_208 = tpu.memref_slice %arg8[%dma_wait3A_206, %dma_wait3A_207] : memref<1000x64xf32, #tpu.memory_space<hbm>> -> memref<1x64xf32, #tpu.memory_space<hbm>>
      %dma_wait3A_209 = arith.constant 12 : i32
      %dma_wait3A_210 = arith.constant 0 : i32
      %dma_wait3A_211 = tpu.memref_slice %arg15[%dma_wait3A_209, %dma_wait3A_210] : memref<512x64xf32, #tpu.memory_space<vmem>> -> memref<1x64xf32, #tpu.memory_space<vmem>>
      %dma_wait3A_212 = arith.constant 0 : i32
      %dma_wait3A_213 = arith.constant 0 : i32
      %dma_wait3A_214 = tpu.memref_slice %arg8[%dma_wait3A_212, %dma_wait3A_213] : memref<1000x64xf32, #tpu.memory_space<hbm>> -> memref<1x64xf32, #tpu.memory_space<hbm>>
      tpu.wait_dma2 semaphore(%arg16 : memref<!tpu.dma_semaphore, #tpu.memory_space<semaphore_mem>>) src(%dma_wait3A_214 : memref<1x64xf32, #tpu.memory_space<hbm>>) dst(%dma_wait3A_211 : memref<1x64xf32, #tpu.memory_space<vmem>>)
      %dma_wait3A_215 = arith.constant 13 : i32
      %dma_wait3A_216 = arith.constant 0 : i32
      %dma_wait3A_217 = tpu.memref_slice %arg15[%dma_wait3A_215, %dma_wait3A_216] : memref<512x64xf32, #tpu.memory_space<vmem>> -> memref<1x64xf32, #tpu.memory_space<vmem>>
      %dma_wait3A_218 = arith.constant 0 : i32
      %dma_wait3A_219 = arith.constant 0 : i32
      %dma_wait3A_220 = tpu.memref_slice %arg8[%dma_wait3A_218, %dma_wait3A_219] : memref<1000x64xf32, #tpu.memory_space<hbm>> -> memref<1x64xf32, #tpu.memory_space<hbm>>
      %dma_wait3A_221 = arith.constant 13 : i32
      %dma_wait3A_222 = arith.constant 0 : i32
      %dma_wait3A_223 = tpu.memref_slice %arg15[%dma_wait3A_221, %dma_wait3A_222] : memref<512x64xf32, #tpu.memory_space<vmem>> -> memref<1x64xf32, #tpu.memory_space<vmem>>
      %dma_wait3A_224 = arith.constant 0 : i32
      %dma_wait3A_225 = arith.constant 0 : i32
      %dma_wait3A_226 = tpu.memref_slice %arg8[%dma_wait3A_224, %dma_wait3A_225] : memref<1000x64xf32, #tpu.memory_space<hbm>> -> memref<1x64xf32, #tpu.memory_space<hbm>>
      tpu.wait_dma2 semaphore(%arg16 : memref<!tpu.dma_semaphore, #tpu.memory_space<semaphore_mem>>) src(%dma_wait3A_226 : memref<1x64xf32, #tpu.memory_space<hbm>>) dst(%dma_wait3A_223 : memref<1x64xf32, #tpu.memory_space<vmem>>)
      %dma_wait3A_227 = arith.constant 14 : i32
      %dma_wait3A_228 = arith.constant 0 : i32
      %dma_wait3A_229 = tpu.memref_slice %arg15[%dma_wait3A_227, %dma_wait3A_228] : memref<512x64xf32, #tpu.memory_space<vmem>> -> memref<1x64xf32, #tpu.memory_space<vmem>>
      %dma_wait3A_230 = arith.constant 0 : i32
      %dma_wait3A_231 = arith.constant 0 : i32
      %dma_wait3A_232 = tpu.memref_slice %arg8[%dma_wait3A_230, %dma_wait3A_231] : memref<1000x64xf32, #tpu.memory_space<hbm>> -> memref<1x64xf32, #tpu.memory_space<hbm>>
      %dma_wait3A_233 = arith.constant 14 : i32
      %dma_wait3A_234 = arith.constant 0 : i32
      %dma_wait3A_235 = tpu.memref_slice %arg15[%dma_wait3A_233, %dma_wait3A_234] : memref<512x64xf32, #tpu.memory_space<vmem>> -> memref<1x64xf32, #tpu.memory_space<vmem>>
      %dma_wait3A_236 = arith.constant 0 : i32
      %dma_wait3A_237 = arith.constant 0 : i32
      %dma_wait3A_238 = tpu.memref_slice %arg8[%dma_wait3A_236, %dma_wait3A_237] : memref<1000x64xf32, #tpu.memory_space<hbm>> -> memref<1x64xf32, #tpu.memory_space<hbm>>
      tpu.wait_dma2 semaphore(%arg16 : memref<!tpu.dma_semaphore, #tpu.memory_space<semaphore_mem>>) src(%dma_wait3A_238 : memref<1x64xf32, #tpu.memory_space<hbm>>) dst(%dma_wait3A_235 : memref<1x64xf32, #tpu.memory_space<vmem>>)
      %dma_wait3A_239 = arith.constant 15 : i32
      %dma_wait3A_240 = arith.constant 0 : i32
      %dma_wait3A_241 = tpu.memref_slice %arg15[%dma_wait3A_239, %dma_wait3A_240] : memref<512x64xf32, #tpu.memory_space<vmem>> -> memref<1x64xf32, #tpu.memory_space<vmem>>
      %dma_wait3A_242 = arith.constant 0 : i32
      %dma_wait3A_243 = arith.constant 0 : i32
      %dma_wait3A_244 = tpu.memref_slice %arg8[%dma_wait3A_242, %dma_wait3A_243] : memref<1000x64xf32, #tpu.memory_space<hbm>> -> memref<1x64xf32, #tpu.memory_space<hbm>>
      %dma_wait3A_245 = arith.constant 15 : i32
      %dma_wait3A_246 = arith.constant 0 : i32
      %dma_wait3A_247 = tpu.memref_slice %arg15[%dma_wait3A_245, %dma_wait3A_246] : memref<512x64xf32, #tpu.memory_space<vmem>> -> memref<1x64xf32, #tpu.memory_space<vmem>>
      %dma_wait3A_248 = arith.constant 0 : i32
      %dma_wait3A_249 = arith.constant 0 : i32
      %dma_wait3A_250 = tpu.memref_slice %arg8[%dma_wait3A_248, %dma_wait3A_249] : memref<1000x64xf32, #tpu.memory_space<hbm>> -> memref<1x64xf32, #tpu.memory_space<hbm>>
      tpu.wait_dma2 semaphore(%arg16 : memref<!tpu.dma_semaphore, #tpu.memory_space<semaphore_mem>>) src(%dma_wait3A_250 : memref<1x64xf32, #tpu.memory_space<hbm>>) dst(%dma_wait3A_247 : memref<1x64xf32, #tpu.memory_space<vmem>>)
      %scan3A_251 = arith.constant 0 : i32
      scf.yield %scan3A_251 : i32
    }
    %scan3A_43 = arith.constant 4 : i32
    "tpu.region"() ({
      %run_scoped3A = tpu.sem_alloc : memref<!tpu.dma_semaphore, #tpu.memory_space<semaphore_mem>>
      %dma_start3A = arith.constant 0 : i32
      %dma_start3A_58 = tpu.memref_slice %arg12[%mul3A_2, %dma_start3A] : memref<16384x64xf32, #tpu.memory_space<hbm>> -> memref<512x64xf32, #tpu.memory_space<hbm>>
      %dma_start3A_59 = arith.constant 0 : i32
      %dma_start3A_60 = tpu.memref_slice %arg12[%mul3A_2, %dma_start3A_59] : memref<16384x64xf32, #tpu.memory_space<hbm>> -> memref<512x64xf32, #tpu.memory_space<hbm>>
      tpu.enqueue_dma source(%arg15 : memref<512x64xf32, #tpu.memory_space<vmem>>) target(%dma_start3A_60 : memref<512x64xf32, #tpu.memory_space<hbm>>) target_semaphore(%run_scoped3A : memref<!tpu.dma_semaphore, #tpu.memory_space<semaphore_mem>>)
      %dma_wait3A = arith.constant 0 : i32
      %dma_wait3A_61 = tpu.memref_slice %arg12[%mul3A_2, %dma_wait3A] : memref<16384x64xf32, #tpu.memory_space<hbm>> -> memref<512x64xf32, #tpu.memory_space<hbm>>
      %dma_wait3A_62 = arith.constant 0 : i32
      %dma_wait3A_63 = tpu.memref_slice %arg12[%mul3A_2, %dma_wait3A_62] : memref<16384x64xf32, #tpu.memory_space<hbm>> -> memref<512x64xf32, #tpu.memory_space<hbm>>
      tpu.wait_dma2 semaphore(%run_scoped3A : memref<!tpu.dma_semaphore, #tpu.memory_space<semaphore_mem>>) src(%arg15 : memref<512x64xf32, #tpu.memory_space<vmem>>) dst(%dma_wait3A_63 : memref<512x64xf32, #tpu.memory_space<hbm>>)
      tpu.yield
    }) : () -> ()
    "tpu.region"() ({
      %run_scoped3A = tpu.sem_alloc : memref<!tpu.dma_semaphore, #tpu.memory_space<semaphore_mem>>
      %dma_start3A = tpu.memref_slice %arg5[%mul3A_2] : memref<16384xi32, #tpu.memory_space<hbm>> -> memref<512xi32, #tpu.memory_space<hbm>>
      %dma_start3A_58 = tpu.memref_slice %arg5[%mul3A_2] : memref<16384xi32, #tpu.memory_space<hbm>> -> memref<512xi32, #tpu.memory_space<hbm>>
      tpu.enqueue_dma source(%dma_start3A_58 : memref<512xi32, #tpu.memory_space<hbm>>) target(%arg14 : memref<512xi32, #tpu.memory_space<vmem>>) target_semaphore(%run_scoped3A : memref<!tpu.dma_semaphore, #tpu.memory_space<semaphore_mem>>)
      %dma_wait3A = tpu.memref_slice %arg5[%mul3A_2] : memref<16384xi32, #tpu.memory_space<hbm>> -> memref<512xi32, #tpu.memory_space<hbm>>
      %dma_wait3A_59 = tpu.memref_slice %arg5[%mul3A_2] : memref<16384xi32, #tpu.memory_space<hbm>> -> memref<512xi32, #tpu.memory_space<hbm>>
      tpu.wait_dma2 semaphore(%run_scoped3A : memref<!tpu.dma_semaphore, #tpu.memory_space<semaphore_mem>>) src(%dma_wait3A_59 : memref<512xi32, #tpu.memory_space<hbm>>) dst(%arg14 : memref<512xi32, #tpu.memory_space<vmem>>)
      tpu.yield
    }) : () -> ()
    %scan3A_44 = arith.constant 0 : i32
    %scan3A_45 = arith.constant 0 : i32
    %scan3A_46 = arith.constant 32 : i32
    %scan3A_47 = arith.addi %scan3A_45, %scan3A_46 : i32
    %scan3A_48 = arith.constant 1 : i32
    %scan3A_49 = scf.for %scan3A_58 = %scan3A_45 to %scan3A_47 step %scan3A_48 iter_args(%scan3A_59 = %scan3A_44) -> (i32)  : i32 {
      %mul3A_60 = arith.constant 16 : i32
      %mul3A_61 = arith.muli %scan3A_58, %mul3A_60 : i32
      %get3A = arith.index_cast %mul3A_61 : i32 to index
      %get3A_62 = tpu.vector_load %arg14[%get3A] {strides = array<i32>} : memref<512xi32, #tpu.memory_space<vmem>>, vector<16xi32>,
      %get3A_63 = vector.shape_cast %get3A_62 : vector<16xi32> to vector<16xi32>
      %slice3A = vector.extract_strided_slice %get3A_63 {offsets = [0], sizes = [1], strides = [1]} : vector<16xi32> to vector<1xi32>
      %squeeze3A = vector.extract %slice3A[0] : i32 from vector<1xi32>
      %mul3A_64 = arith.constant 16 : i32
      %mul3A_65 = arith.muli %scan3A_58, %mul3A_64 : i32
      %add3A_66 = arith.constant 0 : i32
      %add3A_67 = arith.addi %mul3A_65, %add3A_66 : i32
      %dma_start3A = arith.constant 0 : i32
      %dma_start3A_68 = tpu.memref_slice %arg15[%add3A_67, %dma_start3A] : memref<512x64xf32, #tpu.memory_space<vmem>> -> memref<1x64xf32, #tpu.memory_space<vmem>>
      %dma_start3A_69 = arith.constant 0 : i32
      %dma_start3A_70 = tpu.memref_slice %arg9[%squeeze3A, %dma_start3A_69] : memref<200x64xf32, #tpu.memory_space<hbm>> -> memref<1x64xf32, #tpu.memory_space<hbm>>
      %dma_start3A_71 = arith.constant 0 : i32
      %dma_start3A_72 = tpu.memref_slice %arg15[%add3A_67, %dma_start3A_71] : memref<512x64xf32, #tpu.memory_space<vmem>> -> memref<1x64xf32, #tpu.memory_space<vmem>>
      %dma_start3A_73 = arith.constant 0 : i32
      %dma_start3A_74 = tpu.memref_slice %arg9[%squeeze3A, %dma_start3A_73] : memref<200x64xf32, #tpu.memory_space<hbm>> -> memref<1x64xf32, #tpu.memory_space<hbm>>
      tpu.enqueue_dma source(%dma_start3A_74 : memref<1x64xf32, #tpu.memory_space<hbm>>) target(%dma_start3A_72 : memref<1x64xf32, #tpu.memory_space<vmem>>) target_semaphore(%arg16 : memref<!tpu.dma_semaphore, #tpu.memory_space<semaphore_mem>>)
      %slice3A_75 = vector.extract_strided_slice %get3A_63 {offsets = [1], sizes = [1], strides = [1]} : vector<16xi32> to vector<1xi32>
      %squeeze3A_76 = vector.extract %slice3A_75[0] : i32 from vector<1xi32>
      %mul3A_77 = arith.constant 16 : i32
      %mul3A_78 = arith.muli %scan3A_58, %mul3A_77 : i32
      %add3A_79 = arith.constant 1 : i32
      %add3A_80 = arith.addi %mul3A_78, %add3A_79 : i32
      %dma_start3A_81 = arith.constant 0 : i32
      %dma_start3A_82 = tpu.memref_slice %arg15[%add3A_80, %dma_start3A_81] : memref<512x64xf32, #tpu.memory_space<vmem>> -> memref<1x64xf32, #tpu.memory_space<vmem>>
      %dma_start3A_83 = arith.constant 0 : i32
      %dma_start3A_84 = tpu.memref_slice %arg9[%squeeze3A_76, %dma_start3A_83] : memref<200x64xf32, #tpu.memory_space<hbm>> -> memref<1x64xf32, #tpu.memory_space<hbm>>
      %dma_start3A_85 = arith.constant 0 : i32
      %dma_start3A_86 = tpu.memref_slice %arg15[%add3A_80, %dma_start3A_85] : memref<512x64xf32, #tpu.memory_space<vmem>> -> memref<1x64xf32, #tpu.memory_space<vmem>>
      %dma_start3A_87 = arith.constant 0 : i32
      %dma_start3A_88 = tpu.memref_slice %arg9[%squeeze3A_76, %dma_start3A_87] : memref<200x64xf32, #tpu.memory_space<hbm>> -> memref<1x64xf32, #tpu.memory_space<hbm>>
      tpu.enqueue_dma source(%dma_start3A_88 : memref<1x64xf32, #tpu.memory_space<hbm>>) target(%dma_start3A_86 : memref<1x64xf32, #tpu.memory_space<vmem>>) target_semaphore(%arg16 : memref<!tpu.dma_semaphore, #tpu.memory_space<semaphore_mem>>)
      %slice3A_89 = vector.extract_strided_slice %get3A_63 {offsets = [2], sizes = [1], strides = [1]} : vector<16xi32> to vector<1xi32>
      %squeeze3A_90 = vector.extract %slice3A_89[0] : i32 from vector<1xi32>
      %mul3A_91 = arith.constant 16 : i32
      %mul3A_92 = arith.muli %scan3A_58, %mul3A_91 : i32
      %add3A_93 = arith.constant 2 : i32
      %add3A_94 = arith.addi %mul3A_92, %add3A_93 : i32
      %dma_start3A_95 = arith.constant 0 : i32
      %dma_start3A_96 = tpu.memref_slice %arg15[%add3A_94, %dma_start3A_95] : memref<512x64xf32, #tpu.memory_space<vmem>> -> memref<1x64xf32, #tpu.memory_space<vmem>>
      %dma_start3A_97 = arith.constant 0 : i32
      %dma_start3A_98 = tpu.memref_slice %arg9[%squeeze3A_90, %dma_start3A_97] : memref<200x64xf32, #tpu.memory_space<hbm>> -> memref<1x64xf32, #tpu.memory_space<hbm>>
      %dma_start3A_99 = arith.constant 0 : i32
      %dma_start3A_100 = tpu.memref_slice %arg15[%add3A_94, %dma_start3A_99] : memref<512x64xf32, #tpu.memory_space<vmem>> -> memref<1x64xf32, #tpu.memory_space<vmem>>
      %dma_start3A_101 = arith.constant 0 : i32
      %dma_start3A_102 = tpu.memref_slice %arg9[%squeeze3A_90, %dma_start3A_101] : memref<200x64xf32, #tpu.memory_space<hbm>> -> memref<1x64xf32, #tpu.memory_space<hbm>>
      tpu.enqueue_dma source(%dma_start3A_102 : memref<1x64xf32, #tpu.memory_space<hbm>>) target(%dma_start3A_100 : memref<1x64xf32, #tpu.memory_space<vmem>>) target_semaphore(%arg16 : memref<!tpu.dma_semaphore, #tpu.memory_space<semaphore_mem>>)
      %slice3A_103 = vector.extract_strided_slice %get3A_63 {offsets = [3], sizes = [1], strides = [1]} : vector<16xi32> to vector<1xi32>
      %squeeze3A_104 = vector.extract %slice3A_103[0] : i32 from vector<1xi32>
      %mul3A_105 = arith.constant 16 : i32
      %mul3A_106 = arith.muli %scan3A_58, %mul3A_105 : i32
      %add3A_107 = arith.constant 3 : i32
      %add3A_108 = arith.addi %mul3A_106, %add3A_107 : i32
      %dma_start3A_109 = arith.constant 0 : i32
      %dma_start3A_110 = tpu.memref_slice %arg15[%add3A_108, %dma_start3A_109] : memref<512x64xf32, #tpu.memory_space<vmem>> -> memref<1x64xf32, #tpu.memory_space<vmem>>
      %dma_start3A_111 = arith.constant 0 : i32
      %dma_start3A_112 = tpu.memref_slice %arg9[%squeeze3A_104, %dma_start3A_111] : memref<200x64xf32, #tpu.memory_space<hbm>> -> memref<1x64xf32, #tpu.memory_space<hbm>>
      %dma_start3A_113 = arith.constant 0 : i32
      %dma_start3A_114 = tpu.memref_slice %arg15[%add3A_108, %dma_start3A_113] : memref<512x64xf32, #tpu.memory_space<vmem>> -> memref<1x64xf32, #tpu.memory_space<vmem>>
      %dma_start3A_115 = arith.constant 0 : i32
      %dma_start3A_116 = tpu.memref_slice %arg9[%squeeze3A_104, %dma_start3A_115] : memref<200x64xf32, #tpu.memory_space<hbm>> -> memref<1x64xf32, #tpu.memory_space<hbm>>
      tpu.enqueue_dma source(%dma_start3A_116 : memref<1x64xf32, #tpu.memory_space<hbm>>) target(%dma_start3A_114 : memref<1x64xf32, #tpu.memory_space<vmem>>) target_semaphore(%arg16 : memref<!tpu.dma_semaphore, #tpu.memory_space<semaphore_mem>>)
      %slice3A_117 = vector.extract_strided_slice %get3A_63 {offsets = [4], sizes = [1], strides = [1]} : vector<16xi32> to vector<1xi32>
      %squeeze3A_118 = vector.extract %slice3A_117[0] : i32 from vector<1xi32>
      %mul3A_119 = arith.constant 16 : i32
      %mul3A_120 = arith.muli %scan3A_58, %mul3A_119 : i32
      %add3A_121 = arith.constant 4 : i32
      %add3A_122 = arith.addi %mul3A_120, %add3A_121 : i32
      %dma_start3A_123 = arith.constant 0 : i32
      %dma_start3A_124 = tpu.memref_slice %arg15[%add3A_122, %dma_start3A_123] : memref<512x64xf32, #tpu.memory_space<vmem>> -> memref<1x64xf32, #tpu.memory_space<vmem>>
      %dma_start3A_125 = arith.constant 0 : i32
      %dma_start3A_126 = tpu.memref_slice %arg9[%squeeze3A_118, %dma_start3A_125] : memref<200x64xf32, #tpu.memory_space<hbm>> -> memref<1x64xf32, #tpu.memory_space<hbm>>
      %dma_start3A_127 = arith.constant 0 : i32
      %dma_start3A_128 = tpu.memref_slice %arg15[%add3A_122, %dma_start3A_127] : memref<512x64xf32, #tpu.memory_space<vmem>> -> memref<1x64xf32, #tpu.memory_space<vmem>>
      %dma_start3A_129 = arith.constant 0 : i32
      %dma_start3A_130 = tpu.memref_slice %arg9[%squeeze3A_118, %dma_start3A_129] : memref<200x64xf32, #tpu.memory_space<hbm>> -> memref<1x64xf32, #tpu.memory_space<hbm>>
      tpu.enqueue_dma source(%dma_start3A_130 : memref<1x64xf32, #tpu.memory_space<hbm>>) target(%dma_start3A_128 : memref<1x64xf32, #tpu.memory_space<vmem>>) target_semaphore(%arg16 : memref<!tpu.dma_semaphore, #tpu.memory_space<semaphore_mem>>)
      %slice3A_131 = vector.extract_strided_slice %get3A_63 {offsets = [5], sizes = [1], strides = [1]} : vector<16xi32> to vector<1xi32>
      %squeeze3A_132 = vector.extract %slice3A_131[0] : i32 from vector<1xi32>
      %mul3A_133 = arith.constant 16 : i32
      %mul3A_134 = arith.muli %scan3A_58, %mul3A_133 : i32
      %add3A_135 = arith.constant 5 : i32
      %add3A_136 = arith.addi %mul3A_134, %add3A_135 : i32
      %dma_start3A_137 = arith.constant 0 : i32
      %dma_start3A_138 = tpu.memref_slice %arg15[%add3A_136, %dma_start3A_137] : memref<512x64xf32, #tpu.memory_space<vmem>> -> memref<1x64xf32, #tpu.memory_space<vmem>>
      %dma_start3A_139 = arith.constant 0 : i32
      %dma_start3A_140 = tpu.memref_slice %arg9[%squeeze3A_132, %dma_start3A_139] : memref<200x64xf32, #tpu.memory_space<hbm>> -> memref<1x64xf32, #tpu.memory_space<hbm>>
      %dma_start3A_141 = arith.constant 0 : i32
      %dma_start3A_142 = tpu.memref_slice %arg15[%add3A_136, %dma_start3A_141] : memref<512x64xf32, #tpu.memory_space<vmem>> -> memref<1x64xf32, #tpu.memory_space<vmem>>
      %dma_start3A_143 = arith.constant 0 : i32
      %dma_start3A_144 = tpu.memref_slice %arg9[%squeeze3A_132, %dma_start3A_143] : memref<200x64xf32, #tpu.memory_space<hbm>> -> memref<1x64xf32, #tpu.memory_space<hbm>>
      tpu.enqueue_dma source(%dma_start3A_144 : memref<1x64xf32, #tpu.memory_space<hbm>>) target(%dma_start3A_142 : memref<1x64xf32, #tpu.memory_space<vmem>>) target_semaphore(%arg16 : memref<!tpu.dma_semaphore, #tpu.memory_space<semaphore_mem>>)
      %slice3A_145 = vector.extract_strided_slice %get3A_63 {offsets = [6], sizes = [1], strides = [1]} : vector<16xi32> to vector<1xi32>
      %squeeze3A_146 = vector.extract %slice3A_145[0] : i32 from vector<1xi32>
      %mul3A_147 = arith.constant 16 : i32
      %mul3A_148 = arith.muli %scan3A_58, %mul3A_147 : i32
      %add3A_149 = arith.constant 6 : i32
      %add3A_150 = arith.addi %mul3A_148, %add3A_149 : i32
      %dma_start3A_151 = arith.constant 0 : i32
      %dma_start3A_152 = tpu.memref_slice %arg15[%add3A_150, %dma_start3A_151] : memref<512x64xf32, #tpu.memory_space<vmem>> -> memref<1x64xf32, #tpu.memory_space<vmem>>
      %dma_start3A_153 = arith.constant 0 : i32
      %dma_start3A_154 = tpu.memref_slice %arg9[%squeeze3A_146, %dma_start3A_153] : memref<200x64xf32, #tpu.memory_space<hbm>> -> memref<1x64xf32, #tpu.memory_space<hbm>>
      %dma_start3A_155 = arith.constant 0 : i32
      %dma_start3A_156 = tpu.memref_slice %arg15[%add3A_150, %dma_start3A_155] : memref<512x64xf32, #tpu.memory_space<vmem>> -> memref<1x64xf32, #tpu.memory_space<vmem>>
      %dma_start3A_157 = arith.constant 0 : i32
      %dma_start3A_158 = tpu.memref_slice %arg9[%squeeze3A_146, %dma_start3A_157] : memref<200x64xf32, #tpu.memory_space<hbm>> -> memref<1x64xf32, #tpu.memory_space<hbm>>
      tpu.enqueue_dma source(%dma_start3A_158 : memref<1x64xf32, #tpu.memory_space<hbm>>) target(%dma_start3A_156 : memref<1x64xf32, #tpu.memory_space<vmem>>) target_semaphore(%arg16 : memref<!tpu.dma_semaphore, #tpu.memory_space<semaphore_mem>>)
      %slice3A_159 = vector.extract_strided_slice %get3A_63 {offsets = [7], sizes = [1], strides = [1]} : vector<16xi32> to vector<1xi32>
      %squeeze3A_160 = vector.extract %slice3A_159[0] : i32 from vector<1xi32>
      %mul3A_161 = arith.constant 16 : i32
      %mul3A_162 = arith.muli %scan3A_58, %mul3A_161 : i32
      %add3A_163 = arith.constant 7 : i32
      %add3A_164 = arith.addi %mul3A_162, %add3A_163 : i32
      %dma_start3A_165 = arith.constant 0 : i32
      %dma_start3A_166 = tpu.memref_slice %arg15[%add3A_164, %dma_start3A_165] : memref<512x64xf32, #tpu.memory_space<vmem>> -> memref<1x64xf32, #tpu.memory_space<vmem>>
      %dma_start3A_167 = arith.constant 0 : i32
      %dma_start3A_168 = tpu.memref_slice %arg9[%squeeze3A_160, %dma_start3A_167] : memref<200x64xf32, #tpu.memory_space<hbm>> -> memref<1x64xf32, #tpu.memory_space<hbm>>
      %dma_start3A_169 = arith.constant 0 : i32
      %dma_start3A_170 = tpu.memref_slice %arg15[%add3A_164, %dma_start3A_169] : memref<512x64xf32, #tpu.memory_space<vmem>> -> memref<1x64xf32, #tpu.memory_space<vmem>>
      %dma_start3A_171 = arith.constant 0 : i32
      %dma_start3A_172 = tpu.memref_slice %arg9[%squeeze3A_160, %dma_start3A_171] : memref<200x64xf32, #tpu.memory_space<hbm>> -> memref<1x64xf32, #tpu.memory_space<hbm>>
      tpu.enqueue_dma source(%dma_start3A_172 : memref<1x64xf32, #tpu.memory_space<hbm>>) target(%dma_start3A_170 : memref<1x64xf32, #tpu.memory_space<vmem>>) target_semaphore(%arg16 : memref<!tpu.dma_semaphore, #tpu.memory_space<semaphore_mem>>)
      %slice3A_173 = vector.extract_strided_slice %get3A_63 {offsets = [8], sizes = [1], strides = [1]} : vector<16xi32> to vector<1xi32>
      %squeeze3A_174 = vector.extract %slice3A_173[0] : i32 from vector<1xi32>
      %mul3A_175 = arith.constant 16 : i32
      %mul3A_176 = arith.muli %scan3A_58, %mul3A_175 : i32
      %add3A_177 = arith.constant 8 : i32
      %add3A_178 = arith.addi %mul3A_176, %add3A_177 : i32
      %dma_start3A_179 = arith.constant 0 : i32
      %dma_start3A_180 = tpu.memref_slice %arg15[%add3A_178, %dma_start3A_179] : memref<512x64xf32, #tpu.memory_space<vmem>> -> memref<1x64xf32, #tpu.memory_space<vmem>>
      %dma_start3A_181 = arith.constant 0 : i32
      %dma_start3A_182 = tpu.memref_slice %arg9[%squeeze3A_174, %dma_start3A_181] : memref<200x64xf32, #tpu.memory_space<hbm>> -> memref<1x64xf32, #tpu.memory_space<hbm>>
      %dma_start3A_183 = arith.constant 0 : i32
      %dma_start3A_184 = tpu.memref_slice %arg15[%add3A_178, %dma_start3A_183] : memref<512x64xf32, #tpu.memory_space<vmem>> -> memref<1x64xf32, #tpu.memory_space<vmem>>
      %dma_start3A_185 = arith.constant 0 : i32
      %dma_start3A_186 = tpu.memref_slice %arg9[%squeeze3A_174, %dma_start3A_185] : memref<200x64xf32, #tpu.memory_space<hbm>> -> memref<1x64xf32, #tpu.memory_space<hbm>>
      tpu.enqueue_dma source(%dma_start3A_186 : memref<1x64xf32, #tpu.memory_space<hbm>>) target(%dma_start3A_184 : memref<1x64xf32, #tpu.memory_space<vmem>>) target_semaphore(%arg16 : memref<!tpu.dma_semaphore, #tpu.memory_space<semaphore_mem>>)
      %slice3A_187 = vector.extract_strided_slice %get3A_63 {offsets = [9], sizes = [1], strides = [1]} : vector<16xi32> to vector<1xi32>
      %squeeze3A_188 = vector.extract %slice3A_187[0] : i32 from vector<1xi32>
      %mul3A_189 = arith.constant 16 : i32
      %mul3A_190 = arith.muli %scan3A_58, %mul3A_189 : i32
      %add3A_191 = arith.constant 9 : i32
      %add3A_192 = arith.addi %mul3A_190, %add3A_191 : i32
      %dma_start3A_193 = arith.constant 0 : i32
      %dma_start3A_194 = tpu.memref_slice %arg15[%add3A_192, %dma_start3A_193] : memref<512x64xf32, #tpu.memory_space<vmem>> -> memref<1x64xf32, #tpu.memory_space<vmem>>
      %dma_start3A_195 = arith.constant 0 : i32
      %dma_start3A_196 = tpu.memref_slice %arg9[%squeeze3A_188, %dma_start3A_195] : memref<200x64xf32, #tpu.memory_space<hbm>> -> memref<1x64xf32, #tpu.memory_space<hbm>>
      %dma_start3A_197 = arith.constant 0 : i32
      %dma_start3A_198 = tpu.memref_slice %arg15[%add3A_192, %dma_start3A_197] : memref<512x64xf32, #tpu.memory_space<vmem>> -> memref<1x64xf32, #tpu.memory_space<vmem>>
      %dma_start3A_199 = arith.constant 0 : i32
      %dma_start3A_200 = tpu.memref_slice %arg9[%squeeze3A_188, %dma_start3A_199] : memref<200x64xf32, #tpu.memory_space<hbm>> -> memref<1x64xf32, #tpu.memory_space<hbm>>
      tpu.enqueue_dma source(%dma_start3A_200 : memref<1x64xf32, #tpu.memory_space<hbm>>) target(%dma_start3A_198 : memref<1x64xf32, #tpu.memory_space<vmem>>) target_semaphore(%arg16 : memref<!tpu.dma_semaphore, #tpu.memory_space<semaphore_mem>>)
      %slice3A_201 = vector.extract_strided_slice %get3A_63 {offsets = [10], sizes = [1], strides = [1]} : vector<16xi32> to vector<1xi32>
      %squeeze3A_202 = vector.extract %slice3A_201[0] : i32 from vector<1xi32>
      %mul3A_203 = arith.constant 16 : i32
      %mul3A_204 = arith.muli %scan3A_58, %mul3A_203 : i32
      %add3A_205 = arith.constant 10 : i32
      %add3A_206 = arith.addi %mul3A_204, %add3A_205 : i32
      %dma_start3A_207 = arith.constant 0 : i32
      %dma_start3A_208 = tpu.memref_slice %arg15[%add3A_206, %dma_start3A_207] : memref<512x64xf32, #tpu.memory_space<vmem>> -> memref<1x64xf32, #tpu.memory_space<vmem>>
      %dma_start3A_209 = arith.constant 0 : i32
      %dma_start3A_210 = tpu.memref_slice %arg9[%squeeze3A_202, %dma_start3A_209] : memref<200x64xf32, #tpu.memory_space<hbm>> -> memref<1x64xf32, #tpu.memory_space<hbm>>
      %dma_start3A_211 = arith.constant 0 : i32
      %dma_start3A_212 = tpu.memref_slice %arg15[%add3A_206, %dma_start3A_211] : memref<512x64xf32, #tpu.memory_space<vmem>> -> memref<1x64xf32, #tpu.memory_space<vmem>>
      %dma_start3A_213 = arith.constant 0 : i32
      %dma_start3A_214 = tpu.memref_slice %arg9[%squeeze3A_202, %dma_start3A_213] : memref<200x64xf32, #tpu.memory_space<hbm>> -> memref<1x64xf32, #tpu.memory_space<hbm>>
      tpu.enqueue_dma source(%dma_start3A_214 : memref<1x64xf32, #tpu.memory_space<hbm>>) target(%dma_start3A_212 : memref<1x64xf32, #tpu.memory_space<vmem>>) target_semaphore(%arg16 : memref<!tpu.dma_semaphore, #tpu.memory_space<semaphore_mem>>)
      %slice3A_215 = vector.extract_strided_slice %get3A_63 {offsets = [11], sizes = [1], strides = [1]} : vector<16xi32> to vector<1xi32>
      %squeeze3A_216 = vector.extract %slice3A_215[0] : i32 from vector<1xi32>
      %mul3A_217 = arith.constant 16 : i32
      %mul3A_218 = arith.muli %scan3A_58, %mul3A_217 : i32
      %add3A_219 = arith.constant 11 : i32
      %add3A_220 = arith.addi %mul3A_218, %add3A_219 : i32
      %dma_start3A_221 = arith.constant 0 : i32
      %dma_start3A_222 = tpu.memref_slice %arg15[%add3A_220, %dma_start3A_221] : memref<512x64xf32, #tpu.memory_space<vmem>> -> memref<1x64xf32, #tpu.memory_space<vmem>>
      %dma_start3A_223 = arith.constant 0 : i32
      %dma_start3A_224 = tpu.memref_slice %arg9[%squeeze3A_216, %dma_start3A_223] : memref<200x64xf32, #tpu.memory_space<hbm>> -> memref<1x64xf32, #tpu.memory_space<hbm>>
      %dma_start3A_225 = arith.constant 0 : i32
      %dma_start3A_226 = tpu.memref_slice %arg15[%add3A_220, %dma_start3A_225] : memref<512x64xf32, #tpu.memory_space<vmem>> -> memref<1x64xf32, #tpu.memory_space<vmem>>
      %dma_start3A_227 = arith.constant 0 : i32
      %dma_start3A_228 = tpu.memref_slice %arg9[%squeeze3A_216, %dma_start3A_227] : memref<200x64xf32, #tpu.memory_space<hbm>> -> memref<1x64xf32, #tpu.memory_space<hbm>>
      tpu.enqueue_dma source(%dma_start3A_228 : memref<1x64xf32, #tpu.memory_space<hbm>>) target(%dma_start3A_226 : memref<1x64xf32, #tpu.memory_space<vmem>>) target_semaphore(%arg16 : memref<!tpu.dma_semaphore, #tpu.memory_space<semaphore_mem>>)
      %slice3A_229 = vector.extract_strided_slice %get3A_63 {offsets = [12], sizes = [1], strides = [1]} : vector<16xi32> to vector<1xi32>
      %squeeze3A_230 = vector.extract %slice3A_229[0] : i32 from vector<1xi32>
      %mul3A_231 = arith.constant 16 : i32
      %mul3A_232 = arith.muli %scan3A_58, %mul3A_231 : i32
      %add3A_233 = arith.constant 12 : i32
      %add3A_234 = arith.addi %mul3A_232, %add3A_233 : i32
      %dma_start3A_235 = arith.constant 0 : i32
      %dma_start3A_236 = tpu.memref_slice %arg15[%add3A_234, %dma_start3A_235] : memref<512x64xf32, #tpu.memory_space<vmem>> -> memref<1x64xf32, #tpu.memory_space<vmem>>
      %dma_start3A_237 = arith.constant 0 : i32
      %dma_start3A_238 = tpu.memref_slice %arg9[%squeeze3A_230, %dma_start3A_237] : memref<200x64xf32, #tpu.memory_space<hbm>> -> memref<1x64xf32, #tpu.memory_space<hbm>>
      %dma_start3A_239 = arith.constant 0 : i32
      %dma_start3A_240 = tpu.memref_slice %arg15[%add3A_234, %dma_start3A_239] : memref<512x64xf32, #tpu.memory_space<vmem>> -> memref<1x64xf32, #tpu.memory_space<vmem>>
      %dma_start3A_241 = arith.constant 0 : i32
      %dma_start3A_242 = tpu.memref_slice %arg9[%squeeze3A_230, %dma_start3A_241] : memref<200x64xf32, #tpu.memory_space<hbm>> -> memref<1x64xf32, #tpu.memory_space<hbm>>
      tpu.enqueue_dma source(%dma_start3A_242 : memref<1x64xf32, #tpu.memory_space<hbm>>) target(%dma_start3A_240 : memref<1x64xf32, #tpu.memory_space<vmem>>) target_semaphore(%arg16 : memref<!tpu.dma_semaphore, #tpu.memory_space<semaphore_mem>>)
      %slice3A_243 = vector.extract_strided_slice %get3A_63 {offsets = [13], sizes = [1], strides = [1]} : vector<16xi32> to vector<1xi32>
      %squeeze3A_244 = vector.extract %slice3A_243[0] : i32 from vector<1xi32>
      %mul3A_245 = arith.constant 16 : i32
      %mul3A_246 = arith.muli %scan3A_58, %mul3A_245 : i32
      %add3A_247 = arith.constant 13 : i32
      %add3A_248 = arith.addi %mul3A_246, %add3A_247 : i32
      %dma_start3A_249 = arith.constant 0 : i32
      %dma_start3A_250 = tpu.memref_slice %arg15[%add3A_248, %dma_start3A_249] : memref<512x64xf32, #tpu.memory_space<vmem>> -> memref<1x64xf32, #tpu.memory_space<vmem>>
      %dma_start3A_251 = arith.constant 0 : i32
      %dma_start3A_252 = tpu.memref_slice %arg9[%squeeze3A_244, %dma_start3A_251] : memref<200x64xf32, #tpu.memory_space<hbm>> -> memref<1x64xf32, #tpu.memory_space<hbm>>
      %dma_start3A_253 = arith.constant 0 : i32
      %dma_start3A_254 = tpu.memref_slice %arg15[%add3A_248, %dma_start3A_253] : memref<512x64xf32, #tpu.memory_space<vmem>> -> memref<1x64xf32, #tpu.memory_space<vmem>>
      %dma_start3A_255 = arith.constant 0 : i32
      %dma_start3A_256 = tpu.memref_slice %arg9[%squeeze3A_244, %dma_start3A_255] : memref<200x64xf32, #tpu.memory_space<hbm>> -> memref<1x64xf32, #tpu.memory_space<hbm>>
      tpu.enqueue_dma source(%dma_start3A_256 : memref<1x64xf32, #tpu.memory_space<hbm>>) target(%dma_start3A_254 : memref<1x64xf32, #tpu.memory_space<vmem>>) target_semaphore(%arg16 : memref<!tpu.dma_semaphore, #tpu.memory_space<semaphore_mem>>)
      %slice3A_257 = vector.extract_strided_slice %get3A_63 {offsets = [14], sizes = [1], strides = [1]} : vector<16xi32> to vector<1xi32>
      %squeeze3A_258 = vector.extract %slice3A_257[0] : i32 from vector<1xi32>
      %mul3A_259 = arith.constant 16 : i32
      %mul3A_260 = arith.muli %scan3A_58, %mul3A_259 : i32
      %add3A_261 = arith.constant 14 : i32
      %add3A_262 = arith.addi %mul3A_260, %add3A_261 : i32
      %dma_start3A_263 = arith.constant 0 : i32
      %dma_start3A_264 = tpu.memref_slice %arg15[%add3A_262, %dma_start3A_263] : memref<512x64xf32, #tpu.memory_space<vmem>> -> memref<1x64xf32, #tpu.memory_space<vmem>>
      %dma_start3A_265 = arith.constant 0 : i32
      %dma_start3A_266 = tpu.memref_slice %arg9[%squeeze3A_258, %dma_start3A_265] : memref<200x64xf32, #tpu.memory_space<hbm>> -> memref<1x64xf32, #tpu.memory_space<hbm>>
      %dma_start3A_267 = arith.constant 0 : i32
      %dma_start3A_268 = tpu.memref_slice %arg15[%add3A_262, %dma_start3A_267] : memref<512x64xf32, #tpu.memory_space<vmem>> -> memref<1x64xf32, #tpu.memory_space<vmem>>
      %dma_start3A_269 = arith.constant 0 : i32
      %dma_start3A_270 = tpu.memref_slice %arg9[%squeeze3A_258, %dma_start3A_269] : memref<200x64xf32, #tpu.memory_space<hbm>> -> memref<1x64xf32, #tpu.memory_space<hbm>>
      tpu.enqueue_dma source(%dma_start3A_270 : memref<1x64xf32, #tpu.memory_space<hbm>>) target(%dma_start3A_268 : memref<1x64xf32, #tpu.memory_space<vmem>>) target_semaphore(%arg16 : memref<!tpu.dma_semaphore, #tpu.memory_space<semaphore_mem>>)
      %slice3A_271 = vector.extract_strided_slice %get3A_63 {offsets = [15], sizes = [1], strides = [1]} : vector<16xi32> to vector<1xi32>
      %squeeze3A_272 = vector.extract %slice3A_271[0] : i32 from vector<1xi32>
      %mul3A_273 = arith.constant 16 : i32
      %mul3A_274 = arith.muli %scan3A_58, %mul3A_273 : i32
      %add3A_275 = arith.constant 15 : i32
      %add3A_276 = arith.addi %mul3A_274, %add3A_275 : i32
      %dma_start3A_277 = arith.constant 0 : i32
      %dma_start3A_278 = tpu.memref_slice %arg15[%add3A_276, %dma_start3A_277] : memref<512x64xf32, #tpu.memory_space<vmem>> -> memref<1x64xf32, #tpu.memory_space<vmem>>
      %dma_start3A_279 = arith.constant 0 : i32
      %dma_start3A_280 = tpu.memref_slice %arg9[%squeeze3A_272, %dma_start3A_279] : memref<200x64xf32, #tpu.memory_space<hbm>> -> memref<1x64xf32, #tpu.memory_space<hbm>>
      %dma_start3A_281 = arith.constant 0 : i32
      %dma_start3A_282 = tpu.memref_slice %arg15[%add3A_276, %dma_start3A_281] : memref<512x64xf32, #tpu.memory_space<vmem>> -> memref<1x64xf32, #tpu.memory_space<vmem>>
      %dma_start3A_283 = arith.constant 0 : i32
      %dma_start3A_284 = tpu.memref_slice %arg9[%squeeze3A_272, %dma_start3A_283] : memref<200x64xf32, #tpu.memory_space<hbm>> -> memref<1x64xf32, #tpu.memory_space<hbm>>
      tpu.enqueue_dma source(%dma_start3A_284 : memref<1x64xf32, #tpu.memory_space<hbm>>) target(%dma_start3A_282 : memref<1x64xf32, #tpu.memory_space<vmem>>) target_semaphore(%arg16 : memref<!tpu.dma_semaphore, #tpu.memory_space<semaphore_mem>>)
      %ge3A = arith.constant 4 : i32
      %ge3A_285 = arith.cmpi sge, %scan3A_58, %ge3A : i32
      %convert_element_type3A = arith.extui %ge3A_285 : i1 to i32
      %cond3A = arith.constant 0 : i32
      %cond3A_286 = arith.cmpi ne, %convert_element_type3A, %cond3A : i32
      scf.if %cond3A_286 {
        %dma_wait3A = arith.constant 0 : i32
        %dma_wait3A_288 = arith.constant 0 : i32
        %dma_wait3A_289 = tpu.memref_slice %arg15[%dma_wait3A, %dma_wait3A_288] : memref<512x64xf32, #tpu.memory_space<vmem>> -> memref<1x64xf32, #tpu.memory_space<vmem>>
        %dma_wait3A_290 = arith.constant 0 : i32
        %dma_wait3A_291 = arith.constant 0 : i32
        %dma_wait3A_292 = tpu.memref_slice %arg9[%dma_wait3A_290, %dma_wait3A_291] : memref<200x64xf32, #tpu.memory_space<hbm>> -> memref<1x64xf32, #tpu.memory_space<hbm>>
        %dma_wait3A_293 = arith.constant 0 : i32
        %dma_wait3A_294 = arith.constant 0 : i32
        %dma_wait3A_295 = tpu.memref_slice %arg15[%dma_wait3A_293, %dma_wait3A_294] : memref<512x64xf32, #tpu.memory_space<vmem>> -> memref<1x64xf32, #tpu.memory_space<vmem>>
        %dma_wait3A_296 = arith.constant 0 : i32
        %dma_wait3A_297 = arith.constant 0 : i32
        %dma_wait3A_298 = tpu.memref_slice %arg9[%dma_wait3A_296, %dma_wait3A_297] : memref<200x64xf32, #tpu.memory_space<hbm>> -> memref<1x64xf32, #tpu.memory_space<hbm>>
        tpu.wait_dma2 semaphore(%arg16 : memref<!tpu.dma_semaphore, #tpu.memory_space<semaphore_mem>>) src(%dma_wait3A_298 : memref<1x64xf32, #tpu.memory_space<hbm>>) dst(%dma_wait3A_295 : memref<1x64xf32, #tpu.memory_space<vmem>>)
        %dma_wait3A_299 = arith.constant 1 : i32
        %dma_wait3A_300 = arith.constant 0 : i32
        %dma_wait3A_301 = tpu.memref_slice %arg15[%dma_wait3A_299, %dma_wait3A_300] : memref<512x64xf32, #tpu.memory_space<vmem>> -> memref<1x64xf32, #tpu.memory_space<vmem>>
        %dma_wait3A_302 = arith.constant 0 : i32
        %dma_wait3A_303 = arith.constant 0 : i32
        %dma_wait3A_304 = tpu.memref_slice %arg9[%dma_wait3A_302, %dma_wait3A_303] : memref<200x64xf32, #tpu.memory_space<hbm>> -> memref<1x64xf32, #tpu.memory_space<hbm>>
        %dma_wait3A_305 = arith.constant 1 : i32
        %dma_wait3A_306 = arith.constant 0 : i32
        %dma_wait3A_307 = tpu.memref_slice %arg15[%dma_wait3A_305, %dma_wait3A_306] : memref<512x64xf32, #tpu.memory_space<vmem>> -> memref<1x64xf32, #tpu.memory_space<vmem>>
        %dma_wait3A_308 = arith.constant 0 : i32
        %dma_wait3A_309 = arith.constant 0 : i32
        %dma_wait3A_310 = tpu.memref_slice %arg9[%dma_wait3A_308, %dma_wait3A_309] : memref<200x64xf32, #tpu.memory_space<hbm>> -> memref<1x64xf32, #tpu.memory_space<hbm>>
        tpu.wait_dma2 semaphore(%arg16 : memref<!tpu.dma_semaphore, #tpu.memory_space<semaphore_mem>>) src(%dma_wait3A_310 : memref<1x64xf32, #tpu.memory_space<hbm>>) dst(%dma_wait3A_307 : memref<1x64xf32, #tpu.memory_space<vmem>>)
        %dma_wait3A_311 = arith.constant 2 : i32
        %dma_wait3A_312 = arith.constant 0 : i32
        %dma_wait3A_313 = tpu.memref_slice %arg15[%dma_wait3A_311, %dma_wait3A_312] : memref<512x64xf32, #tpu.memory_space<vmem>> -> memref<1x64xf32, #tpu.memory_space<vmem>>
        %dma_wait3A_314 = arith.constant 0 : i32
        %dma_wait3A_315 = arith.constant 0 : i32
        %dma_wait3A_316 = tpu.memref_slice %arg9[%dma_wait3A_314, %dma_wait3A_315] : memref<200x64xf32, #tpu.memory_space<hbm>> -> memref<1x64xf32, #tpu.memory_space<hbm>>
        %dma_wait3A_317 = arith.constant 2 : i32
        %dma_wait3A_318 = arith.constant 0 : i32
        %dma_wait3A_319 = tpu.memref_slice %arg15[%dma_wait3A_317, %dma_wait3A_318] : memref<512x64xf32, #tpu.memory_space<vmem>> -> memref<1x64xf32, #tpu.memory_space<vmem>>
        %dma_wait3A_320 = arith.constant 0 : i32
        %dma_wait3A_321 = arith.constant 0 : i32
        %dma_wait3A_322 = tpu.memref_slice %arg9[%dma_wait3A_320, %dma_wait3A_321] : memref<200x64xf32, #tpu.memory_space<hbm>> -> memref<1x64xf32, #tpu.memory_space<hbm>>
        tpu.wait_dma2 semaphore(%arg16 : memref<!tpu.dma_semaphore, #tpu.memory_space<semaphore_mem>>) src(%dma_wait3A_322 : memref<1x64xf32, #tpu.memory_space<hbm>>) dst(%dma_wait3A_319 : memref<1x64xf32, #tpu.memory_space<vmem>>)
        %dma_wait3A_323 = arith.constant 3 : i32
        %dma_wait3A_324 = arith.constant 0 : i32
        %dma_wait3A_325 = tpu.memref_slice %arg15[%dma_wait3A_323, %dma_wait3A_324] : memref<512x64xf32, #tpu.memory_space<vmem>> -> memref<1x64xf32, #tpu.memory_space<vmem>>
        %dma_wait3A_326 = arith.constant 0 : i32
        %dma_wait3A_327 = arith.constant 0 : i32
        %dma_wait3A_328 = tpu.memref_slice %arg9[%dma_wait3A_326, %dma_wait3A_327] : memref<200x64xf32, #tpu.memory_space<hbm>> -> memref<1x64xf32, #tpu.memory_space<hbm>>
        %dma_wait3A_329 = arith.constant 3 : i32
        %dma_wait3A_330 = arith.constant 0 : i32
        %dma_wait3A_331 = tpu.memref_slice %arg15[%dma_wait3A_329, %dma_wait3A_330] : memref<512x64xf32, #tpu.memory_space<vmem>> -> memref<1x64xf32, #tpu.memory_space<vmem>>
        %dma_wait3A_332 = arith.constant 0 : i32
        %dma_wait3A_333 = arith.constant 0 : i32
        %dma_wait3A_334 = tpu.memref_slice %arg9[%dma_wait3A_332, %dma_wait3A_333] : memref<200x64xf32, #tpu.memory_space<hbm>> -> memref<1x64xf32, #tpu.memory_space<hbm>>
        tpu.wait_dma2 semaphore(%arg16 : memref<!tpu.dma_semaphore, #tpu.memory_space<semaphore_mem>>) src(%dma_wait3A_334 : memref<1x64xf32, #tpu.memory_space<hbm>>) dst(%dma_wait3A_331 : memref<1x64xf32, #tpu.memory_space<vmem>>)
        %dma_wait3A_335 = arith.constant 4 : i32
        %dma_wait3A_336 = arith.constant 0 : i32
        %dma_wait3A_337 = tpu.memref_slice %arg15[%dma_wait3A_335, %dma_wait3A_336] : memref<512x64xf32, #tpu.memory_space<vmem>> -> memref<1x64xf32, #tpu.memory_space<vmem>>
        %dma_wait3A_338 = arith.constant 0 : i32
        %dma_wait3A_339 = arith.constant 0 : i32
        %dma_wait3A_340 = tpu.memref_slice %arg9[%dma_wait3A_338, %dma_wait3A_339] : memref<200x64xf32, #tpu.memory_space<hbm>> -> memref<1x64xf32, #tpu.memory_space<hbm>>
        %dma_wait3A_341 = arith.constant 4 : i32
        %dma_wait3A_342 = arith.constant 0 : i32
        %dma_wait3A_343 = tpu.memref_slice %arg15[%dma_wait3A_341, %dma_wait3A_342] : memref<512x64xf32, #tpu.memory_space<vmem>> -> memref<1x64xf32, #tpu.memory_space<vmem>>
        %dma_wait3A_344 = arith.constant 0 : i32
        %dma_wait3A_345 = arith.constant 0 : i32
        %dma_wait3A_346 = tpu.memref_slice %arg9[%dma_wait3A_344, %dma_wait3A_345] : memref<200x64xf32, #tpu.memory_space<hbm>> -> memref<1x64xf32, #tpu.memory_space<hbm>>
        tpu.wait_dma2 semaphore(%arg16 : memref<!tpu.dma_semaphore, #tpu.memory_space<semaphore_mem>>) src(%dma_wait3A_346 : memref<1x64xf32, #tpu.memory_space<hbm>>) dst(%dma_wait3A_343 : memref<1x64xf32, #tpu.memory_space<vmem>>)
        %dma_wait3A_347 = arith.constant 5 : i32
        %dma_wait3A_348 = arith.constant 0 : i32
        %dma_wait3A_349 = tpu.memref_slice %arg15[%dma_wait3A_347, %dma_wait3A_348] : memref<512x64xf32, #tpu.memory_space<vmem>> -> memref<1x64xf32, #tpu.memory_space<vmem>>
        %dma_wait3A_350 = arith.constant 0 : i32
        %dma_wait3A_351 = arith.constant 0 : i32
        %dma_wait3A_352 = tpu.memref_slice %arg9[%dma_wait3A_350, %dma_wait3A_351] : memref<200x64xf32, #tpu.memory_space<hbm>> -> memref<1x64xf32, #tpu.memory_space<hbm>>
        %dma_wait3A_353 = arith.constant 5 : i32
        %dma_wait3A_354 = arith.constant 0 : i32
        %dma_wait3A_355 = tpu.memref_slice %arg15[%dma_wait3A_353, %dma_wait3A_354] : memref<512x64xf32, #tpu.memory_space<vmem>> -> memref<1x64xf32, #tpu.memory_space<vmem>>
        %dma_wait3A_356 = arith.constant 0 : i32
        %dma_wait3A_357 = arith.constant 0 : i32
        %dma_wait3A_358 = tpu.memref_slice %arg9[%dma_wait3A_356, %dma_wait3A_357] : memref<200x64xf32, #tpu.memory_space<hbm>> -> memref<1x64xf32, #tpu.memory_space<hbm>>
        tpu.wait_dma2 semaphore(%arg16 : memref<!tpu.dma_semaphore, #tpu.memory_space<semaphore_mem>>) src(%dma_wait3A_358 : memref<1x64xf32, #tpu.memory_space<hbm>>) dst(%dma_wait3A_355 : memref<1x64xf32, #tpu.memory_space<vmem>>)
        %dma_wait3A_359 = arith.constant 6 : i32
        %dma_wait3A_360 = arith.constant 0 : i32
        %dma_wait3A_361 = tpu.memref_slice %arg15[%dma_wait3A_359, %dma_wait3A_360] : memref<512x64xf32, #tpu.memory_space<vmem>> -> memref<1x64xf32, #tpu.memory_space<vmem>>
        %dma_wait3A_362 = arith.constant 0 : i32
        %dma_wait3A_363 = arith.constant 0 : i32
        %dma_wait3A_364 = tpu.memref_slice %arg9[%dma_wait3A_362, %dma_wait3A_363] : memref<200x64xf32, #tpu.memory_space<hbm>> -> memref<1x64xf32, #tpu.memory_space<hbm>>
        %dma_wait3A_365 = arith.constant 6 : i32
        %dma_wait3A_366 = arith.constant 0 : i32
        %dma_wait3A_367 = tpu.memref_slice %arg15[%dma_wait3A_365, %dma_wait3A_366] : memref<512x64xf32, #tpu.memory_space<vmem>> -> memref<1x64xf32, #tpu.memory_space<vmem>>
        %dma_wait3A_368 = arith.constant 0 : i32
        %dma_wait3A_369 = arith.constant 0 : i32
        %dma_wait3A_370 = tpu.memref_slice %arg9[%dma_wait3A_368, %dma_wait3A_369] : memref<200x64xf32, #tpu.memory_space<hbm>> -> memref<1x64xf32, #tpu.memory_space<hbm>>
        tpu.wait_dma2 semaphore(%arg16 : memref<!tpu.dma_semaphore, #tpu.memory_space<semaphore_mem>>) src(%dma_wait3A_370 : memref<1x64xf32, #tpu.memory_space<hbm>>) dst(%dma_wait3A_367 : memref<1x64xf32, #tpu.memory_space<vmem>>)
        %dma_wait3A_371 = arith.constant 7 : i32
        %dma_wait3A_372 = arith.constant 0 : i32
        %dma_wait3A_373 = tpu.memref_slice %arg15[%dma_wait3A_371, %dma_wait3A_372] : memref<512x64xf32, #tpu.memory_space<vmem>> -> memref<1x64xf32, #tpu.memory_space<vmem>>
        %dma_wait3A_374 = arith.constant 0 : i32
        %dma_wait3A_375 = arith.constant 0 : i32
        %dma_wait3A_376 = tpu.memref_slice %arg9[%dma_wait3A_374, %dma_wait3A_375] : memref<200x64xf32, #tpu.memory_space<hbm>> -> memref<1x64xf32, #tpu.memory_space<hbm>>
        %dma_wait3A_377 = arith.constant 7 : i32
        %dma_wait3A_378 = arith.constant 0 : i32
        %dma_wait3A_379 = tpu.memref_slice %arg15[%dma_wait3A_377, %dma_wait3A_378] : memref<512x64xf32, #tpu.memory_space<vmem>> -> memref<1x64xf32, #tpu.memory_space<vmem>>
        %dma_wait3A_380 = arith.constant 0 : i32
        %dma_wait3A_381 = arith.constant 0 : i32
        %dma_wait3A_382 = tpu.memref_slice %arg9[%dma_wait3A_380, %dma_wait3A_381] : memref<200x64xf32, #tpu.memory_space<hbm>> -> memref<1x64xf32, #tpu.memory_space<hbm>>
        tpu.wait_dma2 semaphore(%arg16 : memref<!tpu.dma_semaphore, #tpu.memory_space<semaphore_mem>>) src(%dma_wait3A_382 : memref<1x64xf32, #tpu.memory_space<hbm>>) dst(%dma_wait3A_379 : memref<1x64xf32, #tpu.memory_space<vmem>>)
        %dma_wait3A_383 = arith.constant 8 : i32
        %dma_wait3A_384 = arith.constant 0 : i32
        %dma_wait3A_385 = tpu.memref_slice %arg15[%dma_wait3A_383, %dma_wait3A_384] : memref<512x64xf32, #tpu.memory_space<vmem>> -> memref<1x64xf32, #tpu.memory_space<vmem>>
        %dma_wait3A_386 = arith.constant 0 : i32
        %dma_wait3A_387 = arith.constant 0 : i32
        %dma_wait3A_388 = tpu.memref_slice %arg9[%dma_wait3A_386, %dma_wait3A_387] : memref<200x64xf32, #tpu.memory_space<hbm>> -> memref<1x64xf32, #tpu.memory_space<hbm>>
        %dma_wait3A_389 = arith.constant 8 : i32
        %dma_wait3A_390 = arith.constant 0 : i32
        %dma_wait3A_391 = tpu.memref_slice %arg15[%dma_wait3A_389, %dma_wait3A_390] : memref<512x64xf32, #tpu.memory_space<vmem>> -> memref<1x64xf32, #tpu.memory_space<vmem>>
        %dma_wait3A_392 = arith.constant 0 : i32
        %dma_wait3A_393 = arith.constant 0 : i32
        %dma_wait3A_394 = tpu.memref_slice %arg9[%dma_wait3A_392, %dma_wait3A_393] : memref<200x64xf32, #tpu.memory_space<hbm>> -> memref<1x64xf32, #tpu.memory_space<hbm>>
        tpu.wait_dma2 semaphore(%arg16 : memref<!tpu.dma_semaphore, #tpu.memory_space<semaphore_mem>>) src(%dma_wait3A_394 : memref<1x64xf32, #tpu.memory_space<hbm>>) dst(%dma_wait3A_391 : memref<1x64xf32, #tpu.memory_space<vmem>>)
        %dma_wait3A_395 = arith.constant 9 : i32
        %dma_wait3A_396 = arith.constant 0 : i32
        %dma_wait3A_397 = tpu.memref_slice %arg15[%dma_wait3A_395, %dma_wait3A_396] : memref<512x64xf32, #tpu.memory_space<vmem>> -> memref<1x64xf32, #tpu.memory_space<vmem>>
        %dma_wait3A_398 = arith.constant 0 : i32
        %dma_wait3A_399 = arith.constant 0 : i32
        %dma_wait3A_400 = tpu.memref_slice %arg9[%dma_wait3A_398, %dma_wait3A_399] : memref<200x64xf32, #tpu.memory_space<hbm>> -> memref<1x64xf32, #tpu.memory_space<hbm>>
        %dma_wait3A_401 = arith.constant 9 : i32
        %dma_wait3A_402 = arith.constant 0 : i32
        %dma_wait3A_403 = tpu.memref_slice %arg15[%dma_wait3A_401, %dma_wait3A_402] : memref<512x64xf32, #tpu.memory_space<vmem>> -> memref<1x64xf32, #tpu.memory_space<vmem>>
        %dma_wait3A_404 = arith.constant 0 : i32
        %dma_wait3A_405 = arith.constant 0 : i32
        %dma_wait3A_406 = tpu.memref_slice %arg9[%dma_wait3A_404, %dma_wait3A_405] : memref<200x64xf32, #tpu.memory_space<hbm>> -> memref<1x64xf32, #tpu.memory_space<hbm>>
        tpu.wait_dma2 semaphore(%arg16 : memref<!tpu.dma_semaphore, #tpu.memory_space<semaphore_mem>>) src(%dma_wait3A_406 : memref<1x64xf32, #tpu.memory_space<hbm>>) dst(%dma_wait3A_403 : memref<1x64xf32, #tpu.memory_space<vmem>>)
        %dma_wait3A_407 = arith.constant 10 : i32
        %dma_wait3A_408 = arith.constant 0 : i32
        %dma_wait3A_409 = tpu.memref_slice %arg15[%dma_wait3A_407, %dma_wait3A_408] : memref<512x64xf32, #tpu.memory_space<vmem>> -> memref<1x64xf32, #tpu.memory_space<vmem>>
        %dma_wait3A_410 = arith.constant 0 : i32
        %dma_wait3A_411 = arith.constant 0 : i32
        %dma_wait3A_412 = tpu.memref_slice %arg9[%dma_wait3A_410, %dma_wait3A_411] : memref<200x64xf32, #tpu.memory_space<hbm>> -> memref<1x64xf32, #tpu.memory_space<hbm>>
        %dma_wait3A_413 = arith.constant 10 : i32
        %dma_wait3A_414 = arith.constant 0 : i32
        %dma_wait3A_415 = tpu.memref_slice %arg15[%dma_wait3A_413, %dma_wait3A_414] : memref<512x64xf32, #tpu.memory_space<vmem>> -> memref<1x64xf32, #tpu.memory_space<vmem>>
        %dma_wait3A_416 = arith.constant 0 : i32
        %dma_wait3A_417 = arith.constant 0 : i32
        %dma_wait3A_418 = tpu.memref_slice %arg9[%dma_wait3A_416, %dma_wait3A_417] : memref<200x64xf32, #tpu.memory_space<hbm>> -> memref<1x64xf32, #tpu.memory_space<hbm>>
        tpu.wait_dma2 semaphore(%arg16 : memref<!tpu.dma_semaphore, #tpu.memory_space<semaphore_mem>>) src(%dma_wait3A_418 : memref<1x64xf32, #tpu.memory_space<hbm>>) dst(%dma_wait3A_415 : memref<1x64xf32, #tpu.memory_space<vmem>>)
        %dma_wait3A_419 = arith.constant 11 : i32
        %dma_wait3A_420 = arith.constant 0 : i32
        %dma_wait3A_421 = tpu.memref_slice %arg15[%dma_wait3A_419, %dma_wait3A_420] : memref<512x64xf32, #tpu.memory_space<vmem>> -> memref<1x64xf32, #tpu.memory_space<vmem>>
        %dma_wait3A_422 = arith.constant 0 : i32
        %dma_wait3A_423 = arith.constant 0 : i32
        %dma_wait3A_424 = tpu.memref_slice %arg9[%dma_wait3A_422, %dma_wait3A_423] : memref<200x64xf32, #tpu.memory_space<hbm>> -> memref<1x64xf32, #tpu.memory_space<hbm>>
        %dma_wait3A_425 = arith.constant 11 : i32
        %dma_wait3A_426 = arith.constant 0 : i32
        %dma_wait3A_427 = tpu.memref_slice %arg15[%dma_wait3A_425, %dma_wait3A_426] : memref<512x64xf32, #tpu.memory_space<vmem>> -> memref<1x64xf32, #tpu.memory_space<vmem>>
        %dma_wait3A_428 = arith.constant 0 : i32
        %dma_wait3A_429 = arith.constant 0 : i32
        %dma_wait3A_430 = tpu.memref_slice %arg9[%dma_wait3A_428, %dma_wait3A_429] : memref<200x64xf32, #tpu.memory_space<hbm>> -> memref<1x64xf32, #tpu.memory_space<hbm>>
        tpu.wait_dma2 semaphore(%arg16 : memref<!tpu.dma_semaphore, #tpu.memory_space<semaphore_mem>>) src(%dma_wait3A_430 : memref<1x64xf32, #tpu.memory_space<hbm>>) dst(%dma_wait3A_427 : memref<1x64xf32, #tpu.memory_space<vmem>>)
        %dma_wait3A_431 = arith.constant 12 : i32
        %dma_wait3A_432 = arith.constant 0 : i32
        %dma_wait3A_433 = tpu.memref_slice %arg15[%dma_wait3A_431, %dma_wait3A_432] : memref<512x64xf32, #tpu.memory_space<vmem>> -> memref<1x64xf32, #tpu.memory_space<vmem>>
        %dma_wait3A_434 = arith.constant 0 : i32
        %dma_wait3A_435 = arith.constant 0 : i32
        %dma_wait3A_436 = tpu.memref_slice %arg9[%dma_wait3A_434, %dma_wait3A_435] : memref<200x64xf32, #tpu.memory_space<hbm>> -> memref<1x64xf32, #tpu.memory_space<hbm>>
        %dma_wait3A_437 = arith.constant 12 : i32
        %dma_wait3A_438 = arith.constant 0 : i32
        %dma_wait3A_439 = tpu.memref_slice %arg15[%dma_wait3A_437, %dma_wait3A_438] : memref<512x64xf32, #tpu.memory_space<vmem>> -> memref<1x64xf32, #tpu.memory_space<vmem>>
        %dma_wait3A_440 = arith.constant 0 : i32
        %dma_wait3A_441 = arith.constant 0 : i32
        %dma_wait3A_442 = tpu.memref_slice %arg9[%dma_wait3A_440, %dma_wait3A_441] : memref<200x64xf32, #tpu.memory_space<hbm>> -> memref<1x64xf32, #tpu.memory_space<hbm>>
        tpu.wait_dma2 semaphore(%arg16 : memref<!tpu.dma_semaphore, #tpu.memory_space<semaphore_mem>>) src(%dma_wait3A_442 : memref<1x64xf32, #tpu.memory_space<hbm>>) dst(%dma_wait3A_439 : memref<1x64xf32, #tpu.memory_space<vmem>>)
        %dma_wait3A_443 = arith.constant 13 : i32
        %dma_wait3A_444 = arith.constant 0 : i32
        %dma_wait3A_445 = tpu.memref_slice %arg15[%dma_wait3A_443, %dma_wait3A_444] : memref<512x64xf32, #tpu.memory_space<vmem>> -> memref<1x64xf32, #tpu.memory_space<vmem>>
        %dma_wait3A_446 = arith.constant 0 : i32
        %dma_wait3A_447 = arith.constant 0 : i32
        %dma_wait3A_448 = tpu.memref_slice %arg9[%dma_wait3A_446, %dma_wait3A_447] : memref<200x64xf32, #tpu.memory_space<hbm>> -> memref<1x64xf32, #tpu.memory_space<hbm>>
        %dma_wait3A_449 = arith.constant 13 : i32
        %dma_wait3A_450 = arith.constant 0 : i32
        %dma_wait3A_451 = tpu.memref_slice %arg15[%dma_wait3A_449, %dma_wait3A_450] : memref<512x64xf32, #tpu.memory_space<vmem>> -> memref<1x64xf32, #tpu.memory_space<vmem>>
        %dma_wait3A_452 = arith.constant 0 : i32
        %dma_wait3A_453 = arith.constant 0 : i32
        %dma_wait3A_454 = tpu.memref_slice %arg9[%dma_wait3A_452, %dma_wait3A_453] : memref<200x64xf32, #tpu.memory_space<hbm>> -> memref<1x64xf32, #tpu.memory_space<hbm>>
        tpu.wait_dma2 semaphore(%arg16 : memref<!tpu.dma_semaphore, #tpu.memory_space<semaphore_mem>>) src(%dma_wait3A_454 : memref<1x64xf32, #tpu.memory_space<hbm>>) dst(%dma_wait3A_451 : memref<1x64xf32, #tpu.memory_space<vmem>>)
        %dma_wait3A_455 = arith.constant 14 : i32
        %dma_wait3A_456 = arith.constant 0 : i32
        %dma_wait3A_457 = tpu.memref_slice %arg15[%dma_wait3A_455, %dma_wait3A_456] : memref<512x64xf32, #tpu.memory_space<vmem>> -> memref<1x64xf32, #tpu.memory_space<vmem>>
        %dma_wait3A_458 = arith.constant 0 : i32
        %dma_wait3A_459 = arith.constant 0 : i32
        %dma_wait3A_460 = tpu.memref_slice %arg9[%dma_wait3A_458, %dma_wait3A_459] : memref<200x64xf32, #tpu.memory_space<hbm>> -> memref<1x64xf32, #tpu.memory_space<hbm>>
        %dma_wait3A_461 = arith.constant 14 : i32
        %dma_wait3A_462 = arith.constant 0 : i32
        %dma_wait3A_463 = tpu.memref_slice %arg15[%dma_wait3A_461, %dma_wait3A_462] : memref<512x64xf32, #tpu.memory_space<vmem>> -> memref<1x64xf32, #tpu.memory_space<vmem>>
        %dma_wait3A_464 = arith.constant 0 : i32
        %dma_wait3A_465 = arith.constant 0 : i32
        %dma_wait3A_466 = tpu.memref_slice %arg9[%dma_wait3A_464, %dma_wait3A_465] : memref<200x64xf32, #tpu.memory_space<hbm>> -> memref<1x64xf32, #tpu.memory_space<hbm>>
        tpu.wait_dma2 semaphore(%arg16 : memref<!tpu.dma_semaphore, #tpu.memory_space<semaphore_mem>>) src(%dma_wait3A_466 : memref<1x64xf32, #tpu.memory_space<hbm>>) dst(%dma_wait3A_463 : memref<1x64xf32, #tpu.memory_space<vmem>>)
        %dma_wait3A_467 = arith.constant 15 : i32
        %dma_wait3A_468 = arith.constant 0 : i32
        %dma_wait3A_469 = tpu.memref_slice %arg15[%dma_wait3A_467, %dma_wait3A_468] : memref<512x64xf32, #tpu.memory_space<vmem>> -> memref<1x64xf32, #tpu.memory_space<vmem>>
        %dma_wait3A_470 = arith.constant 0 : i32
        %dma_wait3A_471 = arith.constant 0 : i32
        %dma_wait3A_472 = tpu.memref_slice %arg9[%dma_wait3A_470, %dma_wait3A_471] : memref<200x64xf32, #tpu.memory_space<hbm>> -> memref<1x64xf32, #tpu.memory_space<hbm>>
        %dma_wait3A_473 = arith.constant 15 : i32
        %dma_wait3A_474 = arith.constant 0 : i32
        %dma_wait3A_475 = tpu.memref_slice %arg15[%dma_wait3A_473, %dma_wait3A_474] : memref<512x64xf32, #tpu.memory_space<vmem>> -> memref<1x64xf32, #tpu.memory_space<vmem>>
        %dma_wait3A_476 = arith.constant 0 : i32
        %dma_wait3A_477 = arith.constant 0 : i32
        %dma_wait3A_478 = tpu.memref_slice %arg9[%dma_wait3A_476, %dma_wait3A_477] : memref<200x64xf32, #tpu.memory_space<hbm>> -> memref<1x64xf32, #tpu.memory_space<hbm>>
        tpu.wait_dma2 semaphore(%arg16 : memref<!tpu.dma_semaphore, #tpu.memory_space<semaphore_mem>>) src(%dma_wait3A_478 : memref<1x64xf32, #tpu.memory_space<hbm>>) dst(%dma_wait3A_475 : memref<1x64xf32, #tpu.memory_space<vmem>>)
      } else {
      }
      %scan3A_287 = arith.constant 0 : i32
      scf.yield %scan3A_287 : i32
    }
    %scan3A_50 = arith.constant 32 : i32
    %scan3A_51 = arith.constant 0 : i32
    %scan3A_52 = arith.constant 0 : i32
    %scan3A_53 = arith.constant 4 : i32
    %scan3A_54 = arith.addi %scan3A_52, %scan3A_53 : i32
    %scan3A_55 = arith.constant 1 : i32
    %scan3A_56 = scf.for %scan3A_58 = %scan3A_52 to %scan3A_54 step %scan3A_55 iter_args(%scan3A_59 = %scan3A_51) -> (i32)  : i32 {
      %dma_wait3A = arith.constant 0 : i32
      %dma_wait3A_60 = arith.constant 0 : i32
      %dma_wait3A_61 = tpu.memref_slice %arg15[%dma_wait3A, %dma_wait3A_60] : memref<512x64xf32, #tpu.memory_space<vmem>> -> memref<1x64xf32, #tpu.memory_space<vmem>>
      %dma_wait3A_62 = arith.constant 0 : i32
      %dma_wait3A_63 = arith.constant 0 : i32
      %dma_wait3A_64 = tpu.memref_slice %arg9[%dma_wait3A_62, %dma_wait3A_63] : memref<200x64xf32, #tpu.memory_space<hbm>> -> memref<1x64xf32, #tpu.memory_space<hbm>>
      %dma_wait3A_65 = arith.constant 0 : i32
      %dma_wait3A_66 = arith.constant 0 : i32
      %dma_wait3A_67 = tpu.memref_slice %arg15[%dma_wait3A_65, %dma_wait3A_66] : memref<512x64xf32, #tpu.memory_space<vmem>> -> memref<1x64xf32, #tpu.memory_space<vmem>>
      %dma_wait3A_68 = arith.constant 0 : i32
      %dma_wait3A_69 = arith.constant 0 : i32
      %dma_wait3A_70 = tpu.memref_slice %arg9[%dma_wait3A_68, %dma_wait3A_69] : memref<200x64xf32, #tpu.memory_space<hbm>> -> memref<1x64xf32, #tpu.memory_space<hbm>>
      tpu.wait_dma2 semaphore(%arg16 : memref<!tpu.dma_semaphore, #tpu.memory_space<semaphore_mem>>) src(%dma_wait3A_70 : memref<1x64xf32, #tpu.memory_space<hbm>>) dst(%dma_wait3A_67 : memref<1x64xf32, #tpu.memory_space<vmem>>)
      %dma_wait3A_71 = arith.constant 1 : i32
      %dma_wait3A_72 = arith.constant 0 : i32
      %dma_wait3A_73 = tpu.memref_slice %arg15[%dma_wait3A_71, %dma_wait3A_72] : memref<512x64xf32, #tpu.memory_space<vmem>> -> memref<1x64xf32, #tpu.memory_space<vmem>>
      %dma_wait3A_74 = arith.constant 0 : i32
      %dma_wait3A_75 = arith.constant 0 : i32
      %dma_wait3A_76 = tpu.memref_slice %arg9[%dma_wait3A_74, %dma_wait3A_75] : memref<200x64xf32, #tpu.memory_space<hbm>> -> memref<1x64xf32, #tpu.memory_space<hbm>>
      %dma_wait3A_77 = arith.constant 1 : i32
      %dma_wait3A_78 = arith.constant 0 : i32
      %dma_wait3A_79 = tpu.memref_slice %arg15[%dma_wait3A_77, %dma_wait3A_78] : memref<512x64xf32, #tpu.memory_space<vmem>> -> memref<1x64xf32, #tpu.memory_space<vmem>>
      %dma_wait3A_80 = arith.constant 0 : i32
      %dma_wait3A_81 = arith.constant 0 : i32
      %dma_wait3A_82 = tpu.memref_slice %arg9[%dma_wait3A_80, %dma_wait3A_81] : memref<200x64xf32, #tpu.memory_space<hbm>> -> memref<1x64xf32, #tpu.memory_space<hbm>>
      tpu.wait_dma2 semaphore(%arg16 : memref<!tpu.dma_semaphore, #tpu.memory_space<semaphore_mem>>) src(%dma_wait3A_82 : memref<1x64xf32, #tpu.memory_space<hbm>>) dst(%dma_wait3A_79 : memref<1x64xf32, #tpu.memory_space<vmem>>)
      %dma_wait3A_83 = arith.constant 2 : i32
      %dma_wait3A_84 = arith.constant 0 : i32
      %dma_wait3A_85 = tpu.memref_slice %arg15[%dma_wait3A_83, %dma_wait3A_84] : memref<512x64xf32, #tpu.memory_space<vmem>> -> memref<1x64xf32, #tpu.memory_space<vmem>>
      %dma_wait3A_86 = arith.constant 0 : i32
      %dma_wait3A_87 = arith.constant 0 : i32
      %dma_wait3A_88 = tpu.memref_slice %arg9[%dma_wait3A_86, %dma_wait3A_87] : memref<200x64xf32, #tpu.memory_space<hbm>> -> memref<1x64xf32, #tpu.memory_space<hbm>>
      %dma_wait3A_89 = arith.constant 2 : i32
      %dma_wait3A_90 = arith.constant 0 : i32
      %dma_wait3A_91 = tpu.memref_slice %arg15[%dma_wait3A_89, %dma_wait3A_90] : memref<512x64xf32, #tpu.memory_space<vmem>> -> memref<1x64xf32, #tpu.memory_space<vmem>>
      %dma_wait3A_92 = arith.constant 0 : i32
      %dma_wait3A_93 = arith.constant 0 : i32
      %dma_wait3A_94 = tpu.memref_slice %arg9[%dma_wait3A_92, %dma_wait3A_93] : memref<200x64xf32, #tpu.memory_space<hbm>> -> memref<1x64xf32, #tpu.memory_space<hbm>>
      tpu.wait_dma2 semaphore(%arg16 : memref<!tpu.dma_semaphore, #tpu.memory_space<semaphore_mem>>) src(%dma_wait3A_94 : memref<1x64xf32, #tpu.memory_space<hbm>>) dst(%dma_wait3A_91 : memref<1x64xf32, #tpu.memory_space<vmem>>)
      %dma_wait3A_95 = arith.constant 3 : i32
      %dma_wait3A_96 = arith.constant 0 : i32
      %dma_wait3A_97 = tpu.memref_slice %arg15[%dma_wait3A_95, %dma_wait3A_96] : memref<512x64xf32, #tpu.memory_space<vmem>> -> memref<1x64xf32, #tpu.memory_space<vmem>>
      %dma_wait3A_98 = arith.constant 0 : i32
      %dma_wait3A_99 = arith.constant 0 : i32
      %dma_wait3A_100 = tpu.memref_slice %arg9[%dma_wait3A_98, %dma_wait3A_99] : memref<200x64xf32, #tpu.memory_space<hbm>> -> memref<1x64xf32, #tpu.memory_space<hbm>>
      %dma_wait3A_101 = arith.constant 3 : i32
      %dma_wait3A_102 = arith.constant 0 : i32
      %dma_wait3A_103 = tpu.memref_slice %arg15[%dma_wait3A_101, %dma_wait3A_102] : memref<512x64xf32, #tpu.memory_space<vmem>> -> memref<1x64xf32, #tpu.memory_space<vmem>>
      %dma_wait3A_104 = arith.constant 0 : i32
      %dma_wait3A_105 = arith.constant 0 : i32
      %dma_wait3A_106 = tpu.memref_slice %arg9[%dma_wait3A_104, %dma_wait3A_105] : memref<200x64xf32, #tpu.memory_space<hbm>> -> memref<1x64xf32, #tpu.memory_space<hbm>>
      tpu.wait_dma2 semaphore(%arg16 : memref<!tpu.dma_semaphore, #tpu.memory_space<semaphore_mem>>) src(%dma_wait3A_106 : memref<1x64xf32, #tpu.memory_space<hbm>>) dst(%dma_wait3A_103 : memref<1x64xf32, #tpu.memory_space<vmem>>)
      %dma_wait3A_107 = arith.constant 4 : i32
      %dma_wait3A_108 = arith.constant 0 : i32
      %dma_wait3A_109 = tpu.memref_slice %arg15[%dma_wait3A_107, %dma_wait3A_108] : memref<512x64xf32, #tpu.memory_space<vmem>> -> memref<1x64xf32, #tpu.memory_space<vmem>>
      %dma_wait3A_110 = arith.constant 0 : i32
      %dma_wait3A_111 = arith.constant 0 : i32
      %dma_wait3A_112 = tpu.memref_slice %arg9[%dma_wait3A_110, %dma_wait3A_111] : memref<200x64xf32, #tpu.memory_space<hbm>> -> memref<1x64xf32, #tpu.memory_space<hbm>>
      %dma_wait3A_113 = arith.constant 4 : i32
      %dma_wait3A_114 = arith.constant 0 : i32
      %dma_wait3A_115 = tpu.memref_slice %arg15[%dma_wait3A_113, %dma_wait3A_114] : memref<512x64xf32, #tpu.memory_space<vmem>> -> memref<1x64xf32, #tpu.memory_space<vmem>>
      %dma_wait3A_116 = arith.constant 0 : i32
      %dma_wait3A_117 = arith.constant 0 : i32
      %dma_wait3A_118 = tpu.memref_slice %arg9[%dma_wait3A_116, %dma_wait3A_117] : memref<200x64xf32, #tpu.memory_space<hbm>> -> memref<1x64xf32, #tpu.memory_space<hbm>>
      tpu.wait_dma2 semaphore(%arg16 : memref<!tpu.dma_semaphore, #tpu.memory_space<semaphore_mem>>) src(%dma_wait3A_118 : memref<1x64xf32, #tpu.memory_space<hbm>>) dst(%dma_wait3A_115 : memref<1x64xf32, #tpu.memory_space<vmem>>)
      %dma_wait3A_119 = arith.constant 5 : i32
      %dma_wait3A_120 = arith.constant 0 : i32
      %dma_wait3A_121 = tpu.memref_slice %arg15[%dma_wait3A_119, %dma_wait3A_120] : memref<512x64xf32, #tpu.memory_space<vmem>> -> memref<1x64xf32, #tpu.memory_space<vmem>>
      %dma_wait3A_122 = arith.constant 0 : i32
      %dma_wait3A_123 = arith.constant 0 : i32
      %dma_wait3A_124 = tpu.memref_slice %arg9[%dma_wait3A_122, %dma_wait3A_123] : memref<200x64xf32, #tpu.memory_space<hbm>> -> memref<1x64xf32, #tpu.memory_space<hbm>>
      %dma_wait3A_125 = arith.constant 5 : i32
      %dma_wait3A_126 = arith.constant 0 : i32
      %dma_wait3A_127 = tpu.memref_slice %arg15[%dma_wait3A_125, %dma_wait3A_126] : memref<512x64xf32, #tpu.memory_space<vmem>> -> memref<1x64xf32, #tpu.memory_space<vmem>>
      %dma_wait3A_128 = arith.constant 0 : i32
      %dma_wait3A_129 = arith.constant 0 : i32
      %dma_wait3A_130 = tpu.memref_slice %arg9[%dma_wait3A_128, %dma_wait3A_129] : memref<200x64xf32, #tpu.memory_space<hbm>> -> memref<1x64xf32, #tpu.memory_space<hbm>>
      tpu.wait_dma2 semaphore(%arg16 : memref<!tpu.dma_semaphore, #tpu.memory_space<semaphore_mem>>) src(%dma_wait3A_130 : memref<1x64xf32, #tpu.memory_space<hbm>>) dst(%dma_wait3A_127 : memref<1x64xf32, #tpu.memory_space<vmem>>)
      %dma_wait3A_131 = arith.constant 6 : i32
      %dma_wait3A_132 = arith.constant 0 : i32
      %dma_wait3A_133 = tpu.memref_slice %arg15[%dma_wait3A_131, %dma_wait3A_132] : memref<512x64xf32, #tpu.memory_space<vmem>> -> memref<1x64xf32, #tpu.memory_space<vmem>>
      %dma_wait3A_134 = arith.constant 0 : i32
      %dma_wait3A_135 = arith.constant 0 : i32
      %dma_wait3A_136 = tpu.memref_slice %arg9[%dma_wait3A_134, %dma_wait3A_135] : memref<200x64xf32, #tpu.memory_space<hbm>> -> memref<1x64xf32, #tpu.memory_space<hbm>>
      %dma_wait3A_137 = arith.constant 6 : i32
      %dma_wait3A_138 = arith.constant 0 : i32
      %dma_wait3A_139 = tpu.memref_slice %arg15[%dma_wait3A_137, %dma_wait3A_138] : memref<512x64xf32, #tpu.memory_space<vmem>> -> memref<1x64xf32, #tpu.memory_space<vmem>>
      %dma_wait3A_140 = arith.constant 0 : i32
      %dma_wait3A_141 = arith.constant 0 : i32
      %dma_wait3A_142 = tpu.memref_slice %arg9[%dma_wait3A_140, %dma_wait3A_141] : memref<200x64xf32, #tpu.memory_space<hbm>> -> memref<1x64xf32, #tpu.memory_space<hbm>>
      tpu.wait_dma2 semaphore(%arg16 : memref<!tpu.dma_semaphore, #tpu.memory_space<semaphore_mem>>) src(%dma_wait3A_142 : memref<1x64xf32, #tpu.memory_space<hbm>>) dst(%dma_wait3A_139 : memref<1x64xf32, #tpu.memory_space<vmem>>)
      %dma_wait3A_143 = arith.constant 7 : i32
      %dma_wait3A_144 = arith.constant 0 : i32
      %dma_wait3A_145 = tpu.memref_slice %arg15[%dma_wait3A_143, %dma_wait3A_144] : memref<512x64xf32, #tpu.memory_space<vmem>> -> memref<1x64xf32, #tpu.memory_space<vmem>>
      %dma_wait3A_146 = arith.constant 0 : i32
      %dma_wait3A_147 = arith.constant 0 : i32
      %dma_wait3A_148 = tpu.memref_slice %arg9[%dma_wait3A_146, %dma_wait3A_147] : memref<200x64xf32, #tpu.memory_space<hbm>> -> memref<1x64xf32, #tpu.memory_space<hbm>>
      %dma_wait3A_149 = arith.constant 7 : i32
      %dma_wait3A_150 = arith.constant 0 : i32
      %dma_wait3A_151 = tpu.memref_slice %arg15[%dma_wait3A_149, %dma_wait3A_150] : memref<512x64xf32, #tpu.memory_space<vmem>> -> memref<1x64xf32, #tpu.memory_space<vmem>>
      %dma_wait3A_152 = arith.constant 0 : i32
      %dma_wait3A_153 = arith.constant 0 : i32
      %dma_wait3A_154 = tpu.memref_slice %arg9[%dma_wait3A_152, %dma_wait3A_153] : memref<200x64xf32, #tpu.memory_space<hbm>> -> memref<1x64xf32, #tpu.memory_space<hbm>>
      tpu.wait_dma2 semaphore(%arg16 : memref<!tpu.dma_semaphore, #tpu.memory_space<semaphore_mem>>) src(%dma_wait3A_154 : memref<1x64xf32, #tpu.memory_space<hbm>>) dst(%dma_wait3A_151 : memref<1x64xf32, #tpu.memory_space<vmem>>)
      %dma_wait3A_155 = arith.constant 8 : i32
      %dma_wait3A_156 = arith.constant 0 : i32
      %dma_wait3A_157 = tpu.memref_slice %arg15[%dma_wait3A_155, %dma_wait3A_156] : memref<512x64xf32, #tpu.memory_space<vmem>> -> memref<1x64xf32, #tpu.memory_space<vmem>>
      %dma_wait3A_158 = arith.constant 0 : i32
      %dma_wait3A_159 = arith.constant 0 : i32
      %dma_wait3A_160 = tpu.memref_slice %arg9[%dma_wait3A_158, %dma_wait3A_159] : memref<200x64xf32, #tpu.memory_space<hbm>> -> memref<1x64xf32, #tpu.memory_space<hbm>>
      %dma_wait3A_161 = arith.constant 8 : i32
      %dma_wait3A_162 = arith.constant 0 : i32
      %dma_wait3A_163 = tpu.memref_slice %arg15[%dma_wait3A_161, %dma_wait3A_162] : memref<512x64xf32, #tpu.memory_space<vmem>> -> memref<1x64xf32, #tpu.memory_space<vmem>>
      %dma_wait3A_164 = arith.constant 0 : i32
      %dma_wait3A_165 = arith.constant 0 : i32
      %dma_wait3A_166 = tpu.memref_slice %arg9[%dma_wait3A_164, %dma_wait3A_165] : memref<200x64xf32, #tpu.memory_space<hbm>> -> memref<1x64xf32, #tpu.memory_space<hbm>>
      tpu.wait_dma2 semaphore(%arg16 : memref<!tpu.dma_semaphore, #tpu.memory_space<semaphore_mem>>) src(%dma_wait3A_166 : memref<1x64xf32, #tpu.memory_space<hbm>>) dst(%dma_wait3A_163 : memref<1x64xf32, #tpu.memory_space<vmem>>)
      %dma_wait3A_167 = arith.constant 9 : i32
      %dma_wait3A_168 = arith.constant 0 : i32
      %dma_wait3A_169 = tpu.memref_slice %arg15[%dma_wait3A_167, %dma_wait3A_168] : memref<512x64xf32, #tpu.memory_space<vmem>> -> memref<1x64xf32, #tpu.memory_space<vmem>>
      %dma_wait3A_170 = arith.constant 0 : i32
      %dma_wait3A_171 = arith.constant 0 : i32
      %dma_wait3A_172 = tpu.memref_slice %arg9[%dma_wait3A_170, %dma_wait3A_171] : memref<200x64xf32, #tpu.memory_space<hbm>> -> memref<1x64xf32, #tpu.memory_space<hbm>>
      %dma_wait3A_173 = arith.constant 9 : i32
      %dma_wait3A_174 = arith.constant 0 : i32
      %dma_wait3A_175 = tpu.memref_slice %arg15[%dma_wait3A_173, %dma_wait3A_174] : memref<512x64xf32, #tpu.memory_space<vmem>> -> memref<1x64xf32, #tpu.memory_space<vmem>>
      %dma_wait3A_176 = arith.constant 0 : i32
      %dma_wait3A_177 = arith.constant 0 : i32
      %dma_wait3A_178 = tpu.memref_slice %arg9[%dma_wait3A_176, %dma_wait3A_177] : memref<200x64xf32, #tpu.memory_space<hbm>> -> memref<1x64xf32, #tpu.memory_space<hbm>>
      tpu.wait_dma2 semaphore(%arg16 : memref<!tpu.dma_semaphore, #tpu.memory_space<semaphore_mem>>) src(%dma_wait3A_178 : memref<1x64xf32, #tpu.memory_space<hbm>>) dst(%dma_wait3A_175 : memref<1x64xf32, #tpu.memory_space<vmem>>)
      %dma_wait3A_179 = arith.constant 10 : i32
      %dma_wait3A_180 = arith.constant 0 : i32
      %dma_wait3A_181 = tpu.memref_slice %arg15[%dma_wait3A_179, %dma_wait3A_180] : memref<512x64xf32, #tpu.memory_space<vmem>> -> memref<1x64xf32, #tpu.memory_space<vmem>>
      %dma_wait3A_182 = arith.constant 0 : i32
      %dma_wait3A_183 = arith.constant 0 : i32
      %dma_wait3A_184 = tpu.memref_slice %arg9[%dma_wait3A_182, %dma_wait3A_183] : memref<200x64xf32, #tpu.memory_space<hbm>> -> memref<1x64xf32, #tpu.memory_space<hbm>>
      %dma_wait3A_185 = arith.constant 10 : i32
      %dma_wait3A_186 = arith.constant 0 : i32
      %dma_wait3A_187 = tpu.memref_slice %arg15[%dma_wait3A_185, %dma_wait3A_186] : memref<512x64xf32, #tpu.memory_space<vmem>> -> memref<1x64xf32, #tpu.memory_space<vmem>>
      %dma_wait3A_188 = arith.constant 0 : i32
      %dma_wait3A_189 = arith.constant 0 : i32
      %dma_wait3A_190 = tpu.memref_slice %arg9[%dma_wait3A_188, %dma_wait3A_189] : memref<200x64xf32, #tpu.memory_space<hbm>> -> memref<1x64xf32, #tpu.memory_space<hbm>>
      tpu.wait_dma2 semaphore(%arg16 : memref<!tpu.dma_semaphore, #tpu.memory_space<semaphore_mem>>) src(%dma_wait3A_190 : memref<1x64xf32, #tpu.memory_space<hbm>>) dst(%dma_wait3A_187 : memref<1x64xf32, #tpu.memory_space<vmem>>)
      %dma_wait3A_191 = arith.constant 11 : i32
      %dma_wait3A_192 = arith.constant 0 : i32
      %dma_wait3A_193 = tpu.memref_slice %arg15[%dma_wait3A_191, %dma_wait3A_192] : memref<512x64xf32, #tpu.memory_space<vmem>> -> memref<1x64xf32, #tpu.memory_space<vmem>>
      %dma_wait3A_194 = arith.constant 0 : i32
      %dma_wait3A_195 = arith.constant 0 : i32
      %dma_wait3A_196 = tpu.memref_slice %arg9[%dma_wait3A_194, %dma_wait3A_195] : memref<200x64xf32, #tpu.memory_space<hbm>> -> memref<1x64xf32, #tpu.memory_space<hbm>>
      %dma_wait3A_197 = arith.constant 11 : i32
      %dma_wait3A_198 = arith.constant 0 : i32
      %dma_wait3A_199 = tpu.memref_slice %arg15[%dma_wait3A_197, %dma_wait3A_198] : memref<512x64xf32, #tpu.memory_space<vmem>> -> memref<1x64xf32, #tpu.memory_space<vmem>>
      %dma_wait3A_200 = arith.constant 0 : i32
      %dma_wait3A_201 = arith.constant 0 : i32
      %dma_wait3A_202 = tpu.memref_slice %arg9[%dma_wait3A_200, %dma_wait3A_201] : memref<200x64xf32, #tpu.memory_space<hbm>> -> memref<1x64xf32, #tpu.memory_space<hbm>>
      tpu.wait_dma2 semaphore(%arg16 : memref<!tpu.dma_semaphore, #tpu.memory_space<semaphore_mem>>) src(%dma_wait3A_202 : memref<1x64xf32, #tpu.memory_space<hbm>>) dst(%dma_wait3A_199 : memref<1x64xf32, #tpu.memory_space<vmem>>)
      %dma_wait3A_203 = arith.constant 12 : i32
      %dma_wait3A_204 = arith.constant 0 : i32
      %dma_wait3A_205 = tpu.memref_slice %arg15[%dma_wait3A_203, %dma_wait3A_204] : memref<512x64xf32, #tpu.memory_space<vmem>> -> memref<1x64xf32, #tpu.memory_space<vmem>>
      %dma_wait3A_206 = arith.constant 0 : i32
      %dma_wait3A_207 = arith.constant 0 : i32
      %dma_wait3A_208 = tpu.memref_slice %arg9[%dma_wait3A_206, %dma_wait3A_207] : memref<200x64xf32, #tpu.memory_space<hbm>> -> memref<1x64xf32, #tpu.memory_space<hbm>>
      %dma_wait3A_209 = arith.constant 12 : i32
      %dma_wait3A_210 = arith.constant 0 : i32
      %dma_wait3A_211 = tpu.memref_slice %arg15[%dma_wait3A_209, %dma_wait3A_210] : memref<512x64xf32, #tpu.memory_space<vmem>> -> memref<1x64xf32, #tpu.memory_space<vmem>>
      %dma_wait3A_212 = arith.constant 0 : i32
      %dma_wait3A_213 = arith.constant 0 : i32
      %dma_wait3A_214 = tpu.memref_slice %arg9[%dma_wait3A_212, %dma_wait3A_213] : memref<200x64xf32, #tpu.memory_space<hbm>> -> memref<1x64xf32, #tpu.memory_space<hbm>>
      tpu.wait_dma2 semaphore(%arg16 : memref<!tpu.dma_semaphore, #tpu.memory_space<semaphore_mem>>) src(%dma_wait3A_214 : memref<1x64xf32, #tpu.memory_space<hbm>>) dst(%dma_wait3A_211 : memref<1x64xf32, #tpu.memory_space<vmem>>)
      %dma_wait3A_215 = arith.constant 13 : i32
      %dma_wait3A_216 = arith.constant 0 : i32
      %dma_wait3A_217 = tpu.memref_slice %arg15[%dma_wait3A_215, %dma_wait3A_216] : memref<512x64xf32, #tpu.memory_space<vmem>> -> memref<1x64xf32, #tpu.memory_space<vmem>>
      %dma_wait3A_218 = arith.constant 0 : i32
      %dma_wait3A_219 = arith.constant 0 : i32
      %dma_wait3A_220 = tpu.memref_slice %arg9[%dma_wait3A_218, %dma_wait3A_219] : memref<200x64xf32, #tpu.memory_space<hbm>> -> memref<1x64xf32, #tpu.memory_space<hbm>>
      %dma_wait3A_221 = arith.constant 13 : i32
      %dma_wait3A_222 = arith.constant 0 : i32
      %dma_wait3A_223 = tpu.memref_slice %arg15[%dma_wait3A_221, %dma_wait3A_222] : memref<512x64xf32, #tpu.memory_space<vmem>> -> memref<1x64xf32, #tpu.memory_space<vmem>>
      %dma_wait3A_224 = arith.constant 0 : i32
      %dma_wait3A_225 = arith.constant 0 : i32
      %dma_wait3A_226 = tpu.memref_slice %arg9[%dma_wait3A_224, %dma_wait3A_225] : memref<200x64xf32, #tpu.memory_space<hbm>> -> memref<1x64xf32, #tpu.memory_space<hbm>>
      tpu.wait_dma2 semaphore(%arg16 : memref<!tpu.dma_semaphore, #tpu.memory_space<semaphore_mem>>) src(%dma_wait3A_226 : memref<1x64xf32, #tpu.memory_space<hbm>>) dst(%dma_wait3A_223 : memref<1x64xf32, #tpu.memory_space<vmem>>)
      %dma_wait3A_227 = arith.constant 14 : i32
      %dma_wait3A_228 = arith.constant 0 : i32
      %dma_wait3A_229 = tpu.memref_slice %arg15[%dma_wait3A_227, %dma_wait3A_228] : memref<512x64xf32, #tpu.memory_space<vmem>> -> memref<1x64xf32, #tpu.memory_space<vmem>>
      %dma_wait3A_230 = arith.constant 0 : i32
      %dma_wait3A_231 = arith.constant 0 : i32
      %dma_wait3A_232 = tpu.memref_slice %arg9[%dma_wait3A_230, %dma_wait3A_231] : memref<200x64xf32, #tpu.memory_space<hbm>> -> memref<1x64xf32, #tpu.memory_space<hbm>>
      %dma_wait3A_233 = arith.constant 14 : i32
      %dma_wait3A_234 = arith.constant 0 : i32
      %dma_wait3A_235 = tpu.memref_slice %arg15[%dma_wait3A_233, %dma_wait3A_234] : memref<512x64xf32, #tpu.memory_space<vmem>> -> memref<1x64xf32, #tpu.memory_space<vmem>>
      %dma_wait3A_236 = arith.constant 0 : i32
      %dma_wait3A_237 = arith.constant 0 : i32
      %dma_wait3A_238 = tpu.memref_slice %arg9[%dma_wait3A_236, %dma_wait3A_237] : memref<200x64xf32, #tpu.memory_space<hbm>> -> memref<1x64xf32, #tpu.memory_space<hbm>>
      tpu.wait_dma2 semaphore(%arg16 : memref<!tpu.dma_semaphore, #tpu.memory_space<semaphore_mem>>) src(%dma_wait3A_238 : memref<1x64xf32, #tpu.memory_space<hbm>>) dst(%dma_wait3A_235 : memref<1x64xf32, #tpu.memory_space<vmem>>)
      %dma_wait3A_239 = arith.constant 15 : i32
      %dma_wait3A_240 = arith.constant 0 : i32
      %dma_wait3A_241 = tpu.memref_slice %arg15[%dma_wait3A_239, %dma_wait3A_240] : memref<512x64xf32, #tpu.memory_space<vmem>> -> memref<1x64xf32, #tpu.memory_space<vmem>>
      %dma_wait3A_242 = arith.constant 0 : i32
      %dma_wait3A_243 = arith.constant 0 : i32
      %dma_wait3A_244 = tpu.memref_slice %arg9[%dma_wait3A_242, %dma_wait3A_243] : memref<200x64xf32, #tpu.memory_space<hbm>> -> memref<1x64xf32, #tpu.memory_space<hbm>>
      %dma_wait3A_245 = arith.constant 15 : i32
      %dma_wait3A_246 = arith.constant 0 : i32
      %dma_wait3A_247 = tpu.memref_slice %arg15[%dma_wait3A_245, %dma_wait3A_246] : memref<512x64xf32, #tpu.memory_space<vmem>> -> memref<1x64xf32, #tpu.memory_space<vmem>>
      %dma_wait3A_248 = arith.constant 0 : i32
      %dma_wait3A_249 = arith.constant 0 : i32
      %dma_wait3A_250 = tpu.memref_slice %arg9[%dma_wait3A_248, %dma_wait3A_249] : memref<200x64xf32, #tpu.memory_space<hbm>> -> memref<1x64xf32, #tpu.memory_space<hbm>>
      tpu.wait_dma2 semaphore(%arg16 : memref<!tpu.dma_semaphore, #tpu.memory_space<semaphore_mem>>) src(%dma_wait3A_250 : memref<1x64xf32, #tpu.memory_space<hbm>>) dst(%dma_wait3A_247 : memref<1x64xf32, #tpu.memory_space<vmem>>)
      %scan3A_251 = arith.constant 0 : i32
      scf.yield %scan3A_251 : i32
    }
    %scan3A_57 = arith.constant 4 : i32
    "tpu.region"() ({
      %run_scoped3A = tpu.sem_alloc : memref<!tpu.dma_semaphore, #tpu.memory_space<semaphore_mem>>
      %dma_start3A = arith.constant 0 : i32
      %dma_start3A_58 = tpu.memref_slice %arg13[%mul3A_2, %dma_start3A] : memref<16384x64xf32, #tpu.memory_space<hbm>> -> memref<512x64xf32, #tpu.memory_space<hbm>>
      %dma_start3A_59 = arith.constant 0 : i32
      %dma_start3A_60 = tpu.memref_slice %arg13[%mul3A_2, %dma_start3A_59] : memref<16384x64xf32, #tpu.memory_space<hbm>> -> memref<512x64xf32, #tpu.memory_space<hbm>>
      tpu.enqueue_dma source(%arg15 : memref<512x64xf32, #tpu.memory_space<vmem>>) target(%dma_start3A_60 : memref<512x64xf32, #tpu.memory_space<hbm>>) target_semaphore(%run_scoped3A : memref<!tpu.dma_semaphore, #tpu.memory_space<semaphore_mem>>)
      %dma_wait3A = arith.constant 0 : i32
      %dma_wait3A_61 = tpu.memref_slice %arg13[%mul3A_2, %dma_wait3A] : memref<16384x64xf32, #tpu.memory_space<hbm>> -> memref<512x64xf32, #tpu.memory_space<hbm>>
      %dma_wait3A_62 = arith.constant 0 : i32
      %dma_wait3A_63 = tpu.memref_slice %arg13[%mul3A_2, %dma_wait3A_62] : memref<16384x64xf32, #tpu.memory_space<hbm>> -> memref<512x64xf32, #tpu.memory_space<hbm>>
      tpu.wait_dma2 semaphore(%run_scoped3A : memref<!tpu.dma_semaphore, #tpu.memory_space<semaphore_mem>>) src(%arg15 : memref<512x64xf32, #tpu.memory_space<vmem>>) dst(%dma_wait3A_63 : memref<512x64xf32, #tpu.memory_space<hbm>>)
      tpu.yield
    }) : () -> ()
    return
  }
}

module attributes {stable_mosaic.version = 14 : i64} {
  func.func @_tc_dense_body(%arg0: i32, %arg1: memref<2048x64xf32, #tpu.memory_space<vmem>>, %arg2: memref<2048x64xf32, #tpu.memory_space<vmem>>, %arg3: memref<2048x64xf32, #tpu.memory_space<vmem>>, %arg4: memref<2048x64xf32, #tpu.memory_space<vmem>>, %arg5: memref<16x64xf32, #tpu.memory_space<vmem>>, %arg6: memref<16x64xf32, #tpu.memory_space<vmem>>, %arg7: memref<16x64xf32, #tpu.memory_space<vmem>>, %arg8: memref<16x64xf32, #tpu.memory_space<vmem>>, %arg9: memref<1x16xf32, #tpu.memory_space<vmem>>, %arg10: memref<1x16xf32, #tpu.memory_space<vmem>>, %arg11: memref<1x16xf32, #tpu.memory_space<vmem>>, %arg12: memref<1x16xf32, #tpu.memory_space<vmem>>, %arg13: memref<1x16xf32, #tpu.memory_space<vmem>>, %arg14: memref<1x16xf32, #tpu.memory_space<vmem>>, %arg15: memref<1x16xf32, #tpu.memory_space<vmem>>, %arg16: memref<1x16xf32, #tpu.memory_space<vmem>>, %arg17: memref<1x1xf32, #tpu.memory_space<vmem>>, %arg18: memref<1x1xf32, #tpu.memory_space<vmem>>, %arg19: memref<2048xf32, #tpu.memory_space<vmem>>) attributes {dimension_semantics = [#tpu.dimension_semantics<arbitrary>], iteration_bounds = array<i64: 8>, scalar_prefetch = 0 : i64, scratch_operands = 0 : i64, tpu.core_type = #tpu.core_type<tc>, window_params = [{transform_indices = @transform_0, window_bounds = array<i64: 2048, 64>}, {transform_indices = @transform_1, window_bounds = array<i64: 2048, 64>}, {transform_indices = @transform_2, window_bounds = array<i64: 2048, 64>}, {transform_indices = @transform_3, window_bounds = array<i64: 2048, 64>}, {pipeline_mode = #tpu.pipeline_mode<synchronous>, transform_indices = @transform_4, window_bounds = array<i64: 16, 64>}, {pipeline_mode = #tpu.pipeline_mode<synchronous>, transform_indices = @transform_5, window_bounds = array<i64: 16, 64>}, {pipeline_mode = #tpu.pipeline_mode<synchronous>, transform_indices = @transform_6, window_bounds = array<i64: 16, 64>}, {pipeline_mode = #tpu.pipeline_mode<synchronous>, transform_indices = @transform_7, window_bounds = array<i64: 16, 64>}, {pipeline_mode = #tpu.pipeline_mode<synchronous>, transform_indices = @transform_8, window_bounds = array<i64: 1, 16>}, {pipeline_mode = #tpu.pipeline_mode<synchronous>, transform_indices = @transform_9, window_bounds = array<i64: 1, 16>}, {pipeline_mode = #tpu.pipeline_mode<synchronous>, transform_indices = @transform_10, window_bounds = array<i64: 1, 16>}, {pipeline_mode = #tpu.pipeline_mode<synchronous>, transform_indices = @transform_11, window_bounds = array<i64: 1, 16>}, {pipeline_mode = #tpu.pipeline_mode<synchronous>, transform_indices = @transform_12, window_bounds = array<i64: 1, 16>}, {pipeline_mode = #tpu.pipeline_mode<synchronous>, transform_indices = @transform_13, window_bounds = array<i64: 1, 16>}, {pipeline_mode = #tpu.pipeline_mode<synchronous>, transform_indices = @transform_14, window_bounds = array<i64: 1, 16>}, {pipeline_mode = #tpu.pipeline_mode<synchronous>, transform_indices = @transform_15, window_bounds = array<i64: 1, 16>}, {pipeline_mode = #tpu.pipeline_mode<synchronous>, transform_indices = @transform_16, window_bounds = array<i64: 1, 1>}, {pipeline_mode = #tpu.pipeline_mode<synchronous>, transform_indices = @transform_17, window_bounds = array<i64: 1, 1>}, {transform_indices = @transform_18, window_bounds = array<i64: 2048>}]} {
    %get3A = arith.constant 0 : index
    %get3A_0 = arith.constant 0 : index
    %get3A_1 = vector.load %arg1[%get3A, %get3A_0] : memref<2048x64xf32, #tpu.memory_space<vmem>>, vector<2048x64xf32>
    %get3A_2 = arith.constant 0 : index
    %get3A_3 = arith.constant 0 : index
    %get3A_4 = vector.load %arg2[%get3A_2, %get3A_3] : memref<2048x64xf32, #tpu.memory_space<vmem>>, vector<2048x64xf32>
    %get3A_5 = arith.constant 0 : index
    %get3A_6 = arith.constant 0 : index
    %get3A_7 = vector.load %arg3[%get3A_5, %get3A_6] : memref<2048x64xf32, #tpu.memory_space<vmem>>, vector<2048x64xf32>
    %get3A_8 = arith.constant 0 : index
    %get3A_9 = arith.constant 0 : index
    %get3A_10 = vector.load %arg4[%get3A_8, %get3A_9] : memref<2048x64xf32, #tpu.memory_space<vmem>>, vector<2048x64xf32>
    %mul3A = arith.mulf %get3A_1, %get3A_1 : vector<2048x64xf32>
    %reduce_sum3A = arith.constant dense<0.000000e+00> : vector<2048xf32>
    %reduce_sum3A_11 = vector.multi_reduction <add>, %mul3A, %reduce_sum3A [1] : vector<2048x64xf32> to vector<2048xf32>
    %sqrt3A = math.sqrt %reduce_sum3A_11 : vector<2048xf32>
    %max3A = arith.constant 9.99999993E-9 : f32
    %max3A_12 = vector.broadcast %max3A : f32 to vector<2048xf32>
    %max3A_13 = arith.maximumf %sqrt3A, %max3A_12 : vector<2048xf32>
    %mul3A_14 = arith.mulf %get3A_4, %get3A_4 : vector<2048x64xf32>
    %reduce_sum3A_15 = arith.constant dense<0.000000e+00> : vector<2048xf32>
    %reduce_sum3A_16 = vector.multi_reduction <add>, %mul3A_14, %reduce_sum3A_15 [1] : vector<2048x64xf32> to vector<2048xf32>
    %sqrt3A_17 = math.sqrt %reduce_sum3A_16 : vector<2048xf32>
    %max3A_18 = arith.constant 9.99999993E-9 : f32
    %max3A_19 = vector.broadcast %max3A_18 : f32 to vector<2048xf32>
    %max3A_20 = arith.maximumf %sqrt3A_17, %max3A_19 : vector<2048xf32>
    %mul3A_21 = arith.mulf %get3A_1, %get3A_4 : vector<2048x64xf32>
    %reduce_sum3A_22 = arith.constant dense<0.000000e+00> : vector<2048xf32>
    %reduce_sum3A_23 = vector.multi_reduction <add>, %mul3A_21, %reduce_sum3A_22 [1] : vector<2048x64xf32> to vector<2048xf32>
    %mul3A_24 = arith.mulf %max3A_13, %max3A_20 : vector<2048xf32>
    %div3A = arith.divf %reduce_sum3A_23, %mul3A_24 : vector<2048xf32>
    %get3A_25 = arith.constant 0 : index
    %get3A_26 = arith.constant 0 : index
    %get3A_27 = vector.load %arg5[%get3A_25, %get3A_26] : memref<16x64xf32, #tpu.memory_space<vmem>>, vector<16x64xf32>
    %dot_general3A = arith.constant dense<0.000000e+00> : vector<2048x16xf32>
    %dot_general3A_28 = tpu.matmul %get3A_1, %get3A_27, %dot_general3A {dimension_numbers = #tpu.dot_dimension_numbers<[1], [1], [0], [0], [0, 0, 1, 0], [], []>, transpose_lhs_hint = false} : vector<2048x64xf32>, vector<16x64xf32>, vector<2048x16xf32> -> vector<2048x16xf32>
    %get3A_29 = arith.constant 0 : index
    %get3A_30 = arith.constant 0 : index
    %get3A_31 = vector.load %arg9[%get3A_29, %get3A_30] : memref<1x16xf32, #tpu.memory_space<vmem>>, vector<1x16xf32>
    %add3A = vector.broadcast %get3A_31 : vector<1x16xf32> to vector<2048x16xf32>
    %add3A_32 = arith.addf %dot_general3A_28, %add3A : vector<2048x16xf32>
    %max3A_33 = arith.constant 0.000000e+00 : f32
    %max3A_34 = vector.broadcast %max3A_33 : f32 to vector<2048x16xf32>
    %max3A_35 = arith.maximumf %add3A_32, %max3A_34 : vector<2048x16xf32>
    %get3A_36 = arith.constant 0 : index
    %get3A_37 = arith.constant 0 : index
    %get3A_38 = vector.load %arg6[%get3A_36, %get3A_37] : memref<16x64xf32, #tpu.memory_space<vmem>>, vector<16x64xf32>
    %dot_general3A_39 = arith.constant dense<0.000000e+00> : vector<2048x16xf32>
    %dot_general3A_40 = tpu.matmul %get3A_4, %get3A_38, %dot_general3A_39 {dimension_numbers = #tpu.dot_dimension_numbers<[1], [1], [0], [0], [0, 0, 1, 0], [], []>, transpose_lhs_hint = false} : vector<2048x64xf32>, vector<16x64xf32>, vector<2048x16xf32> -> vector<2048x16xf32>
    %get3A_41 = arith.constant 0 : index
    %get3A_42 = arith.constant 0 : index
    %get3A_43 = vector.load %arg10[%get3A_41, %get3A_42] : memref<1x16xf32, #tpu.memory_space<vmem>>, vector<1x16xf32>
    %add3A_44 = vector.broadcast %get3A_43 : vector<1x16xf32> to vector<2048x16xf32>
    %add3A_45 = arith.addf %dot_general3A_40, %add3A_44 : vector<2048x16xf32>
    %max3A_46 = arith.constant 0.000000e+00 : f32
    %max3A_47 = vector.broadcast %max3A_46 : f32 to vector<2048x16xf32>
    %max3A_48 = arith.maximumf %add3A_45, %max3A_47 : vector<2048x16xf32>
    %get3A_49 = arith.constant 0 : index
    %get3A_50 = arith.constant 0 : index
    %get3A_51 = vector.load %arg7[%get3A_49, %get3A_50] : memref<16x64xf32, #tpu.memory_space<vmem>>, vector<16x64xf32>
    %dot_general3A_52 = arith.constant dense<0.000000e+00> : vector<2048x16xf32>
    %dot_general3A_53 = tpu.matmul %get3A_7, %get3A_51, %dot_general3A_52 {dimension_numbers = #tpu.dot_dimension_numbers<[1], [1], [0], [0], [0, 0, 1, 0], [], []>, transpose_lhs_hint = false} : vector<2048x64xf32>, vector<16x64xf32>, vector<2048x16xf32> -> vector<2048x16xf32>
    %get3A_54 = arith.constant 0 : index
    %get3A_55 = arith.constant 0 : index
    %get3A_56 = vector.load %arg11[%get3A_54, %get3A_55] : memref<1x16xf32, #tpu.memory_space<vmem>>, vector<1x16xf32>
    %add3A_57 = vector.broadcast %get3A_56 : vector<1x16xf32> to vector<2048x16xf32>
    %add3A_58 = arith.addf %dot_general3A_53, %add3A_57 : vector<2048x16xf32>
    %max3A_59 = arith.constant 0.000000e+00 : f32
    %max3A_60 = vector.broadcast %max3A_59 : f32 to vector<2048x16xf32>
    %max3A_61 = arith.maximumf %add3A_58, %max3A_60 : vector<2048x16xf32>
    %get3A_62 = arith.constant 0 : index
    %get3A_63 = arith.constant 0 : index
    %get3A_64 = vector.load %arg8[%get3A_62, %get3A_63] : memref<16x64xf32, #tpu.memory_space<vmem>>, vector<16x64xf32>
    %dot_general3A_65 = arith.constant dense<0.000000e+00> : vector<2048x16xf32>
    %dot_general3A_66 = tpu.matmul %get3A_10, %get3A_64, %dot_general3A_65 {dimension_numbers = #tpu.dot_dimension_numbers<[1], [1], [0], [0], [0, 0, 1, 0], [], []>, transpose_lhs_hint = false} : vector<2048x64xf32>, vector<16x64xf32>, vector<2048x16xf32> -> vector<2048x16xf32>
    %get3A_67 = arith.constant 0 : index
    %get3A_68 = arith.constant 0 : index
    %get3A_69 = vector.load %arg12[%get3A_67, %get3A_68] : memref<1x16xf32, #tpu.memory_space<vmem>>, vector<1x16xf32>
    %add3A_70 = vector.broadcast %get3A_69 : vector<1x16xf32> to vector<2048x16xf32>
    %add3A_71 = arith.addf %dot_general3A_66, %add3A_70 : vector<2048x16xf32>
    %max3A_72 = arith.constant 0.000000e+00 : f32
    %max3A_73 = vector.broadcast %max3A_72 : f32 to vector<2048x16xf32>
    %max3A_74 = arith.maximumf %add3A_71, %max3A_73 : vector<2048x16xf32>
    %get3A_75 = arith.constant 0 : index
    %get3A_76 = arith.constant 0 : index
    %get3A_77 = vector.load %arg13[%get3A_75, %get3A_76] : memref<1x16xf32, #tpu.memory_space<vmem>>, vector<1x16xf32>
    %mul3A_78 = vector.broadcast %get3A_77 : vector<1x16xf32> to vector<2048x16xf32>
    %mul3A_79 = arith.mulf %max3A_35, %mul3A_78 : vector<2048x16xf32>
    %reduce_sum3A_80 = arith.constant dense<0.000000e+00> : vector<2048xf32>
    %reduce_sum3A_81 = vector.multi_reduction <add>, %mul3A_79, %reduce_sum3A_80 [1] : vector<2048x16xf32> to vector<2048xf32>
    %get3A_82 = arith.constant 0 : index
    %get3A_83 = arith.constant 0 : index
    %get3A_84 = vector.load %arg14[%get3A_82, %get3A_83] : memref<1x16xf32, #tpu.memory_space<vmem>>, vector<1x16xf32>
    %mul3A_85 = vector.broadcast %get3A_84 : vector<1x16xf32> to vector<2048x16xf32>
    %mul3A_86 = arith.mulf %max3A_48, %mul3A_85 : vector<2048x16xf32>
    %reduce_sum3A_87 = arith.constant dense<0.000000e+00> : vector<2048xf32>
    %reduce_sum3A_88 = vector.multi_reduction <add>, %mul3A_86, %reduce_sum3A_87 [1] : vector<2048x16xf32> to vector<2048xf32>
    %add3A_89 = arith.addf %reduce_sum3A_81, %reduce_sum3A_88 : vector<2048xf32>
    %get3A_90 = arith.constant 0 : index
    %get3A_91 = arith.constant 0 : index
    %get3A_92 = vector.load %arg15[%get3A_90, %get3A_91] : memref<1x16xf32, #tpu.memory_space<vmem>>, vector<1x16xf32>
    %mul3A_93 = vector.broadcast %get3A_92 : vector<1x16xf32> to vector<2048x16xf32>
    %mul3A_94 = arith.mulf %max3A_61, %mul3A_93 : vector<2048x16xf32>
    %reduce_sum3A_95 = arith.constant dense<0.000000e+00> : vector<2048xf32>
    %reduce_sum3A_96 = vector.multi_reduction <add>, %mul3A_94, %reduce_sum3A_95 [1] : vector<2048x16xf32> to vector<2048xf32>
    %add3A_97 = arith.addf %add3A_89, %reduce_sum3A_96 : vector<2048xf32>
    %get3A_98 = arith.constant 0 : index
    %get3A_99 = arith.constant 0 : index
    %get3A_100 = vector.load %arg16[%get3A_98, %get3A_99] : memref<1x16xf32, #tpu.memory_space<vmem>>, vector<1x16xf32>
    %mul3A_101 = vector.broadcast %get3A_100 : vector<1x16xf32> to vector<2048x16xf32>
    %mul3A_102 = arith.mulf %max3A_74, %mul3A_101 : vector<2048x16xf32>
    %reduce_sum3A_103 = arith.constant dense<0.000000e+00> : vector<2048xf32>
    %reduce_sum3A_104 = vector.multi_reduction <add>, %mul3A_102, %reduce_sum3A_103 [1] : vector<2048x16xf32> to vector<2048xf32>
    %add3A_105 = arith.addf %add3A_97, %reduce_sum3A_104 : vector<2048xf32>
    %get3A_106 = arith.constant 0 : index
    %get3A_107 = arith.constant 0 : index
    %get3A_108 = vector.load %arg17[%get3A_106, %get3A_107] : memref<1x1xf32, #tpu.memory_space<vmem>>, vector<1x1xf32>
    %get3A_109 = vector.extract %get3A_108[0, 0] : f32 from vector<1x1xf32>
    %mul3A_110 = vector.broadcast %get3A_109 : f32 to vector<2048xf32>
    %mul3A_111 = arith.mulf %div3A, %mul3A_110 : vector<2048xf32>
    %add3A_112 = arith.addf %add3A_105, %mul3A_111 : vector<2048xf32>
    %get3A_113 = arith.constant 0 : index
    %get3A_114 = arith.constant 0 : index
    %get3A_115 = vector.load %arg18[%get3A_113, %get3A_114] : memref<1x1xf32, #tpu.memory_space<vmem>>, vector<1x1xf32>
    %get3A_116 = vector.extract %get3A_115[0, 0] : f32 from vector<1x1xf32>
    %add3A_117 = vector.broadcast %get3A_116 : f32 to vector<2048xf32>
    %add3A_118 = arith.addf %add3A_112, %add3A_117 : vector<2048xf32>
    %logistic3A = arith.negf %add3A_118 : vector<2048xf32>
    %logistic3A_119 = math.exp %logistic3A : vector<2048xf32>
    %logistic3A_120 = arith.constant 1.000000e+00 : f32
    %logistic3A_121 = vector.broadcast %logistic3A_120 : f32 to vector<2048xf32>
    %logistic3A_122 = arith.addf %logistic3A_121, %logistic3A_119 : vector<2048xf32>
    %logistic3A_123 = arith.divf %logistic3A_121, %logistic3A_122 : vector<2048xf32>
    %mul3A_124 = arith.constant 5.000000e+00 : f32
    %mul3A_125 = vector.broadcast %mul3A_124 : f32 to vector<2048xf32>
    %mul3A_126 = arith.mulf %logistic3A_123, %mul3A_125 : vector<2048xf32>
    %add3A_127 = arith.constant 2.500000e-01 : f32
    %add3A_128 = vector.broadcast %add3A_127 : f32 to vector<2048xf32>
    %add3A_129 = arith.addf %mul3A_126, %add3A_128 : vector<2048xf32>
    %swap3A = arith.constant 0 : index
    %swap3A_130 = vector.load %arg19[%swap3A] : memref<2048xf32, #tpu.memory_space<vmem>>, vector<2048xf32>
    tpu.vector_store %arg19[%swap3A], %add3A_129 {strides = array<i32>} : memref<2048xf32, #tpu.memory_space<vmem>>, vector<2048xf32>,
    return
  }
  func.func @transform_0(%arg0: i32) -> (i32, i32) {
    %c0_i32 = arith.constant 0 : i32
    %c0_i32_0 = arith.constant 0 : i32
    return %arg0, %c0_i32 : i32, i32
  }
  func.func @transform_1(%arg0: i32) -> (i32, i32) {
    %c0_i32 = arith.constant 0 : i32
    %c0_i32_0 = arith.constant 0 : i32
    return %arg0, %c0_i32 : i32, i32
  }
  func.func @transform_2(%arg0: i32) -> (i32, i32) {
    %c0_i32 = arith.constant 0 : i32
    %c0_i32_0 = arith.constant 0 : i32
    return %arg0, %c0_i32 : i32, i32
  }
  func.func @transform_3(%arg0: i32) -> (i32, i32) {
    %c0_i32 = arith.constant 0 : i32
    %c0_i32_0 = arith.constant 0 : i32
    return %arg0, %c0_i32 : i32, i32
  }
  func.func @transform_4(%arg0: i32) -> (i32, i32) {
    %c0_i32 = arith.constant 0 : i32
    %c0_i32_0 = arith.constant 0 : i32
    %c0_i32_1 = arith.constant 0 : i32
    return %c0_i32, %c0_i32_0 : i32, i32
  }
  func.func @transform_5(%arg0: i32) -> (i32, i32) {
    %c0_i32 = arith.constant 0 : i32
    %c0_i32_0 = arith.constant 0 : i32
    %c0_i32_1 = arith.constant 0 : i32
    return %c0_i32, %c0_i32_0 : i32, i32
  }
  func.func @transform_6(%arg0: i32) -> (i32, i32) {
    %c0_i32 = arith.constant 0 : i32
    %c0_i32_0 = arith.constant 0 : i32
    %c0_i32_1 = arith.constant 0 : i32
    return %c0_i32, %c0_i32_0 : i32, i32
  }
  func.func @transform_7(%arg0: i32) -> (i32, i32) {
    %c0_i32 = arith.constant 0 : i32
    %c0_i32_0 = arith.constant 0 : i32
    %c0_i32_1 = arith.constant 0 : i32
    return %c0_i32, %c0_i32_0 : i32, i32
  }
  func.func @transform_8(%arg0: i32) -> (i32, i32) {
    %c0_i32 = arith.constant 0 : i32
    %c0_i32_0 = arith.constant 0 : i32
    %c0_i32_1 = arith.constant 0 : i32
    return %c0_i32, %c0_i32_0 : i32, i32
  }
  func.func @transform_9(%arg0: i32) -> (i32, i32) {
    %c0_i32 = arith.constant 0 : i32
    %c0_i32_0 = arith.constant 0 : i32
    %c0_i32_1 = arith.constant 0 : i32
    return %c0_i32, %c0_i32_0 : i32, i32
  }
  func.func @transform_10(%arg0: i32) -> (i32, i32) {
    %c0_i32 = arith.constant 0 : i32
    %c0_i32_0 = arith.constant 0 : i32
    %c0_i32_1 = arith.constant 0 : i32
    return %c0_i32, %c0_i32_0 : i32, i32
  }
  func.func @transform_11(%arg0: i32) -> (i32, i32) {
    %c0_i32 = arith.constant 0 : i32
    %c0_i32_0 = arith.constant 0 : i32
    %c0_i32_1 = arith.constant 0 : i32
    return %c0_i32, %c0_i32_0 : i32, i32
  }
  func.func @transform_12(%arg0: i32) -> (i32, i32) {
    %c0_i32 = arith.constant 0 : i32
    %c0_i32_0 = arith.constant 0 : i32
    %c0_i32_1 = arith.constant 0 : i32
    return %c0_i32, %c0_i32_0 : i32, i32
  }
  func.func @transform_13(%arg0: i32) -> (i32, i32) {
    %c0_i32 = arith.constant 0 : i32
    %c0_i32_0 = arith.constant 0 : i32
    %c0_i32_1 = arith.constant 0 : i32
    return %c0_i32, %c0_i32_0 : i32, i32
  }
  func.func @transform_14(%arg0: i32) -> (i32, i32) {
    %c0_i32 = arith.constant 0 : i32
    %c0_i32_0 = arith.constant 0 : i32
    %c0_i32_1 = arith.constant 0 : i32
    return %c0_i32, %c0_i32_0 : i32, i32
  }
  func.func @transform_15(%arg0: i32) -> (i32, i32) {
    %c0_i32 = arith.constant 0 : i32
    %c0_i32_0 = arith.constant 0 : i32
    %c0_i32_1 = arith.constant 0 : i32
    return %c0_i32, %c0_i32_0 : i32, i32
  }
  func.func @transform_16(%arg0: i32) -> (i32, i32) {
    %c0_i32 = arith.constant 0 : i32
    %c0_i32_0 = arith.constant 0 : i32
    %c0_i32_1 = arith.constant 0 : i32
    return %c0_i32, %c0_i32_0 : i32, i32
  }
  func.func @transform_17(%arg0: i32) -> (i32, i32) {
    %c0_i32 = arith.constant 0 : i32
    %c0_i32_0 = arith.constant 0 : i32
    %c0_i32_1 = arith.constant 0 : i32
    return %c0_i32, %c0_i32_0 : i32, i32
  }
  func.func @transform_18(%arg0: i32) -> i32 {
    %c0_i32 = arith.constant 0 : i32
    return %arg0 : i32
  }
}

</mosaic_0001>

<sc_bundles>
// kernel: kernel.4.cloned.1.call-start
scs
__scs_entry_jumppad:
0x0: {  	(pc) =	sbr.rel $0x88, $3  }
0x1: {  	(tag) =	ssettag $0x0;
	lr =	simm.s32 $0x1  }
0x2: {  	[smem:$0x3F8F] =	sst lr;
	_ =	strace $0xD0000000  }
0x3: {  	_ = 	snop  }
0x4: {  	_ = 	snop  }
0x5: {  	_ = 	snop  }
0x6: {  	_ = 	snop  }
0x7: {  	_ = 	snop  }
__scs_overlays_trampoline_lowered:
0x8: {  	[smem:$0x3F9E] =	sst s0  }
0x9: {  	[smem:$0x3F9F] =	sst s1  }
0xa: {  	[smem:$0x3FA0] =	sst s2  }
0xb: {  	[smem:$0x3FA1] =	sst s3  }
0xc: {  	[smem:$0x3FA2] =	sst s4  }
0xd: {  	[smem:$0x3FA3] =	sst s5  }
0xe: {  	[smem:$0x3FA4] =	sst s6  }
0xf: {  	[smem:$0x3FA5] =	sst s7  }
0x10: {  	[smem:$0x3FA6] =	sst s8  }
0x11: {  	[smem:$0x3FA7] =	sst s9;
	s0 =	simm.s32 @!p0 $0x0  }
0x12: {  	s1 =	sld [smem:$0x3F8D];
	s0 =	simm.s32 @p0 $0x1  }
0x13: {  	[smem:$0x3FA8] =	sst s0;
	s0 =	simm.s32 @!p1 $0x0  }
0x14: {  	s2 =	sld [smem:$0x3F8C];
	s0 =	simm.s32 @p1 $0x1  }
0x15: {  	[smem:$0x3FA9] =	sst s0;
	s0 =	simm.s32 @!p2 $0x0  }
0x16: {  	s3 =	sld [smem:$0x3FDB];
	s0 =	simm.s32 @p2 $0x1  }
0x17: {  	s4 =	simm.s32 $0x1BF5;
	[smem:$0x3FAB] =	sst s0  }
0x18: {  	s0 =	sld [smem:$0x3F8E];
	_ =	swait.ge [sflag:s4], $0x0  }
0x19: {  	s7 =	sld [smem:$0x3F8F]  }
0x1a: {  	s8 =	sadd.s32 $0xFFFFE003, lr  }
0x1b: {  	s9 =	sadd.s32 $0xFFFFFEF7, lr;
	s5 =	simm.s32 $0xFFFFFFFF;
	p2 =	slt.u32 s8, $0xFFFFF086  }
0x1c: {  	p1 =	slt.u32 s9, $0xF7A;
	s5 =	simm.s32 @!p2 $0x0  }
0x1d: {  	s5 =	simm.s32 @p1 $0x1;
	p0 =	seq.s32 s7, s2  }
0x1e: {  	s7 =	smul.u32 @!p0 $0xF7A, s2;
	p2 =	seq.s32 @!p0 s5, $0x0  }
0x1f: {  	s9 =	smul.u32 $0xF7A, s1;
	s8 =	simm.s32 @!p0 $0x1BF5;
	p2 =	por !p2, p0  }
0x20: {  	[sflag:s8] =	ssyncset.s32 @!p0 $0xFFFFF086;
	s6 =	sadd.s32 @!p0 s3, s7;
	s7 =	simm.s32 @!p0 $0x108  }
0x21: {  	s3 =	sadd.s32 s3, s9;
	s6 =	sadd.s32 @!p0 $0x88, s6;
	s7 =	simm.s32 @p2 $0x1082  }
0x22: {  	[simem:s7], [sflag:s8] =	dma.local @!p0 [hbm:s6], $0xF7A  }
0x23: {  	s9 =	sor.u32 $0xD0000000, s2;
	s6 =	simm.s32 $0x108;
	_ =	swait.ge @!p0 [sflag:s8], $0x0  }
0x24: {  	s3 =	sadd.s32 $0x88, s3;
	s6 =	simm.s32 @!p1 $0x1082;
	[sflag:s4] =	ssyncset.s32 $0xFFFFF086  }
0x25: {  	[simem:s6], [sflag:s4] =	dma.local [hbm:s3], $0xF7A  }
0x26: {  	[smem:$0x3F8F] =	sst s1;
	(tag) =	ssettag s2;
	_ =	strace s9  }
0x27: {  	s1 =	sld [smem:$0x3F9F]  }
0x28: {  	s2 =	sld [smem:$0x3FA0]  }
0x29: {  	s4 =	sld [smem:$0x3FA2]  }
0x2a: {  	p0 =	seq.s32 s5, $0x0;
	s5 =	sld [smem:$0x3FA3]  }
0x2b: {  	s6 =	sld [smem:$0x3FA4]  }
0x2c: {  	s7 =	sld [smem:$0x3FA5]  }
0x2d: {  	s3 =	simm.s32 $0x108;
	s8 =	sld [smem:$0x3FA6]  }
0x2e: {  	s3 =	simm.s32 @!p0 $0x1082;
	s9 =	sld [smem:$0x3FA7]  }
0x2f: {  	lr =	sadd.s32 s0, s3;
	s0 =	sld [smem:$0x3F9E]  }
0x30: {  	s3 =	sld [smem:$0x3FA1]  }
0x31: {  	[smem:$0x3FAA] =	sst s10  }
0x32: {  	s10 =	sld [smem:$0x3FA8];
	_ =	sdelay $0x3  }
0x33: {  	p0 =	seq.s32 s10, $0x1;
	s10 =	sld [smem:$0x3FAA];
	_ =	sdelay $0x3  }
0x34: {  	[smem:$0x3FAA] =	sst s10  }
0x35: {  	s10 =	sld [smem:$0x3FA9];
	_ =	sdelay $0x3  }
0x36: {  	p1 =	seq.s32 s10, $0x1;
	s10 =	sld [smem:$0x3FAA];
	_ =	sdelay $0x3  }
0x37: {  	[smem:$0x3FAA] =	sst s10  }
0x38: {  	s10 =	sld [smem:$0x3FAB]  }
0x39: {  	_ = 	snop;
	(pc) =	sbr.ind lr, $3  }
0x3a: {  	_ = 	snop  }
0x3b: {  	_ = 	snop  }
0x3c: {  	p2 =	seq.s32 s10, $0x1;
	s10 =	sld [smem:$0x3FAA]  }
0x3d: {  	_ =	shalt  }
0x3e: {  	_ =	shalt  }
0x3f: {  	_ =	shalt  }
0x40: {  	_ =	shalt  }
0x41: {  	_ =	shalt  }
0x42: {  	_ =	shalt  }
0x43: {  	_ =	shalt  }
0x44: {  	_ =	shalt  }
0x45: {  	_ =	shalt  }
0x46: {  	_ =	shalt  }
0x47: {  	_ =	shalt  }
0x48: {  	_ =	shalt  }
0x49: {  	_ =	shalt  }
0x4a: {  	_ =	shalt  }
0x4b: {  	_ =	shalt  }
0x4c: {  	_ =	shalt  }
0x4d: {  	_ =	shalt  }
0x4e: {  	_ =	shalt  }
0x4f: {  	_ =	shalt  }
0x50: {  	_ =	shalt  }
0x51: {  	_ =	shalt  }
0x52: {  	_ =	shalt  }
0x53: {  	_ =	shalt  }
0x54: {  	_ =	shalt  }
0x55: {  	_ =	shalt  }
0x56: {  	_ =	shalt  }
0x57: {  	_ =	shalt  }
0x58: {  	_ =	shalt  }
0x59: {  	_ =	shalt  }
0x5a: {  	_ =	shalt  }
0x5b: {  	_ =	shalt  }
0x5c: {  	_ =	shalt  }
0x5d: {  	_ =	shalt  }
0x5e: {  	_ =	shalt  }
0x5f: {  	_ =	shalt  }
0x60: {  	_ =	shalt  }
0x61: {  	_ =	shalt  }
0x62: {  	_ =	shalt  }
0x63: {  	_ =	shalt  }
0x64: {  	_ =	shalt  }
0x65: {  	_ =	shalt  }
0x66: {  	_ =	shalt  }
0x67: {  	_ =	shalt  }
0x68: {  	_ =	shalt  }
0x69: {  	_ =	shalt  }
0x6a: {  	_ =	shalt  }
0x6b: {  	_ =	shalt  }
0x6c: {  	_ =	shalt  }
0x6d: {  	_ =	shalt  }
0x6e: {  	_ =	shalt  }
0x6f: {  	_ =	shalt  }
0x70: {  	_ =	shalt  }
0x71: {  	_ =	shalt  }
0x72: {  	_ =	shalt  }
0x73: {  	_ =	shalt  }
0x74: {  	_ =	shalt  }
0x75: {  	_ =	shalt  }
0x76: {  	_ =	shalt  }
0x77: {  	_ =	shalt  }
0x78: {  	_ =	shalt  }
0x79: {  	_ =	shalt  }
0x7a: {  	_ =	shalt  }
0x7b: {  	_ =	shalt  }
0x7c: {  	_ =	shalt  }
0x7d: {  	_ =	shalt  }
0x7e: {  	_ =	shalt  }
0x7f: {  	_ =	shalt  }
0x80: {  	_ =	shalt  }
0x81: {  	_ =	shalt  }
0x82: {  	_ =	shalt  }
0x83: {  	_ =	shalt  }
0x84: {  	_ =	shalt  }
0x85: {  	_ =	shalt  }
0x86: {  	_ =	shalt  }
0x87: {  	_ =	shalt  }
.Lfunc_end0:
.L_simem_size_0:
called_computation_lowered:
.L_overlay_start_0:
0x88: {  	s2 =	sld [smem:$0x3FD9]  }
0x89: {  	s3 =	sld [smem:$0x3FFE];
	_ =	sdelay $0x1  }
0x8a: {  	s1 =	srdreg.scid  }
0x8b: {  	s0 =	sand.u32 $0x1, s1  }
0x8c: {  	s17 =	sshll.u32 s0, $0xA;
	s2 =	sadd.s32 s3, s2  }
0x8d: {  	s2 =	sadd.s32 s2, s17  }
0x8e: {  	[smem:$0x3FB6] =	sst s2  }
0x8f: {  	_ = 	snop  }
0x90: {  	s2 =	sld [smem:$0x3FC9]  }
0x91: {  	s18 =	sld [smem:$0x3FC8]  }
0x92: {  	s4 =	sld [smem:$0x3FC7]  }
0x93: {  	s5 =	sld [smem:$0x3FC6];
	(tm) =	ssettm $0x1  }
0x94: {  	s6 =	sld [smem:$0x3FFB];
	_ =	sdelay $0x3  }
0x95: {  	_ =	strace s6  }
0x96: {  	s6 =	sld [smem:$0x3FFC];
	_ =	sdelay $0x3  }
0x97: {  	_ =	strace s6  }
0x98: {  	s6 =	sld [smem:$0x3FFD];
	_ =	sdelay $0x3  }
0x99: {  	_ =	strace s6  }
0x9a: {  	_ =	strace $0x8FFFFFFF  }
0x9b: {  	s19 =	sld [smem:$0x3FDB];
	_ =	sdelay $0x1  }
0x9c: {  	s7 =	simm.s32 $_scs_section_size  }
0x9d: {  	s8 =	simm.s32 $_size__tile_overlayer_lowered;
	s9 =	simm.s32 $_tile_overlayer_lowered  }
0x9e: {  	s22 =	simm.s32 $0x1BFF;
	s21 =	sshll.u32 s9, $0x1;
	s6 =	sadd.s32 s7, s19  }
0x9f: {  	s10 =	simm.s32 $0x0;
	s20 =	sshll.u32 s8, $0x1;
	s8 =	sadd.s32 s21, s6  }
0xa0: {  	[timem:s10], [sflag:s22] =	dma.local [hbm:s8], s20  }
0xa1: {  	_ =	swait.ge [sflag:s22], s20  }
0xa2: {  	s7 =	ssub.s32 $0x0, s20;
	[sflag:s22] =	ssyncset.done $0x0  }
0xa3: {  	[sflag:s22] =	ssyncadd.s32 s7;
	_ =	sdelay $0x1  }
0xa4: {  	s23 =	simm.s32 $0x1B8B  }
0xa5: {  	_ =	swait.ge [sflag:s23], $0x1  }
0xa6: {  	[sflag:s23] =	ssyncset.done $0x0  }
0xa7: {  	s25 =	simm.s32 $0x1B8E;
	s24 =	sld [smem:$0x3FFE];
	[sflag:s23] =	ssyncadd.s32 $0xFFFFFFFF  }
0xa8: {  	s26 =	simm.s32 $execute0_lowered;
	[smem:$0x3FD2] =	sst s25  }
0xa9: {  	s8 =	sshll.u32 s26, $0x1;
	_ =	strace $0x80000046;
	[dreg:$0x1] =	wrdreg $0xFFFFFFFF  }
0xaa: {  	s28 =	simm.s32 $_size_execute0_lowered;
	s6 =	sadd.s32 s6, s8;
	[dreg:$0x0] =	wrdreg $0x0  }
0xab: {  	s8 =	sshll.u32 s28, $0x1;
	[dreg:$0x2] =	wrdreg s6  }
0xac: {  	[dreg:$0x3] =	wrdreg s8  }
0xad: {  	[dreg:$0x4] =	wrdreg $0xC0  }
0xae: {  	_ =	task [dreg:s10], $0x5FFFF  }
0xaf: {  	[dreg:$0x1] =	wrdreg $0xFFFFFFFF  }
0xb0: {  	[dreg:$0x0] =	wrdreg $0x60  }
0xb1: {  	[dreg:$0x2] =	wrdreg s2  }
0xb2: {  	[dreg:$0x3] =	wrdreg s18  }
0xb3: {  	[dreg:$0x4] =	wrdreg s4  }
0xb4: {  	[dreg:$0x5] =	wrdreg s5  }
0xb5: {  	[dreg:$0x6] =	wrdreg s24  }
0xb6: {  	[dreg:$0x7] =	wrdreg $0x9  }
0xb7: {  	_ =	task.clear_ibuf [dreg:s10], $0x8FFFF;
	_ =	strace $0x90000046  }
0xb8: {  	s29 =	simm.s32 $0x9;
	_ =	strace $0x80000048  }
0xb9: {  	_ =	swait.ge [sflag:s29], $0x1  }
0xba: {  	[sflag:s29] =	ssyncadd.s32 $0xFFFFFFFF  }
0xbb: {  	_ =	strace $0x90000048  }
0xbc: {  	_ =	sfence  }
0xbd: {  	s30 =	sld [smem:$0x0];
	_ =	sdelay $0x2  }
0xbe: {  	s31 =	sshll.u32 s1, $0xD;
	s1 =	sshrl.u32 s1, $0x2  }
0xbf: {  	s3 =	sand.u32 $0x4000, s31;
	s1 =	sadd.s32 s1, s30  }
0xc0: {  	s0 =	sor.u32 s3, s0;
	s1 =	sshll.u32 s1, $0x11  }
0xc1: {  	s0 =	sor.u32 s1, s0  }
0xc2: {  	s0 =	sadd.s32 $0x8F2B, s0  }
0xc3: {  	[sflag:s0] =	ssyncadd.remote.s32 $0x1  }
0xc4: {  	_ =	sfence.sel $0xFFFF  }
0xc5: {  	[dreg:$0x0] =	wrdreg $0xFFFFFFFF;
	(pc) =	sbr.abs _section_cstart, $3  }
0xc6: {  	[dreg:$0x1] =	wrdreg $0xFFFFFFFF  }
0xc7: {  	_ =	task.clear_ibuf [dreg:s10], $0x2FFFF;
	_ =	strace $0x9FFFFFFF  }
0xc8: {  	(tm) =	ssettm $0x7FFFFFFF  }
0xc9: {  	_ =	shalt  }
tec
execute0_lowered:
.L_overlay_start_1:
0x0: {  	(tag) =	ssettag $0x1  }
0x1: {  	s7 =	rddreg [dreg:$0x0]  }
0x2: {  	s9 =	rddreg [dreg:$0x1]  }
0x3: {  	s11 =	rddreg [dreg:$0x2];
	s5 =	srdreg.scid  }
0x4: {  	s13 =	rddreg [dreg:$0x3];
	s0 =	stileid.u32;
	s10 =	sand.u32 $0x1, s5  }
0x5: {  	s8 =	rddreg [dreg:$0x4];
	s12 =	sshll.u32 s0, $0xA;
	s14 =	sshll.u32 s10, $0x9  }
0x6: {  	s1 =	simm.s32 $0x0;
	s17 =	simm.s32 $0x1;
	s12 =	sor.u32 s14, s12  }
0x7: {  	s18 =	simm.s32 $0x200;
	[smem:$0x7FF] =	sst s1;
	s16 =	sshrl.u32 s12, $0x3  }
0x8: {  	_ =	strace $0x80000047;
	s10 =	ssub.s32 $0x2, s10;
	s22 =	sadd.s32 s7, s16  }
0x9: {  	s15 =	sshrl.u32 s10, $0x1;
	s24 =	sadd.s32 s9, s16;
	[dreg:$0x6] =	wrdreg s22  }
0xa: {  	s14 =	sshll.u32 s12, $0x4;
	s26 =	sadd.s32 s11, s16;
	[dreg:$0x8] =	wrdreg s24  }
0xb: {  	s15 =	ssub.s32 s10, s15;
	s29 =	sadd.s32 s13, s16;
	[dreg:$0xa] =	wrdreg s26  }
0xc: {  	s14 =	sadd.s32 s14, s8;
	s31 =	smax.u32 s15, $0x1;
	[dreg:$0xc] =	wrdreg s29  }
0xd: {  	s19 =	simm.s32 $0x0;
	s23 =	sadd.s32 $0x10D0200, s14;
	[dreg:$0xe] =	wrdreg s31  }
0xe: {  	s3 =	sadd.s32 $0x2600, s8;
	s25 =	sadd.s32 $0x1110200, s14;
	[dreg:$0x7] =	wrdreg s23  }
0xf: {  	s4 =	sadd.s32 $0xF44A00, s8;
	s28 =	sadd.s32 $0x1150200, s14;
	[dreg:$0x9] =	wrdreg s25  }
0x10: {  	s5 =	sadd.s32 $0x10CB400, s8;
	s30 =	sadd.s32 $0x1190200, s14;
	[dreg:$0xb] =	wrdreg s28  }
0x11: {  	s6 =	sadd.s32 $0x10CF400, s8;
	s16 =	simm.s32 $0x2;
	[dreg:$0xd] =	wrdreg s30  }
.LBB2_1:
0x12: {  	s0 =	rddreg [dreg:$0x6]  }
0x13: {  	[tilespmem:s1], [sflag:$0x2] =	stream.linear.gather [hbm4b:s0+s1], $0x200, $0x38;
	[tilespmem:$0x10200] =	vst v63  }
0x14: {  	_ =	swait.ge [sflag:s16], $0x200  }
0x15: {  	[sflag:s16] =	ssyncset.done $0x0  }
0x16: {  	[sflag:s16] =	ssyncadd.s32 $0xFFFFFE00  }
0x17: {  	v0 =	vld [tilespmem:s1+$0x0];
	_ =	sdelay $0x4  }
0x18: {  	v0 =	vshll.u32 v0, $0x4  }
0x19: {  	(v2sf) =	vpush v0, $0x0  }
0x1a: {  	(v2sf) =	vpush v0, $0x1  }
0x1b: {  	(v2sf) =	vpush v0, $0x2;
	_ =	sdelay $0x1  }
0x1c: {  	(v2sf) =	vpush v0, $0x3;
	_ =	sdelay $0x1  }
0x1d: {  	(v2sf) =	vpush v0, $0x4;
	_ =	sdelay $0x1  }
0x1e: {  	(v2sf) =	vpush v0, $0x5;
	_ =	sdelay $0x1  }
0x1f: {  	(v2sf) =	vpush v0, $0x6  }
0x20: {  	s22 =	simm.s32 $0x280;
	s23 =	simm.s32 $0x380;
	s24 =	simm.s32 $0x400  }
0x21: {  	s25 =	simm.s32 $0x200;
	s26 =	simm.s32 $0x300;
	s28 =	simm.s32 $0x480;
	(v2sf) =	vpush v0, $0x7  }
0x22: {  	p0 =	por $0x1, $0x1;
	s29 =	simm.s32 $0x680;
	s20 =	simm.s32 $0x880  }
0x23: {  	s30 =	simm.s32 $0x500;
	s31 =	simm.s32 $0x600;
	s21 =	simm.s32 $0x800;
	(v2sf) =	vpush v0, $0x8  }
0x24: {  	s2 =	simm.s32 $0x780;
	s8 =	simm.s32 $0x700;
	s7 =	spop (v2sf)  }
0x25: {  	s0 =	simm.s32 $0x580;
	(v2sf) =	vpush v0, $0x9;
	s7 =	sand.u32 $0x1FFFFFF0, s7;
	s9 =	spop (v2sf)  }
0x26: {  	s7 =	sadd.s32 s3, s7;
	s9 =	sand.u32 $0x1FFFFFF0, s9;
	s10 =	spop (v2sf)  }
0x27: {  	(v2sf) =	vpush v0, $0xA;
	[tilespmem:s25], [sflag:$0x1] =	stream.linear.gather [hbm4b:s7+s1], $0x80, $0x38;
	[tilespmem:$0x10200] =	vst v63  }
0x28: {  	s14 =	sadd.s32 s3, s9;
	s15 =	sand.u32 $0x1FFFFFF0, s10;
	s25 =	spop (v2sf)  }
0x29: {  	(v2sf) =	vpush v0, $0xB;
	[tilespmem:s22], [sflag:$0x1] =	stream.linear.gather [hbm4b:s14+s1], $0x80, $0x38;
	[tilespmem:$0x10200] =	vst v63  }
0x2a: {  	s11 =	sadd.s32 s3, s15;
	s12 =	sand.u32 $0x1FFFFFF0, s25;
	s13 =	spop (v2sf)  }
0x2b: {  	(v2sf) =	vpush v0, $0xC;
	[tilespmem:s26], [sflag:$0x1] =	stream.linear.gather [hbm4b:s11+s1], $0x80, $0x38;
	[tilespmem:$0x10200] =	vst v63  }
0x2c: {  	s14 =	sadd.s32 s3, s12;
	s15 =	sand.u32 $0x1FFFFFF0, s13;
	s22 =	spop (v2sf)  }
0x2d: {  	(v2sf) =	vpush v0, $0xD;
	[tilespmem:s23], [sflag:$0x1] =	stream.linear.gather [hbm4b:s14+s1], $0x80, $0x38;
	[tilespmem:$0x10200] =	vst v63  }
0x2e: {  	s25 =	sand.u32 $0x1FFFFFF0, s22;
	s26 =	spop (v2sf);
	s23 =	sadd.s32 s3, s15  }
0x2f: {  	(v2sf) =	vpush v0, $0xE;
	[tilespmem:s24], [sflag:$0x1] =	stream.linear.gather [hbm4b:s23+s1], $0x80, $0x38;
	[tilespmem:$0x10200] =	vst v63  }
0x30: {  	s9 =	sadd.s32 s3, s25;
	s10 =	sand.u32 $0x1FFFFFF0, s26;
	s11 =	spop (v2sf)  }
0x31: {  	(v2sf) =	vpush v0, $0xF;
	[tilespmem:s28], [sflag:$0x1] =	stream.linear.gather [hbm4b:s9+s1], $0x80, $0x38;
	[tilespmem:$0x10200] =	vst v63  }
0x32: {  	s12 =	sadd.s32 s3, s10;
	s13 =	sand.u32 $0x1FFFFFF0, s11;
	s14 =	spop (v2sf)  }
0x33: {  	[tilespmem:s30], [sflag:$0x1] =	stream.linear.gather [hbm4b:s12+s1], $0x80, $0x38;
	[tilespmem:$0x10200] =	vst v63  }
0x34: {  	s15 =	sadd.s32 s3, s13;
	s22 =	sand.u32 $0x1FFFFFF0, s14;
	s23 =	spop (v2sf)  }
0x35: {  	[tilespmem:s0], [sflag:$0x1] =	stream.linear.gather [hbm4b:s15+s1], $0x80, $0x38;
	[tilespmem:$0x10200] =	vst v63  }
0x36: {  	s24 =	sadd.s32 s3, s22;
	s25 =	sand.u32 $0x1FFFFFF0, s23;
	s26 =	spop (v2sf)  }
0x37: {  	[tilespmem:s31], [sflag:$0x1] =	stream.linear.gather [hbm4b:s24+s1], $0x80, $0x38;
	[tilespmem:$0x10200] =	vst v63  }
0x38: {  	s28 =	sadd.s32 s3, s25;
	s30 =	sand.u32 $0x1FFFFFF0, s26;
	s31 =	spop (v2sf)  }
0x39: {  	[tilespmem:s29], [sflag:$0x1] =	stream.linear.gather [hbm4b:s28+s1], $0x80, $0x38;
	[tilespmem:$0x10200] =	vst v63  }
0x3a: {  	s10 =	sadd.s32 s3, s30;
	s11 =	sand.u32 $0x1FFFFFF0, s31;
	s12 =	spop (v2sf)  }
0x3b: {  	[tilespmem:s8], [sflag:$0x1] =	stream.linear.gather [hbm4b:s10+s1], $0x80, $0x38;
	[tilespmem:$0x10200] =	vst v63  }
0x3c: {  	s13 =	sadd.s32 s3, s11;
	s14 =	sand.u32 $0x1FFFFFF0, s12;
	s15 =	spop (v2sf)  }
0x3d: {  	[tilespmem:s2], [sflag:$0x1] =	stream.linear.gather [hbm4b:s13+s1], $0x80, $0x38;
	[tilespmem:$0x10200] =	vst v63  }
0x3e: {  	s22 =	sadd.s32 s3, s14;
	s23 =	sand.u32 $0x1FFFFFF0, s15;
	s24 =	spop (v2sf)  }
0x3f: {  	[tilespmem:s21], [sflag:$0x1] =	stream.linear.gather [hbm4b:s22+s1], $0x80, $0x38;
	[tilespmem:$0x10200] =	vst v63  }
0x40: {  	s25 =	sadd.s32 s3, s23;
	s26 =	sand.u32 $0x1FFFFFF0, s24;
	s28 =	spop (v2sf)  }
0x41: {  	[tilespmem:s20], [sflag:$0x1] =	stream.linear.gather [hbm4b:s25+s1], $0x80, $0x38;
	[tilespmem:$0x10200] =	vst v63  }
0x42: {  	s29 =	simm.s32 $0x900;
	s7 =	sand.u32 $0x1FFFFFF0, s28;
	s2 =	sadd.s32 s3, s26  }
0x43: {  	[tilespmem:s29], [sflag:$0x1] =	stream.linear.gather [hbm4b:s2+s1], $0x80, $0x38;
	[tilespmem:$0x10200] =	vst v63  }
0x44: {  	s30 =	simm.s32 $0x980;
	s23 =	simm.s32 @!p0 $0x1;
	s31 =	sadd.s32 s3, s7  }
0x45: {  	[tilespmem:s30], [sflag:$0x1] =	stream.linear.gather [hbm4b:s31+s1], $0x80, $0x38;
	[tilespmem:$0x10200] =	vst v63  }
0x46: {  	_ =	swait.ge @!p0 [sflag:s23], $0x80  }
0x47: {  	[sflag:s23] =	ssyncset.done @!p0 $0x0  }
0x48: {  	[sflag:s23] =	ssyncadd.s32 @!p0 $0xFFFFFF80  }
0x49: {  	_ =	swait.ge @!p0 [sflag:s23], $0x80  }
0x4a: {  	[sflag:s23] =	ssyncset.done @!p0 $0x0  }
0x4b: {  	[sflag:s23] =	ssyncadd.s32 @!p0 $0xFFFFFF80  }
0x4c: {  	_ =	swait.ge @!p0 [sflag:s23], $0x80  }
0x4d: {  	[sflag:s23] =	ssyncset.done @!p0 $0x0  }
0x4e: {  	[sflag:s23] =	ssyncadd.s32 @!p0 $0xFFFFFF80  }
0x4f: {  	_ =	swait.ge @!p0 [sflag:s23], $0x80  }
0x50: {  	[sflag:s23] =	ssyncset.done @!p0 $0x0  }
0x51: {  	[sflag:s23] =	ssyncadd.s32 @!p0 $0xFFFFFF80  }
0x52: {  	_ =	swait.ge @!p0 [sflag:s23], $0x80  }
0x53: {  	[sflag:s23] =	ssyncset.done @!p0 $0x0  }
0x54: {  	[sflag:s23] =	ssyncadd.s32 @!p0 $0xFFFFFF80  }
0x55: {  	_ =	swait.ge @!p0 [sflag:s23], $0x80  }
0x56: {  	[sflag:s23] =	ssyncset.done @!p0 $0x0  }
0x57: {  	[sflag:s23] =	ssyncadd.s32 @!p0 $0xFFFFFF80  }
0x58: {  	_ =	swait.ge @!p0 [sflag:s23], $0x80  }
0x59: {  	[sflag:s23] =	ssyncset.done @!p0 $0x0  }
0x5a: {  	[sflag:s23] =	ssyncadd.s32 @!p0 $0xFFFFFF80  }
0x5b: {  	_ =	swait.ge @!p0 [sflag:s23], $0x80  }
0x5c: {  	[sflag:s23] =	ssyncset.done @!p0 $0x0  }
0x5d: {  	[sflag:s23] =	ssyncadd.s32 @!p0 $0xFFFFFF80  }
0x5e: {  	_ =	swait.ge @!p0 [sflag:s23], $0x80  }
0x5f: {  	[sflag:s23] =	ssyncset.done @!p0 $0x0  }
0x60: {  	[sflag:s23] =	ssyncadd.s32 @!p0 $0xFFFFFF80  }
0x61: {  	_ =	swait.ge @!p0 [sflag:s23], $0x80  }
0x62: {  	[sflag:s23] =	ssyncset.done @!p0 $0x0  }
0x63: {  	[sflag:s23] =	ssyncadd.s32 @!p0 $0xFFFFFF80  }
0x64: {  	_ =	swait.ge @!p0 [sflag:s23], $0x80  }
0x65: {  	[sflag:s23] =	ssyncset.done @!p0 $0x0  }
0x66: {  	[sflag:s23] =	ssyncadd.s32 @!p0 $0xFFFFFF80  }
0x67: {  	_ =	swait.ge @!p0 [sflag:s23], $0x80  }
0x68: {  	[sflag:s23] =	ssyncset.done @!p0 $0x0  }
0x69: {  	[sflag:s23] =	ssyncadd.s32 @!p0 $0xFFFFFF80  }
0x6a: {  	_ =	swait.ge @!p0 [sflag:s23], $0x80  }
0x6b: {  	[sflag:s23] =	ssyncset.done @!p0 $0x0  }
0x6c: {  	s21 =	simm.s32 $0x10;
	[sflag:s23] =	ssyncadd.s32 @!p0 $0xFFFFFF80  }
0x6d: {  	s22 =	simm.s32 $0x0;
	s20 =	simm.s32 $0x2000;
	_ =	swait.ge @!p0 [sflag:s23], $0x80  }
.LBB2_2:
0x6e: {  	[sflag:s23] =	ssyncset.done @!p0 $0x0  }
0x6f: {  	s22 =	sadd.s32 $0x1, s22;
	s0 =	smov.u32 s20;
	s20 =	sadd.s32 $0x2000, s20  }
0x70: {  	p1 =	sne.s32 s20, $0x40000;
	[sflag:s23] =	ssyncadd.s32 @!p0 $0xFFFFFF80  }
0x71: {  	_ =	swait.ge @!p0 [sflag:s23], $0x80  }
0x72: {  	[sflag:s23] =	ssyncset.done @!p0 $0x0  }
0x73: {  	[sflag:s23] =	ssyncadd.s32 @!p0 $0xFFFFFF80  }
0x74: {  	_ =	swait.ge @!p0 [sflag:s23], $0x80  }
0x75: {  	[sflag:s23] =	ssyncset.done @!p0 $0x0  }
0x76: {  	[sflag:s23] =	ssyncadd.s32 @!p0 $0xFFFFFF80  }
0x77: {  	v0 =	vld [tilespmem:s21+$0x0];
	_ =	sdelay $0x4  }
0x78: {  	v0 =	vshll.u32 v0, $0x4  }
0x79: {  	(v2sf) =	vpush v0, $0x0  }
0x7a: {  	(v2sf) =	vpush v0, $0x1  }
0x7b: {  	(v2sf) =	vpush v0, $0x2;
	_ =	sdelay $0x1  }
0x7c: {  	(v2sf) =	vpush v0, $0x3;
	_ =	sdelay $0x1  }
0x7d: {  	(v2sf) =	vpush v0, $0x4;
	_ =	sdelay $0x1  }
0x7e: {  	(v2sf) =	vpush v0, $0x5  }
0x7f: {  	s23 =	sshra.s32 s0, $0x2  }
0x80: {  	s0 =	sadd.s32 $0x280, s23;
	s2 =	sadd.s32 $0x380, s23;
	s7 =	sadd.s32 $0x400, s23;
	(v2sf) =	vpush v0, $0x6  }
0x81: {  	s8 =	sadd.s32 $0x200, s23;
	s9 =	sadd.s32 $0x300, s23  }
0x82: {  	p0 =	slt.u32 s22, $0x4;
	s10 =	sadd.s32 $0x480, s23;
	(v2sf) =	vpush v0, $0x7  }
0x83: {  	s29 =	sadd.s32 $0x680, s23;
	s25 =	sadd.s32 $0x880, s23;
	s24 =	sadd.s32 $0x980, s23  }
0x84: {  	s11 =	sadd.s32 $0x500, s23;
	s31 =	sadd.s32 $0x600, s23;
	s26 =	sadd.s32 $0x800, s23;
	(v2sf) =	vpush v0, $0x8  }
0x85: {  	s12 =	sadd.s32 $0x580, s23;
	s28 =	sadd.s32 $0x780, s23;
	s30 =	spop (v2sf)  }
0x86: {  	s13 =	sand.u32 $0x1FFFFFF0, s30;
	s30 =	sadd.s32 $0x700, s23;
	s14 =	spop (v2sf);
	(v2sf) =	vpush v0, $0x9  }
0x87: {  	s13 =	sadd.s32 s3, s13;
	s14 =	sand.u32 $0x1FFFFFF0, s14;
	s15 =	spop (v2sf)  }
0x88: {  	[tilespmem:s8], [sflag:$0x1] =	stream.linear.gather [hbm4b:s13+s1], $0x80, $0x38;
	(v2sf) =	vpush v0, $0xA;
	[tilespmem:$0x10200] =	vst v63  }
0x89: {  	s8 =	sadd.s32 s3, s14;
	s13 =	sand.u32 $0x1FFFFFF0, s15;
	s14 =	spop (v2sf)  }
0x8a: {  	[tilespmem:s0], [sflag:$0x1] =	stream.linear.gather [hbm4b:s8+s1], $0x80, $0x38;
	(v2sf) =	vpush v0, $0xB;
	[tilespmem:$0x10200] =	vst v63  }
0x8b: {  	s0 =	sadd.s32 s3, s13;
	s8 =	sand.u32 $0x1FFFFFF0, s14;
	s13 =	spop (v2sf)  }
0x8c: {  	[tilespmem:s9], [sflag:$0x1] =	stream.linear.gather [hbm4b:s0+s1], $0x80, $0x38;
	(v2sf) =	vpush v0, $0xC;
	[tilespmem:$0x10200] =	vst v63  }
0x8d: {  	s0 =	sadd.s32 s3, s8;
	s8 =	sand.u32 $0x1FFFFFF0, s13;
	s9 =	spop (v2sf)  }
0x8e: {  	[tilespmem:s2], [sflag:$0x1] =	stream.linear.gather [hbm4b:s0+s1], $0x80, $0x38;
	(v2sf) =	vpush v0, $0xD;
	[tilespmem:$0x10200] =	vst v63  }
0x8f: {  	s0 =	sadd.s32 s3, s8;
	s2 =	sand.u32 $0x1FFFFFF0, s9;
	s8 =	spop (v2sf)  }
0x90: {  	[tilespmem:s7], [sflag:$0x1] =	stream.linear.gather [hbm4b:s0+s1], $0x80, $0x38;
	(v2sf) =	vpush v0, $0xE;
	[tilespmem:$0x10200] =	vst v63  }
0x91: {  	s0 =	sadd.s32 s3, s2;
	s2 =	sand.u32 $0x1FFFFFF0, s8;
	s7 =	spop (v2sf)  }
0x92: {  	[tilespmem:s10], [sflag:$0x1] =	stream.linear.gather [hbm4b:s0+s1], $0x80, $0x38;
	(v2sf) =	vpush v0, $0xF;
	[tilespmem:$0x10200] =	vst v63  }
0x93: {  	s0 =	sadd.s32 s3, s2;
	s2 =	sand.u32 $0x1FFFFFF0, s7;
	s7 =	spop (v2sf)  }
0x94: {  	[tilespmem:s11], [sflag:$0x1] =	stream.linear.gather [hbm4b:s0+s1], $0x80, $0x38;
	[tilespmem:$0x10200] =	vst v63  }
0x95: {  	s0 =	sadd.s32 s3, s2;
	s2 =	sand.u32 $0x1FFFFFF0, s7;
	s7 =	spop (v2sf)  }
0x96: {  	[tilespmem:s12], [sflag:$0x1] =	stream.linear.gather [hbm4b:s0+s1], $0x80, $0x38;
	[tilespmem:$0x10200] =	vst v63  }
0x97: {  	s0 =	sadd.s32 s3, s2;
	s2 =	sand.u32 $0x1FFFFFF0, s7;
	s7 =	spop (v2sf)  }
0x98: {  	[tilespmem:s31], [sflag:$0x1] =	stream.linear.gather [hbm4b:s0+s1], $0x80, $0x38;
	[tilespmem:$0x10200] =	vst v63  }
0x99: {  	s0 =	sadd.s32 s3, s2;
	s2 =	sand.u32 $0x1FFFFFF0, s7;
	s7 =	spop (v2sf)  }
0x9a: {  	[tilespmem:s29], [sflag:$0x1] =	stream.linear.gather [hbm4b:s0+s1], $0x80, $0x38;
	[tilespmem:$0x10200] =	vst v63  }
0x9b: {  	s0 =	sadd.s32 s3, s2;
	s2 =	sand.u32 $0x1FFFFFF0, s7;
	s7 =	spop (v2sf)  }
0x9c: {  	[tilespmem:s30], [sflag:$0x1] =	stream.linear.gather [hbm4b:s0+s1], $0x80, $0x38;
	[tilespmem:$0x10200] =	vst v63  }
0x9d: {  	s0 =	sadd.s32 s3, s2;
	s2 =	sand.u32 $0x1FFFFFF0, s7;
	s7 =	spop (v2sf)  }
0x9e: {  	[tilespmem:s28], [sflag:$0x1] =	stream.linear.gather [hbm4b:s0+s1], $0x80, $0x38;
	[tilespmem:$0x10200] =	vst v63  }
0x9f: {  	s0 =	sadd.s32 s3, s2;
	s2 =	sand.u32 $0x1FFFFFF0, s7;
	s7 =	spop (v2sf)  }
0xa0: {  	[tilespmem:s26], [sflag:$0x1] =	stream.linear.gather [hbm4b:s0+s1], $0x80, $0x38;
	[tilespmem:$0x10200] =	vst v63  }
0xa1: {  	s0 =	sadd.s32 s3, s2;
	s2 =	sand.u32 $0x1FFFFFF0, s7;
	s7 =	spop (v2sf)  }
0xa2: {  	[tilespmem:s25], [sflag:$0x1] =	stream.linear.gather [hbm4b:s0+s1], $0x80, $0x38;
	[tilespmem:$0x10200] =	vst v63  }
0xa3: {  	s2 =	sadd.s32 s3, s2;
	s0 =	sadd.s32 $0x900, s23;
	s7 =	sand.u32 $0x1FFFFFF0, s7  }
0xa4: {  	[tilespmem:s0], [sflag:$0x1] =	stream.linear.gather [hbm4b:s2+s1], $0x80, $0x38;
	[tilespmem:$0x10200] =	vst v63  }
0xa5: {  	s23 =	simm.s32 @!p0 $0x1;
	s0 =	sadd.s32 s3, s7  }
0xa6: {  	[tilespmem:s24], [sflag:$0x1] =	stream.linear.gather [hbm4b:s0+s1], $0x80, $0x38;
	[tilespmem:$0x10200] =	vst v63  }
0xa7: {  	_ =	swait.ge @!p0 [sflag:s23], $0x80  }
0xa8: {  	[sflag:s23] =	ssyncset.done @!p0 $0x0  }
0xa9: {  	[sflag:s23] =	ssyncadd.s32 @!p0 $0xFFFFFF80  }
0xaa: {  	_ =	swait.ge @!p0 [sflag:s23], $0x80  }
0xab: {  	[sflag:s23] =	ssyncset.done @!p0 $0x0  }
0xac: {  	[sflag:s23] =	ssyncadd.s32 @!p0 $0xFFFFFF80  }
0xad: {  	_ =	swait.ge @!p0 [sflag:s23], $0x80  }
0xae: {  	[sflag:s23] =	ssyncset.done @!p0 $0x0  }
0xaf: {  	[sflag:s23] =	ssyncadd.s32 @!p0 $0xFFFFFF80  }
0xb0: {  	_ =	swait.ge @!p0 [sflag:s23], $0x80  }
0xb1: {  	[sflag:s23] =	ssyncset.done @!p0 $0x0  }
0xb2: {  	[sflag:s23] =	ssyncadd.s32 @!p0 $0xFFFFFF80  }
0xb3: {  	_ =	swait.ge @!p0 [sflag:s23], $0x80  }
0xb4: {  	[sflag:s23] =	ssyncset.done @!p0 $0x0  }
0xb5: {  	[sflag:s23] =	ssyncadd.s32 @!p0 $0xFFFFFF80  }
0xb6: {  	_ =	swait.ge @!p0 [sflag:s23], $0x80  }
0xb7: {  	[sflag:s23] =	ssyncset.done @!p0 $0x0  }
0xb8: {  	[sflag:s23] =	ssyncadd.s32 @!p0 $0xFFFFFF80  }
0xb9: {  	_ =	swait.ge @!p0 [sflag:s23], $0x80  }
0xba: {  	[sflag:s23] =	ssyncset.done @!p0 $0x0  }
0xbb: {  	[sflag:s23] =	ssyncadd.s32 @!p0 $0xFFFFFF80  }
0xbc: {  	_ =	swait.ge @!p0 [sflag:s23], $0x80  }
0xbd: {  	[sflag:s23] =	ssyncset.done @!p0 $0x0  }
0xbe: {  	[sflag:s23] =	ssyncadd.s32 @!p0 $0xFFFFFF80  }
0xbf: {  	_ =	swait.ge @!p0 [sflag:s23], $0x80  }
0xc0: {  	[sflag:s23] =	ssyncset.done @!p0 $0x0  }
0xc1: {  	[sflag:s23] =	ssyncadd.s32 @!p0 $0xFFFFFF80  }
0xc2: {  	_ =	swait.ge @!p0 [sflag:s23], $0x80  }
0xc3: {  	[sflag:s23] =	ssyncset.done @!p0 $0x0  }
0xc4: {  	[sflag:s23] =	ssyncadd.s32 @!p0 $0xFFFFFF80  }
0xc5: {  	_ =	swait.ge @!p0 [sflag:s23], $0x80  }
0xc6: {  	[sflag:s23] =	ssyncset.done @!p0 $0x0  }
0xc7: {  	[sflag:s23] =	ssyncadd.s32 @!p0 $0xFFFFFF80  }
0xc8: {  	_ =	swait.ge @!p0 [sflag:s23], $0x80  }
0xc9: {  	[sflag:s23] =	ssyncset.done @!p0 $0x0  }
.Ltmp0:
0xca: {  	[sflag:s23] =	ssyncadd.s32 @!p0 $0xFFFFFF80;
	(pc) =	sbr.rel @p1 .LBB2_2-.Ltmp0, $4  }
0xcb: {  	_ =	swait.ge @!p0 [sflag:s23], $0x80  }
0xcc: {  	[sflag:s23] =	ssyncset.done @!p0 $0x0  }
0xcd: {  	[sflag:s23] =	ssyncadd.s32 @!p0 $0xFFFFFF80  }
0xce: {  	s21 =	sadd.s32 $0x10, s21;
	_ =	swait.ge @!p0 [sflag:s23], $0x80  }
0xcf: {  	[sflag:s23] =	ssyncset.done @!p0 $0x0  }
0xd0: {  	[sflag:s23] =	ssyncadd.s32 @!p0 $0xFFFFFF80  }
0xd1: {  	_ =	swait.ge @!p0 [sflag:s23], $0x80  }
0xd2: {  	[sflag:s23] =	ssyncset.done @!p0 $0x0  }
0xd3: {  	[sflag:s23] =	ssyncadd.s32 @!p0 $0xFFFFFF80  }
0xd4: {  	_ =	swait.ge @!p0 [sflag:s23], $0x80  }
0xd5: {  	[sflag:s23] =	ssyncset.done @!p0 $0x0  }
0xd6: {  	[sflag:s23] =	ssyncadd.s32 @!p0 $0xFFFFFF80  }
0xd7: {  	_ =	swait.ge [sflag:s17], $0x80  }
0xd8: {  	[sflag:s17] =	ssyncset.done $0x0  }
0xd9: {  	[sflag:s17] =	ssyncadd.s32 $0xFFFFFF80  }
0xda: {  	_ =	swait.ge [sflag:s17], $0x80  }
0xdb: {  	[sflag:s17] =	ssyncset.done $0x0  }
0xdc: {  	[sflag:s17] =	ssyncadd.s32 $0xFFFFFF80  }
0xdd: {  	_ =	swait.ge [sflag:s17], $0x80  }
0xde: {  	[sflag:s17] =	ssyncset.done $0x0  }
0xdf: {  	[sflag:s17] =	ssyncadd.s32 $0xFFFFFF80  }
0xe0: {  	_ =	swait.ge [sflag:s17], $0x80  }
0xe1: {  	[sflag:s17] =	ssyncset.done $0x0  }
0xe2: {  	[sflag:s17] =	ssyncadd.s32 $0xFFFFFF80  }
0xe3: {  	_ =	swait.ge [sflag:s17], $0x80  }
0xe4: {  	[sflag:s17] =	ssyncset.done $0x0  }
0xe5: {  	[sflag:s17] =	ssyncadd.s32 $0xFFFFFF80  }
0xe6: {  	_ =	swait.ge [sflag:s17], $0x80  }
0xe7: {  	[sflag:s17] =	ssyncset.done $0x0  }
0xe8: {  	[sflag:s17] =	ssyncadd.s32 $0xFFFFFF80  }
0xe9: {  	_ =	swait.ge [sflag:s17], $0x80  }
0xea: {  	[sflag:s17] =	ssyncset.done $0x0  }
0xeb: {  	[sflag:s17] =	ssyncadd.s32 $0xFFFFFF80  }
0xec: {  	_ =	swait.ge [sflag:s17], $0x80  }
0xed: {  	[sflag:s17] =	ssyncset.done $0x0  }
0xee: {  	[sflag:s17] =	ssyncadd.s32 $0xFFFFFF80  }
0xef: {  	_ =	swait.ge [sflag:s17], $0x80  }
0xf0: {  	[sflag:s17] =	ssyncset.done $0x0  }
0xf1: {  	[sflag:s17] =	ssyncadd.s32 $0xFFFFFF80  }
0xf2: {  	_ =	swait.ge [sflag:s17], $0x80  }
0xf3: {  	[sflag:s17] =	ssyncset.done $0x0  }
0xf4: {  	[sflag:s17] =	ssyncadd.s32 $0xFFFFFF80  }
0xf5: {  	_ =	swait.ge [sflag:s17], $0x80  }
0xf6: {  	[sflag:s17] =	ssyncset.done $0x0  }
0xf7: {  	[sflag:s17] =	ssyncadd.s32 $0xFFFFFF80  }
0xf8: {  	_ =	swait.ge [sflag:s17], $0x80  }
0xf9: {  	[sflag:s17] =	ssyncset.done $0x0  }
0xfa: {  	[sflag:s17] =	ssyncadd.s32 $0xFFFFFF80  }
0xfb: {  	_ =	swait.ge [sflag:s17], $0x80  }
0xfc: {  	[sflag:s17] =	ssyncset.done $0x0  }
0xfd: {  	[sflag:s17] =	ssyncadd.s32 $0xFFFFFF80  }
0xfe: {  	_ =	swait.ge [sflag:s17], $0x80  }
0xff: {  	[sflag:s17] =	ssyncset.done $0x0  }
0x100: {  	[sflag:s17] =	ssyncadd.s32 $0xFFFFFF80  }
0x101: {  	_ =	swait.ge [sflag:s17], $0x80  }
0x102: {  	[sflag:s17] =	ssyncset.done $0x0  }
0x103: {  	[sflag:s17] =	ssyncadd.s32 $0xFFFFFF80  }
0x104: {  	_ =	swait.ge [sflag:s17], $0x80  }
0x105: {  	s20 =	simm.s32 $0x3;
	[sflag:s17] =	ssyncset.done $0x0  }
.LBB2_4:
0x106: {  	p0 =	sne.s32 s20, $0x1;
	s20 =	sadd.s32 $0xFFFFFFFF, s20;
	[sflag:s17] =	ssyncadd.s32 $0xFFFFFF80  }
0x107: {  	_ =	swait.ge [sflag:s17], $0x80  }
0x108: {  	[sflag:s17] =	ssyncset.done $0x0  }
0x109: {  	[sflag:s17] =	ssyncadd.s32 $0xFFFFFF80  }
0x10a: {  	_ =	swait.ge [sflag:s17], $0x80  }
0x10b: {  	[sflag:s17] =	ssyncset.done $0x0  }
0x10c: {  	[sflag:s17] =	ssyncadd.s32 $0xFFFFFF80  }
0x10d: {  	_ =	swait.ge [sflag:s17], $0x80  }
0x10e: {  	[sflag:s17] =	ssyncset.done $0x0  }
0x10f: {  	[sflag:s17] =	ssyncadd.s32 $0xFFFFFF80  }
0x110: {  	_ =	swait.ge [sflag:s17], $0x80  }
0x111: {  	[sflag:s17] =	ssyncset.done $0x0  }
0x112: {  	[sflag:s17] =	ssyncadd.s32 $0xFFFFFF80  }
0x113: {  	_ =	swait.ge [sflag:s17], $0x80  }
0x114: {  	[sflag:s17] =	ssyncset.done $0x0  }
0x115: {  	[sflag:s17] =	ssyncadd.s32 $0xFFFFFF80  }
0x116: {  	_ =	swait.ge [sflag:s17], $0x80  }
0x117: {  	[sflag:s17] =	ssyncset.done $0x0  }
0x118: {  	[sflag:s17] =	ssyncadd.s32 $0xFFFFFF80  }
0x119: {  	_ =	swait.ge [sflag:s17], $0x80  }
0x11a: {  	[sflag:s17] =	ssyncset.done $0x0  }
0x11b: {  	[sflag:s17] =	ssyncadd.s32 $0xFFFFFF80  }
0x11c: {  	_ =	swait.ge [sflag:s17], $0x80  }
0x11d: {  	[sflag:s17] =	ssyncset.done $0x0  }
0x11e: {  	[sflag:s17] =	ssyncadd.s32 $0xFFFFFF80  }
0x11f: {  	_ =	swait.ge [sflag:s17], $0x80  }
0x120: {  	[sflag:s17] =	ssyncset.done $0x0  }
0x121: {  	[sflag:s17] =	ssyncadd.s32 $0xFFFFFF80  }
0x122: {  	_ =	swait.ge [sflag:s17], $0x80  }
0x123: {  	[sflag:s17] =	ssyncset.done $0x0  }
0x124: {  	[sflag:s17] =	ssyncadd.s32 $0xFFFFFF80  }
0x125: {  	_ =	swait.ge [sflag:s17], $0x80  }
0x126: {  	[sflag:s17] =	ssyncset.done $0x0  }
0x127: {  	[sflag:s17] =	ssyncadd.s32 $0xFFFFFF80  }
0x128: {  	_ =	swait.ge [sflag:s17], $0x80  }
0x129: {  	[sflag:s17] =	ssyncset.done $0x0  }
0x12a: {  	[sflag:s17] =	ssyncadd.s32 $0xFFFFFF80  }
0x12b: {  	_ =	swait.ge [sflag:s17], $0x80  }
0x12c: {  	[sflag:s17] =	ssyncset.done $0x0  }
0x12d: {  	[sflag:s17] =	ssyncadd.s32 $0xFFFFFF80  }
0x12e: {  	_ =	swait.ge [sflag:s17], $0x80  }
0x12f: {  	[sflag:s17] =	ssyncset.done $0x0  }
0x130: {  	[sflag:s17] =	ssyncadd.s32 $0xFFFFFF80  }
.Ltmp1:
0x131: {  	_ =	swait.ge [sflag:s17], $0x80;
	(pc) =	sbr.rel @p0 .LBB2_4-.Ltmp1, $4  }
0x132: {  	[sflag:s17] =	ssyncset.done $0x0  }
0x133: {  	[sflag:s17] =	ssyncadd.s32 $0xFFFFFF80  }
0x134: {  	_ =	swait.ge [sflag:s17], $0x80  }
0x135: {  	[sflag:s17] =	ssyncset.done $0x0  }
0x136: {  	[sflag:s17] =	ssyncadd.s32 $0xFFFFFF80;
	s20 =	simm.s32 $0x0;
	s0 =	rddreg [dreg:$0x7]  }
0x137: {  	[hbm4b:s0+s20] =	stream.linear.scatter [tilespmem:s18], [sflag:$0x2], $0x10000, $0x38;
	[tilespmem:$0x10200] =	vst v63  }
0x138: {  	_ =	swait.ge [sflag:s16], $0x10000  }
0x139: {  	[sflag:s16] =	ssyncset.done $0x0  }
0x13a: {  	s7 =	rddreg [dreg:$0x8];
	[sflag:s16] =	ssyncadd.s32 $0xFFFF0000  }
0x13b: {  	[tilespmem:s20], [sflag:$0x2] =	stream.linear.gather [hbm4b:s7+s20], $0x200, $0x38;
	[tilespmem:$0x10200] =	vst v63  }
0x13c: {  	_ =	swait.ge [sflag:s16], $0x200  }
0x13d: {  	[sflag:s16] =	ssyncset.done $0x0  }
0x13e: {  	[sflag:s16] =	ssyncadd.s32 $0xFFFFFE00  }
0x13f: {  	v0 =	vld [tilespmem:s20+$0x0];
	_ =	sdelay $0x4  }
0x140: {  	v0 =	vshll.u32 v0, $0x4  }
0x141: {  	(v2sf) =	vpush v0, $0x0  }
0x142: {  	(v2sf) =	vpush v0, $0x1  }
0x143: {  	(v2sf) =	vpush v0, $0x2;
	_ =	sdelay $0x2  }
0x144: {  	(v2sf) =	vpush v0, $0x3;
	_ =	sdelay $0x1  }
0x145: {  	(v2sf) =	vpush v0, $0x4;
	_ =	sdelay $0x1  }
0x146: {  	(v2sf) =	vpush v0, $0x5;
	_ =	sdelay $0x1  }
0x147: {  	(v2sf) =	vpush v0, $0x6;
	_ =	sdelay $0x2  }
0x148: {  	s9 =	simm.s32 $0x280;
	s13 =	simm.s32 $0x300;
	s14 =	simm.s32 $0x380  }
0x149: {  	s23 =	simm.s32 $0x400;
	s24 =	simm.s32 $0x480;
	s8 =	spop (v2sf);
	(v2sf) =	vpush v0, $0x7  }
0x14a: {  	s7 =	simm.s32 $0x200;
	s0 =	sand.u32 $0x1FFFFFF0, s8;
	s2 =	spop (v2sf)  }
0x14b: {  	(v2sf) =	vpush v0, $0x8;
	s0 =	sadd.s32 s4, s0;
	s2 =	sand.u32 $0x1FFFFFF0, s2;
	s10 =	spop (v2sf)  }
0x14c: {  	(v2sf) =	vpush v0, $0x9;
	[tilespmem:s7], [sflag:$0x1] =	stream.linear.gather [hbm4b:s0+s1], $0x80, $0x38;
	[tilespmem:$0x10200] =	vst v63  }
0x14d: {  	s29 =	simm.s32 $0x500;
	s30 =	simm.s32 $0x580;
	s2 =	sadd.s32 s4, s2  }
0x14e: {  	s11 =	sand.u32 $0x1FFFFFF0, s10;
	s12 =	spop (v2sf);
	(v2sf) =	vpush v0, $0xA;
	s10 =	simm.s32 $0x680  }
0x14f: {  	[tilespmem:s9], [sflag:$0x1] =	stream.linear.gather [hbm4b:s2+s1], $0x80, $0x38;
	[tilespmem:$0x10200] =	vst v63  }
0x150: {  	s0 =	sadd.s32 s4, s11;
	s15 =	spop (v2sf);
	(v2sf) =	vpush v0, $0xB;
	s2 =	sand.u32 $0x1FFFFFF0, s12  }
0x151: {  	[tilespmem:s13], [sflag:$0x1] =	stream.linear.gather [hbm4b:s0+s1], $0x80, $0x38;
	[tilespmem:$0x10200] =	vst v63  }
0x152: {  	s21 =	sand.u32 $0x1FFFFFF0, s15;
	s22 =	spop (v2sf);
	(v2sf) =	vpush v0, $0xC;
	s2 =	sadd.s32 s4, s2  }
0x153: {  	[tilespmem:s14], [sflag:$0x1] =	stream.linear.gather [hbm4b:s2+s1], $0x80, $0x38;
	[tilespmem:$0x10200] =	vst v63  }
0x154: {  	s25 =	spop (v2sf);
	(v2sf) =	vpush v0, $0xD;
	s0 =	sadd.s32 s4, s21;
	s2 =	sand.u32 $0x1FFFFFF0, s22  }
0x155: {  	[tilespmem:s23], [sflag:$0x1] =	stream.linear.gather [hbm4b:s0+s1], $0x80, $0x38;
	[tilespmem:$0x10200] =	vst v63  }
0x156: {  	s9 =	simm.s32 $0x600;
	s26 =	sand.u32 $0x1FFFFFF0, s25;
	s2 =	sadd.s32 s4, s2  }
0x157: {  	[tilespmem:s24], [sflag:$0x1] =	stream.linear.gather [hbm4b:s2+s1], $0x80, $0x38;
	[tilespmem:$0x10200] =	vst v63  }
0x158: {  	s15 =	simm.s32 $0x780;
	s0 =	sadd.s32 s4, s26;
	s28 =	spop (v2sf);
	(v2sf) =	vpush v0, $0xE  }
0x159: {  	[tilespmem:s29], [sflag:$0x1] =	stream.linear.gather [hbm4b:s0+s1], $0x80, $0x38;
	[tilespmem:$0x10200] =	vst v63  }
0x15a: {  	s14 =	simm.s32 $0x700;
	s2 =	sand.u32 $0x1FFFFFF0, s28;
	s31 =	spop (v2sf);
	(v2sf) =	vpush v0, $0xF  }
0x15b: {  	s2 =	sadd.s32 s4, s2;
	s7 =	sand.u32 $0x1FFFFFF0, s31;
	s8 =	spop (v2sf)  }
0x15c: {  	[tilespmem:s30], [sflag:$0x1] =	stream.linear.gather [hbm4b:s2+s1], $0x80, $0x38;
	[tilespmem:$0x10200] =	vst v63  }
0x15d: {  	s0 =	sadd.s32 s4, s7;
	s2 =	sand.u32 $0x1FFFFFF0, s8;
	s11 =	spop (v2sf)  }
0x15e: {  	[tilespmem:s9], [sflag:$0x1] =	stream.linear.gather [hbm4b:s0+s1], $0x80, $0x38;
	[tilespmem:$0x10200] =	vst v63  }
0x15f: {  	s2 =	sadd.s32 s4, s2;
	s12 =	sand.u32 $0x1FFFFFF0, s11;
	s13 =	spop (v2sf)  }
0x160: {  	[tilespmem:s10], [sflag:$0x1] =	stream.linear.gather [hbm4b:s2+s1], $0x80, $0x38;
	[tilespmem:$0x10200] =	vst v63  }
0x161: {  	s0 =	sadd.s32 s4, s12;
	s21 =	spop (v2sf);
	s2 =	sand.u32 $0x1FFFFFF0, s13  }
0x162: {  	[tilespmem:s14], [sflag:$0x1] =	stream.linear.gather [hbm4b:s0+s1], $0x80, $0x38;
	[tilespmem:$0x10200] =	vst v63  }
0x163: {  	s22 =	sand.u32 $0x1FFFFFF0, s21;
	s23 =	spop (v2sf);
	s2 =	sadd.s32 s4, s2  }
0x164: {  	[tilespmem:s15], [sflag:$0x1] =	stream.linear.gather [hbm4b:s2+s1], $0x80, $0x38;
	[tilespmem:$0x10200] =	vst v63  }
0x165: {  	s24 =	simm.s32 $0x800;
	s0 =	sadd.s32 s4, s22;
	s2 =	sand.u32 $0x1FFFFFF0, s23  }
0x166: {  	[tilespmem:s24], [sflag:$0x1] =	stream.linear.gather [hbm4b:s0+s1], $0x80, $0x38;
	[tilespmem:$0x10200] =	vst v63  }
0x167: {  	s25 =	simm.s32 $0x880;
	s2 =	sadd.s32 s4, s2;
	s26 =	spop (v2sf)  }
0x168: {  	[tilespmem:s25], [sflag:$0x1] =	stream.linear.gather [hbm4b:s2+s1], $0x80, $0x38;
	[tilespmem:$0x10200] =	vst v63  }
0x169: {  	p0 =	por $0x1, $0x1;
	s28 =	sand.u32 $0x1FFFFFF0, s26;
	s29 =	spop (v2sf)  }
0x16a: {  	s30 =	simm.s32 $0x900;
	s0 =	sadd.s32 s4, s28;
	s2 =	sand.u32 $0x1FFFFFF0, s29  }
0x16b: {  	[tilespmem:s30], [sflag:$0x1] =	stream.linear.gather [hbm4b:s0+s1], $0x80, $0x38;
	[tilespmem:$0x10200] =	vst v63  }
0x16c: {  	s31 =	simm.s32 $0x980;
	s23 =	simm.s32 @!p0 $0x1;
	s2 =	sadd.s32 s4, s2  }
0x16d: {  	[tilespmem:s31], [sflag:$0x1] =	stream.linear.gather [hbm4b:s2+s1], $0x80, $0x38;
	[tilespmem:$0x10200] =	vst v63  }
0x16e: {  	_ =	swait.ge @!p0 [sflag:s23], $0x80  }
0x16f: {  	[sflag:s23] =	ssyncset.done @!p0 $0x0  }
0x170: {  	[sflag:s23] =	ssyncadd.s32 @!p0 $0xFFFFFF80  }
0x171: {  	_ =	swait.ge @!p0 [sflag:s23], $0x80  }
0x172: {  	[sflag:s23] =	ssyncset.done @!p0 $0x0  }
0x173: {  	[sflag:s23] =	ssyncadd.s32 @!p0 $0xFFFFFF80  }
0x174: {  	_ =	swait.ge @!p0 [sflag:s23], $0x80  }
0x175: {  	[sflag:s23] =	ssyncset.done @!p0 $0x0  }
0x176: {  	[sflag:s23] =	ssyncadd.s32 @!p0 $0xFFFFFF80  }
0x177: {  	_ =	swait.ge @!p0 [sflag:s23], $0x80  }
0x178: {  	[sflag:s23] =	ssyncset.done @!p0 $0x0  }
0x179: {  	[sflag:s23] =	ssyncadd.s32 @!p0 $0xFFFFFF80  }
0x17a: {  	_ =	swait.ge @!p0 [sflag:s23], $0x80  }
0x17b: {  	[sflag:s23] =	ssyncset.done @!p0 $0x0  }
0x17c: {  	[sflag:s23] =	ssyncadd.s32 @!p0 $0xFFFFFF80  }
0x17d: {  	_ =	swait.ge @!p0 [sflag:s23], $0x80  }
0x17e: {  	[sflag:s23] =	ssyncset.done @!p0 $0x0  }
0x17f: {  	[sflag:s23] =	ssyncadd.s32 @!p0 $0xFFFFFF80  }
0x180: {  	_ =	swait.ge @!p0 [sflag:s23], $0x80  }
0x181: {  	[sflag:s23] =	ssyncset.done @!p0 $0x0  }
0x182: {  	[sflag:s23] =	ssyncadd.s32 @!p0 $0xFFFFFF80  }
0x183: {  	_ =	swait.ge @!p0 [sflag:s23], $0x80  }
0x184: {  	[sflag:s23] =	ssyncset.done @!p0 $0x0  }
0x185: {  	[sflag:s23] =	ssyncadd.s32 @!p0 $0xFFFFFF80  }
0x186: {  	_ =	swait.ge @!p0 [sflag:s23], $0x80  }
0x187: {  	[sflag:s23] =	ssyncset.done @!p0 $0x0  }
0x188: {  	[sflag:s23] =	ssyncadd.s32 @!p0 $0xFFFFFF80  }
0x189: {  	_ =	swait.ge @!p0 [sflag:s23], $0x80  }
0x18a: {  	[sflag:s23] =	ssyncset.done @!p0 $0x0  }
0x18b: {  	[sflag:s23] =	ssyncadd.s32 @!p0 $0xFFFFFF80  }
0x18c: {  	_ =	swait.ge @!p0 [sflag:s23], $0x80  }
0x18d: {  	[sflag:s23] =	ssyncset.done @!p0 $0x0  }
0x18e: {  	[sflag:s23] =	ssyncadd.s32 @!p0 $0xFFFFFF80  }
0x18f: {  	_ =	swait.ge @!p0 [sflag:s23], $0x80  }
0x190: {  	[sflag:s23] =	ssyncset.done @!p0 $0x0  }
0x191: {  	[sflag:s23] =	ssyncadd.s32 @!p0 $0xFFFFFF80  }
0x192: {  	_ =	swait.ge @!p0 [sflag:s23], $0x80  }
0x193: {  	[sflag:s23] =	ssyncset.done @!p0 $0x0  }
0x194: {  	[sflag:s23] =	ssyncadd.s32 @!p0 $0xFFFFFF80  }
0x195: {  	s21 =	simm.s32 $0x2000;
	s22 =	simm.s32 $0x10;
	_ =	swait.ge @!p0 [sflag:s23], $0x80  }
.LBB2_6:
0x196: {  	[sflag:s23] =	ssyncset.done @!p0 $0x0  }
0x197: {  	s20 =	sadd.s32 $0x1, s20;
	s0 =	smov.u32 s21;
	s21 =	sadd.s32 $0x2000, s21  }
0x198: {  	p1 =	sne.s32 s21, $0x40000;
	[sflag:s23] =	ssyncadd.s32 @!p0 $0xFFFFFF80  }
0x199: {  	_ =	swait.ge @!p0 [sflag:s23], $0x80  }
0x19a: {  	[sflag:s23] =	ssyncset.done @!p0 $0x0  }
0x19b: {  	[sflag:s23] =	ssyncadd.s32 @!p0 $0xFFFFFF80  }
0x19c: {  	_ =	swait.ge @!p0 [sflag:s23], $0x80  }
0x19d: {  	[sflag:s23] =	ssyncset.done @!p0 $0x0  }
0x19e: {  	[sflag:s23] =	ssyncadd.s32 @!p0 $0xFFFFFF80  }
0x19f: {  	v0 =	vld [tilespmem:s22+$0x0];
	_ =	sdelay $0x4  }
0x1a0: {  	v0 =	vshll.u32 v0, $0x4  }
0x1a1: {  	(v2sf) =	vpush v0, $0x0  }
0x1a2: {  	(v2sf) =	vpush v0, $0x1  }
0x1a3: {  	(v2sf) =	vpush v0, $0x2;
	_ =	sdelay $0x1  }
0x1a4: {  	(v2sf) =	vpush v0, $0x3;
	_ =	sdelay $0x1  }
0x1a5: {  	(v2sf) =	vpush v0, $0x4;
	_ =	sdelay $0x1  }
0x1a6: {  	(v2sf) =	vpush v0, $0x5  }
0x1a7: {  	s23 =	sshra.s32 s0, $0x2  }
0x1a8: {  	s0 =	sadd.s32 $0x280, s23;
	s2 =	sadd.s32 $0x380, s23;
	s7 =	sadd.s32 $0x400, s23;
	(v2sf) =	vpush v0, $0x6  }
0x1a9: {  	s8 =	sadd.s32 $0x200, s23;
	s9 =	sadd.s32 $0x300, s23  }
0x1aa: {  	p0 =	slt.u32 s20, $0x4;
	s10 =	sadd.s32 $0x480, s23;
	(v2sf) =	vpush v0, $0x7  }
0x1ab: {  	s29 =	sadd.s32 $0x680, s23;
	s25 =	sadd.s32 $0x880, s23;
	s24 =	sadd.s32 $0x980, s23  }
0x1ac: {  	s11 =	sadd.s32 $0x500, s23;
	s31 =	sadd.s32 $0x600, s23;
	s26 =	sadd.s32 $0x800, s23;
	(v2sf) =	vpush v0, $0x8  }
0x1ad: {  	s12 =	sadd.s32 $0x580, s23;
	s28 =	sadd.s32 $0x780, s23;
	s13 =	spop (v2sf)  }
0x1ae: {  	s30 =	sadd.s32 $0x700, s23;
	s13 =	sand.u32 $0x1FFFFFF0, s13;
	s14 =	spop (v2sf);
	(v2sf) =	vpush v0, $0x9  }
0x1af: {  	s13 =	sadd.s32 s4, s13;
	s14 =	sand.u32 $0x1FFFFFF0, s14;
	s15 =	spop (v2sf)  }
0x1b0: {  	[tilespmem:s8], [sflag:$0x1] =	stream.linear.gather [hbm4b:s13+s1], $0x80, $0x38;
	(v2sf) =	vpush v0, $0xA;
	[tilespmem:$0x10200] =	vst v63  }
0x1b1: {  	s8 =	sadd.s32 s4, s14;
	s13 =	sand.u32 $0x1FFFFFF0, s15;
	s14 =	spop (v2sf)  }
0x1b2: {  	[tilespmem:s0], [sflag:$0x1] =	stream.linear.gather [hbm4b:s8+s1], $0x80, $0x38;
	(v2sf) =	vpush v0, $0xB;
	[tilespmem:$0x10200] =	vst v63  }
0x1b3: {  	s0 =	sadd.s32 s4, s13;
	s8 =	sand.u32 $0x1FFFFFF0, s14;
	s13 =	spop (v2sf)  }
0x1b4: {  	[tilespmem:s9], [sflag:$0x1] =	stream.linear.gather [hbm4b:s0+s1], $0x80, $0x38;
	(v2sf) =	vpush v0, $0xC;
	[tilespmem:$0x10200] =	vst v63  }
0x1b5: {  	s0 =	sadd.s32 s4, s8;
	s8 =	sand.u32 $0x1FFFFFF0, s13;
	s9 =	spop (v2sf)  }
0x1b6: {  	[tilespmem:s2], [sflag:$0x1] =	stream.linear.gather [hbm4b:s0+s1], $0x80, $0x38;
	(v2sf) =	vpush v0, $0xD;
	[tilespmem:$0x10200] =	vst v63  }
0x1b7: {  	s0 =	sadd.s32 s4, s8;
	s2 =	sand.u32 $0x1FFFFFF0, s9;
	s8 =	spop (v2sf)  }
0x1b8: {  	[tilespmem:s7], [sflag:$0x1] =	stream.linear.gather [hbm4b:s0+s1], $0x80, $0x38;
	(v2sf) =	vpush v0, $0xE;
	[tilespmem:$0x10200] =	vst v63  }
0x1b9: {  	s0 =	sadd.s32 s4, s2;
	s2 =	sand.u32 $0x1FFFFFF0, s8;
	s7 =	spop (v2sf)  }
0x1ba: {  	[tilespmem:s10], [sflag:$0x1] =	stream.linear.gather [hbm4b:s0+s1], $0x80, $0x38;
	(v2sf) =	vpush v0, $0xF;
	[tilespmem:$0x10200] =	vst v63  }
0x1bb: {  	s0 =	sadd.s32 s4, s2;
	s2 =	sand.u32 $0x1FFFFFF0, s7;
	s7 =	spop (v2sf)  }
0x1bc: {  	[tilespmem:s11], [sflag:$0x1] =	stream.linear.gather [hbm4b:s0+s1], $0x80, $0x38;
	[tilespmem:$0x10200] =	vst v63  }
0x1bd: {  	s0 =	sadd.s32 s4, s2;
	s2 =	sand.u32 $0x1FFFFFF0, s7;
	s7 =	spop (v2sf)  }
0x1be: {  	[tilespmem:s12], [sflag:$0x1] =	stream.linear.gather [hbm4b:s0+s1], $0x80, $0x38;
	[tilespmem:$0x10200] =	vst v63  }
0x1bf: {  	s0 =	sadd.s32 s4, s2;
	s2 =	sand.u32 $0x1FFFFFF0, s7;
	s7 =	spop (v2sf)  }
0x1c0: {  	[tilespmem:s31], [sflag:$0x1] =	stream.linear.gather [hbm4b:s0+s1], $0x80, $0x38;
	[tilespmem:$0x10200] =	vst v63  }
0x1c1: {  	s0 =	sadd.s32 s4, s2;
	s2 =	sand.u32 $0x1FFFFFF0, s7;
	s7 =	spop (v2sf)  }
0x1c2: {  	[tilespmem:s29], [sflag:$0x1] =	stream.linear.gather [hbm4b:s0+s1], $0x80, $0x38;
	[tilespmem:$0x10200] =	vst v63  }
0x1c3: {  	s0 =	sadd.s32 s4, s2;
	s2 =	sand.u32 $0x1FFFFFF0, s7;
	s7 =	spop (v2sf)  }
0x1c4: {  	[tilespmem:s30], [sflag:$0x1] =	stream.linear.gather [hbm4b:s0+s1], $0x80, $0x38;
	[tilespmem:$0x10200] =	vst v63  }
0x1c5: {  	s0 =	sadd.s32 s4, s2;
	s2 =	sand.u32 $0x1FFFFFF0, s7;
	s7 =	spop (v2sf)  }
0x1c6: {  	[tilespmem:s28], [sflag:$0x1] =	stream.linear.gather [hbm4b:s0+s1], $0x80, $0x38;
	[tilespmem:$0x10200] =	vst v63  }
0x1c7: {  	s0 =	sadd.s32 s4, s2;
	s2 =	sand.u32 $0x1FFFFFF0, s7;
	s7 =	spop (v2sf)  }
0x1c8: {  	[tilespmem:s26], [sflag:$0x1] =	stream.linear.gather [hbm4b:s0+s1], $0x80, $0x38;
	[tilespmem:$0x10200] =	vst v63  }
0x1c9: {  	s0 =	sadd.s32 s4, s2;
	s2 =	sand.u32 $0x1FFFFFF0, s7;
	s7 =	spop (v2sf)  }
0x1ca: {  	[tilespmem:s25], [sflag:$0x1] =	stream.linear.gather [hbm4b:s0+s1], $0x80, $0x38;
	[tilespmem:$0x10200] =	vst v63  }
0x1cb: {  	s2 =	sadd.s32 s4, s2;
	s0 =	sadd.s32 $0x900, s23;
	s7 =	sand.u32 $0x1FFFFFF0, s7  }
0x1cc: {  	[tilespmem:s0], [sflag:$0x1] =	stream.linear.gather [hbm4b:s2+s1], $0x80, $0x38;
	[tilespmem:$0x10200] =	vst v63  }
0x1cd: {  	s23 =	simm.s32 @!p0 $0x1;
	s0 =	sadd.s32 s4, s7  }
0x1ce: {  	[tilespmem:s24], [sflag:$0x1] =	stream.linear.gather [hbm4b:s0+s1], $0x80, $0x38;
	[tilespmem:$0x10200] =	vst v63  }
0x1cf: {  	_ =	swait.ge @!p0 [sflag:s23], $0x80  }
0x1d0: {  	[sflag:s23] =	ssyncset.done @!p0 $0x0  }
0x1d1: {  	[sflag:s23] =	ssyncadd.s32 @!p0 $0xFFFFFF80  }
0x1d2: {  	_ =	swait.ge @!p0 [sflag:s23], $0x80  }
0x1d3: {  	[sflag:s23] =	ssyncset.done @!p0 $0x0  }
0x1d4: {  	[sflag:s23] =	ssyncadd.s32 @!p0 $0xFFFFFF80  }
0x1d5: {  	_ =	swait.ge @!p0 [sflag:s23], $0x80  }
0x1d6: {  	[sflag:s23] =	ssyncset.done @!p0 $0x0  }
0x1d7: {  	[sflag:s23] =	ssyncadd.s32 @!p0 $0xFFFFFF80  }
0x1d8: {  	_ =	swait.ge @!p0 [sflag:s23], $0x80  }
0x1d9: {  	[sflag:s23] =	ssyncset.done @!p0 $0x0  }
0x1da: {  	[sflag:s23] =	ssyncadd.s32 @!p0 $0xFFFFFF80  }
0x1db: {  	_ =	swait.ge @!p0 [sflag:s23], $0x80  }
0x1dc: {  	[sflag:s23] =	ssyncset.done @!p0 $0x0  }
0x1dd: {  	[sflag:s23] =	ssyncadd.s32 @!p0 $0xFFFFFF80  }
0x1de: {  	_ =	swait.ge @!p0 [sflag:s23], $0x80  }
0x1df: {  	[sflag:s23] =	ssyncset.done @!p0 $0x0  }
0x1e0: {  	[sflag:s23] =	ssyncadd.s32 @!p0 $0xFFFFFF80  }
0x1e1: {  	_ =	swait.ge @!p0 [sflag:s23], $0x80  }
0x1e2: {  	[sflag:s23] =	ssyncset.done @!p0 $0x0  }
0x1e3: {  	[sflag:s23] =	ssyncadd.s32 @!p0 $0xFFFFFF80  }
0x1e4: {  	_ =	swait.ge @!p0 [sflag:s23], $0x80  }
0x1e5: {  	[sflag:s23] =	ssyncset.done @!p0 $0x0  }
0x1e6: {  	[sflag:s23] =	ssyncadd.s32 @!p0 $0xFFFFFF80  }
0x1e7: {  	_ =	swait.ge @!p0 [sflag:s23], $0x80  }
0x1e8: {  	[sflag:s23] =	ssyncset.done @!p0 $0x0  }
0x1e9: {  	[sflag:s23] =	ssyncadd.s32 @!p0 $0xFFFFFF80  }
0x1ea: {  	_ =	swait.ge @!p0 [sflag:s23], $0x80  }
0x1eb: {  	[sflag:s23] =	ssyncset.done @!p0 $0x0  }
0x1ec: {  	[sflag:s23] =	ssyncadd.s32 @!p0 $0xFFFFFF80  }
0x1ed: {  	_ =	swait.ge @!p0 [sflag:s23], $0x80  }
0x1ee: {  	[sflag:s23] =	ssyncset.done @!p0 $0x0  }
0x1ef: {  	[sflag:s23] =	ssyncadd.s32 @!p0 $0xFFFFFF80  }
0x1f0: {  	_ =	swait.ge @!p0 [sflag:s23], $0x80  }
0x1f1: {  	[sflag:s23] =	ssyncset.done @!p0 $0x0  }
.Ltmp2:
0x1f2: {  	[sflag:s23] =	ssyncadd.s32 @!p0 $0xFFFFFF80;
	(pc) =	sbr.rel @p1 .LBB2_6-.Ltmp2, $4  }
0x1f3: {  	_ =	swait.ge @!p0 [sflag:s23], $0x80  }
0x1f4: {  	[sflag:s23] =	ssyncset.done @!p0 $0x0  }
0x1f5: {  	[sflag:s23] =	ssyncadd.s32 @!p0 $0xFFFFFF80  }
0x1f6: {  	s22 =	sadd.s32 $0x10, s22;
	_ =	swait.ge @!p0 [sflag:s23], $0x80  }
0x1f7: {  	[sflag:s23] =	ssyncset.done @!p0 $0x0  }
0x1f8: {  	[sflag:s23] =	ssyncadd.s32 @!p0 $0xFFFFFF80  }
0x1f9: {  	_ =	swait.ge @!p0 [sflag:s23], $0x80  }
0x1fa: {  	[sflag:s23] =	ssyncset.done @!p0 $0x0  }
0x1fb: {  	[sflag:s23] =	ssyncadd.s32 @!p0 $0xFFFFFF80  }
0x1fc: {  	_ =	swait.ge @!p0 [sflag:s23], $0x80  }
0x1fd: {  	[sflag:s23] =	ssyncset.done @!p0 $0x0  }
0x1fe: {  	[sflag:s23] =	ssyncadd.s32 @!p0 $0xFFFFFF80  }
0x1ff: {  	_ =	swait.ge [sflag:s17], $0x80  }
0x200: {  	[sflag:s17] =	ssyncset.done $0x0  }
0x201: {  	[sflag:s17] =	ssyncadd.s32 $0xFFFFFF80  }
0x202: {  	_ =	swait.ge [sflag:s17], $0x80  }
0x203: {  	[sflag:s17] =	ssyncset.done $0x0  }
0x204: {  	[sflag:s17] =	ssyncadd.s32 $0xFFFFFF80  }
0x205: {  	_ =	swait.ge [sflag:s17], $0x80  }
0x206: {  	[sflag:s17] =	ssyncset.done $0x0  }
0x207: {  	[sflag:s17] =	ssyncadd.s32 $0xFFFFFF80  }
0x208: {  	_ =	swait.ge [sflag:s17], $0x80  }
0x209: {  	[sflag:s17] =	ssyncset.done $0x0  }
0x20a: {  	[sflag:s17] =	ssyncadd.s32 $0xFFFFFF80  }
0x20b: {  	_ =	swait.ge [sflag:s17], $0x80  }
0x20c: {  	[sflag:s17] =	ssyncset.done $0x0  }
0x20d: {  	[sflag:s17] =	ssyncadd.s32 $0xFFFFFF80  }
0x20e: {  	_ =	swait.ge [sflag:s17], $0x80  }
0x20f: {  	[sflag:s17] =	ssyncset.done $0x0  }
0x210: {  	[sflag:s17] =	ssyncadd.s32 $0xFFFFFF80  }
0x211: {  	_ =	swait.ge [sflag:s17], $0x80  }
0x212: {  	[sflag:s17] =	ssyncset.done $0x0  }
0x213: {  	[sflag:s17] =	ssyncadd.s32 $0xFFFFFF80  }
0x214: {  	_ =	swait.ge [sflag:s17], $0x80  }
0x215: {  	[sflag:s17] =	ssyncset.done $0x0  }
0x216: {  	[sflag:s17] =	ssyncadd.s32 $0xFFFFFF80  }
0x217: {  	_ =	swait.ge [sflag:s17], $0x80  }
0x218: {  	[sflag:s17] =	ssyncset.done $0x0  }
0x219: {  	[sflag:s17] =	ssyncadd.s32 $0xFFFFFF80  }
0x21a: {  	_ =	swait.ge [sflag:s17], $0x80  }
0x21b: {  	[sflag:s17] =	ssyncset.done $0x0  }
0x21c: {  	[sflag:s17] =	ssyncadd.s32 $0xFFFFFF80  }
0x21d: {  	_ =	swait.ge [sflag:s17], $0x80  }
0x21e: {  	[sflag:s17] =	ssyncset.done $0x0  }
0x21f: {  	[sflag:s17] =	ssyncadd.s32 $0xFFFFFF80  }
0x220: {  	_ =	swait.ge [sflag:s17], $0x80  }
0x221: {  	[sflag:s17] =	ssyncset.done $0x0  }
0x222: {  	[sflag:s17] =	ssyncadd.s32 $0xFFFFFF80  }
0x223: {  	_ =	swait.ge [sflag:s17], $0x80  }
0x224: {  	[sflag:s17] =	ssyncset.done $0x0  }
0x225: {  	[sflag:s17] =	ssyncadd.s32 $0xFFFFFF80  }
0x226: {  	_ =	swait.ge [sflag:s17], $0x80  }
0x227: {  	[sflag:s17] =	ssyncset.done $0x0  }
0x228: {  	[sflag:s17] =	ssyncadd.s32 $0xFFFFFF80  }
0x229: {  	_ =	swait.ge [sflag:s17], $0x80  }
0x22a: {  	[sflag:s17] =	ssyncset.done $0x0  }
0x22b: {  	[sflag:s17] =	ssyncadd.s32 $0xFFFFFF80  }
0x22c: {  	_ =	swait.ge [sflag:s17], $0x80  }
0x22d: {  	s20 =	simm.s32 $0x3;
	[sflag:s17] =	ssyncset.done $0x0  }
.LBB2_8:
0x22e: {  	p0 =	sne.s32 s20, $0x1;
	s20 =	sadd.s32 $0xFFFFFFFF, s20;
	[sflag:s17] =	ssyncadd.s32 $0xFFFFFF80  }
0x22f: {  	_ =	swait.ge [sflag:s17], $0x80  }
0x230: {  	[sflag:s17] =	ssyncset.done $0x0  }
0x231: {  	[sflag:s17] =	ssyncadd.s32 $0xFFFFFF80  }
0x232: {  	_ =	swait.ge [sflag:s17], $0x80  }
0x233: {  	[sflag:s17] =	ssyncset.done $0x0  }
0x234: {  	[sflag:s17] =	ssyncadd.s32 $0xFFFFFF80  }
0x235: {  	_ =	swait.ge [sflag:s17], $0x80  }
0x236: {  	[sflag:s17] =	ssyncset.done $0x0  }
0x237: {  	[sflag:s17] =	ssyncadd.s32 $0xFFFFFF80  }
0x238: {  	_ =	swait.ge [sflag:s17], $0x80  }
0x239: {  	[sflag:s17] =	ssyncset.done $0x0  }
0x23a: {  	[sflag:s17] =	ssyncadd.s32 $0xFFFFFF80  }
0x23b: {  	_ =	swait.ge [sflag:s17], $0x80  }
0x23c: {  	[sflag:s17] =	ssyncset.done $0x0  }
0x23d: {  	[sflag:s17] =	ssyncadd.s32 $0xFFFFFF80  }
0x23e: {  	_ =	swait.ge [sflag:s17], $0x80  }
0x23f: {  	[sflag:s17] =	ssyncset.done $0x0  }
0x240: {  	[sflag:s17] =	ssyncadd.s32 $0xFFFFFF80  }
0x241: {  	_ =	swait.ge [sflag:s17], $0x80  }
0x242: {  	[sflag:s17] =	ssyncset.done $0x0  }
0x243: {  	[sflag:s17] =	ssyncadd.s32 $0xFFFFFF80  }
0x244: {  	_ =	swait.ge [sflag:s17], $0x80  }
0x245: {  	[sflag:s17] =	ssyncset.done $0x0  }
0x246: {  	[sflag:s17] =	ssyncadd.s32 $0xFFFFFF80  }
0x247: {  	_ =	swait.ge [sflag:s17], $0x80  }
0x248: {  	[sflag:s17] =	ssyncset.done $0x0  }
0x249: {  	[sflag:s17] =	ssyncadd.s32 $0xFFFFFF80  }
0x24a: {  	_ =	swait.ge [sflag:s17], $0x80  }
0x24b: {  	[sflag:s17] =	ssyncset.done $0x0  }
0x24c: {  	[sflag:s17] =	ssyncadd.s32 $0xFFFFFF80  }
0x24d: {  	_ =	swait.ge [sflag:s17], $0x80  }
0x24e: {  	[sflag:s17] =	ssyncset.done $0x0  }
0x24f: {  	[sflag:s17] =	ssyncadd.s32 $0xFFFFFF80  }
0x250: {  	_ =	swait.ge [sflag:s17], $0x80  }
0x251: {  	[sflag:s17] =	ssyncset.done $0x0  }
0x252: {  	[sflag:s17] =	ssyncadd.s32 $0xFFFFFF80  }
0x253: {  	_ =	swait.ge [sflag:s17], $0x80  }
0x254: {  	[sflag:s17] =	ssyncset.done $0x0  }
0x255: {  	[sflag:s17] =	ssyncadd.s32 $0xFFFFFF80  }
0x256: {  	_ =	swait.ge [sflag:s17], $0x80  }
0x257: {  	[sflag:s17] =	ssyncset.done $0x0  }
0x258: {  	[sflag:s17] =	ssyncadd.s32 $0xFFFFFF80  }
.Ltmp3:
0x259: {  	_ =	swait.ge [sflag:s17], $0x80;
	(pc) =	sbr.rel @p0 .LBB2_8-.Ltmp3, $4  }
0x25a: {  	[sflag:s17] =	ssyncset.done $0x0  }
0x25b: {  	[sflag:s17] =	ssyncadd.s32 $0xFFFFFF80  }
0x25c: {  	_ =	swait.ge [sflag:s17], $0x80  }
0x25d: {  	[sflag:s17] =	ssyncset.done $0x0  }
0x25e: {  	[sflag:s17] =	ssyncadd.s32 $0xFFFFFF80;
	s20 =	simm.s32 $0x0;
	s0 =	rddreg [dreg:$0x9]  }
0x25f: {  	[hbm4b:s0+s20] =	stream.linear.scatter [tilespmem:s18], [sflag:$0x2], $0x10000, $0x38;
	[tilespmem:$0x10200] =	vst v63  }
0x260: {  	_ =	swait.ge [sflag:s16], $0x10000  }
0x261: {  	[sflag:s16] =	ssyncset.done $0x0  }
0x262: {  	s7 =	rddreg [dreg:$0xa];
	[sflag:s16] =	ssyncadd.s32 $0xFFFF0000  }
0x263: {  	[tilespmem:s20], [sflag:$0x2] =	stream.linear.gather [hbm4b:s7+s20], $0x200, $0x38;
	[tilespmem:$0x10200] =	vst v63  }
0x264: {  	_ =	swait.ge [sflag:s16], $0x200  }
0x265: {  	[sflag:s16] =	ssyncset.done $0x0  }
0x266: {  	[sflag:s16] =	ssyncadd.s32 $0xFFFFFE00  }
0x267: {  	v0 =	vld [tilespmem:s20+$0x0];
	_ =	sdelay $0x4  }
0x268: {  	v0 =	vshll.u32 v0, $0x4  }
0x269: {  	(v2sf) =	vpush v0, $0x0  }
0x26a: {  	(v2sf) =	vpush v0, $0x1  }
0x26b: {  	(v2sf) =	vpush v0, $0x2;
	_ =	sdelay $0x2  }
0x26c: {  	(v2sf) =	vpush v0, $0x3;
	_ =	sdelay $0x1  }
0x26d: {  	(v2sf) =	vpush v0, $0x4;
	_ =	sdelay $0x1  }
0x26e: {  	(v2sf) =	vpush v0, $0x5;
	_ =	sdelay $0x1  }
0x26f: {  	(v2sf) =	vpush v0, $0x6;
	_ =	sdelay $0x2  }
0x270: {  	s9 =	simm.s32 $0x280;
	s13 =	simm.s32 $0x300;
	s14 =	simm.s32 $0x380  }
0x271: {  	s23 =	simm.s32 $0x400;
	s24 =	simm.s32 $0x480;
	s8 =	spop (v2sf);
	(v2sf) =	vpush v0, $0x7  }
0x272: {  	s7 =	simm.s32 $0x200;
	s0 =	sand.u32 $0x1FFFFFF0, s8;
	s2 =	spop (v2sf)  }
0x273: {  	(v2sf) =	vpush v0, $0x8;
	s0 =	sadd.s32 s5, s0;
	s2 =	sand.u32 $0x1FFFFFF0, s2;
	s10 =	spop (v2sf)  }
0x274: {  	(v2sf) =	vpush v0, $0x9;
	[tilespmem:s7], [sflag:$0x1] =	stream.linear.gather [hbm4b:s0+s1], $0x80, $0x38;
	[tilespmem:$0x10200] =	vst v63  }
0x275: {  	s29 =	simm.s32 $0x500;
	s30 =	simm.s32 $0x580;
	s2 =	sadd.s32 s5, s2  }
0x276: {  	s11 =	sand.u32 $0x1FFFFFF0, s10;
	s12 =	spop (v2sf);
	(v2sf) =	vpush v0, $0xA;
	s10 =	simm.s32 $0x680  }
0x277: {  	[tilespmem:s9], [sflag:$0x1] =	stream.linear.gather [hbm4b:s2+s1], $0x80, $0x38;
	[tilespmem:$0x10200] =	vst v63  }
0x278: {  	s0 =	sadd.s32 s5, s11;
	s15 =	spop (v2sf);
	(v2sf) =	vpush v0, $0xB;
	s2 =	sand.u32 $0x1FFFFFF0, s12  }
0x279: {  	[tilespmem:s13], [sflag:$0x1] =	stream.linear.gather [hbm4b:s0+s1], $0x80, $0x38;
	[tilespmem:$0x10200] =	vst v63  }
0x27a: {  	s21 =	sand.u32 $0x1FFFFFF0, s15;
	s22 =	spop (v2sf);
	(v2sf) =	vpush v0, $0xC;
	s2 =	sadd.s32 s5, s2  }
0x27b: {  	[tilespmem:s14], [sflag:$0x1] =	stream.linear.gather [hbm4b:s2+s1], $0x80, $0x38;
	[tilespmem:$0x10200] =	vst v63  }
0x27c: {  	s25 =	spop (v2sf);
	(v2sf) =	vpush v0, $0xD;
	s0 =	sadd.s32 s5, s21;
	s2 =	sand.u32 $0x1FFFFFF0, s22  }
0x27d: {  	[tilespmem:s23], [sflag:$0x1] =	stream.linear.gather [hbm4b:s0+s1], $0x80, $0x38;
	[tilespmem:$0x10200] =	vst v63  }
0x27e: {  	s9 =	simm.s32 $0x600;
	s26 =	sand.u32 $0x1FFFFFF0, s25;
	s2 =	sadd.s32 s5, s2  }
0x27f: {  	[tilespmem:s24], [sflag:$0x1] =	stream.linear.gather [hbm4b:s2+s1], $0x80, $0x38;
	[tilespmem:$0x10200] =	vst v63  }
0x280: {  	s15 =	simm.s32 $0x780;
	s0 =	sadd.s32 s5, s26;
	s28 =	spop (v2sf);
	(v2sf) =	vpush v0, $0xE  }
0x281: {  	[tilespmem:s29], [sflag:$0x1] =	stream.linear.gather [hbm4b:s0+s1], $0x80, $0x38;
	[tilespmem:$0x10200] =	vst v63  }
0x282: {  	s14 =	simm.s32 $0x700;
	s2 =	sand.u32 $0x1FFFFFF0, s28;
	s31 =	spop (v2sf);
	(v2sf) =	vpush v0, $0xF  }
0x283: {  	s2 =	sadd.s32 s5, s2;
	s7 =	sand.u32 $0x1FFFFFF0, s31;
	s8 =	spop (v2sf)  }
0x284: {  	[tilespmem:s30], [sflag:$0x1] =	stream.linear.gather [hbm4b:s2+s1], $0x80, $0x38;
	[tilespmem:$0x10200] =	vst v63  }
0x285: {  	s0 =	sadd.s32 s5, s7;
	s2 =	sand.u32 $0x1FFFFFF0, s8;
	s11 =	spop (v2sf)  }
0x286: {  	[tilespmem:s9], [sflag:$0x1] =	stream.linear.gather [hbm4b:s0+s1], $0x80, $0x38;
	[tilespmem:$0x10200] =	vst v63  }
0x287: {  	s2 =	sadd.s32 s5, s2;
	s12 =	sand.u32 $0x1FFFFFF0, s11;
	s13 =	spop (v2sf)  }
0x288: {  	[tilespmem:s10], [sflag:$0x1] =	stream.linear.gather [hbm4b:s2+s1], $0x80, $0x38;
	[tilespmem:$0x10200] =	vst v63  }
0x289: {  	s0 =	sadd.s32 s5, s12;
	s21 =	spop (v2sf);
	s2 =	sand.u32 $0x1FFFFFF0, s13  }
0x28a: {  	[tilespmem:s14], [sflag:$0x1] =	stream.linear.gather [hbm4b:s0+s1], $0x80, $0x38;
	[tilespmem:$0x10200] =	vst v63  }
0x28b: {  	s22 =	sand.u32 $0x1FFFFFF0, s21;
	s23 =	spop (v2sf);
	s2 =	sadd.s32 s5, s2  }
0x28c: {  	[tilespmem:s15], [sflag:$0x1] =	stream.linear.gather [hbm4b:s2+s1], $0x80, $0x38;
	[tilespmem:$0x10200] =	vst v63  }
0x28d: {  	s24 =	simm.s32 $0x800;
	s0 =	sadd.s32 s5, s22;
	s2 =	sand.u32 $0x1FFFFFF0, s23  }
0x28e: {  	[tilespmem:s24], [sflag:$0x1] =	stream.linear.gather [hbm4b:s0+s1], $0x80, $0x38;
	[tilespmem:$0x10200] =	vst v63  }
0x28f: {  	s25 =	simm.s32 $0x880;
	s2 =	sadd.s32 s5, s2;
	s26 =	spop (v2sf)  }
0x290: {  	[tilespmem:s25], [sflag:$0x1] =	stream.linear.gather [hbm4b:s2+s1], $0x80, $0x38;
	[tilespmem:$0x10200] =	vst v63  }
0x291: {  	p0 =	por $0x1, $0x1;
	s28 =	sand.u32 $0x1FFFFFF0, s26;
	s29 =	spop (v2sf)  }
0x292: {  	s30 =	simm.s32 $0x900;
	s0 =	sadd.s32 s5, s28;
	s2 =	sand.u32 $0x1FFFFFF0, s29  }
0x293: {  	[tilespmem:s30], [sflag:$0x1] =	stream.linear.gather [hbm4b:s0+s1], $0x80, $0x38;
	[tilespmem:$0x10200] =	vst v63  }
0x294: {  	s31 =	simm.s32 $0x980;
	s23 =	simm.s32 @!p0 $0x1;
	s2 =	sadd.s32 s5, s2  }
0x295: {  	[tilespmem:s31], [sflag:$0x1] =	stream.linear.gather [hbm4b:s2+s1], $0x80, $0x38;
	[tilespmem:$0x10200] =	vst v63  }
0x296: {  	_ =	swait.ge @!p0 [sflag:s23], $0x80  }
0x297: {  	[sflag:s23] =	ssyncset.done @!p0 $0x0  }
0x298: {  	[sflag:s23] =	ssyncadd.s32 @!p0 $0xFFFFFF80  }
0x299: {  	_ =	swait.ge @!p0 [sflag:s23], $0x80  }
0x29a: {  	[sflag:s23] =	ssyncset.done @!p0 $0x0  }
0x29b: {  	[sflag:s23] =	ssyncadd.s32 @!p0 $0xFFFFFF80  }
0x29c: {  	_ =	swait.ge @!p0 [sflag:s23], $0x80  }
0x29d: {  	[sflag:s23] =	ssyncset.done @!p0 $0x0  }
0x29e: {  	[sflag:s23] =	ssyncadd.s32 @!p0 $0xFFFFFF80  }
0x29f: {  	_ =	swait.ge @!p0 [sflag:s23], $0x80  }
0x2a0: {  	[sflag:s23] =	ssyncset.done @!p0 $0x0  }
0x2a1: {  	[sflag:s23] =	ssyncadd.s32 @!p0 $0xFFFFFF80  }
0x2a2: {  	_ =	swait.ge @!p0 [sflag:s23], $0x80  }
0x2a3: {  	[sflag:s23] =	ssyncset.done @!p0 $0x0  }
0x2a4: {  	[sflag:s23] =	ssyncadd.s32 @!p0 $0xFFFFFF80  }
0x2a5: {  	_ =	swait.ge @!p0 [sflag:s23], $0x80  }
0x2a6: {  	[sflag:s23] =	ssyncset.done @!p0 $0x0  }
0x2a7: {  	[sflag:s23] =	ssyncadd.s32 @!p0 $0xFFFFFF80  }
0x2a8: {  	_ =	swait.ge @!p0 [sflag:s23], $0x80  }
0x2a9: {  	[sflag:s23] =	ssyncset.done @!p0 $0x0  }
0x2aa: {  	[sflag:s23] =	ssyncadd.s32 @!p0 $0xFFFFFF80  }
0x2ab: {  	_ =	swait.ge @!p0 [sflag:s23], $0x80  }
0x2ac: {  	[sflag:s23] =	ssyncset.done @!p0 $0x0  }
0x2ad: {  	[sflag:s23] =	ssyncadd.s32 @!p0 $0xFFFFFF80  }
0x2ae: {  	_ =	swait.ge @!p0 [sflag:s23], $0x80  }
0x2af: {  	[sflag:s23] =	ssyncset.done @!p0 $0x0  }
0x2b0: {  	[sflag:s23] =	ssyncadd.s32 @!p0 $0xFFFFFF80  }
0x2b1: {  	_ =	swait.ge @!p0 [sflag:s23], $0x80  }
0x2b2: {  	[sflag:s23] =	ssyncset.done @!p0 $0x0  }
0x2b3: {  	[sflag:s23] =	ssyncadd.s32 @!p0 $0xFFFFFF80  }
0x2b4: {  	_ =	swait.ge @!p0 [sflag:s23], $0x80  }
0x2b5: {  	[sflag:s23] =	ssyncset.done @!p0 $0x0  }
0x2b6: {  	[sflag:s23] =	ssyncadd.s32 @!p0 $0xFFFFFF80  }
0x2b7: {  	_ =	swait.ge @!p0 [sflag:s23], $0x80  }
0x2b8: {  	[sflag:s23] =	ssyncset.done @!p0 $0x0  }
0x2b9: {  	[sflag:s23] =	ssyncadd.s32 @!p0 $0xFFFFFF80  }
0x2ba: {  	_ =	swait.ge @!p0 [sflag:s23], $0x80  }
0x2bb: {  	[sflag:s23] =	ssyncset.done @!p0 $0x0  }
0x2bc: {  	[sflag:s23] =	ssyncadd.s32 @!p0 $0xFFFFFF80  }
0x2bd: {  	s21 =	simm.s32 $0x2000;
	s22 =	simm.s32 $0x10;
	_ =	swait.ge @!p0 [sflag:s23], $0x80  }
.LBB2_10:
0x2be: {  	[sflag:s23] =	ssyncset.done @!p0 $0x0  }
0x2bf: {  	s20 =	sadd.s32 $0x1, s20;
	s0 =	smov.u32 s21;
	s21 =	sadd.s32 $0x2000, s21  }
0x2c0: {  	p1 =	sne.s32 s21, $0x40000;
	[sflag:s23] =	ssyncadd.s32 @!p0 $0xFFFFFF80  }
0x2c1: {  	_ =	swait.ge @!p0 [sflag:s23], $0x80  }
0x2c2: {  	[sflag:s23] =	ssyncset.done @!p0 $0x0  }
0x2c3: {  	[sflag:s23] =	ssyncadd.s32 @!p0 $0xFFFFFF80  }
0x2c4: {  	_ =	swait.ge @!p0 [sflag:s23], $0x80  }
0x2c5: {  	[sflag:s23] =	ssyncset.done @!p0 $0x0  }
0x2c6: {  	[sflag:s23] =	ssyncadd.s32 @!p0 $0xFFFFFF80  }
0x2c7: {  	v0 =	vld [tilespmem:s22+$0x0];
	_ =	sdelay $0x4  }
0x2c8: {  	v0 =	vshll.u32 v0, $0x4  }
0x2c9: {  	(v2sf) =	vpush v0, $0x0  }
0x2ca: {  	(v2sf) =	vpush v0, $0x1  }
0x2cb: {  	(v2sf) =	vpush v0, $0x2;
	_ =	sdelay $0x1  }
0x2cc: {  	(v2sf) =	vpush v0, $0x3;
	_ =	sdelay $0x1  }
0x2cd: {  	(v2sf) =	vpush v0, $0x4;
	_ =	sdelay $0x1  }
0x2ce: {  	(v2sf) =	vpush v0, $0x5  }
0x2cf: {  	s23 =	sshra.s32 s0, $0x2  }
0x2d0: {  	s0 =	sadd.s32 $0x280, s23;
	s2 =	sadd.s32 $0x380, s23;
	s7 =	sadd.s32 $0x400, s23;
	(v2sf) =	vpush v0, $0x6  }
0x2d1: {  	s8 =	sadd.s32 $0x200, s23;
	s9 =	sadd.s32 $0x300, s23  }
0x2d2: {  	p0 =	slt.u32 s20, $0x4;
	s10 =	sadd.s32 $0x480, s23;
	(v2sf) =	vpush v0, $0x7  }
0x2d3: {  	s29 =	sadd.s32 $0x680, s23;
	s25 =	sadd.s32 $0x880, s23;
	s24 =	sadd.s32 $0x980, s23  }
0x2d4: {  	s11 =	sadd.s32 $0x500, s23;
	s31 =	sadd.s32 $0x600, s23;
	s26 =	sadd.s32 $0x800, s23;
	(v2sf) =	vpush v0, $0x8  }
0x2d5: {  	s12 =	sadd.s32 $0x580, s23;
	s28 =	sadd.s32 $0x780, s23;
	s13 =	spop (v2sf)  }
0x2d6: {  	s30 =	sadd.s32 $0x700, s23;
	s13 =	sand.u32 $0x1FFFFFF0, s13;
	s14 =	spop (v2sf);
	(v2sf) =	vpush v0, $0x9  }
0x2d7: {  	s13 =	sadd.s32 s5, s13;
	s14 =	sand.u32 $0x1FFFFFF0, s14;
	s15 =	spop (v2sf)  }
0x2d8: {  	[tilespmem:s8], [sflag:$0x1] =	stream.linear.gather [hbm4b:s13+s1], $0x80, $0x38;
	(v2sf) =	vpush v0, $0xA;
	[tilespmem:$0x10200] =	vst v63  }
0x2d9: {  	s8 =	sadd.s32 s5, s14;
	s13 =	sand.u32 $0x1FFFFFF0, s15;
	s14 =	spop (v2sf)  }
0x2da: {  	[tilespmem:s0], [sflag:$0x1] =	stream.linear.gather [hbm4b:s8+s1], $0x80, $0x38;
	(v2sf) =	vpush v0, $0xB;
	[tilespmem:$0x10200] =	vst v63  }
0x2db: {  	s0 =	sadd.s32 s5, s13;
	s8 =	sand.u32 $0x1FFFFFF0, s14;
	s13 =	spop (v2sf)  }
0x2dc: {  	[tilespmem:s9], [sflag:$0x1] =	stream.linear.gather [hbm4b:s0+s1], $0x80, $0x38;
	(v2sf) =	vpush v0, $0xC;
	[tilespmem:$0x10200] =	vst v63  }
0x2dd: {  	s0 =	sadd.s32 s5, s8;
	s8 =	sand.u32 $0x1FFFFFF0, s13;
	s9 =	spop (v2sf)  }
0x2de: {  	[tilespmem:s2], [sflag:$0x1] =	stream.linear.gather [hbm4b:s0+s1], $0x80, $0x38;
	(v2sf) =	vpush v0, $0xD;
	[tilespmem:$0x10200] =	vst v63  }
0x2df: {  	s0 =	sadd.s32 s5, s8;
	s2 =	sand.u32 $0x1FFFFFF0, s9;
	s8 =	spop (v2sf)  }
0x2e0: {  	[tilespmem:s7], [sflag:$0x1] =	stream.linear.gather [hbm4b:s0+s1], $0x80, $0x38;
	(v2sf) =	vpush v0, $0xE;
	[tilespmem:$0x10200] =	vst v63  }
0x2e1: {  	s0 =	sadd.s32 s5, s2;
	s2 =	sand.u32 $0x1FFFFFF0, s8;
	s7 =	spop (v2sf)  }
0x2e2: {  	[tilespmem:s10], [sflag:$0x1] =	stream.linear.gather [hbm4b:s0+s1], $0x80, $0x38;
	(v2sf) =	vpush v0, $0xF;
	[tilespmem:$0x10200] =	vst v63  }
0x2e3: {  	s0 =	sadd.s32 s5, s2;
	s2 =	sand.u32 $0x1FFFFFF0, s7;
	s7 =	spop (v2sf)  }
0x2e4: {  	[tilespmem:s11], [sflag:$0x1] =	stream.linear.gather [hbm4b:s0+s1], $0x80, $0x38;
	[tilespmem:$0x10200] =	vst v63  }
0x2e5: {  	s0 =	sadd.s32 s5, s2;
	s2 =	sand.u32 $0x1FFFFFF0, s7;
	s7 =	spop (v2sf)  }
0x2e6: {  	[tilespmem:s12], [sflag:$0x1] =	stream.linear.gather [hbm4b:s0+s1], $0x80, $0x38;
	[tilespmem:$0x10200] =	vst v63  }
0x2e7: {  	s0 =	sadd.s32 s5, s2;
	s2 =	sand.u32 $0x1FFFFFF0, s7;
	s7 =	spop (v2sf)  }
0x2e8: {  	[tilespmem:s31], [sflag:$0x1] =	stream.linear.gather [hbm4b:s0+s1], $0x80, $0x38;
	[tilespmem:$0x10200] =	vst v63  }
0x2e9: {  	s0 =	sadd.s32 s5, s2;
	s2 =	sand.u32 $0x1FFFFFF0, s7;
	s7 =	spop (v2sf)  }
0x2ea: {  	[tilespmem:s29], [sflag:$0x1] =	stream.linear.gather [hbm4b:s0+s1], $0x80, $0x38;
	[tilespmem:$0x10200] =	vst v63  }
0x2eb: {  	s0 =	sadd.s32 s5, s2;
	s2 =	sand.u32 $0x1FFFFFF0, s7;
	s7 =	spop (v2sf)  }
0x2ec: {  	[tilespmem:s30], [sflag:$0x1] =	stream.linear.gather [hbm4b:s0+s1], $0x80, $0x38;
	[tilespmem:$0x10200] =	vst v63  }
0x2ed: {  	s0 =	sadd.s32 s5, s2;
	s2 =	sand.u32 $0x1FFFFFF0, s7;
	s7 =	spop (v2sf)  }
0x2ee: {  	[tilespmem:s28], [sflag:$0x1] =	stream.linear.gather [hbm4b:s0+s1], $0x80, $0x38;
	[tilespmem:$0x10200] =	vst v63  }
0x2ef: {  	s0 =	sadd.s32 s5, s2;
	s2 =	sand.u32 $0x1FFFFFF0, s7;
	s7 =	spop (v2sf)  }
0x2f0: {  	[tilespmem:s26], [sflag:$0x1] =	stream.linear.gather [hbm4b:s0+s1], $0x80, $0x38;
	[tilespmem:$0x10200] =	vst v63  }
0x2f1: {  	s0 =	sadd.s32 s5, s2;
	s2 =	sand.u32 $0x1FFFFFF0, s7;
	s7 =	spop (v2sf)  }
0x2f2: {  	[tilespmem:s25], [sflag:$0x1] =	stream.linear.gather [hbm4b:s0+s1], $0x80, $0x38;
	[tilespmem:$0x10200] =	vst v63  }
0x2f3: {  	s2 =	sadd.s32 s5, s2;
	s0 =	sadd.s32 $0x900, s23;
	s7 =	sand.u32 $0x1FFFFFF0, s7  }
0x2f4: {  	[tilespmem:s0], [sflag:$0x1] =	stream.linear.gather [hbm4b:s2+s1], $0x80, $0x38;
	[tilespmem:$0x10200] =	vst v63  }
0x2f5: {  	s23 =	simm.s32 @!p0 $0x1;
	s0 =	sadd.s32 s5, s7  }
0x2f6: {  	[tilespmem:s24], [sflag:$0x1] =	stream.linear.gather [hbm4b:s0+s1], $0x80, $0x38;
	[tilespmem:$0x10200] =	vst v63  }
0x2f7: {  	_ =	swait.ge @!p0 [sflag:s23], $0x80  }
0x2f8: {  	[sflag:s23] =	ssyncset.done @!p0 $0x0  }
0x2f9: {  	[sflag:s23] =	ssyncadd.s32 @!p0 $0xFFFFFF80  }
0x2fa: {  	_ =	swait.ge @!p0 [sflag:s23], $0x80  }
0x2fb: {  	[sflag:s23] =	ssyncset.done @!p0 $0x0  }
0x2fc: {  	[sflag:s23] =	ssyncadd.s32 @!p0 $0xFFFFFF80  }
0x2fd: {  	_ =	swait.ge @!p0 [sflag:s23], $0x80  }
0x2fe: {  	[sflag:s23] =	ssyncset.done @!p0 $0x0  }
0x2ff: {  	[sflag:s23] =	ssyncadd.s32 @!p0 $0xFFFFFF80  }
0x300: {  	_ =	swait.ge @!p0 [sflag:s23], $0x80  }
0x301: {  	[sflag:s23] =	ssyncset.done @!p0 $0x0  }
0x302: {  	[sflag:s23] =	ssyncadd.s32 @!p0 $0xFFFFFF80  }
0x303: {  	_ =	swait.ge @!p0 [sflag:s23], $0x80  }
0x304: {  	[sflag:s23] =	ssyncset.done @!p0 $0x0  }
0x305: {  	[sflag:s23] =	ssyncadd.s32 @!p0 $0xFFFFFF80  }
0x306: {  	_ =	swait.ge @!p0 [sflag:s23], $0x80  }
0x307: {  	[sflag:s23] =	ssyncset.done @!p0 $0x0  }
0x308: {  	[sflag:s23] =	ssyncadd.s32 @!p0 $0xFFFFFF80  }
0x309: {  	_ =	swait.ge @!p0 [sflag:s23], $0x80  }
0x30a: {  	[sflag:s23] =	ssyncset.done @!p0 $0x0  }
0x30b: {  	[sflag:s23] =	ssyncadd.s32 @!p0 $0xFFFFFF80  }
0x30c: {  	_ =	swait.ge @!p0 [sflag:s23], $0x80  }
0x30d: {  	[sflag:s23] =	ssyncset.done @!p0 $0x0  }
0x30e: {  	[sflag:s23] =	ssyncadd.s32 @!p0 $0xFFFFFF80  }
0x30f: {  	_ =	swait.ge @!p0 [sflag:s23], $0x80  }
0x310: {  	[sflag:s23] =	ssyncset.done @!p0 $0x0  }
0x311: {  	[sflag:s23] =	ssyncadd.s32 @!p0 $0xFFFFFF80  }
0x312: {  	_ =	swait.ge @!p0 [sflag:s23], $0x80  }
0x313: {  	[sflag:s23] =	ssyncset.done @!p0 $0x0  }
0x314: {  	[sflag:s23] =	ssyncadd.s32 @!p0 $0xFFFFFF80  }
0x315: {  	_ =	swait.ge @!p0 [sflag:s23], $0x80  }
0x316: {  	[sflag:s23] =	ssyncset.done @!p0 $0x0  }
0x317: {  	[sflag:s23] =	ssyncadd.s32 @!p0 $0xFFFFFF80  }
0x318: {  	_ =	swait.ge @!p0 [sflag:s23], $0x80  }
0x319: {  	[sflag:s23] =	ssyncset.done @!p0 $0x0  }
.Ltmp4:
0x31a: {  	[sflag:s23] =	ssyncadd.s32 @!p0 $0xFFFFFF80;
	(pc) =	sbr.rel @p1 .LBB2_10-.Ltmp4, $4  }
0x31b: {  	_ =	swait.ge @!p0 [sflag:s23], $0x80  }
0x31c: {  	[sflag:s23] =	ssyncset.done @!p0 $0x0  }
0x31d: {  	[sflag:s23] =	ssyncadd.s32 @!p0 $0xFFFFFF80  }
0x31e: {  	s22 =	sadd.s32 $0x10, s22;
	_ =	swait.ge @!p0 [sflag:s23], $0x80  }
0x31f: {  	[sflag:s23] =	ssyncset.done @!p0 $0x0  }
0x320: {  	[sflag:s23] =	ssyncadd.s32 @!p0 $0xFFFFFF80  }
0x321: {  	_ =	swait.ge @!p0 [sflag:s23], $0x80  }
0x322: {  	[sflag:s23] =	ssyncset.done @!p0 $0x0  }
0x323: {  	[sflag:s23] =	ssyncadd.s32 @!p0 $0xFFFFFF80  }
0x324: {  	_ =	swait.ge @!p0 [sflag:s23], $0x80  }
0x325: {  	[sflag:s23] =	ssyncset.done @!p0 $0x0  }
0x326: {  	[sflag:s23] =	ssyncadd.s32 @!p0 $0xFFFFFF80  }
0x327: {  	_ =	swait.ge [sflag:s17], $0x80  }
0x328: {  	[sflag:s17] =	ssyncset.done $0x0  }
0x329: {  	[sflag:s17] =	ssyncadd.s32 $0xFFFFFF80  }
0x32a: {  	_ =	swait.ge [sflag:s17], $0x80  }
0x32b: {  	[sflag:s17] =	ssyncset.done $0x0  }
0x32c: {  	[sflag:s17] =	ssyncadd.s32 $0xFFFFFF80  }
0x32d: {  	_ =	swait.ge [sflag:s17], $0x80  }
0x32e: {  	[sflag:s17] =	ssyncset.done $0x0  }
0x32f: {  	[sflag:s17] =	ssyncadd.s32 $0xFFFFFF80  }
0x330: {  	_ =	swait.ge [sflag:s17], $0x80  }
0x331: {  	[sflag:s17] =	ssyncset.done $0x0  }
0x332: {  	[sflag:s17] =	ssyncadd.s32 $0xFFFFFF80  }
0x333: {  	_ =	swait.ge [sflag:s17], $0x80  }
0x334: {  	[sflag:s17] =	ssyncset.done $0x0  }
0x335: {  	[sflag:s17] =	ssyncadd.s32 $0xFFFFFF80  }
0x336: {  	_ =	swait.ge [sflag:s17], $0x80  }
0x337: {  	[sflag:s17] =	ssyncset.done $0x0  }
0x338: {  	[sflag:s17] =	ssyncadd.s32 $0xFFFFFF80  }
0x339: {  	_ =	swait.ge [sflag:s17], $0x80  }
0x33a: {  	[sflag:s17] =	ssyncset.done $0x0  }
0x33b: {  	[sflag:s17] =	ssyncadd.s32 $0xFFFFFF80  }
0x33c: {  	_ =	swait.ge [sflag:s17], $0x80  }
0x33d: {  	[sflag:s17] =	ssyncset.done $0x0  }
0x33e: {  	[sflag:s17] =	ssyncadd.s32 $0xFFFFFF80  }
0x33f: {  	_ =	swait.ge [sflag:s17], $0x80  }
0x340: {  	[sflag:s17] =	ssyncset.done $0x0  }
0x341: {  	[sflag:s17] =	ssyncadd.s32 $0xFFFFFF80  }
0x342: {  	_ =	swait.ge [sflag:s17], $0x80  }
0x343: {  	[sflag:s17] =	ssyncset.done $0x0  }
0x344: {  	[sflag:s17] =	ssyncadd.s32 $0xFFFFFF80  }
0x345: {  	_ =	swait.ge [sflag:s17], $0x80  }
0x346: {  	[sflag:s17] =	ssyncset.done $0x0  }
0x347: {  	[sflag:s17] =	ssyncadd.s32 $0xFFFFFF80  }
0x348: {  	_ =	swait.ge [sflag:s17], $0x80  }
0x349: {  	[sflag:s17] =	ssyncset.done $0x0  }
0x34a: {  	[sflag:s17] =	ssyncadd.s32 $0xFFFFFF80  }
0x34b: {  	_ =	swait.ge [sflag:s17], $0x80  }
0x34c: {  	[sflag:s17] =	ssyncset.done $0x0  }
0x34d: {  	[sflag:s17] =	ssyncadd.s32 $0xFFFFFF80  }
0x34e: {  	_ =	swait.ge [sflag:s17], $0x80  }
0x34f: {  	[sflag:s17] =	ssyncset.done $0x0  }
0x350: {  	[sflag:s17] =	ssyncadd.s32 $0xFFFFFF80  }
0x351: {  	_ =	swait.ge [sflag:s17], $0x80  }
0x352: {  	[sflag:s17] =	ssyncset.done $0x0  }
0x353: {  	[sflag:s17] =	ssyncadd.s32 $0xFFFFFF80  }
0x354: {  	_ =	swait.ge [sflag:s17], $0x80  }
0x355: {  	s20 =	simm.s32 $0x3;
	[sflag:s17] =	ssyncset.done $0x0  }
.LBB2_12:
0x356: {  	p0 =	sne.s32 s20, $0x1;
	s20 =	sadd.s32 $0xFFFFFFFF, s20;
	[sflag:s17] =	ssyncadd.s32 $0xFFFFFF80  }
0x357: {  	_ =	swait.ge [sflag:s17], $0x80  }
0x358: {  	[sflag:s17] =	ssyncset.done $0x0  }
0x359: {  	[sflag:s17] =	ssyncadd.s32 $0xFFFFFF80  }
0x35a: {  	_ =	swait.ge [sflag:s17], $0x80  }
0x35b: {  	[sflag:s17] =	ssyncset.done $0x0  }
0x35c: {  	[sflag:s17] =	ssyncadd.s32 $0xFFFFFF80  }
0x35d: {  	_ =	swait.ge [sflag:s17], $0x80  }
0x35e: {  	[sflag:s17] =	ssyncset.done $0x0  }
0x35f: {  	[sflag:s17] =	ssyncadd.s32 $0xFFFFFF80  }
0x360: {  	_ =	swait.ge [sflag:s17], $0x80  }
0x361: {  	[sflag:s17] =	ssyncset.done $0x0  }
0x362: {  	[sflag:s17] =	ssyncadd.s32 $0xFFFFFF80  }
0x363: {  	_ =	swait.ge [sflag:s17], $0x80  }
0x364: {  	[sflag:s17] =	ssyncset.done $0x0  }
0x365: {  	[sflag:s17] =	ssyncadd.s32 $0xFFFFFF80  }
0x366: {  	_ =	swait.ge [sflag:s17], $0x80  }
0x367: {  	[sflag:s17] =	ssyncset.done $0x0  }
0x368: {  	[sflag:s17] =	ssyncadd.s32 $0xFFFFFF80  }
0x369: {  	_ =	swait.ge [sflag:s17], $0x80  }
0x36a: {  	[sflag:s17] =	ssyncset.done $0x0  }
0x36b: {  	[sflag:s17] =	ssyncadd.s32 $0xFFFFFF80  }
0x36c: {  	_ =	swait.ge [sflag:s17], $0x80  }
0x36d: {  	[sflag:s17] =	ssyncset.done $0x0  }
0x36e: {  	[sflag:s17] =	ssyncadd.s32 $0xFFFFFF80  }
0x36f: {  	_ =	swait.ge [sflag:s17], $0x80  }
0x370: {  	[sflag:s17] =	ssyncset.done $0x0  }
0x371: {  	[sflag:s17] =	ssyncadd.s32 $0xFFFFFF80  }
0x372: {  	_ =	swait.ge [sflag:s17], $0x80  }
0x373: {  	[sflag:s17] =	ssyncset.done $0x0  }
0x374: {  	[sflag:s17] =	ssyncadd.s32 $0xFFFFFF80  }
0x375: {  	_ =	swait.ge [sflag:s17], $0x80  }
0x376: {  	[sflag:s17] =	ssyncset.done $0x0  }
0x377: {  	[sflag:s17] =	ssyncadd.s32 $0xFFFFFF80  }
0x378: {  	_ =	swait.ge [sflag:s17], $0x80  }
0x379: {  	[sflag:s17] =	ssyncset.done $0x0  }
0x37a: {  	[sflag:s17] =	ssyncadd.s32 $0xFFFFFF80  }
0x37b: {  	_ =	swait.ge [sflag:s17], $0x80  }
0x37c: {  	[sflag:s17] =	ssyncset.done $0x0  }
0x37d: {  	[sflag:s17] =	ssyncadd.s32 $0xFFFFFF80  }
0x37e: {  	_ =	swait.ge [sflag:s17], $0x80  }
0x37f: {  	[sflag:s17] =	ssyncset.done $0x0  }
0x380: {  	[sflag:s17] =	ssyncadd.s32 $0xFFFFFF80  }
.Ltmp5:
0x381: {  	_ =	swait.ge [sflag:s17], $0x80;
	(pc) =	sbr.rel @p0 .LBB2_12-.Ltmp5, $4  }
0x382: {  	[sflag:s17] =	ssyncset.done $0x0  }
0x383: {  	[sflag:s17] =	ssyncadd.s32 $0xFFFFFF80  }
0x384: {  	_ =	swait.ge [sflag:s17], $0x80  }
0x385: {  	[sflag:s17] =	ssyncset.done $0x0  }
0x386: {  	[sflag:s17] =	ssyncadd.s32 $0xFFFFFF80;
	s20 =	simm.s32 $0x0;
	s0 =	rddreg [dreg:$0xb]  }
0x387: {  	[hbm4b:s0+s20] =	stream.linear.scatter [tilespmem:s18], [sflag:$0x2], $0x10000, $0x38;
	[tilespmem:$0x10200] =	vst v63  }
0x388: {  	_ =	swait.ge [sflag:s16], $0x10000  }
0x389: {  	[sflag:s16] =	ssyncset.done $0x0  }
0x38a: {  	s7 =	rddreg [dreg:$0xc];
	[sflag:s16] =	ssyncadd.s32 $0xFFFF0000  }
0x38b: {  	[tilespmem:s20], [sflag:$0x2] =	stream.linear.gather [hbm4b:s7+s20], $0x200, $0x38;
	[tilespmem:$0x10200] =	vst v63  }
0x38c: {  	_ =	swait.ge [sflag:s16], $0x200  }
0x38d: {  	[sflag:s16] =	ssyncset.done $0x0  }
0x38e: {  	[sflag:s16] =	ssyncadd.s32 $0xFFFFFE00  }
0x38f: {  	v0 =	vld [tilespmem:s20+$0x0];
	_ =	sdelay $0x4  }
0x390: {  	v0 =	vshll.u32 v0, $0x4  }
0x391: {  	(v2sf) =	vpush v0, $0x0  }
0x392: {  	(v2sf) =	vpush v0, $0x1  }
0x393: {  	(v2sf) =	vpush v0, $0x2;
	_ =	sdelay $0x2  }
0x394: {  	(v2sf) =	vpush v0, $0x3;
	_ =	sdelay $0x1  }
0x395: {  	(v2sf) =	vpush v0, $0x4;
	_ =	sdelay $0x1  }
0x396: {  	(v2sf) =	vpush v0, $0x5;
	_ =	sdelay $0x1  }
0x397: {  	(v2sf) =	vpush v0, $0x6;
	_ =	sdelay $0x2  }
0x398: {  	s9 =	simm.s32 $0x280;
	s13 =	simm.s32 $0x300;
	s14 =	simm.s32 $0x380  }
0x399: {  	s23 =	simm.s32 $0x400;
	s24 =	simm.s32 $0x480;
	s8 =	spop (v2sf);
	(v2sf) =	vpush v0, $0x7  }
0x39a: {  	s7 =	simm.s32 $0x200;
	s0 =	sand.u32 $0x1FFFFFF0, s8;
	s2 =	spop (v2sf)  }
0x39b: {  	(v2sf) =	vpush v0, $0x8;
	s0 =	sadd.s32 s6, s0;
	s2 =	sand.u32 $0x1FFFFFF0, s2;
	s10 =	spop (v2sf)  }
0x39c: {  	(v2sf) =	vpush v0, $0x9;
	[tilespmem:s7], [sflag:$0x1] =	stream.linear.gather [hbm4b:s0+s1], $0x80, $0x38;
	[tilespmem:$0x10200] =	vst v63  }
0x39d: {  	s29 =	simm.s32 $0x500;
	s30 =	simm.s32 $0x580;
	s2 =	sadd.s32 s6, s2  }
0x39e: {  	s11 =	sand.u32 $0x1FFFFFF0, s10;
	s12 =	spop (v2sf);
	(v2sf) =	vpush v0, $0xA;
	s10 =	simm.s32 $0x680  }
0x39f: {  	[tilespmem:s9], [sflag:$0x1] =	stream.linear.gather [hbm4b:s2+s1], $0x80, $0x38;
	[tilespmem:$0x10200] =	vst v63  }
0x3a0: {  	s0 =	sadd.s32 s6, s11;
	s15 =	spop (v2sf);
	(v2sf) =	vpush v0, $0xB;
	s2 =	sand.u32 $0x1FFFFFF0, s12  }
0x3a1: {  	[tilespmem:s13], [sflag:$0x1] =	stream.linear.gather [hbm4b:s0+s1], $0x80, $0x38;
	[tilespmem:$0x10200] =	vst v63  }
0x3a2: {  	s21 =	sand.u32 $0x1FFFFFF0, s15;
	s22 =	spop (v2sf);
	(v2sf) =	vpush v0, $0xC;
	s2 =	sadd.s32 s6, s2  }
0x3a3: {  	[tilespmem:s14], [sflag:$0x1] =	stream.linear.gather [hbm4b:s2+s1], $0x80, $0x38;
	[tilespmem:$0x10200] =	vst v63  }
0x3a4: {  	s25 =	spop (v2sf);
	(v2sf) =	vpush v0, $0xD;
	s0 =	sadd.s32 s6, s21;
	s2 =	sand.u32 $0x1FFFFFF0, s22  }
0x3a5: {  	[tilespmem:s23], [sflag:$0x1] =	stream.linear.gather [hbm4b:s0+s1], $0x80, $0x38;
	[tilespmem:$0x10200] =	vst v63  }
0x3a6: {  	s9 =	simm.s32 $0x600;
	s26 =	sand.u32 $0x1FFFFFF0, s25;
	s2 =	sadd.s32 s6, s2  }
0x3a7: {  	[tilespmem:s24], [sflag:$0x1] =	stream.linear.gather [hbm4b:s2+s1], $0x80, $0x38;
	[tilespmem:$0x10200] =	vst v63  }
0x3a8: {  	s15 =	simm.s32 $0x780;
	s0 =	sadd.s32 s6, s26;
	s28 =	spop (v2sf);
	(v2sf) =	vpush v0, $0xE  }
0x3a9: {  	[tilespmem:s29], [sflag:$0x1] =	stream.linear.gather [hbm4b:s0+s1], $0x80, $0x38;
	[tilespmem:$0x10200] =	vst v63  }
0x3aa: {  	s14 =	simm.s32 $0x700;
	s2 =	sand.u32 $0x1FFFFFF0, s28;
	s31 =	spop (v2sf);
	(v2sf) =	vpush v0, $0xF  }
0x3ab: {  	s2 =	sadd.s32 s6, s2;
	s7 =	sand.u32 $0x1FFFFFF0, s31;
	s8 =	spop (v2sf)  }
0x3ac: {  	[tilespmem:s30], [sflag:$0x1] =	stream.linear.gather [hbm4b:s2+s1], $0x80, $0x38;
	[tilespmem:$0x10200] =	vst v63  }
0x3ad: {  	s0 =	sadd.s32 s6, s7;
	s2 =	sand.u32 $0x1FFFFFF0, s8;
	s11 =	spop (v2sf)  }
0x3ae: {  	[tilespmem:s9], [sflag:$0x1] =	stream.linear.gather [hbm4b:s0+s1], $0x80, $0x38;
	[tilespmem:$0x10200] =	vst v63  }
0x3af: {  	s2 =	sadd.s32 s6, s2;
	s12 =	sand.u32 $0x1FFFFFF0, s11;
	s13 =	spop (v2sf)  }
0x3b0: {  	[tilespmem:s10], [sflag:$0x1] =	stream.linear.gather [hbm4b:s2+s1], $0x80, $0x38;
	[tilespmem:$0x10200] =	vst v63  }
0x3b1: {  	s0 =	sadd.s32 s6, s12;
	s21 =	spop (v2sf);
	s2 =	sand.u32 $0x1FFFFFF0, s13  }
0x3b2: {  	[tilespmem:s14], [sflag:$0x1] =	stream.linear.gather [hbm4b:s0+s1], $0x80, $0x38;
	[tilespmem:$0x10200] =	vst v63  }
0x3b3: {  	s22 =	sand.u32 $0x1FFFFFF0, s21;
	s23 =	spop (v2sf);
	s2 =	sadd.s32 s6, s2  }
0x3b4: {  	[tilespmem:s15], [sflag:$0x1] =	stream.linear.gather [hbm4b:s2+s1], $0x80, $0x38;
	[tilespmem:$0x10200] =	vst v63  }
0x3b5: {  	s24 =	simm.s32 $0x800;
	s0 =	sadd.s32 s6, s22;
	s2 =	sand.u32 $0x1FFFFFF0, s23  }
0x3b6: {  	[tilespmem:s24], [sflag:$0x1] =	stream.linear.gather [hbm4b:s0+s1], $0x80, $0x38;
	[tilespmem:$0x10200] =	vst v63  }
0x3b7: {  	s25 =	simm.s32 $0x880;
	s2 =	sadd.s32 s6, s2;
	s26 =	spop (v2sf)  }
0x3b8: {  	[tilespmem:s25], [sflag:$0x1] =	stream.linear.gather [hbm4b:s2+s1], $0x80, $0x38;
	[tilespmem:$0x10200] =	vst v63  }
0x3b9: {  	p0 =	por $0x1, $0x1;
	s28 =	sand.u32 $0x1FFFFFF0, s26;
	s29 =	spop (v2sf)  }
0x3ba: {  	s30 =	simm.s32 $0x900;
	s0 =	sadd.s32 s6, s28;
	s2 =	sand.u32 $0x1FFFFFF0, s29  }
0x3bb: {  	[tilespmem:s30], [sflag:$0x1] =	stream.linear.gather [hbm4b:s0+s1], $0x80, $0x38;
	[tilespmem:$0x10200] =	vst v63  }
0x3bc: {  	s31 =	simm.s32 $0x980;
	s23 =	simm.s32 @!p0 $0x1;
	s2 =	sadd.s32 s6, s2  }
0x3bd: {  	[tilespmem:s31], [sflag:$0x1] =	stream.linear.gather [hbm4b:s2+s1], $0x80, $0x38;
	[tilespmem:$0x10200] =	vst v63  }
0x3be: {  	_ =	swait.ge @!p0 [sflag:s23], $0x80  }
0x3bf: {  	[sflag:s23] =	ssyncset.done @!p0 $0x0  }
0x3c0: {  	[sflag:s23] =	ssyncadd.s32 @!p0 $0xFFFFFF80  }
0x3c1: {  	_ =	swait.ge @!p0 [sflag:s23], $0x80  }
0x3c2: {  	[sflag:s23] =	ssyncset.done @!p0 $0x0  }
0x3c3: {  	[sflag:s23] =	ssyncadd.s32 @!p0 $0xFFFFFF80  }
0x3c4: {  	_ =	swait.ge @!p0 [sflag:s23], $0x80  }
0x3c5: {  	[sflag:s23] =	ssyncset.done @!p0 $0x0  }
0x3c6: {  	[sflag:s23] =	ssyncadd.s32 @!p0 $0xFFFFFF80  }
0x3c7: {  	_ =	swait.ge @!p0 [sflag:s23], $0x80  }
0x3c8: {  	[sflag:s23] =	ssyncset.done @!p0 $0x0  }
0x3c9: {  	[sflag:s23] =	ssyncadd.s32 @!p0 $0xFFFFFF80  }
0x3ca: {  	_ =	swait.ge @!p0 [sflag:s23], $0x80  }
0x3cb: {  	[sflag:s23] =	ssyncset.done @!p0 $0x0  }
0x3cc: {  	[sflag:s23] =	ssyncadd.s32 @!p0 $0xFFFFFF80  }
0x3cd: {  	_ =	swait.ge @!p0 [sflag:s23], $0x80  }
0x3ce: {  	[sflag:s23] =	ssyncset.done @!p0 $0x0  }
0x3cf: {  	[sflag:s23] =	ssyncadd.s32 @!p0 $0xFFFFFF80  }
0x3d0: {  	_ =	swait.ge @!p0 [sflag:s23], $0x80  }
0x3d1: {  	[sflag:s23] =	ssyncset.done @!p0 $0x0  }
0x3d2: {  	[sflag:s23] =	ssyncadd.s32 @!p0 $0xFFFFFF80  }
0x3d3: {  	_ =	swait.ge @!p0 [sflag:s23], $0x80  }
0x3d4: {  	[sflag:s23] =	ssyncset.done @!p0 $0x0  }
0x3d5: {  	[sflag:s23] =	ssyncadd.s32 @!p0 $0xFFFFFF80  }
0x3d6: {  	_ =	swait.ge @!p0 [sflag:s23], $0x80  }
0x3d7: {  	[sflag:s23] =	ssyncset.done @!p0 $0x0  }
0x3d8: {  	[sflag:s23] =	ssyncadd.s32 @!p0 $0xFFFFFF80  }
0x3d9: {  	_ =	swait.ge @!p0 [sflag:s23], $0x80  }
0x3da: {  	[sflag:s23] =	ssyncset.done @!p0 $0x0  }
0x3db: {  	[sflag:s23] =	ssyncadd.s32 @!p0 $0xFFFFFF80  }
0x3dc: {  	_ =	swait.ge @!p0 [sflag:s23], $0x80  }
0x3dd: {  	[sflag:s23] =	ssyncset.done @!p0 $0x0  }
0x3de: {  	[sflag:s23] =	ssyncadd.s32 @!p0 $0xFFFFFF80  }
0x3df: {  	_ =	swait.ge @!p0 [sflag:s23], $0x80  }
0x3e0: {  	[sflag:s23] =	ssyncset.done @!p0 $0x0  }
0x3e1: {  	[sflag:s23] =	ssyncadd.s32 @!p0 $0xFFFFFF80  }
0x3e2: {  	_ =	swait.ge @!p0 [sflag:s23], $0x80  }
0x3e3: {  	[sflag:s23] =	ssyncset.done @!p0 $0x0  }
0x3e4: {  	[sflag:s23] =	ssyncadd.s32 @!p0 $0xFFFFFF80  }
0x3e5: {  	s21 =	simm.s32 $0x2000;
	s22 =	simm.s32 $0x10;
	_ =	swait.ge @!p0 [sflag:s23], $0x80  }
.LBB2_14:
0x3e6: {  	[sflag:s23] =	ssyncset.done @!p0 $0x0  }
0x3e7: {  	s20 =	sadd.s32 $0x1, s20;
	s0 =	smov.u32 s21;
	s21 =	sadd.s32 $0x2000, s21  }
0x3e8: {  	p1 =	sne.s32 s21, $0x40000;
	[sflag:s23] =	ssyncadd.s32 @!p0 $0xFFFFFF80  }
0x3e9: {  	_ =	swait.ge @!p0 [sflag:s23], $0x80  }
0x3ea: {  	[sflag:s23] =	ssyncset.done @!p0 $0x0  }
0x3eb: {  	[sflag:s23] =	ssyncadd.s32 @!p0 $0xFFFFFF80  }
0x3ec: {  	_ =	swait.ge @!p0 [sflag:s23], $0x80  }
0x3ed: {  	[sflag:s23] =	ssyncset.done @!p0 $0x0  }
0x3ee: {  	[sflag:s23] =	ssyncadd.s32 @!p0 $0xFFFFFF80  }
0x3ef: {  	v0 =	vld [tilespmem:s22+$0x0];
	_ =	sdelay $0x4  }
0x3f0: {  	v0 =	vshll.u32 v0, $0x4  }
0x3f1: {  	(v2sf) =	vpush v0, $0x0  }
0x3f2: {  	(v2sf) =	vpush v0, $0x1  }
0x3f3: {  	(v2sf) =	vpush v0, $0x2;
	_ =	sdelay $0x1  }
0x3f4: {  	(v2sf) =	vpush v0, $0x3;
	_ =	sdelay $0x1  }
0x3f5: {  	(v2sf) =	vpush v0, $0x4;
	_ =	sdelay $0x1  }
0x3f6: {  	(v2sf) =	vpush v0, $0x5  }
0x3f7: {  	s23 =	sshra.s32 s0, $0x2  }
0x3f8: {  	s0 =	sadd.s32 $0x280, s23;
	s2 =	sadd.s32 $0x380, s23;
	s7 =	sadd.s32 $0x400, s23;
	(v2sf) =	vpush v0, $0x6  }
0x3f9: {  	s8 =	sadd.s32 $0x200, s23;
	s9 =	sadd.s32 $0x300, s23  }
0x3fa: {  	p0 =	slt.u32 s20, $0x4;
	s10 =	sadd.s32 $0x480, s23;
	(v2sf) =	vpush v0, $0x7  }
0x3fb: {  	s29 =	sadd.s32 $0x680, s23;
	s25 =	sadd.s32 $0x880, s23;
	s24 =	sadd.s32 $0x980, s23  }
0x3fc: {  	s11 =	sadd.s32 $0x500, s23;
	s31 =	sadd.s32 $0x600, s23;
	s26 =	sadd.s32 $0x800, s23;
	(v2sf) =	vpush v0, $0x8  }
0x3fd: {  	s12 =	sadd.s32 $0x580, s23;
	s28 =	sadd.s32 $0x780, s23;
	s13 =	spop (v2sf)  }
0x3fe: {  	s30 =	sadd.s32 $0x700, s23;
	s13 =	sand.u32 $0x1FFFFFF0, s13;
	s14 =	spop (v2sf);
	(v2sf) =	vpush v0, $0x9  }
0x3ff: {  	s13 =	sadd.s32 s6, s13;
	s14 =	sand.u32 $0x1FFFFFF0, s14;
	s15 =	spop (v2sf)  }
0x400: {  	[tilespmem:s8], [sflag:$0x1] =	stream.linear.gather [hbm4b:s13+s1], $0x80, $0x38;
	(v2sf) =	vpush v0, $0xA;
	[tilespmem:$0x10200] =	vst v63  }
0x401: {  	s8 =	sadd.s32 s6, s14;
	s13 =	sand.u32 $0x1FFFFFF0, s15;
	s14 =	spop (v2sf)  }
0x402: {  	[tilespmem:s0], [sflag:$0x1] =	stream.linear.gather [hbm4b:s8+s1], $0x80, $0x38;
	(v2sf) =	vpush v0, $0xB;
	[tilespmem:$0x10200] =	vst v63  }
0x403: {  	s0 =	sadd.s32 s6, s13;
	s8 =	sand.u32 $0x1FFFFFF0, s14;
	s13 =	spop (v2sf)  }
0x404: {  	[tilespmem:s9], [sflag:$0x1] =	stream.linear.gather [hbm4b:s0+s1], $0x80, $0x38;
	(v2sf) =	vpush v0, $0xC;
	[tilespmem:$0x10200] =	vst v63  }
0x405: {  	s0 =	sadd.s32 s6, s8;
	s8 =	sand.u32 $0x1FFFFFF0, s13;
	s9 =	spop (v2sf)  }
0x406: {  	[tilespmem:s2], [sflag:$0x1] =	stream.linear.gather [hbm4b:s0+s1], $0x80, $0x38;
	(v2sf) =	vpush v0, $0xD;
	[tilespmem:$0x10200] =	vst v63  }
0x407: {  	s0 =	sadd.s32 s6, s8;
	s2 =	sand.u32 $0x1FFFFFF0, s9;
	s8 =	spop (v2sf)  }
0x408: {  	[tilespmem:s7], [sflag:$0x1] =	stream.linear.gather [hbm4b:s0+s1], $0x80, $0x38;
	(v2sf) =	vpush v0, $0xE;
	[tilespmem:$0x10200] =	vst v63  }
0x409: {  	s0 =	sadd.s32 s6, s2;
	s2 =	sand.u32 $0x1FFFFFF0, s8;
	s7 =	spop (v2sf)  }
0x40a: {  	[tilespmem:s10], [sflag:$0x1] =	stream.linear.gather [hbm4b:s0+s1], $0x80, $0x38;
	(v2sf) =	vpush v0, $0xF;
	[tilespmem:$0x10200] =	vst v63  }
0x40b: {  	s0 =	sadd.s32 s6, s2;
	s2 =	sand.u32 $0x1FFFFFF0, s7;
	s7 =	spop (v2sf)  }
0x40c: {  	[tilespmem:s11], [sflag:$0x1] =	stream.linear.gather [hbm4b:s0+s1], $0x80, $0x38;
	[tilespmem:$0x10200] =	vst v63  }
0x40d: {  	s0 =	sadd.s32 s6, s2;
	s2 =	sand.u32 $0x1FFFFFF0, s7;
	s7 =	spop (v2sf)  }
0x40e: {  	[tilespmem:s12], [sflag:$0x1] =	stream.linear.gather [hbm4b:s0+s1], $0x80, $0x38;
	[tilespmem:$0x10200] =	vst v63  }
0x40f: {  	s0 =	sadd.s32 s6, s2;
	s2 =	sand.u32 $0x1FFFFFF0, s7;
	s7 =	spop (v2sf)  }
0x410: {  	[tilespmem:s31], [sflag:$0x1] =	stream.linear.gather [hbm4b:s0+s1], $0x80, $0x38;
	[tilespmem:$0x10200] =	vst v63  }
0x411: {  	s0 =	sadd.s32 s6, s2;
	s2 =	sand.u32 $0x1FFFFFF0, s7;
	s7 =	spop (v2sf)  }
0x412: {  	[tilespmem:s29], [sflag:$0x1] =	stream.linear.gather [hbm4b:s0+s1], $0x80, $0x38;
	[tilespmem:$0x10200] =	vst v63  }
0x413: {  	s0 =	sadd.s32 s6, s2;
	s2 =	sand.u32 $0x1FFFFFF0, s7;
	s7 =	spop (v2sf)  }
0x414: {  	[tilespmem:s30], [sflag:$0x1] =	stream.linear.gather [hbm4b:s0+s1], $0x80, $0x38;
	[tilespmem:$0x10200] =	vst v63  }
0x415: {  	s0 =	sadd.s32 s6, s2;
	s2 =	sand.u32 $0x1FFFFFF0, s7;
	s7 =	spop (v2sf)  }
0x416: {  	[tilespmem:s28], [sflag:$0x1] =	stream.linear.gather [hbm4b:s0+s1], $0x80, $0x38;
	[tilespmem:$0x10200] =	vst v63  }
0x417: {  	s0 =	sadd.s32 s6, s2;
	s2 =	sand.u32 $0x1FFFFFF0, s7;
	s7 =	spop (v2sf)  }
0x418: {  	[tilespmem:s26], [sflag:$0x1] =	stream.linear.gather [hbm4b:s0+s1], $0x80, $0x38;
	[tilespmem:$0x10200] =	vst v63  }
0x419: {  	s0 =	sadd.s32 s6, s2;
	s2 =	sand.u32 $0x1FFFFFF0, s7;
	s7 =	spop (v2sf)  }
0x41a: {  	[tilespmem:s25], [sflag:$0x1] =	stream.linear.gather [hbm4b:s0+s1], $0x80, $0x38;
	[tilespmem:$0x10200] =	vst v63  }
0x41b: {  	s2 =	sadd.s32 s6, s2;
	s0 =	sadd.s32 $0x900, s23;
	s7 =	sand.u32 $0x1FFFFFF0, s7  }
0x41c: {  	[tilespmem:s0], [sflag:$0x1] =	stream.linear.gather [hbm4b:s2+s1], $0x80, $0x38;
	[tilespmem:$0x10200] =	vst v63  }
0x41d: {  	s23 =	simm.s32 @!p0 $0x1;
	s0 =	sadd.s32 s6, s7  }
0x41e: {  	[tilespmem:s24], [sflag:$0x1] =	stream.linear.gather [hbm4b:s0+s1], $0x80, $0x38;
	[tilespmem:$0x10200] =	vst v63  }
0x41f: {  	_ =	swait.ge @!p0 [sflag:s23], $0x80  }
0x420: {  	[sflag:s23] =	ssyncset.done @!p0 $0x0  }
0x421: {  	[sflag:s23] =	ssyncadd.s32 @!p0 $0xFFFFFF80  }
0x422: {  	_ =	swait.ge @!p0 [sflag:s23], $0x80  }
0x423: {  	[sflag:s23] =	ssyncset.done @!p0 $0x0  }
0x424: {  	[sflag:s23] =	ssyncadd.s32 @!p0 $0xFFFFFF80  }
0x425: {  	_ =	swait.ge @!p0 [sflag:s23], $0x80  }
0x426: {  	[sflag:s23] =	ssyncset.done @!p0 $0x0  }
0x427: {  	[sflag:s23] =	ssyncadd.s32 @!p0 $0xFFFFFF80  }
0x428: {  	_ =	swait.ge @!p0 [sflag:s23], $0x80  }
0x429: {  	[sflag:s23] =	ssyncset.done @!p0 $0x0  }
0x42a: {  	[sflag:s23] =	ssyncadd.s32 @!p0 $0xFFFFFF80  }
0x42b: {  	_ =	swait.ge @!p0 [sflag:s23], $0x80  }
0x42c: {  	[sflag:s23] =	ssyncset.done @!p0 $0x0  }
0x42d: {  	[sflag:s23] =	ssyncadd.s32 @!p0 $0xFFFFFF80  }
0x42e: {  	_ =	swait.ge @!p0 [sflag:s23], $0x80  }
0x42f: {  	[sflag:s23] =	ssyncset.done @!p0 $0x0  }
0x430: {  	[sflag:s23] =	ssyncadd.s32 @!p0 $0xFFFFFF80  }
0x431: {  	_ =	swait.ge @!p0 [sflag:s23], $0x80  }
0x432: {  	[sflag:s23] =	ssyncset.done @!p0 $0x0  }
0x433: {  	[sflag:s23] =	ssyncadd.s32 @!p0 $0xFFFFFF80  }
0x434: {  	_ =	swait.ge @!p0 [sflag:s23], $0x80  }
0x435: {  	[sflag:s23] =	ssyncset.done @!p0 $0x0  }
0x436: {  	[sflag:s23] =	ssyncadd.s32 @!p0 $0xFFFFFF80  }
0x437: {  	_ =	swait.ge @!p0 [sflag:s23], $0x80  }
0x438: {  	[sflag:s23] =	ssyncset.done @!p0 $0x0  }
0x439: {  	[sflag:s23] =	ssyncadd.s32 @!p0 $0xFFFFFF80  }
0x43a: {  	_ =	swait.ge @!p0 [sflag:s23], $0x80  }
0x43b: {  	[sflag:s23] =	ssyncset.done @!p0 $0x0  }
0x43c: {  	[sflag:s23] =	ssyncadd.s32 @!p0 $0xFFFFFF80  }
0x43d: {  	_ =	swait.ge @!p0 [sflag:s23], $0x80  }
0x43e: {  	[sflag:s23] =	ssyncset.done @!p0 $0x0  }
0x43f: {  	[sflag:s23] =	ssyncadd.s32 @!p0 $0xFFFFFF80  }
0x440: {  	_ =	swait.ge @!p0 [sflag:s23], $0x80  }
0x441: {  	[sflag:s23] =	ssyncset.done @!p0 $0x0  }
.Ltmp6:
0x442: {  	[sflag:s23] =	ssyncadd.s32 @!p0 $0xFFFFFF80;
	(pc) =	sbr.rel @p1 .LBB2_14-.Ltmp6, $4  }
0x443: {  	_ =	swait.ge @!p0 [sflag:s23], $0x80  }
0x444: {  	[sflag:s23] =	ssyncset.done @!p0 $0x0  }
0x445: {  	[sflag:s23] =	ssyncadd.s32 @!p0 $0xFFFFFF80  }
0x446: {  	s22 =	sadd.s32 $0x10, s22;
	_ =	swait.ge @!p0 [sflag:s23], $0x80  }
0x447: {  	[sflag:s23] =	ssyncset.done @!p0 $0x0  }
0x448: {  	[sflag:s23] =	ssyncadd.s32 @!p0 $0xFFFFFF80  }
0x449: {  	_ =	swait.ge @!p0 [sflag:s23], $0x80  }
0x44a: {  	[sflag:s23] =	ssyncset.done @!p0 $0x0  }
0x44b: {  	[sflag:s23] =	ssyncadd.s32 @!p0 $0xFFFFFF80  }
0x44c: {  	_ =	swait.ge @!p0 [sflag:s23], $0x80  }
0x44d: {  	[sflag:s23] =	ssyncset.done @!p0 $0x0  }
0x44e: {  	[sflag:s23] =	ssyncadd.s32 @!p0 $0xFFFFFF80  }
0x44f: {  	_ =	swait.ge [sflag:s17], $0x80  }
0x450: {  	[sflag:s17] =	ssyncset.done $0x0  }
0x451: {  	[sflag:s17] =	ssyncadd.s32 $0xFFFFFF80  }
0x452: {  	_ =	swait.ge [sflag:s17], $0x80  }
0x453: {  	[sflag:s17] =	ssyncset.done $0x0  }
0x454: {  	[sflag:s17] =	ssyncadd.s32 $0xFFFFFF80  }
0x455: {  	_ =	swait.ge [sflag:s17], $0x80  }
0x456: {  	[sflag:s17] =	ssyncset.done $0x0  }
0x457: {  	[sflag:s17] =	ssyncadd.s32 $0xFFFFFF80  }
0x458: {  	_ =	swait.ge [sflag:s17], $0x80  }
0x459: {  	[sflag:s17] =	ssyncset.done $0x0  }
0x45a: {  	[sflag:s17] =	ssyncadd.s32 $0xFFFFFF80  }
0x45b: {  	_ =	swait.ge [sflag:s17], $0x80  }
0x45c: {  	[sflag:s17] =	ssyncset.done $0x0  }
0x45d: {  	[sflag:s17] =	ssyncadd.s32 $0xFFFFFF80  }
0x45e: {  	_ =	swait.ge [sflag:s17], $0x80  }
0x45f: {  	[sflag:s17] =	ssyncset.done $0x0  }
0x460: {  	[sflag:s17] =	ssyncadd.s32 $0xFFFFFF80  }
0x461: {  	_ =	swait.ge [sflag:s17], $0x80  }
0x462: {  	[sflag:s17] =	ssyncset.done $0x0  }
0x463: {  	[sflag:s17] =	ssyncadd.s32 $0xFFFFFF80  }
0x464: {  	_ =	swait.ge [sflag:s17], $0x80  }
0x465: {  	[sflag:s17] =	ssyncset.done $0x0  }
0x466: {  	[sflag:s17] =	ssyncadd.s32 $0xFFFFFF80  }
0x467: {  	_ =	swait.ge [sflag:s17], $0x80  }
0x468: {  	[sflag:s17] =	ssyncset.done $0x0  }
0x469: {  	[sflag:s17] =	ssyncadd.s32 $0xFFFFFF80  }
0x46a: {  	_ =	swait.ge [sflag:s17], $0x80  }
0x46b: {  	[sflag:s17] =	ssyncset.done $0x0  }
0x46c: {  	[sflag:s17] =	ssyncadd.s32 $0xFFFFFF80  }
0x46d: {  	_ =	swait.ge [sflag:s17], $0x80  }
0x46e: {  	[sflag:s17] =	ssyncset.done $0x0  }
0x46f: {  	[sflag:s17] =	ssyncadd.s32 $0xFFFFFF80  }
0x470: {  	_ =	swait.ge [sflag:s17], $0x80  }
0x471: {  	[sflag:s17] =	ssyncset.done $0x0  }
0x472: {  	[sflag:s17] =	ssyncadd.s32 $0xFFFFFF80  }
0x473: {  	_ =	swait.ge [sflag:s17], $0x80  }
0x474: {  	[sflag:s17] =	ssyncset.done $0x0  }
0x475: {  	[sflag:s17] =	ssyncadd.s32 $0xFFFFFF80  }
0x476: {  	_ =	swait.ge [sflag:s17], $0x80  }
0x477: {  	[sflag:s17] =	ssyncset.done $0x0  }
0x478: {  	[sflag:s17] =	ssyncadd.s32 $0xFFFFFF80  }
0x479: {  	_ =	swait.ge [sflag:s17], $0x80  }
0x47a: {  	[sflag:s17] =	ssyncset.done $0x0  }
0x47b: {  	[sflag:s17] =	ssyncadd.s32 $0xFFFFFF80  }
0x47c: {  	_ =	swait.ge [sflag:s17], $0x80  }
0x47d: {  	s20 =	simm.s32 $0x3;
	[sflag:s17] =	ssyncset.done $0x0  }
.LBB2_16:
0x47e: {  	p0 =	sne.s32 s20, $0x1;
	s20 =	sadd.s32 $0xFFFFFFFF, s20;
	[sflag:s17] =	ssyncadd.s32 $0xFFFFFF80  }
0x47f: {  	_ =	swait.ge [sflag:s17], $0x80  }
0x480: {  	[sflag:s17] =	ssyncset.done $0x0  }
0x481: {  	[sflag:s17] =	ssyncadd.s32 $0xFFFFFF80  }
0x482: {  	_ =	swait.ge [sflag:s17], $0x80  }
0x483: {  	[sflag:s17] =	ssyncset.done $0x0  }
0x484: {  	[sflag:s17] =	ssyncadd.s32 $0xFFFFFF80  }
0x485: {  	_ =	swait.ge [sflag:s17], $0x80  }
0x486: {  	[sflag:s17] =	ssyncset.done $0x0  }
0x487: {  	[sflag:s17] =	ssyncadd.s32 $0xFFFFFF80  }
0x488: {  	_ =	swait.ge [sflag:s17], $0x80  }
0x489: {  	[sflag:s17] =	ssyncset.done $0x0  }
0x48a: {  	[sflag:s17] =	ssyncadd.s32 $0xFFFFFF80  }
0x48b: {  	_ =	swait.ge [sflag:s17], $0x80  }
0x48c: {  	[sflag:s17] =	ssyncset.done $0x0  }
0x48d: {  	[sflag:s17] =	ssyncadd.s32 $0xFFFFFF80  }
0x48e: {  	_ =	swait.ge [sflag:s17], $0x80  }
0x48f: {  	[sflag:s17] =	ssyncset.done $0x0  }
0x490: {  	[sflag:s17] =	ssyncadd.s32 $0xFFFFFF80  }
0x491: {  	_ =	swait.ge [sflag:s17], $0x80  }
0x492: {  	[sflag:s17] =	ssyncset.done $0x0  }
0x493: {  	[sflag:s17] =	ssyncadd.s32 $0xFFFFFF80  }
0x494: {  	_ =	swait.ge [sflag:s17], $0x80  }
0x495: {  	[sflag:s17] =	ssyncset.done $0x0  }
0x496: {  	[sflag:s17] =	ssyncadd.s32 $0xFFFFFF80  }
0x497: {  	_ =	swait.ge [sflag:s17], $0x80  }
0x498: {  	[sflag:s17] =	ssyncset.done $0x0  }
0x499: {  	[sflag:s17] =	ssyncadd.s32 $0xFFFFFF80  }
0x49a: {  	_ =	swait.ge [sflag:s17], $0x80  }
0x49b: {  	[sflag:s17] =	ssyncset.done $0x0  }
0x49c: {  	[sflag:s17] =	ssyncadd.s32 $0xFFFFFF80  }
0x49d: {  	_ =	swait.ge [sflag:s17], $0x80  }
0x49e: {  	[sflag:s17] =	ssyncset.done $0x0  }
0x49f: {  	[sflag:s17] =	ssyncadd.s32 $0xFFFFFF80  }
0x4a0: {  	_ =	swait.ge [sflag:s17], $0x80  }
0x4a1: {  	[sflag:s17] =	ssyncset.done $0x0  }
0x4a2: {  	[sflag:s17] =	ssyncadd.s32 $0xFFFFFF80  }
0x4a3: {  	_ =	swait.ge [sflag:s17], $0x80  }
0x4a4: {  	[sflag:s17] =	ssyncset.done $0x0  }
0x4a5: {  	[sflag:s17] =	ssyncadd.s32 $0xFFFFFF80  }
0x4a6: {  	_ =	swait.ge [sflag:s17], $0x80  }
0x4a7: {  	[sflag:s17] =	ssyncset.done $0x0  }
0x4a8: {  	[sflag:s17] =	ssyncadd.s32 $0xFFFFFF80  }
.Ltmp7:
0x4a9: {  	_ =	swait.ge [sflag:s17], $0x80;
	(pc) =	sbr.rel @p0 .LBB2_16-.Ltmp7, $4  }
0x4aa: {  	[sflag:s17] =	ssyncset.done $0x0  }
0x4ab: {  	[sflag:s17] =	ssyncadd.s32 $0xFFFFFF80  }
0x4ac: {  	_ =	swait.ge [sflag:s17], $0x80  }
0x4ad: {  	[sflag:s17] =	ssyncset.done $0x0  }
0x4ae: {  	[sflag:s17] =	ssyncadd.s32 $0xFFFFFF80;
	s0 =	rddreg [dreg:$0xd]  }
0x4af: {  	[hbm4b:s0+s1] =	stream.linear.scatter [tilespmem:s18], [sflag:$0x2], $0x10000, $0x38;
	[tilespmem:$0x10200] =	vst v63  }
0x4b0: {  	_ =	swait.ge [sflag:s16], $0x10000  }
0x4b1: {  	s19 =	sadd.s32 $0x1, s19;
	s31 =	rddreg [dreg:$0xe]  }
0x4b2: {  	p0 =	sne.s32 s19, s31  }
.Ltmp8:
0x4b3: {  	_ = 	snop;
	(pc) =	sbr.rel @p0 .LBB2_1-.Ltmp8, $3  }
0x4b4: {  	_ =	sdelay $0x1  }
0x4b5: {  	[sflag:s16] =	ssyncset.done $0x0  }
0x4b6: {  	[sflag:s16] =	ssyncadd.s32 $0xFFFF0000  }
0x4b7: {  	_ =	sfence.sel $0x180000  }
0x4b8: {  	[bflag:$0x0] =	sbarrier.arrive $0xFFFF  }
0x4b9: {  	_ =	strace $0x90000047  }
0x4ba: {  	s0 =	stileid.u32;
	[bflag:$0x2] =	sbarrier.arrive $0xFFFF  }
0x4bb: {  	p0 =	sne.s32 s0, $0x0;
	s0 =	rddreg [dreg:$0x5]  }
0x4bc: {  	s0 =	sadd.s32 @!p0 $0x100000, s0  }
0x4bd: {  	[sflag:s0] =	ssyncadd.tile.s32 @!p0 $0x1;
	_ =	shalt  }
.Lfunc_end2:
_tile_overlayer_lowered:
.L_overlay_start_2:
0x4be: {  	(tag) =	ssettag $0x2  }
0x4bf: {  	s0 =	rddreg [dreg:$0x0];
	s2 =	stileid.u32  }
0x4c0: {  	s1 =	rddreg [dreg:$0x1];
	p0 =	sne.s32 s2, $0x0  }
0x4c1: {  	s3 =	rddreg [dreg:$0x2];
	[bflag:$0x3] =	sbarrier.arrive $0xFFFF;
	s2 =	simm.s32 @!p0 $0x1C02  }
0x4c2: {  	[timem:s3], [sflag:s2] =	dma.local @!p0 [hbm:s0], s1  }
0x4c3: {  	s0 =	simm.s32 @!p0 $0x2  }
0x4c4: {  	_ =	swait.ge @!p0 [sflag:s0], s1  }
0x4c5: {  	s1 =	ssub.s32 @!p0 $0x0, s1;
	[sflag:s0] =	ssyncset.done @!p0 $0x0  }
0x4c6: {  	[sflag:s0] =	ssyncadd.s32 @!p0 s1  }
0x4c7: {  	[bflag:$0x3] =	sbarrier.arrive $0xFFFF  }
0x4c8: {  	_ =	shalt  }

</sc_bundles>
